<compile_context>
chip_gen: v7x
topology: tpu7x:2x2x1
jax: 0.10.2.dev20260603
libtpu: 0.0.44.dev20260713+nightly
codegen_flags: <defaults>
</compile_context>

<pallas_src>
import functools

import jax
import jax.numpy as jnp
from jax import lax
from jax.experimental import pallas as pl
from jax.experimental.pallas import tpu as pltpu
from jax.experimental.pallas import tpu_sc as plsc

N = 10000
D = 128
E = 320000

NC = 2
NS = 16
NW = NC * NS

NPAD = 10240
NBLK = NPAD // 128
CH = 128
EPT_CH = 80
NHALF = 2
CH_H = EPT_CH // NHALF
EPT = CH * EPT_CH
EPAD = NW * EPT
ROWS_PT = NPAD // NS
E_PT = E // NW

_mesh = plsc.VectorSubcoreMesh(
    core_axis_name="c", subcore_axis_name="s", num_cores=NC, num_subcores=NS)


def _zero_f32_ref(ref, nvec):
  z = jnp.zeros((16,), jnp.float32)

  def body(i, _):
    ref[pl.ds(i * 16, 16)] = z
    return 0

  lax.fori_loop(0, nvec, body, 0)


def _zero_f32_ref2d(ref, nrows, ncols):
  z = jnp.zeros((16,), jnp.float32)

  def body(i, _):
    for j in range(ncols // 16):
      ref[i, pl.ds(j * 16, 16)] = z
    return 0

  lax.fori_loop(0, nrows, body, 0)


E_PT16 = E // NS
RB_PT = 8
RB_TILES = NBLK // RB_PT


def _rsqrt_f32(d):
  i = plsc.bitcast(d, jnp.int32)
  i = jnp.int32(0x5F3759DF) - lax.shift_right_arithmetic(i, 1)
  h = plsc.bitcast(i, jnp.float32)
  for _ in range(3):
    h = h * (1.5 - 0.5 * d * h * h)
  return h


@functools.partial(
    pl.kernel,
    out_type=jax.ShapeDtypeStruct((NBLK, 128), jnp.float32),
    mesh=_mesh,
    scratch_types=[
        pltpu.VMEM((E_PT16,), jnp.int32),
        pltpu.VMEM((NBLK, 128), jnp.float32),
        pltpu.VMEM((RB_PT, 128), jnp.float32),
        pltpu.VMEM((RB_PT, 128), jnp.float32),
        pltpu.VMEM((NBLK,), jnp.int32),
        pltpu.VMEM_SHARED((NBLK, 128), jnp.float32),
    ],
    compiler_params=pltpu.CompilerParams(needs_layout_passes=False),
)
def _sc_deg(dst_hbm, dinv_hbm, dstv, degv, rowa, rowb, idxv, deg_sh):
  cid = lax.axis_index("c")
  sid = lax.axis_index("s")

  @pl.when(cid == 0)
  def _core0():
    pltpu.sync_copy(dst_hbm.at[sid], dstv)
    _zero_f32_ref2d(degv, NBLK, 128)
    for j in range(NBLK // 16):
      idxv[pl.ds(j * 16, 16)] = lax.iota(jnp.int32, 16) + j * 16

    @pl.when(sid < RB_TILES)
    def _zero_shared():
      _zero_f32_ref2d(rowa, RB_PT, 128)
      pltpu.sync_copy(rowa, deg_sh.at[pl.ds(sid * RB_PT, RB_PT)])

    plsc.subcore_barrier()
    ones = jnp.ones((16,), jnp.float32)

    def body(i, _):
      idx = dstv[pl.ds(i * 16, 16)]
      r = lax.shift_right_logical(idx, 7)
      c = lax.bitwise_and(idx, 127)
      plsc.addupdate_scatter(degv, [r, c], ones)
      return 0

    lax.fori_loop(0, E_PT16 // 16, body, 0)
    pltpu.sync_copy(degv, deg_sh.at[idxv], add=True)
    plsc.subcore_barrier()

    @pl.when(sid < RB_TILES)
    def _rsqrt_out():
      pltpu.sync_copy(deg_sh.at[pl.ds(sid * RB_PT, RB_PT)], rowa)
      for r in range(RB_PT):
        for c in range(128 // 16):
          d = rowa[r, pl.ds(c * 16, 16)] + 1.0
          rowb[r, pl.ds(c * 16, 16)] = _rsqrt_f32(d)
      pltpu.sync_copy(rowb, dinv_hbm.at[pl.ds(sid * RB_PT, RB_PT)])


@functools.partial(
    pl.kernel,
    out_type=[jax.ShapeDtypeStruct((NPAD, D), jnp.float32),
              jax.ShapeDtypeStruct((NPAD, D), jnp.float32)],
    mesh=_mesh,
    scratch_types=[
        pltpu.VMEM((CH_H, CH), jnp.int32),
        pltpu.VMEM((CH_H, CH), jnp.int32),
        pltpu.VMEM((CH, D), jnp.float32),
        pltpu.VMEM((CH, D), jnp.float32),
        pltpu.VMEM_SHARED((NPAD, D), jnp.float32),
        pltpu.SemaphoreType.DMA,
        pltpu.SemaphoreType.DMA,
    ],
)
def _sc_edges(y_hbm, src_hbm, dst_hbm, out0_hbm, out1_hbm,
              srcv, dstv, rows0, rows1, acc, sem0, sem1):
  cid = lax.axis_index("c")
  sid = lax.axis_index("s")
  wid = cid * NS + sid
  rows = (rows0, rows1)
  sems = (sem0, sem1)

  _zero_f32_ref2d(rows0, CH, D)
  for t in range(ROWS_PT // CH):
    pltpu.sync_copy(rows0, acc.at[pl.ds(sid * ROWS_PT + t * CH, CH)])
  plsc.subcore_barrier()

  for half in range(NHALF):
    pltpu.sync_copy(src_hbm.at[wid, half], srcv)
    pltpu.sync_copy(dst_hbm.at[wid, half], dstv)
    pltpu.async_copy(y_hbm.at[srcv.at[0]], rows0, sem0)

    def outer(k2, _):
      for b in range(2):
        k = k2 * 2 + b

        @pl.when(k + 1 < CH_H)
        def _start():
          pltpu.async_copy(y_hbm.at[srcv.at[k + 1]], rows[1 - b], sems[1 - b])

        pltpu.make_async_copy(y_hbm.at[srcv.at[k]], rows[b], sems[b]).wait()
        pltpu.sync_copy(rows[b], acc.at[dstv.at[k]], add=True)
      return 0

    lax.fori_loop(0, CH_H // 2, outer, 0)

  plsc.subcore_barrier()

  @pl.when(cid == 0)
  def _pub0():
    pltpu.sync_copy(acc.at[pl.ds(sid * ROWS_PT, ROWS_PT)],
                    out0_hbm.at[pl.ds(sid * ROWS_PT, ROWS_PT)])

  @pl.when(cid == 1)
  def _pub1():
    pltpu.sync_copy(acc.at[pl.ds(sid * ROWS_PT, ROWS_PT)],
                    out1_hbm.at[pl.ds(sid * ROWS_PT, ROWS_PT)])


def _dot(a, b):
  return lax.dot_general(a, b, (((1,), (0,)), ((), ())),
                         precision=lax.Precision.HIGHEST,
                         preferred_element_type=jnp.float32)


def _tc_prep_body(x_ref, dinv_ref, w_ref, y_ref):
  y_ref[...] = _dot(x_ref[...], w_ref[...]) * dinv_ref[...]


def _tc_mid_body(p0_ref, p1_ref, y_ref, dinv_ref, b_ref, w_ref, out_ref):
  dinv = dinv_ref[...]
  h = (p0_ref[...] + p1_ref[...] + y_ref[...]) * dinv + b_ref[...]
  h = jnp.maximum(h, 0.0)
  out_ref[...] = _dot(h, w_ref[...]) * dinv


def _tc_final_body(p0_ref, p1_ref, y_ref, dinv_ref, b_ref, out_ref):
  h = (p0_ref[...] + p1_ref[...] + y_ref[...]) * dinv_ref[...] + b_ref[...]
  out_ref[...] = jnp.maximum(h, 0.0)


TB = 512
TGRID = NPAD // TB
_row_spec = pl.BlockSpec((TB, D), lambda i: (i, 0))
_col_spec = pl.BlockSpec((TB, 1), lambda i: (i, 0))
_bias_spec = pl.BlockSpec((1, D), lambda i: (0, 0))
_w_spec = pl.BlockSpec((D, D), lambda i: (0, 0))

_tc_prep = pl.pallas_call(
    _tc_prep_body,
    grid=(TGRID,),
    in_specs=[_row_spec, _col_spec, _w_spec],
    out_specs=_row_spec,
    out_shape=jax.ShapeDtypeStruct((NPAD, D), jnp.float32),
)

_tc_mid = pl.pallas_call(
    _tc_mid_body,
    grid=(TGRID,),
    in_specs=[_row_spec, _row_spec, _row_spec, _col_spec, _bias_spec, _w_spec],
    out_specs=_row_spec,
    out_shape=jax.ShapeDtypeStruct((NPAD, D), jnp.float32),
)

_tc_final = pl.pallas_call(
    _tc_final_body,
    grid=(TGRID,),
    in_specs=[_row_spec, _row_spec, _row_spec, _col_spec, _bias_spec],
    out_specs=_row_spec,
    out_shape=jax.ShapeDtypeStruct((N, D), jnp.float32),
)


def kernel(edge_index, x, W1, b1, W2, b2):
  src = edge_index[0]
  dst = edge_index[1]
  pad = jnp.full((EPAD - E,), N, dtype=jnp.int32)
  src3 = jnp.concatenate([src, pad]).reshape(NW, NHALF, CH_H, CH)
  dst3 = jnp.concatenate([dst, pad]).reshape(NW, NHALF, CH_H, CH)
  dst_deg = dst.reshape(NS, E_PT16)
  xpad = jnp.zeros((NPAD, D), jnp.float32).at[:N].set(x)
  b1r = b1.reshape(1, D)
  b2r = b2.reshape(1, D)

  dinv = _sc_deg(dst_deg).reshape(NPAD, 1)
  y1 = _tc_prep(xpad, dinv, W1)
  p10, p11 = _sc_edges(y1, src3, dst3)
  y2 = _tc_mid(p10, p11, y1, dinv, b1r, W2)
  p20, p21 = _sc_edges(y2, src3, dst3)
  return _tc_final(p20, p21, y2, dinv, b2r)

# --- scband reference (transcript-rebuilt; emitter-appended) ---
"""Pipeline reference for scband-my-gcn-2860448219412 (READ-ONLY COPY).

The authoritative reference and input builder live on the scoring server;
editing this copy changes nothing except your own understanding.
"""

import jax, jax.numpy as jnp
import numpy as np

N = 10000
E = 320000
D = 128


def setup_inputs(seed: int = 0) -> dict:
    key = jax.random.key(seed)
    k1, k2, k3, k4, k5 = jax.random.split(key, 5)
    x = jax.random.normal(k1, (N, D), dtype=jnp.float32)
    edge_index = jax.random.randint(k2, (2, E), 0, N, dtype=jnp.int32)
    scale = 1.0 / np.sqrt(D)
    W1 = jax.random.normal(k3, (D, D), dtype=jnp.float32) * scale
    b1 = jnp.zeros((D,), dtype=jnp.float32)
    W2 = jax.random.normal(k4, (D, D), dtype=jnp.float32) * scale
    b2 = jnp.zeros((D,), dtype=jnp.float32)
    return {"edge_index": edge_index, "x": x, "W1": W1, "b1": b1, "W2": W2, "b2": b2}


def _gcn_conv(x, edge_index, W, b):
    # Faithful GCNConv: x @ W, add self loops, symmetric deg^-1/2 normalization, scatter-add, + bias
    n = x.shape[0]
    xw = x @ W
    loop = jnp.arange(n, dtype=edge_index.dtype)
    src = jnp.concatenate([edge_index[0], loop])
    dst = jnp.concatenate([edge_index[1], loop])
    deg = jnp.zeros((n,), dtype=x.dtype).at[dst].add(1.0)
    dinv = jnp.where(deg > 0, 1.0 / jnp.sqrt(deg), 0.0)
    norm = dinv[src] * dinv[dst]
    msg = jnp.take(xw, src, axis=0) * norm[:, None]
    out = jnp.zeros_like(xw).at[dst].add(msg)
    return out + b


def reference(edge_index, x, W1, b1, W2, b2):
    # layer 1
    h = _gcn_conv(x, edge_index, W1, b1)
    h = jax.nn.relu(h)
    # layer 2
    h = _gcn_conv(h, edge_index, W2, b2)
    h = jax.nn.relu(h)
    return h

if __name__ == "__main__":
    import jax
    _d = setup_inputs()
    print(jax.jit(kernel)(*tuple(_d.values())))

</pallas_src>

<mosaic_0001>
#map = affine_map<(d0, d1) -> (0, 0)>
#map1 = affine_map<(d0, d1) -> (0, 0, 0, 0)>
module attributes {stable_mosaic.version = 14 : i64} {
  func.func @_sc_edges(%arg0: i32, %arg1: i32, %arg2: memref<10240x128xf32, #tpu.memory_space<hbm>>, %arg3: memref<32x2x40x128xi32, #tpu.memory_space<hbm>>, %arg4: memref<32x2x40x128xi32, #tpu.memory_space<hbm>>, %arg5: memref<10240x128xf32, #tpu.memory_space<hbm>>, %arg6: memref<10240x128xf32, #tpu.memory_space<hbm>>, %arg7: memref<40x128xi32, #tpu.memory_space<vmem>>, %arg8: memref<40x128xi32, #tpu.memory_space<vmem>>, %arg9: memref<128x128xf32, #tpu.memory_space<vmem>>, %arg10: memref<128x128xf32, #tpu.memory_space<vmem>>, %arg11: memref<10240x128xf32, #tpu.memory_space<vmem_shared>>, %arg12: memref<!tpu.dma_semaphore, #tpu.memory_space<semaphore_mem>>, %arg13: memref<!tpu.dma_semaphore, #tpu.memory_space<semaphore_mem>>) attributes {dimension_semantics = [#tpu.dimension_semantics<core_parallel>, #tpu.dimension_semantics<subcore_parallel>], iteration_bounds = array<i64: 2, 16>, scalar_prefetch = 0 : i64, scratch_operands = 7 : i64, tpu.core_type = #tpu.core_type<sc_vector_subcore>, window_params = [{transform_indices = #map}, {transform_indices = #map1}, {transform_indices = #map1}, {transform_indices = #map}, {transform_indices = #map}]} {
    %mul3A = arith.constant 16 : i32
    %mul3A_0 = arith.muli %arg0, %mul3A : i32
    %add3A = arith.addi %mul3A_0, %arg1 : i32
    %broadcast_in_dim3A = arith.constant 0.000000e+00 : f32
    %broadcast_in_dim3A_1 = vector.broadcast %broadcast_in_dim3A : f32 to vector<16xf32>
    %scan3A = arith.constant 0 : i32
    %scan3A_2 = arith.constant 0 : i32
    %scan3A_3 = arith.constant 128 : i32
    %scan3A_4 = arith.addi %scan3A_2, %scan3A_3 : i32
    %scan3A_5 = arith.constant 1 : i32
    %scan3A_6 = scf.for %scan3A_66 = %scan3A_2 to %scan3A_4 step %scan3A_5 iter_args(%scan3A_67 = %scan3A) -> (i32)  : i32 {
      %swap3A = arith.index_cast %scan3A_66 : i32 to index
      %swap3A_68 = arith.constant 0 : index
      %swap3A_69 = tpu.vector_load %arg9[%swap3A, %swap3A_68] {strides = array<i32>} : memref<128x128xf32, #tpu.memory_space<vmem>>, vector<1x16xf32>,
      %swap3A_70 = vector.shape_cast %swap3A_69 : vector<1x16xf32> to vector<16xf32>
      %swap3A_71 = vector.shape_cast %broadcast_in_dim3A_1 : vector<16xf32> to vector<1x16xf32>
      tpu.vector_store %arg9[%swap3A, %swap3A_68], %swap3A_71 {strides = array<i32>} : memref<128x128xf32, #tpu.memory_space<vmem>>, vector<1x16xf32>,
      %swap3A_72 = arith.index_cast %scan3A_66 : i32 to index
      %swap3A_73 = arith.constant 16 : index
      %swap3A_74 = tpu.vector_load %arg9[%swap3A_72, %swap3A_73] {strides = array<i32>} : memref<128x128xf32, #tpu.memory_space<vmem>>, vector<1x16xf32>,
      %swap3A_75 = vector.shape_cast %swap3A_74 : vector<1x16xf32> to vector<16xf32>
      %swap3A_76 = vector.shape_cast %broadcast_in_dim3A_1 : vector<16xf32> to vector<1x16xf32>
      tpu.vector_store %arg9[%swap3A_72, %swap3A_73], %swap3A_76 {strides = array<i32>} : memref<128x128xf32, #tpu.memory_space<vmem>>, vector<1x16xf32>,
      %swap3A_77 = arith.index_cast %scan3A_66 : i32 to index
      %swap3A_78 = arith.constant 32 : index
      %swap3A_79 = tpu.vector_load %arg9[%swap3A_77, %swap3A_78] {strides = array<i32>} : memref<128x128xf32, #tpu.memory_space<vmem>>, vector<1x16xf32>,
      %swap3A_80 = vector.shape_cast %swap3A_79 : vector<1x16xf32> to vector<16xf32>
      %swap3A_81 = vector.shape_cast %broadcast_in_dim3A_1 : vector<16xf32> to vector<1x16xf32>
      tpu.vector_store %arg9[%swap3A_77, %swap3A_78], %swap3A_81 {strides = array<i32>} : memref<128x128xf32, #tpu.memory_space<vmem>>, vector<1x16xf32>,
      %swap3A_82 = arith.index_cast %scan3A_66 : i32 to index
      %swap3A_83 = arith.constant 48 : index
      %swap3A_84 = tpu.vector_load %arg9[%swap3A_82, %swap3A_83] {strides = array<i32>} : memref<128x128xf32, #tpu.memory_space<vmem>>, vector<1x16xf32>,
      %swap3A_85 = vector.shape_cast %swap3A_84 : vector<1x16xf32> to vector<16xf32>
      %swap3A_86 = vector.shape_cast %broadcast_in_dim3A_1 : vector<16xf32> to vector<1x16xf32>
      tpu.vector_store %arg9[%swap3A_82, %swap3A_83], %swap3A_86 {strides = array<i32>} : memref<128x128xf32, #tpu.memory_space<vmem>>, vector<1x16xf32>,
      %swap3A_87 = arith.index_cast %scan3A_66 : i32 to index
      %swap3A_88 = arith.constant 64 : index
      %swap3A_89 = tpu.vector_load %arg9[%swap3A_87, %swap3A_88] {strides = array<i32>} : memref<128x128xf32, #tpu.memory_space<vmem>>, vector<1x16xf32>,
      %swap3A_90 = vector.shape_cast %swap3A_89 : vector<1x16xf32> to vector<16xf32>
      %swap3A_91 = vector.shape_cast %broadcast_in_dim3A_1 : vector<16xf32> to vector<1x16xf32>
      tpu.vector_store %arg9[%swap3A_87, %swap3A_88], %swap3A_91 {strides = array<i32>} : memref<128x128xf32, #tpu.memory_space<vmem>>, vector<1x16xf32>,
      %swap3A_92 = arith.index_cast %scan3A_66 : i32 to index
      %swap3A_93 = arith.constant 80 : index
      %swap3A_94 = tpu.vector_load %arg9[%swap3A_92, %swap3A_93] {strides = array<i32>} : memref<128x128xf32, #tpu.memory_space<vmem>>, vector<1x16xf32>,
      %swap3A_95 = vector.shape_cast %swap3A_94 : vector<1x16xf32> to vector<16xf32>
      %swap3A_96 = vector.shape_cast %broadcast_in_dim3A_1 : vector<16xf32> to vector<1x16xf32>
      tpu.vector_store %arg9[%swap3A_92, %swap3A_93], %swap3A_96 {strides = array<i32>} : memref<128x128xf32, #tpu.memory_space<vmem>>, vector<1x16xf32>,
      %swap3A_97 = arith.index_cast %scan3A_66 : i32 to index
      %swap3A_98 = arith.constant 96 : index
      %swap3A_99 = tpu.vector_load %arg9[%swap3A_97, %swap3A_98] {strides = array<i32>} : memref<128x128xf32, #tpu.memory_space<vmem>>, vector<1x16xf32>,
      %swap3A_100 = vector.shape_cast %swap3A_99 : vector<1x16xf32> to vector<16xf32>
      %swap3A_101 = vector.shape_cast %broadcast_in_dim3A_1 : vector<16xf32> to vector<1x16xf32>
      tpu.vector_store %arg9[%swap3A_97, %swap3A_98], %swap3A_101 {strides = array<i32>} : memref<128x128xf32, #tpu.memory_space<vmem>>, vector<1x16xf32>,
      %swap3A_102 = arith.index_cast %scan3A_66 : i32 to index
      %swap3A_103 = arith.constant 112 : index
      %swap3A_104 = tpu.vector_load %arg9[%swap3A_102, %swap3A_103] {strides = array<i32>} : memref<128x128xf32, #tpu.memory_space<vmem>>, vector<1x16xf32>,
      %swap3A_105 = vector.shape_cast %swap3A_104 : vector<1x16xf32> to vector<16xf32>
      %swap3A_106 = vector.shape_cast %broadcast_in_dim3A_1 : vector<16xf32> to vector<1x16xf32>
      tpu.vector_store %arg9[%swap3A_102, %swap3A_103], %swap3A_106 {strides = array<i32>} : memref<128x128xf32, #tpu.memory_space<vmem>>, vector<1x16xf32>,
      %scan3A_107 = arith.constant 0 : i32
      scf.yield %scan3A_107 : i32
    }
    %scan3A_7 = arith.constant 128 : i32
    %mul3A_8 = arith.constant 640 : i32
    %mul3A_9 = arith.muli %arg1, %mul3A_8 : i32
    %add3A_10 = arith.constant 0 : i32
    %add3A_11 = arith.addi %mul3A_9, %add3A_10 : i32
    "tpu.region"() ({
      %run_scoped3A_66 = tpu.sem_alloc : memref<!tpu.dma_semaphore, #tpu.memory_space<semaphore_mem>>
      %dma_start3A_67 = arith.constant 0 : i32
      %dma_start3A_68 = tpu.memref_slice %arg11[%add3A_11, %dma_start3A_67] : memref<10240x128xf32, #tpu.memory_space<vmem_shared>> -> memref<128x128xf32, #tpu.memory_space<vmem_shared>>
      %dma_start3A_69 = arith.constant 0 : i32
      %dma_start3A_70 = tpu.memref_slice %arg11[%add3A_11, %dma_start3A_69] : memref<10240x128xf32, #tpu.memory_space<vmem_shared>> -> memref<128x128xf32, #tpu.memory_space<vmem_shared>>
      tpu.enqueue_dma source(%arg9 : memref<128x128xf32, #tpu.memory_space<vmem>>) target(%dma_start3A_70 : memref<128x128xf32, #tpu.memory_space<vmem_shared>>) target_semaphore(%run_scoped3A_66 : memref<!tpu.dma_semaphore, #tpu.memory_space<semaphore_mem>>)
      %dma_wait3A = arith.constant 0 : i32
      %dma_wait3A_71 = tpu.memref_slice %arg11[%add3A_11, %dma_wait3A] : memref<10240x128xf32, #tpu.memory_space<vmem_shared>> -> memref<128x128xf32, #tpu.memory_space<vmem_shared>>
      %dma_wait3A_72 = arith.constant 0 : i32
      %dma_wait3A_73 = tpu.memref_slice %arg11[%add3A_11, %dma_wait3A_72] : memref<10240x128xf32, #tpu.memory_space<vmem_shared>> -> memref<128x128xf32, #tpu.memory_space<vmem_shared>>
      tpu.wait_dma2 semaphore(%run_scoped3A_66 : memref<!tpu.dma_semaphore, #tpu.memory_space<semaphore_mem>>) src(%arg9 : memref<128x128xf32, #tpu.memory_space<vmem>>) dst(%dma_wait3A_73 : memref<128x128xf32, #tpu.memory_space<vmem_shared>>)
      tpu.yield
    }) : () -> ()
    %mul3A_12 = arith.constant 640 : i32
    %mul3A_13 = arith.muli %arg1, %mul3A_12 : i32
    %add3A_14 = arith.constant 128 : i32
    %add3A_15 = arith.addi %mul3A_13, %add3A_14 : i32
    "tpu.region"() ({
      %run_scoped3A_66 = tpu.sem_alloc : memref<!tpu.dma_semaphore, #tpu.memory_space<semaphore_mem>>
      %dma_start3A_67 = arith.constant 0 : i32
      %dma_start3A_68 = tpu.memref_slice %arg11[%add3A_15, %dma_start3A_67] : memref<10240x128xf32, #tpu.memory_space<vmem_shared>> -> memref<128x128xf32, #tpu.memory_space<vmem_shared>>
      %dma_start3A_69 = arith.constant 0 : i32
      %dma_start3A_70 = tpu.memref_slice %arg11[%add3A_15, %dma_start3A_69] : memref<10240x128xf32, #tpu.memory_space<vmem_shared>> -> memref<128x128xf32, #tpu.memory_space<vmem_shared>>
      tpu.enqueue_dma source(%arg9 : memref<128x128xf32, #tpu.memory_space<vmem>>) target(%dma_start3A_70 : memref<128x128xf32, #tpu.memory_space<vmem_shared>>) target_semaphore(%run_scoped3A_66 : memref<!tpu.dma_semaphore, #tpu.memory_space<semaphore_mem>>)
      %dma_wait3A = arith.constant 0 : i32
      %dma_wait3A_71 = tpu.memref_slice %arg11[%add3A_15, %dma_wait3A] : memref<10240x128xf32, #tpu.memory_space<vmem_shared>> -> memref<128x128xf32, #tpu.memory_space<vmem_shared>>
      %dma_wait3A_72 = arith.constant 0 : i32
      %dma_wait3A_73 = tpu.memref_slice %arg11[%add3A_15, %dma_wait3A_72] : memref<10240x128xf32, #tpu.memory_space<vmem_shared>> -> memref<128x128xf32, #tpu.memory_space<vmem_shared>>
      tpu.wait_dma2 semaphore(%run_scoped3A_66 : memref<!tpu.dma_semaphore, #tpu.memory_space<semaphore_mem>>) src(%arg9 : memref<128x128xf32, #tpu.memory_space<vmem>>) dst(%dma_wait3A_73 : memref<128x128xf32, #tpu.memory_space<vmem_shared>>)
      tpu.yield
    }) : () -> ()
    %mul3A_16 = arith.constant 640 : i32
    %mul3A_17 = arith.muli %arg1, %mul3A_16 : i32
    %add3A_18 = arith.constant 256 : i32
    %add3A_19 = arith.addi %mul3A_17, %add3A_18 : i32
    "tpu.region"() ({
      %run_scoped3A_66 = tpu.sem_alloc : memref<!tpu.dma_semaphore, #tpu.memory_space<semaphore_mem>>
      %dma_start3A_67 = arith.constant 0 : i32
      %dma_start3A_68 = tpu.memref_slice %arg11[%add3A_19, %dma_start3A_67] : memref<10240x128xf32, #tpu.memory_space<vmem_shared>> -> memref<128x128xf32, #tpu.memory_space<vmem_shared>>
      %dma_start3A_69 = arith.constant 0 : i32
      %dma_start3A_70 = tpu.memref_slice %arg11[%add3A_19, %dma_start3A_69] : memref<10240x128xf32, #tpu.memory_space<vmem_shared>> -> memref<128x128xf32, #tpu.memory_space<vmem_shared>>
      tpu.enqueue_dma source(%arg9 : memref<128x128xf32, #tpu.memory_space<vmem>>) target(%dma_start3A_70 : memref<128x128xf32, #tpu.memory_space<vmem_shared>>) target_semaphore(%run_scoped3A_66 : memref<!tpu.dma_semaphore, #tpu.memory_space<semaphore_mem>>)
      %dma_wait3A = arith.constant 0 : i32
      %dma_wait3A_71 = tpu.memref_slice %arg11[%add3A_19, %dma_wait3A] : memref<10240x128xf32, #tpu.memory_space<vmem_shared>> -> memref<128x128xf32, #tpu.memory_space<vmem_shared>>
      %dma_wait3A_72 = arith.constant 0 : i32
      %dma_wait3A_73 = tpu.memref_slice %arg11[%add3A_19, %dma_wait3A_72] : memref<10240x128xf32, #tpu.memory_space<vmem_shared>> -> memref<128x128xf32, #tpu.memory_space<vmem_shared>>
      tpu.wait_dma2 semaphore(%run_scoped3A_66 : memref<!tpu.dma_semaphore, #tpu.memory_space<semaphore_mem>>) src(%arg9 : memref<128x128xf32, #tpu.memory_space<vmem>>) dst(%dma_wait3A_73 : memref<128x128xf32, #tpu.memory_space<vmem_shared>>)
      tpu.yield
    }) : () -> ()
    %mul3A_20 = arith.constant 640 : i32
    %mul3A_21 = arith.muli %arg1, %mul3A_20 : i32
    %add3A_22 = arith.constant 384 : i32
    %add3A_23 = arith.addi %mul3A_21, %add3A_22 : i32
    "tpu.region"() ({
      %run_scoped3A_66 = tpu.sem_alloc : memref<!tpu.dma_semaphore, #tpu.memory_space<semaphore_mem>>
      %dma_start3A_67 = arith.constant 0 : i32
      %dma_start3A_68 = tpu.memref_slice %arg11[%add3A_23, %dma_start3A_67] : memref<10240x128xf32, #tpu.memory_space<vmem_shared>> -> memref<128x128xf32, #tpu.memory_space<vmem_shared>>
      %dma_start3A_69 = arith.constant 0 : i32
      %dma_start3A_70 = tpu.memref_slice %arg11[%add3A_23, %dma_start3A_69] : memref<10240x128xf32, #tpu.memory_space<vmem_shared>> -> memref<128x128xf32, #tpu.memory_space<vmem_shared>>
      tpu.enqueue_dma source(%arg9 : memref<128x128xf32, #tpu.memory_space<vmem>>) target(%dma_start3A_70 : memref<128x128xf32, #tpu.memory_space<vmem_shared>>) target_semaphore(%run_scoped3A_66 : memref<!tpu.dma_semaphore, #tpu.memory_space<semaphore_mem>>)
      %dma_wait3A = arith.constant 0 : i32
      %dma_wait3A_71 = tpu.memref_slice %arg11[%add3A_23, %dma_wait3A] : memref<10240x128xf32, #tpu.memory_space<vmem_shared>> -> memref<128x128xf32, #tpu.memory_space<vmem_shared>>
      %dma_wait3A_72 = arith.constant 0 : i32
      %dma_wait3A_73 = tpu.memref_slice %arg11[%add3A_23, %dma_wait3A_72] : memref<10240x128xf32, #tpu.memory_space<vmem_shared>> -> memref<128x128xf32, #tpu.memory_space<vmem_shared>>
      tpu.wait_dma2 semaphore(%run_scoped3A_66 : memref<!tpu.dma_semaphore, #tpu.memory_space<semaphore_mem>>) src(%arg9 : memref<128x128xf32, #tpu.memory_space<vmem>>) dst(%dma_wait3A_73 : memref<128x128xf32, #tpu.memory_space<vmem_shared>>)
      tpu.yield
    }) : () -> ()
    %mul3A_24 = arith.constant 640 : i32
    %mul3A_25 = arith.muli %arg1, %mul3A_24 : i32
    %add3A_26 = arith.constant 512 : i32
    %add3A_27 = arith.addi %mul3A_25, %add3A_26 : i32
    "tpu.region"() ({
      %run_scoped3A_66 = tpu.sem_alloc : memref<!tpu.dma_semaphore, #tpu.memory_space<semaphore_mem>>
      %dma_start3A_67 = arith.constant 0 : i32
      %dma_start3A_68 = tpu.memref_slice %arg11[%add3A_27, %dma_start3A_67] : memref<10240x128xf32, #tpu.memory_space<vmem_shared>> -> memref<128x128xf32, #tpu.memory_space<vmem_shared>>
      %dma_start3A_69 = arith.constant 0 : i32
      %dma_start3A_70 = tpu.memref_slice %arg11[%add3A_27, %dma_start3A_69] : memref<10240x128xf32, #tpu.memory_space<vmem_shared>> -> memref<128x128xf32, #tpu.memory_space<vmem_shared>>
      tpu.enqueue_dma source(%arg9 : memref<128x128xf32, #tpu.memory_space<vmem>>) target(%dma_start3A_70 : memref<128x128xf32, #tpu.memory_space<vmem_shared>>) target_semaphore(%run_scoped3A_66 : memref<!tpu.dma_semaphore, #tpu.memory_space<semaphore_mem>>)
      %dma_wait3A = arith.constant 0 : i32
      %dma_wait3A_71 = tpu.memref_slice %arg11[%add3A_27, %dma_wait3A] : memref<10240x128xf32, #tpu.memory_space<vmem_shared>> -> memref<128x128xf32, #tpu.memory_space<vmem_shared>>
      %dma_wait3A_72 = arith.constant 0 : i32
      %dma_wait3A_73 = tpu.memref_slice %arg11[%add3A_27, %dma_wait3A_72] : memref<10240x128xf32, #tpu.memory_space<vmem_shared>> -> memref<128x128xf32, #tpu.memory_space<vmem_shared>>
      tpu.wait_dma2 semaphore(%run_scoped3A_66 : memref<!tpu.dma_semaphore, #tpu.memory_space<semaphore_mem>>) src(%arg9 : memref<128x128xf32, #tpu.memory_space<vmem>>) dst(%dma_wait3A_73 : memref<128x128xf32, #tpu.memory_space<vmem_shared>>)
      tpu.yield
    }) : () -> ()
    %barrier3A = arith.constant 0 : index
    tpu.barrier barrier_id(%barrier3A)
    %run_scoped3A = arith.constant 0 : i32
    "tpu.region"() ({
      %run_scoped3A_66 = tpu.sem_alloc : memref<!tpu.dma_semaphore, #tpu.memory_space<semaphore_mem>>
      %dma_start3A_67 = arith.constant 0 : i32
      %dma_start3A_68 = arith.constant 0 : i32
      %dma_start3A_69 = tpu.memref_slice %arg3[%add3A, %run_scoped3A, %dma_start3A_67, %dma_start3A_68] : memref<32x2x40x128xi32, #tpu.memory_space<hbm>> -> memref<1x1x40x128xi32, #tpu.memory_space<hbm>>
      %dma_start3A_70 = tpu.memref_squeeze %dma_start3A_69 : memref<1x1x40x128xi32, #tpu.memory_space<hbm>> -> memref<40x128xi32, #tpu.memory_space<hbm>>
      %dma_start3A_71 = arith.constant 0 : i32
      %dma_start3A_72 = arith.constant 0 : i32
      %dma_start3A_73 = tpu.memref_slice %arg3[%add3A, %run_scoped3A, %dma_start3A_71, %dma_start3A_72] : memref<32x2x40x128xi32, #tpu.memory_space<hbm>> -> memref<1x1x40x128xi32, #tpu.memory_space<hbm>>
      %dma_start3A_74 = tpu.memref_squeeze %dma_start3A_73 : memref<1x1x40x128xi32, #tpu.memory_space<hbm>> -> memref<40x128xi32, #tpu.memory_space<hbm>>
      tpu.enqueue_dma source(%dma_start3A_74 : memref<40x128xi32, #tpu.memory_space<hbm>>) target(%arg7 : memref<40x128xi32, #tpu.memory_space<vmem>>) target_semaphore(%run_scoped3A_66 : memref<!tpu.dma_semaphore, #tpu.memory_space<semaphore_mem>>)
      %dma_wait3A = arith.constant 0 : i32
      %dma_wait3A_75 = arith.constant 0 : i32
      %dma_wait3A_76 = tpu.memref_slice %arg3[%add3A, %run_scoped3A, %dma_wait3A, %dma_wait3A_75] : memref<32x2x40x128xi32, #tpu.memory_space<hbm>> -> memref<1x1x40x128xi32, #tpu.memory_space<hbm>>
      %dma_wait3A_77 = tpu.memref_squeeze %dma_wait3A_76 : memref<1x1x40x128xi32, #tpu.memory_space<hbm>> -> memref<40x128xi32, #tpu.memory_space<hbm>>
      %dma_wait3A_78 = arith.constant 0 : i32
      %dma_wait3A_79 = arith.constant 0 : i32
      %dma_wait3A_80 = tpu.memref_slice %arg3[%add3A, %run_scoped3A, %dma_wait3A_78, %dma_wait3A_79] : memref<32x2x40x128xi32, #tpu.memory_space<hbm>> -> memref<1x1x40x128xi32, #tpu.memory_space<hbm>>
      %dma_wait3A_81 = tpu.memref_squeeze %dma_wait3A_80 : memref<1x1x40x128xi32, #tpu.memory_space<hbm>> -> memref<40x128xi32, #tpu.memory_space<hbm>>
      tpu.wait_dma2 semaphore(%run_scoped3A_66 : memref<!tpu.dma_semaphore, #tpu.memory_space<semaphore_mem>>) src(%dma_wait3A_81 : memref<40x128xi32, #tpu.memory_space<hbm>>) dst(%arg7 : memref<40x128xi32, #tpu.memory_space<vmem>>)
      tpu.yield
    }) : () -> ()
    %run_scoped3A_28 = arith.constant 0 : i32
    "tpu.region"() ({
      %run_scoped3A_66 = tpu.sem_alloc : memref<!tpu.dma_semaphore, #tpu.memory_space<semaphore_mem>>
      %dma_start3A_67 = arith.constant 0 : i32
      %dma_start3A_68 = arith.constant 0 : i32
      %dma_start3A_69 = tpu.memref_slice %arg4[%add3A, %run_scoped3A_28, %dma_start3A_67, %dma_start3A_68] : memref<32x2x40x128xi32, #tpu.memory_space<hbm>> -> memref<1x1x40x128xi32, #tpu.memory_space<hbm>>
      %dma_start3A_70 = tpu.memref_squeeze %dma_start3A_69 : memref<1x1x40x128xi32, #tpu.memory_space<hbm>> -> memref<40x128xi32, #tpu.memory_space<hbm>>
      %dma_start3A_71 = arith.constant 0 : i32
      %dma_start3A_72 = arith.constant 0 : i32
      %dma_start3A_73 = tpu.memref_slice %arg4[%add3A, %run_scoped3A_28, %dma_start3A_71, %dma_start3A_72] : memref<32x2x40x128xi32, #tpu.memory_space<hbm>> -> memref<1x1x40x128xi32, #tpu.memory_space<hbm>>
      %dma_start3A_74 = tpu.memref_squeeze %dma_start3A_73 : memref<1x1x40x128xi32, #tpu.memory_space<hbm>> -> memref<40x128xi32, #tpu.memory_space<hbm>>
      tpu.enqueue_dma source(%dma_start3A_74 : memref<40x128xi32, #tpu.memory_space<hbm>>) target(%arg8 : memref<40x128xi32, #tpu.memory_space<vmem>>) target_semaphore(%run_scoped3A_66 : memref<!tpu.dma_semaphore, #tpu.memory_space<semaphore_mem>>)
      %dma_wait3A = arith.constant 0 : i32
      %dma_wait3A_75 = arith.constant 0 : i32
      %dma_wait3A_76 = tpu.memref_slice %arg4[%add3A, %run_scoped3A_28, %dma_wait3A, %dma_wait3A_75] : memref<32x2x40x128xi32, #tpu.memory_space<hbm>> -> memref<1x1x40x128xi32, #tpu.memory_space<hbm>>
      %dma_wait3A_77 = tpu.memref_squeeze %dma_wait3A_76 : memref<1x1x40x128xi32, #tpu.memory_space<hbm>> -> memref<40x128xi32, #tpu.memory_space<hbm>>
      %dma_wait3A_78 = arith.constant 0 : i32
      %dma_wait3A_79 = arith.constant 0 : i32
      %dma_wait3A_80 = tpu.memref_slice %arg4[%add3A, %run_scoped3A_28, %dma_wait3A_78, %dma_wait3A_79] : memref<32x2x40x128xi32, #tpu.memory_space<hbm>> -> memref<1x1x40x128xi32, #tpu.memory_space<hbm>>
      %dma_wait3A_81 = tpu.memref_squeeze %dma_wait3A_80 : memref<1x1x40x128xi32, #tpu.memory_space<hbm>> -> memref<40x128xi32, #tpu.memory_space<hbm>>
      tpu.wait_dma2 semaphore(%run_scoped3A_66 : memref<!tpu.dma_semaphore, #tpu.memory_space<semaphore_mem>>) src(%dma_wait3A_81 : memref<40x128xi32, #tpu.memory_space<hbm>>) dst(%arg8 : memref<40x128xi32, #tpu.memory_space<vmem>>)
      tpu.yield
    }) : () -> ()
    %dma_start3A = arith.constant 0 : i32
    %dma_start3A_29 = arith.constant 0 : i32
    %dma_start3A_30 = tpu.memref_slice %arg7[%dma_start3A, %dma_start3A_29] : memref<40x128xi32, #tpu.memory_space<vmem>> -> memref<1x128xi32, #tpu.memory_space<vmem>>
    %dma_start3A_31 = tpu.memref_squeeze %dma_start3A_30 : memref<1x128xi32, #tpu.memory_space<vmem>> -> memref<128xi32, #tpu.memory_space<vmem>>
    %dma_start3A_32 = arith.constant 0 : i32
    %dma_start3A_33 = arith.constant 0 : i32
    %dma_start3A_34 = tpu.memref_slice %arg2[%dma_start3A_32, %dma_start3A_33] : memref<10240x128xf32, #tpu.memory_space<hbm>> -> memref<10240x128xf32, #tpu.memory_space<hbm>>
    tpu.enqueue_indirect_dma source(%dma_start3A_34 : memref<10240x128xf32, #tpu.memory_space<hbm>>) target(%arg9 : memref<128x128xf32, #tpu.memory_space<vmem>>) offsets(%dma_start3A_31 : memref<128xi32, #tpu.memory_space<vmem>>) semaphore(%arg12 : memref<!tpu.dma_semaphore, #tpu.memory_space<semaphore_mem>>)
    %scan3A_35 = arith.constant 0 : i32
    %scan3A_36 = arith.constant 0 : i32
    %scan3A_37 = arith.constant 20 : i32
    %scan3A_38 = arith.addi %scan3A_36, %scan3A_37 : i32
    %scan3A_39 = arith.constant 1 : i32
    %scan3A_40 = scf.for %scan3A_66 = %scan3A_36 to %scan3A_38 step %scan3A_39 iter_args(%scan3A_67 = %scan3A_35) -> (i32)  : i32 {
      %mul3A_68 = arith.constant 2 : i32
      %mul3A_69 = arith.muli %scan3A_66, %mul3A_68 : i32
      %add3A_70 = arith.constant 0 : i32
      %add3A_71 = arith.addi %mul3A_69, %add3A_70 : i32
      %add3A_72 = arith.constant 1 : i32
      %add3A_73 = arith.addi %add3A_71, %add3A_72 : i32
      %lt3A = arith.constant 40 : i32
      %lt3A_74 = arith.cmpi slt, %add3A_73, %lt3A : i32
      %convert_element_type3A_75 = arith.extui %lt3A_74 : i1 to i32
      %cond3A_76 = arith.constant 0 : i32
      %cond3A_77 = arith.cmpi ne, %convert_element_type3A_75, %cond3A_76 : i32
      scf.if %cond3A_77 {
        %add3A_101 = arith.constant 1 : i32
        %add3A_102 = arith.addi %add3A_71, %add3A_101 : i32
        %dma_start3A_103 = arith.constant 0 : i32
        %dma_start3A_104 = tpu.memref_slice %arg7[%add3A_102, %dma_start3A_103] : memref<40x128xi32, #tpu.memory_space<vmem>> -> memref<1x128xi32, #tpu.memory_space<vmem>>
        %dma_start3A_105 = tpu.memref_squeeze %dma_start3A_104 : memref<1x128xi32, #tpu.memory_space<vmem>> -> memref<128xi32, #tpu.memory_space<vmem>>
        %dma_start3A_106 = arith.constant 0 : i32
        %dma_start3A_107 = arith.constant 0 : i32
        %dma_start3A_108 = tpu.memref_slice %arg2[%dma_start3A_106, %dma_start3A_107] : memref<10240x128xf32, #tpu.memory_space<hbm>> -> memref<10240x128xf32, #tpu.memory_space<hbm>>
        tpu.enqueue_indirect_dma source(%dma_start3A_108 : memref<10240x128xf32, #tpu.memory_space<hbm>>) target(%arg10 : memref<128x128xf32, #tpu.memory_space<vmem>>) offsets(%dma_start3A_105 : memref<128xi32, #tpu.memory_space<vmem>>) semaphore(%arg13 : memref<!tpu.dma_semaphore, #tpu.memory_space<semaphore_mem>>)
      } else {
      }
      %dma_wait3A = arith.constant 0 : i32
      %dma_wait3A_78 = tpu.memref_slice %arg7[%add3A_71, %dma_wait3A] : memref<40x128xi32, #tpu.memory_space<vmem>> -> memref<1x128xi32, #tpu.memory_space<vmem>>
      %dma_wait3A_79 = tpu.memref_squeeze %dma_wait3A_78 : memref<1x128xi32, #tpu.memory_space<vmem>> -> memref<128xi32, #tpu.memory_space<vmem>>
      %dma_wait3A_80 = arith.constant 0 : i32
      %dma_wait3A_81 = arith.constant 0 : i32
      %dma_wait3A_82 = tpu.memref_slice %arg2[%dma_wait3A_80, %dma_wait3A_81] : memref<10240x128xf32, #tpu.memory_space<hbm>> -> memref<10240x128xf32, #tpu.memory_space<hbm>>
      tpu.wait_indirect_dma semaphore(%arg12 : memref<!tpu.dma_semaphore, #tpu.memory_space<semaphore_mem>>) src(%dma_wait3A_82 : memref<10240x128xf32, #tpu.memory_space<hbm>>) dst(%arg9 : memref<128x128xf32, #tpu.memory_space<vmem>>)
      "tpu.region"() ({
        %run_scoped3A_101 = tpu.sem_alloc : memref<!tpu.dma_semaphore, #tpu.memory_space<semaphore_mem>>
        %dma_start3A_102 = arith.constant 0 : i32
        %dma_start3A_103 = tpu.memref_slice %arg8[%add3A_71, %dma_start3A_102] : memref<40x128xi32, #tpu.memory_space<vmem>> -> memref<1x128xi32, #tpu.memory_space<vmem>>
        %dma_start3A_104 = tpu.memref_squeeze %dma_start3A_103 : memref<1x128xi32, #tpu.memory_space<vmem>> -> memref<128xi32, #tpu.memory_space<vmem>>
        %dma_start3A_105 = arith.constant 0 : i32
        %dma_start3A_106 = arith.constant 0 : i32
        %dma_start3A_107 = tpu.memref_slice %arg11[%dma_start3A_105, %dma_start3A_106] : memref<10240x128xf32, #tpu.memory_space<vmem_shared>> -> memref<10240x128xf32, #tpu.memory_space<vmem_shared>>
        tpu.enqueue_indirect_dma source(%arg9 : memref<128x128xf32, #tpu.memory_space<vmem>>) target(%dma_start3A_107 : memref<10240x128xf32, #tpu.memory_space<vmem_shared>>) offsets(%dma_start3A_104 : memref<128xi32, #tpu.memory_space<vmem>>) semaphore(%run_scoped3A_101 : memref<!tpu.dma_semaphore, #tpu.memory_space<semaphore_mem>>) {add = true}
        %dma_wait3A_108 = arith.constant 0 : i32
        %dma_wait3A_109 = tpu.memref_slice %arg8[%add3A_71, %dma_wait3A_108] : memref<40x128xi32, #tpu.memory_space<vmem>> -> memref<1x128xi32, #tpu.memory_space<vmem>>
        %dma_wait3A_110 = tpu.memref_squeeze %dma_wait3A_109 : memref<1x128xi32, #tpu.memory_space<vmem>> -> memref<128xi32, #tpu.memory_space<vmem>>
        %dma_wait3A_111 = arith.constant 0 : i32
        %dma_wait3A_112 = arith.constant 0 : i32
        %dma_wait3A_113 = tpu.memref_slice %arg11[%dma_wait3A_111, %dma_wait3A_112] : memref<10240x128xf32, #tpu.memory_space<vmem_shared>> -> memref<10240x128xf32, #tpu.memory_space<vmem_shared>>
        tpu.wait_indirect_dma semaphore(%run_scoped3A_101 : memref<!tpu.dma_semaphore, #tpu.memory_space<semaphore_mem>>) src(%arg9 : memref<128x128xf32, #tpu.memory_space<vmem>>) dst(%dma_wait3A_113 : memref<10240x128xf32, #tpu.memory_space<vmem_shared>>)
        tpu.yield
      }) : () -> ()
      %mul3A_83 = arith.constant 2 : i32
      %mul3A_84 = arith.muli %scan3A_66, %mul3A_83 : i32
      %add3A_85 = arith.constant 1 : i32
      %add3A_86 = arith.addi %mul3A_84, %add3A_85 : i32
      %add3A_87 = arith.constant 1 : i32
      %add3A_88 = arith.addi %add3A_86, %add3A_87 : i32
      %lt3A_89 = arith.constant 40 : i32
      %lt3A_90 = arith.cmpi slt, %add3A_88, %lt3A_89 : i32
      %convert_element_type3A_91 = arith.extui %lt3A_90 : i1 to i32
      %cond3A_92 = arith.constant 0 : i32
      %cond3A_93 = arith.cmpi ne, %convert_element_type3A_91, %cond3A_92 : i32
      scf.if %cond3A_93 {
        %add3A_101 = arith.constant 1 : i32
        %add3A_102 = arith.addi %add3A_86, %add3A_101 : i32
        %dma_start3A_103 = arith.constant 0 : i32
        %dma_start3A_104 = tpu.memref_slice %arg7[%add3A_102, %dma_start3A_103] : memref<40x128xi32, #tpu.memory_space<vmem>> -> memref<1x128xi32, #tpu.memory_space<vmem>>
        %dma_start3A_105 = tpu.memref_squeeze %dma_start3A_104 : memref<1x128xi32, #tpu.memory_space<vmem>> -> memref<128xi32, #tpu.memory_space<vmem>>
        %dma_start3A_106 = arith.constant 0 : i32
        %dma_start3A_107 = arith.constant 0 : i32
        %dma_start3A_108 = tpu.memref_slice %arg2[%dma_start3A_106, %dma_start3A_107] : memref<10240x128xf32, #tpu.memory_space<hbm>> -> memref<10240x128xf32, #tpu.memory_space<hbm>>
        tpu.enqueue_indirect_dma source(%dma_start3A_108 : memref<10240x128xf32, #tpu.memory_space<hbm>>) target(%arg9 : memref<128x128xf32, #tpu.memory_space<vmem>>) offsets(%dma_start3A_105 : memref<128xi32, #tpu.memory_space<vmem>>) semaphore(%arg12 : memref<!tpu.dma_semaphore, #tpu.memory_space<semaphore_mem>>)
      } else {
      }
      %dma_wait3A_94 = arith.constant 0 : i32
      %dma_wait3A_95 = tpu.memref_slice %arg7[%add3A_86, %dma_wait3A_94] : memref<40x128xi32, #tpu.memory_space<vmem>> -> memref<1x128xi32, #tpu.memory_space<vmem>>
      %dma_wait3A_96 = tpu.memref_squeeze %dma_wait3A_95 : memref<1x128xi32, #tpu.memory_space<vmem>> -> memref<128xi32, #tpu.memory_space<vmem>>
      %dma_wait3A_97 = arith.constant 0 : i32
      %dma_wait3A_98 = arith.constant 0 : i32
      %dma_wait3A_99 = tpu.memref_slice %arg2[%dma_wait3A_97, %dma_wait3A_98] : memref<10240x128xf32, #tpu.memory_space<hbm>> -> memref<10240x128xf32, #tpu.memory_space<hbm>>
      tpu.wait_indirect_dma semaphore(%arg13 : memref<!tpu.dma_semaphore, #tpu.memory_space<semaphore_mem>>) src(%dma_wait3A_99 : memref<10240x128xf32, #tpu.memory_space<hbm>>) dst(%arg10 : memref<128x128xf32, #tpu.memory_space<vmem>>)
      "tpu.region"() ({
        %run_scoped3A_101 = tpu.sem_alloc : memref<!tpu.dma_semaphore, #tpu.memory_space<semaphore_mem>>
        %dma_start3A_102 = arith.constant 0 : i32
        %dma_start3A_103 = tpu.memref_slice %arg8[%add3A_86, %dma_start3A_102] : memref<40x128xi32, #tpu.memory_space<vmem>> -> memref<1x128xi32, #tpu.memory_space<vmem>>
        %dma_start3A_104 = tpu.memref_squeeze %dma_start3A_103 : memref<1x128xi32, #tpu.memory_space<vmem>> -> memref<128xi32, #tpu.memory_space<vmem>>
        %dma_start3A_105 = arith.constant 0 : i32
        %dma_start3A_106 = arith.constant 0 : i32
        %dma_start3A_107 = tpu.memref_slice %arg11[%dma_start3A_105, %dma_start3A_106] : memref<10240x128xf32, #tpu.memory_space<vmem_shared>> -> memref<10240x128xf32, #tpu.memory_space<vmem_shared>>
        tpu.enqueue_indirect_dma source(%arg10 : memref<128x128xf32, #tpu.memory_space<vmem>>) target(%dma_start3A_107 : memref<10240x128xf32, #tpu.memory_space<vmem_shared>>) offsets(%dma_start3A_104 : memref<128xi32, #tpu.memory_space<vmem>>) semaphore(%run_scoped3A_101 : memref<!tpu.dma_semaphore, #tpu.memory_space<semaphore_mem>>) {add = true}
        %dma_wait3A_108 = arith.constant 0 : i32
        %dma_wait3A_109 = tpu.memref_slice %arg8[%add3A_86, %dma_wait3A_108] : memref<40x128xi32, #tpu.memory_space<vmem>> -> memref<1x128xi32, #tpu.memory_space<vmem>>
        %dma_wait3A_110 = tpu.memref_squeeze %dma_wait3A_109 : memref<1x128xi32, #tpu.memory_space<vmem>> -> memref<128xi32, #tpu.memory_space<vmem>>
        %dma_wait3A_111 = arith.constant 0 : i32
        %dma_wait3A_112 = arith.constant 0 : i32
        %dma_wait3A_113 = tpu.memref_slice %arg11[%dma_wait3A_111, %dma_wait3A_112] : memref<10240x128xf32, #tpu.memory_space<vmem_shared>> -> memref<10240x128xf32, #tpu.memory_space<vmem_shared>>
        tpu.wait_indirect_dma semaphore(%run_scoped3A_101 : memref<!tpu.dma_semaphore, #tpu.memory_space<semaphore_mem>>) src(%arg10 : memref<128x128xf32, #tpu.memory_space<vmem>>) dst(%dma_wait3A_113 : memref<10240x128xf32, #tpu.memory_space<vmem_shared>>)
        tpu.yield
      }) : () -> ()
      %scan3A_100 = arith.constant 0 : i32
      scf.yield %scan3A_100 : i32
    }
    %scan3A_41 = arith.constant 20 : i32
    %run_scoped3A_42 = arith.constant 1 : i32
    "tpu.region"() ({
      %run_scoped3A_66 = tpu.sem_alloc : memref<!tpu.dma_semaphore, #tpu.memory_space<semaphore_mem>>
      %dma_start3A_67 = arith.constant 0 : i32
      %dma_start3A_68 = arith.constant 0 : i32
      %dma_start3A_69 = tpu.memref_slice %arg3[%add3A, %run_scoped3A_42, %dma_start3A_67, %dma_start3A_68] : memref<32x2x40x128xi32, #tpu.memory_space<hbm>> -> memref<1x1x40x128xi32, #tpu.memory_space<hbm>>
      %dma_start3A_70 = tpu.memref_squeeze %dma_start3A_69 : memref<1x1x40x128xi32, #tpu.memory_space<hbm>> -> memref<40x128xi32, #tpu.memory_space<hbm>>
      %dma_start3A_71 = arith.constant 0 : i32
      %dma_start3A_72 = arith.constant 0 : i32
      %dma_start3A_73 = tpu.memref_slice %arg3[%add3A, %run_scoped3A_42, %dma_start3A_71, %dma_start3A_72] : memref<32x2x40x128xi32, #tpu.memory_space<hbm>> -> memref<1x1x40x128xi32, #tpu.memory_space<hbm>>
      %dma_start3A_74 = tpu.memref_squeeze %dma_start3A_73 : memref<1x1x40x128xi32, #tpu.memory_space<hbm>> -> memref<40x128xi32, #tpu.memory_space<hbm>>
      tpu.enqueue_dma source(%dma_start3A_74 : memref<40x128xi32, #tpu.memory_space<hbm>>) target(%arg7 : memref<40x128xi32, #tpu.memory_space<vmem>>) target_semaphore(%run_scoped3A_66 : memref<!tpu.dma_semaphore, #tpu.memory_space<semaphore_mem>>)
      %dma_wait3A = arith.constant 0 : i32
      %dma_wait3A_75 = arith.constant 0 : i32
      %dma_wait3A_76 = tpu.memref_slice %arg3[%add3A, %run_scoped3A_42, %dma_wait3A, %dma_wait3A_75] : memref<32x2x40x128xi32, #tpu.memory_space<hbm>> -> memref<1x1x40x128xi32, #tpu.memory_space<hbm>>
      %dma_wait3A_77 = tpu.memref_squeeze %dma_wait3A_76 : memref<1x1x40x128xi32, #tpu.memory_space<hbm>> -> memref<40x128xi32, #tpu.memory_space<hbm>>
      %dma_wait3A_78 = arith.constant 0 : i32
      %dma_wait3A_79 = arith.constant 0 : i32
      %dma_wait3A_80 = tpu.memref_slice %arg3[%add3A, %run_scoped3A_42, %dma_wait3A_78, %dma_wait3A_79] : memref<32x2x40x128xi32, #tpu.memory_space<hbm>> -> memref<1x1x40x128xi32, #tpu.memory_space<hbm>>
      %dma_wait3A_81 = tpu.memref_squeeze %dma_wait3A_80 : memref<1x1x40x128xi32, #tpu.memory_space<hbm>> -> memref<40x128xi32, #tpu.memory_space<hbm>>
      tpu.wait_dma2 semaphore(%run_scoped3A_66 : memref<!tpu.dma_semaphore, #tpu.memory_space<semaphore_mem>>) src(%dma_wait3A_81 : memref<40x128xi32, #tpu.memory_space<hbm>>) dst(%arg7 : memref<40x128xi32, #tpu.memory_space<vmem>>)
      tpu.yield
    }) : () -> ()
    %run_scoped3A_43 = arith.constant 1 : i32
    "tpu.region"() ({
      %run_scoped3A_66 = tpu.sem_alloc : memref<!tpu.dma_semaphore, #tpu.memory_space<semaphore_mem>>
      %dma_start3A_67 = arith.constant 0 : i32
      %dma_start3A_68 = arith.constant 0 : i32
      %dma_start3A_69 = tpu.memref_slice %arg4[%add3A, %run_scoped3A_43, %dma_start3A_67, %dma_start3A_68] : memref<32x2x40x128xi32, #tpu.memory_space<hbm>> -> memref<1x1x40x128xi32, #tpu.memory_space<hbm>>
      %dma_start3A_70 = tpu.memref_squeeze %dma_start3A_69 : memref<1x1x40x128xi32, #tpu.memory_space<hbm>> -> memref<40x128xi32, #tpu.memory_space<hbm>>
      %dma_start3A_71 = arith.constant 0 : i32
      %dma_start3A_72 = arith.constant 0 : i32
      %dma_start3A_73 = tpu.memref_slice %arg4[%add3A, %run_scoped3A_43, %dma_start3A_71, %dma_start3A_72] : memref<32x2x40x128xi32, #tpu.memory_space<hbm>> -> memref<1x1x40x128xi32, #tpu.memory_space<hbm>>
      %dma_start3A_74 = tpu.memref_squeeze %dma_start3A_73 : memref<1x1x40x128xi32, #tpu.memory_space<hbm>> -> memref<40x128xi32, #tpu.memory_space<hbm>>
      tpu.enqueue_dma source(%dma_start3A_74 : memref<40x128xi32, #tpu.memory_space<hbm>>) target(%arg8 : memref<40x128xi32, #tpu.memory_space<vmem>>) target_semaphore(%run_scoped3A_66 : memref<!tpu.dma_semaphore, #tpu.memory_space<semaphore_mem>>)
      %dma_wait3A = arith.constant 0 : i32
      %dma_wait3A_75 = arith.constant 0 : i32
      %dma_wait3A_76 = tpu.memref_slice %arg4[%add3A, %run_scoped3A_43, %dma_wait3A, %dma_wait3A_75] : memref<32x2x40x128xi32, #tpu.memory_space<hbm>> -> memref<1x1x40x128xi32, #tpu.memory_space<hbm>>
      %dma_wait3A_77 = tpu.memref_squeeze %dma_wait3A_76 : memref<1x1x40x128xi32, #tpu.memory_space<hbm>> -> memref<40x128xi32, #tpu.memory_space<hbm>>
      %dma_wait3A_78 = arith.constant 0 : i32
      %dma_wait3A_79 = arith.constant 0 : i32
      %dma_wait3A_80 = tpu.memref_slice %arg4[%add3A, %run_scoped3A_43, %dma_wait3A_78, %dma_wait3A_79] : memref<32x2x40x128xi32, #tpu.memory_space<hbm>> -> memref<1x1x40x128xi32, #tpu.memory_space<hbm>>
      %dma_wait3A_81 = tpu.memref_squeeze %dma_wait3A_80 : memref<1x1x40x128xi32, #tpu.memory_space<hbm>> -> memref<40x128xi32, #tpu.memory_space<hbm>>
      tpu.wait_dma2 semaphore(%run_scoped3A_66 : memref<!tpu.dma_semaphore, #tpu.memory_space<semaphore_mem>>) src(%dma_wait3A_81 : memref<40x128xi32, #tpu.memory_space<hbm>>) dst(%arg8 : memref<40x128xi32, #tpu.memory_space<vmem>>)
      tpu.yield
    }) : () -> ()
    %dma_start3A_44 = arith.constant 0 : i32
    %dma_start3A_45 = arith.constant 0 : i32
    %dma_start3A_46 = tpu.memref_slice %arg7[%dma_start3A_44, %dma_start3A_45] : memref<40x128xi32, #tpu.memory_space<vmem>> -> memref<1x128xi32, #tpu.memory_space<vmem>>
    %dma_start3A_47 = tpu.memref_squeeze %dma_start3A_46 : memref<1x128xi32, #tpu.memory_space<vmem>> -> memref<128xi32, #tpu.memory_space<vmem>>
    %dma_start3A_48 = arith.constant 0 : i32
    %dma_start3A_49 = arith.constant 0 : i32
    %dma_start3A_50 = tpu.memref_slice %arg2[%dma_start3A_48, %dma_start3A_49] : memref<10240x128xf32, #tpu.memory_space<hbm>> -> memref<10240x128xf32, #tpu.memory_space<hbm>>
    tpu.enqueue_indirect_dma source(%dma_start3A_50 : memref<10240x128xf32, #tpu.memory_space<hbm>>) target(%arg9 : memref<128x128xf32, #tpu.memory_space<vmem>>) offsets(%dma_start3A_47 : memref<128xi32, #tpu.memory_space<vmem>>) semaphore(%arg12 : memref<!tpu.dma_semaphore, #tpu.memory_space<semaphore_mem>>)
    %scan3A_51 = arith.constant 0 : i32
    %scan3A_52 = arith.constant 0 : i32
    %scan3A_53 = arith.constant 20 : i32
    %scan3A_54 = arith.addi %scan3A_52, %scan3A_53 : i32
    %scan3A_55 = arith.constant 1 : i32
    %scan3A_56 = scf.for %scan3A_66 = %scan3A_52 to %scan3A_54 step %scan3A_55 iter_args(%scan3A_67 = %scan3A_51) -> (i32)  : i32 {
      %mul3A_68 = arith.constant 2 : i32
      %mul3A_69 = arith.muli %scan3A_66, %mul3A_68 : i32
      %add3A_70 = arith.constant 0 : i32
      %add3A_71 = arith.addi %mul3A_69, %add3A_70 : i32
      %add3A_72 = arith.constant 1 : i32
      %add3A_73 = arith.addi %add3A_71, %add3A_72 : i32
      %lt3A = arith.constant 40 : i32
      %lt3A_74 = arith.cmpi slt, %add3A_73, %lt3A : i32
      %convert_element_type3A_75 = arith.extui %lt3A_74 : i1 to i32
      %cond3A_76 = arith.constant 0 : i32
      %cond3A_77 = arith.cmpi ne, %convert_element_type3A_75, %cond3A_76 : i32
      scf.if %cond3A_77 {
        %add3A_101 = arith.constant 1 : i32
        %add3A_102 = arith.addi %add3A_71, %add3A_101 : i32
        %dma_start3A_103 = arith.constant 0 : i32
        %dma_start3A_104 = tpu.memref_slice %arg7[%add3A_102, %dma_start3A_103] : memref<40x128xi32, #tpu.memory_space<vmem>> -> memref<1x128xi32, #tpu.memory_space<vmem>>
        %dma_start3A_105 = tpu.memref_squeeze %dma_start3A_104 : memref<1x128xi32, #tpu.memory_space<vmem>> -> memref<128xi32, #tpu.memory_space<vmem>>
        %dma_start3A_106 = arith.constant 0 : i32
        %dma_start3A_107 = arith.constant 0 : i32
        %dma_start3A_108 = tpu.memref_slice %arg2[%dma_start3A_106, %dma_start3A_107] : memref<10240x128xf32, #tpu.memory_space<hbm>> -> memref<10240x128xf32, #tpu.memory_space<hbm>>
        tpu.enqueue_indirect_dma source(%dma_start3A_108 : memref<10240x128xf32, #tpu.memory_space<hbm>>) target(%arg10 : memref<128x128xf32, #tpu.memory_space<vmem>>) offsets(%dma_start3A_105 : memref<128xi32, #tpu.memory_space<vmem>>) semaphore(%arg13 : memref<!tpu.dma_semaphore, #tpu.memory_space<semaphore_mem>>)
      } else {
      }
      %dma_wait3A = arith.constant 0 : i32
      %dma_wait3A_78 = tpu.memref_slice %arg7[%add3A_71, %dma_wait3A] : memref<40x128xi32, #tpu.memory_space<vmem>> -> memref<1x128xi32, #tpu.memory_space<vmem>>
      %dma_wait3A_79 = tpu.memref_squeeze %dma_wait3A_78 : memref<1x128xi32, #tpu.memory_space<vmem>> -> memref<128xi32, #tpu.memory_space<vmem>>
      %dma_wait3A_80 = arith.constant 0 : i32
      %dma_wait3A_81 = arith.constant 0 : i32
      %dma_wait3A_82 = tpu.memref_slice %arg2[%dma_wait3A_80, %dma_wait3A_81] : memref<10240x128xf32, #tpu.memory_space<hbm>> -> memref<10240x128xf32, #tpu.memory_space<hbm>>
      tpu.wait_indirect_dma semaphore(%arg12 : memref<!tpu.dma_semaphore, #tpu.memory_space<semaphore_mem>>) src(%dma_wait3A_82 : memref<10240x128xf32, #tpu.memory_space<hbm>>) dst(%arg9 : memref<128x128xf32, #tpu.memory_space<vmem>>)
      "tpu.region"() ({
        %run_scoped3A_101 = tpu.sem_alloc : memref<!tpu.dma_semaphore, #tpu.memory_space<semaphore_mem>>
        %dma_start3A_102 = arith.constant 0 : i32
        %dma_start3A_103 = tpu.memref_slice %arg8[%add3A_71, %dma_start3A_102] : memref<40x128xi32, #tpu.memory_space<vmem>> -> memref<1x128xi32, #tpu.memory_space<vmem>>
        %dma_start3A_104 = tpu.memref_squeeze %dma_start3A_103 : memref<1x128xi32, #tpu.memory_space<vmem>> -> memref<128xi32, #tpu.memory_space<vmem>>
        %dma_start3A_105 = arith.constant 0 : i32
        %dma_start3A_106 = arith.constant 0 : i32
        %dma_start3A_107 = tpu.memref_slice %arg11[%dma_start3A_105, %dma_start3A_106] : memref<10240x128xf32, #tpu.memory_space<vmem_shared>> -> memref<10240x128xf32, #tpu.memory_space<vmem_shared>>
        tpu.enqueue_indirect_dma source(%arg9 : memref<128x128xf32, #tpu.memory_space<vmem>>) target(%dma_start3A_107 : memref<10240x128xf32, #tpu.memory_space<vmem_shared>>) offsets(%dma_start3A_104 : memref<128xi32, #tpu.memory_space<vmem>>) semaphore(%run_scoped3A_101 : memref<!tpu.dma_semaphore, #tpu.memory_space<semaphore_mem>>) {add = true}
        %dma_wait3A_108 = arith.constant 0 : i32
        %dma_wait3A_109 = tpu.memref_slice %arg8[%add3A_71, %dma_wait3A_108] : memref<40x128xi32, #tpu.memory_space<vmem>> -> memref<1x128xi32, #tpu.memory_space<vmem>>
        %dma_wait3A_110 = tpu.memref_squeeze %dma_wait3A_109 : memref<1x128xi32, #tpu.memory_space<vmem>> -> memref<128xi32, #tpu.memory_space<vmem>>
        %dma_wait3A_111 = arith.constant 0 : i32
        %dma_wait3A_112 = arith.constant 0 : i32
        %dma_wait3A_113 = tpu.memref_slice %arg11[%dma_wait3A_111, %dma_wait3A_112] : memref<10240x128xf32, #tpu.memory_space<vmem_shared>> -> memref<10240x128xf32, #tpu.memory_space<vmem_shared>>
        tpu.wait_indirect_dma semaphore(%run_scoped3A_101 : memref<!tpu.dma_semaphore, #tpu.memory_space<semaphore_mem>>) src(%arg9 : memref<128x128xf32, #tpu.memory_space<vmem>>) dst(%dma_wait3A_113 : memref<10240x128xf32, #tpu.memory_space<vmem_shared>>)
        tpu.yield
      }) : () -> ()
      %mul3A_83 = arith.constant 2 : i32
      %mul3A_84 = arith.muli %scan3A_66, %mul3A_83 : i32
      %add3A_85 = arith.constant 1 : i32
      %add3A_86 = arith.addi %mul3A_84, %add3A_85 : i32
      %add3A_87 = arith.constant 1 : i32
      %add3A_88 = arith.addi %add3A_86, %add3A_87 : i32
      %lt3A_89 = arith.constant 40 : i32
      %lt3A_90 = arith.cmpi slt, %add3A_88, %lt3A_89 : i32
      %convert_element_type3A_91 = arith.extui %lt3A_90 : i1 to i32
      %cond3A_92 = arith.constant 0 : i32
      %cond3A_93 = arith.cmpi ne, %convert_element_type3A_91, %cond3A_92 : i32
      scf.if %cond3A_93 {
        %add3A_101 = arith.constant 1 : i32
        %add3A_102 = arith.addi %add3A_86, %add3A_101 : i32
        %dma_start3A_103 = arith.constant 0 : i32
        %dma_start3A_104 = tpu.memref_slice %arg7[%add3A_102, %dma_start3A_103] : memref<40x128xi32, #tpu.memory_space<vmem>> -> memref<1x128xi32, #tpu.memory_space<vmem>>
        %dma_start3A_105 = tpu.memref_squeeze %dma_start3A_104 : memref<1x128xi32, #tpu.memory_space<vmem>> -> memref<128xi32, #tpu.memory_space<vmem>>
        %dma_start3A_106 = arith.constant 0 : i32
        %dma_start3A_107 = arith.constant 0 : i32
        %dma_start3A_108 = tpu.memref_slice %arg2[%dma_start3A_106, %dma_start3A_107] : memref<10240x128xf32, #tpu.memory_space<hbm>> -> memref<10240x128xf32, #tpu.memory_space<hbm>>
        tpu.enqueue_indirect_dma source(%dma_start3A_108 : memref<10240x128xf32, #tpu.memory_space<hbm>>) target(%arg9 : memref<128x128xf32, #tpu.memory_space<vmem>>) offsets(%dma_start3A_105 : memref<128xi32, #tpu.memory_space<vmem>>) semaphore(%arg12 : memref<!tpu.dma_semaphore, #tpu.memory_space<semaphore_mem>>)
      } else {
      }
      %dma_wait3A_94 = arith.constant 0 : i32
      %dma_wait3A_95 = tpu.memref_slice %arg7[%add3A_86, %dma_wait3A_94] : memref<40x128xi32, #tpu.memory_space<vmem>> -> memref<1x128xi32, #tpu.memory_space<vmem>>
      %dma_wait3A_96 = tpu.memref_squeeze %dma_wait3A_95 : memref<1x128xi32, #tpu.memory_space<vmem>> -> memref<128xi32, #tpu.memory_space<vmem>>
      %dma_wait3A_97 = arith.constant 0 : i32
      %dma_wait3A_98 = arith.constant 0 : i32
      %dma_wait3A_99 = tpu.memref_slice %arg2[%dma_wait3A_97, %dma_wait3A_98] : memref<10240x128xf32, #tpu.memory_space<hbm>> -> memref<10240x128xf32, #tpu.memory_space<hbm>>
      tpu.wait_indirect_dma semaphore(%arg13 : memref<!tpu.dma_semaphore, #tpu.memory_space<semaphore_mem>>) src(%dma_wait3A_99 : memref<10240x128xf32, #tpu.memory_space<hbm>>) dst(%arg10 : memref<128x128xf32, #tpu.memory_space<vmem>>)
      "tpu.region"() ({
        %run_scoped3A_101 = tpu.sem_alloc : memref<!tpu.dma_semaphore, #tpu.memory_space<semaphore_mem>>
        %dma_start3A_102 = arith.constant 0 : i32
        %dma_start3A_103 = tpu.memref_slice %arg8[%add3A_86, %dma_start3A_102] : memref<40x128xi32, #tpu.memory_space<vmem>> -> memref<1x128xi32, #tpu.memory_space<vmem>>
        %dma_start3A_104 = tpu.memref_squeeze %dma_start3A_103 : memref<1x128xi32, #tpu.memory_space<vmem>> -> memref<128xi32, #tpu.memory_space<vmem>>
        %dma_start3A_105 = arith.constant 0 : i32
        %dma_start3A_106 = arith.constant 0 : i32
        %dma_start3A_107 = tpu.memref_slice %arg11[%dma_start3A_105, %dma_start3A_106] : memref<10240x128xf32, #tpu.memory_space<vmem_shared>> -> memref<10240x128xf32, #tpu.memory_space<vmem_shared>>
        tpu.enqueue_indirect_dma source(%arg10 : memref<128x128xf32, #tpu.memory_space<vmem>>) target(%dma_start3A_107 : memref<10240x128xf32, #tpu.memory_space<vmem_shared>>) offsets(%dma_start3A_104 : memref<128xi32, #tpu.memory_space<vmem>>) semaphore(%run_scoped3A_101 : memref<!tpu.dma_semaphore, #tpu.memory_space<semaphore_mem>>) {add = true}
        %dma_wait3A_108 = arith.constant 0 : i32
        %dma_wait3A_109 = tpu.memref_slice %arg8[%add3A_86, %dma_wait3A_108] : memref<40x128xi32, #tpu.memory_space<vmem>> -> memref<1x128xi32, #tpu.memory_space<vmem>>
        %dma_wait3A_110 = tpu.memref_squeeze %dma_wait3A_109 : memref<1x128xi32, #tpu.memory_space<vmem>> -> memref<128xi32, #tpu.memory_space<vmem>>
        %dma_wait3A_111 = arith.constant 0 : i32
        %dma_wait3A_112 = arith.constant 0 : i32
        %dma_wait3A_113 = tpu.memref_slice %arg11[%dma_wait3A_111, %dma_wait3A_112] : memref<10240x128xf32, #tpu.memory_space<vmem_shared>> -> memref<10240x128xf32, #tpu.memory_space<vmem_shared>>
        tpu.wait_indirect_dma semaphore(%run_scoped3A_101 : memref<!tpu.dma_semaphore, #tpu.memory_space<semaphore_mem>>) src(%arg10 : memref<128x128xf32, #tpu.memory_space<vmem>>) dst(%dma_wait3A_113 : memref<10240x128xf32, #tpu.memory_space<vmem_shared>>)
        tpu.yield
      }) : () -> ()
      %scan3A_100 = arith.constant 0 : i32
      scf.yield %scan3A_100 : i32
    }
    %scan3A_57 = arith.constant 20 : i32
    %barrier3A_58 = arith.constant 0 : index
    tpu.barrier barrier_id(%barrier3A_58)
    %eq3A = arith.constant 0 : i32
    %eq3A_59 = arith.cmpi eq, %arg0, %eq3A : i32
    %convert_element_type3A = arith.extui %eq3A_59 : i1 to i32
    %cond3A = arith.constant 0 : i32
    %cond3A_60 = arith.cmpi ne, %convert_element_type3A, %cond3A : i32
    scf.if %cond3A_60 {
      %mul3A_66 = arith.constant 640 : i32
      %mul3A_67 = arith.muli %arg1, %mul3A_66 : i32
      %mul3A_68 = arith.constant 640 : i32
      %mul3A_69 = arith.muli %arg1, %mul3A_68 : i32
      "tpu.region"() ({
        %run_scoped3A_70 = tpu.sem_alloc : memref<!tpu.dma_semaphore, #tpu.memory_space<semaphore_mem>>
        %dma_start3A_71 = arith.constant 0 : i32
        %dma_start3A_72 = tpu.memref_slice %arg5[%mul3A_69, %dma_start3A_71] : memref<10240x128xf32, #tpu.memory_space<hbm>> -> memref<640x128xf32, #tpu.memory_space<hbm>>
        %dma_start3A_73 = arith.constant 0 : i32
        %dma_start3A_74 = tpu.memref_slice %arg11[%mul3A_67, %dma_start3A_73] : memref<10240x128xf32, #tpu.memory_space<vmem_shared>> -> memref<640x128xf32, #tpu.memory_space<vmem_shared>>
        tpu.enqueue_dma source(%dma_start3A_74 : memref<640x128xf32, #tpu.memory_space<vmem_shared>>) target(%dma_start3A_72 : memref<640x128xf32, #tpu.memory_space<hbm>>) target_semaphore(%run_scoped3A_70 : memref<!tpu.dma_semaphore, #tpu.memory_space<semaphore_mem>>)
        %dma_wait3A = arith.constant 0 : i32
        %dma_wait3A_75 = tpu.memref_slice %arg5[%mul3A_69, %dma_wait3A] : memref<10240x128xf32, #tpu.memory_space<hbm>> -> memref<640x128xf32, #tpu.memory_space<hbm>>
        %dma_wait3A_76 = arith.constant 0 : i32
        %dma_wait3A_77 = tpu.memref_slice %arg11[%mul3A_67, %dma_wait3A_76] : memref<10240x128xf32, #tpu.memory_space<vmem_shared>> -> memref<640x128xf32, #tpu.memory_space<vmem_shared>>
        tpu.wait_dma2 semaphore(%run_scoped3A_70 : memref<!tpu.dma_semaphore, #tpu.memory_space<semaphore_mem>>) src(%dma_wait3A_77 : memref<640x128xf32, #tpu.memory_space<vmem_shared>>) dst(%dma_wait3A_75 : memref<640x128xf32, #tpu.memory_space<hbm>>)
        tpu.yield
      }) : () -> ()
    } else {
    }
    %eq3A_61 = arith.constant 1 : i32
    %eq3A_62 = arith.cmpi eq, %arg0, %eq3A_61 : i32
    %convert_element_type3A_63 = arith.extui %eq3A_62 : i1 to i32
    %cond3A_64 = arith.constant 0 : i32
    %cond3A_65 = arith.cmpi ne, %convert_element_type3A_63, %cond3A_64 : i32
    scf.if %cond3A_65 {
      %mul3A_66 = arith.constant 640 : i32
      %mul3A_67 = arith.muli %arg1, %mul3A_66 : i32
      %mul3A_68 = arith.constant 640 : i32
      %mul3A_69 = arith.muli %arg1, %mul3A_68 : i32
      "tpu.region"() ({
        %run_scoped3A_70 = tpu.sem_alloc : memref<!tpu.dma_semaphore, #tpu.memory_space<semaphore_mem>>
        %dma_start3A_71 = arith.constant 0 : i32
        %dma_start3A_72 = tpu.memref_slice %arg6[%mul3A_69, %dma_start3A_71] : memref<10240x128xf32, #tpu.memory_space<hbm>> -> memref<640x128xf32, #tpu.memory_space<hbm>>
        %dma_start3A_73 = arith.constant 0 : i32
        %dma_start3A_74 = tpu.memref_slice %arg11[%mul3A_67, %dma_start3A_73] : memref<10240x128xf32, #tpu.memory_space<vmem_shared>> -> memref<640x128xf32, #tpu.memory_space<vmem_shared>>
        tpu.enqueue_dma source(%dma_start3A_74 : memref<640x128xf32, #tpu.memory_space<vmem_shared>>) target(%dma_start3A_72 : memref<640x128xf32, #tpu.memory_space<hbm>>) target_semaphore(%run_scoped3A_70 : memref<!tpu.dma_semaphore, #tpu.memory_space<semaphore_mem>>)
        %dma_wait3A = arith.constant 0 : i32
        %dma_wait3A_75 = tpu.memref_slice %arg6[%mul3A_69, %dma_wait3A] : memref<10240x128xf32, #tpu.memory_space<hbm>> -> memref<640x128xf32, #tpu.memory_space<hbm>>
        %dma_wait3A_76 = arith.constant 0 : i32
        %dma_wait3A_77 = tpu.memref_slice %arg11[%mul3A_67, %dma_wait3A_76] : memref<10240x128xf32, #tpu.memory_space<vmem_shared>> -> memref<640x128xf32, #tpu.memory_space<vmem_shared>>
        tpu.wait_dma2 semaphore(%run_scoped3A_70 : memref<!tpu.dma_semaphore, #tpu.memory_space<semaphore_mem>>) src(%dma_wait3A_77 : memref<640x128xf32, #tpu.memory_space<vmem_shared>>) dst(%dma_wait3A_75 : memref<640x128xf32, #tpu.memory_space<hbm>>)
        tpu.yield
      }) : () -> ()
    } else {
    }
    return
  }
}

#map = affine_map<(d0, d1) -> (0, 0)>
#map1 = affine_map<(d0, d1) -> (0, 0, 0, 0)>
module attributes {stable_mosaic.version = 14 : i64} {
  func.func @_sc_edges(%arg0: i32, %arg1: i32, %arg2: memref<10240x128xf32, #tpu.memory_space<hbm>>, %arg3: memref<32x2x40x128xi32, #tpu.memory_space<hbm>>, %arg4: memref<32x2x40x128xi32, #tpu.memory_space<hbm>>, %arg5: memref<10240x128xf32, #tpu.memory_space<hbm>>, %arg6: memref<10240x128xf32, #tpu.memory_space<hbm>>, %arg7: memref<40x128xi32, #tpu.memory_space<vmem>>, %arg8: memref<40x128xi32, #tpu.memory_space<vmem>>, %arg9: memref<128x128xf32, #tpu.memory_space<vmem>>, %arg10: memref<128x128xf32, #tpu.memory_space<vmem>>, %arg11: memref<10240x128xf32, #tpu.memory_space<vmem_shared>>, %arg12: memref<!tpu.dma_semaphore, #tpu.memory_space<semaphore_mem>>, %arg13: memref<!tpu.dma_semaphore, #tpu.memory_space<semaphore_mem>>) attributes {dimension_semantics = [#tpu.dimension_semantics<core_parallel>, #tpu.dimension_semantics<subcore_parallel>], iteration_bounds = array<i64: 2, 16>, scalar_prefetch = 0 : i64, scratch_operands = 7 : i64, tpu.core_type = #tpu.core_type<sc_vector_subcore>, window_params = [{transform_indices = #map}, {transform_indices = #map1}, {transform_indices = #map1}, {transform_indices = #map}, {transform_indices = #map}]} {
    %mul3A = arith.constant 16 : i32
    %mul3A_0 = arith.muli %arg0, %mul3A : i32
    %add3A = arith.addi %mul3A_0, %arg1 : i32
    %broadcast_in_dim3A = arith.constant 0.000000e+00 : f32
    %broadcast_in_dim3A_1 = vector.broadcast %broadcast_in_dim3A : f32 to vector<16xf32>
    %scan3A = arith.constant 0 : i32
    %scan3A_2 = arith.constant 0 : i32
    %scan3A_3 = arith.constant 128 : i32
    %scan3A_4 = arith.addi %scan3A_2, %scan3A_3 : i32
    %scan3A_5 = arith.constant 1 : i32
    %scan3A_6 = scf.for %scan3A_66 = %scan3A_2 to %scan3A_4 step %scan3A_5 iter_args(%scan3A_67 = %scan3A) -> (i32)  : i32 {
      %swap3A = arith.index_cast %scan3A_66 : i32 to index
      %swap3A_68 = arith.constant 0 : index
      %swap3A_69 = tpu.vector_load %arg9[%swap3A, %swap3A_68] {strides = array<i32>} : memref<128x128xf32, #tpu.memory_space<vmem>>, vector<1x16xf32>,
      %swap3A_70 = vector.shape_cast %swap3A_69 : vector<1x16xf32> to vector<16xf32>
      %swap3A_71 = vector.shape_cast %broadcast_in_dim3A_1 : vector<16xf32> to vector<1x16xf32>
      tpu.vector_store %arg9[%swap3A, %swap3A_68], %swap3A_71 {strides = array<i32>} : memref<128x128xf32, #tpu.memory_space<vmem>>, vector<1x16xf32>,
      %swap3A_72 = arith.index_cast %scan3A_66 : i32 to index
      %swap3A_73 = arith.constant 16 : index
      %swap3A_74 = tpu.vector_load %arg9[%swap3A_72, %swap3A_73] {strides = array<i32>} : memref<128x128xf32, #tpu.memory_space<vmem>>, vector<1x16xf32>,
      %swap3A_75 = vector.shape_cast %swap3A_74 : vector<1x16xf32> to vector<16xf32>
      %swap3A_76 = vector.shape_cast %broadcast_in_dim3A_1 : vector<16xf32> to vector<1x16xf32>
      tpu.vector_store %arg9[%swap3A_72, %swap3A_73], %swap3A_76 {strides = array<i32>} : memref<128x128xf32, #tpu.memory_space<vmem>>, vector<1x16xf32>,
      %swap3A_77 = arith.index_cast %scan3A_66 : i32 to index
      %swap3A_78 = arith.constant 32 : index
      %swap3A_79 = tpu.vector_load %arg9[%swap3A_77, %swap3A_78] {strides = array<i32>} : memref<128x128xf32, #tpu.memory_space<vmem>>, vector<1x16xf32>,
      %swap3A_80 = vector.shape_cast %swap3A_79 : vector<1x16xf32> to vector<16xf32>
      %swap3A_81 = vector.shape_cast %broadcast_in_dim3A_1 : vector<16xf32> to vector<1x16xf32>
      tpu.vector_store %arg9[%swap3A_77, %swap3A_78], %swap3A_81 {strides = array<i32>} : memref<128x128xf32, #tpu.memory_space<vmem>>, vector<1x16xf32>,
      %swap3A_82 = arith.index_cast %scan3A_66 : i32 to index
      %swap3A_83 = arith.constant 48 : index
      %swap3A_84 = tpu.vector_load %arg9[%swap3A_82, %swap3A_83] {strides = array<i32>} : memref<128x128xf32, #tpu.memory_space<vmem>>, vector<1x16xf32>,
      %swap3A_85 = vector.shape_cast %swap3A_84 : vector<1x16xf32> to vector<16xf32>
      %swap3A_86 = vector.shape_cast %broadcast_in_dim3A_1 : vector<16xf32> to vector<1x16xf32>
      tpu.vector_store %arg9[%swap3A_82, %swap3A_83], %swap3A_86 {strides = array<i32>} : memref<128x128xf32, #tpu.memory_space<vmem>>, vector<1x16xf32>,
      %swap3A_87 = arith.index_cast %scan3A_66 : i32 to index
      %swap3A_88 = arith.constant 64 : index
      %swap3A_89 = tpu.vector_load %arg9[%swap3A_87, %swap3A_88] {strides = array<i32>} : memref<128x128xf32, #tpu.memory_space<vmem>>, vector<1x16xf32>,
      %swap3A_90 = vector.shape_cast %swap3A_89 : vector<1x16xf32> to vector<16xf32>
      %swap3A_91 = vector.shape_cast %broadcast_in_dim3A_1 : vector<16xf32> to vector<1x16xf32>
      tpu.vector_store %arg9[%swap3A_87, %swap3A_88], %swap3A_91 {strides = array<i32>} : memref<128x128xf32, #tpu.memory_space<vmem>>, vector<1x16xf32>,
      %swap3A_92 = arith.index_cast %scan3A_66 : i32 to index
      %swap3A_93 = arith.constant 80 : index
      %swap3A_94 = tpu.vector_load %arg9[%swap3A_92, %swap3A_93] {strides = array<i32>} : memref<128x128xf32, #tpu.memory_space<vmem>>, vector<1x16xf32>,
      %swap3A_95 = vector.shape_cast %swap3A_94 : vector<1x16xf32> to vector<16xf32>
      %swap3A_96 = vector.shape_cast %broadcast_in_dim3A_1 : vector<16xf32> to vector<1x16xf32>
      tpu.vector_store %arg9[%swap3A_92, %swap3A_93], %swap3A_96 {strides = array<i32>} : memref<128x128xf32, #tpu.memory_space<vmem>>, vector<1x16xf32>,
      %swap3A_97 = arith.index_cast %scan3A_66 : i32 to index
      %swap3A_98 = arith.constant 96 : index
      %swap3A_99 = tpu.vector_load %arg9[%swap3A_97, %swap3A_98] {strides = array<i32>} : memref<128x128xf32, #tpu.memory_space<vmem>>, vector<1x16xf32>,
      %swap3A_100 = vector.shape_cast %swap3A_99 : vector<1x16xf32> to vector<16xf32>
      %swap3A_101 = vector.shape_cast %broadcast_in_dim3A_1 : vector<16xf32> to vector<1x16xf32>
      tpu.vector_store %arg9[%swap3A_97, %swap3A_98], %swap3A_101 {strides = array<i32>} : memref<128x128xf32, #tpu.memory_space<vmem>>, vector<1x16xf32>,
      %swap3A_102 = arith.index_cast %scan3A_66 : i32 to index
      %swap3A_103 = arith.constant 112 : index
      %swap3A_104 = tpu.vector_load %arg9[%swap3A_102, %swap3A_103] {strides = array<i32>} : memref<128x128xf32, #tpu.memory_space<vmem>>, vector<1x16xf32>,
      %swap3A_105 = vector.shape_cast %swap3A_104 : vector<1x16xf32> to vector<16xf32>
      %swap3A_106 = vector.shape_cast %broadcast_in_dim3A_1 : vector<16xf32> to vector<1x16xf32>
      tpu.vector_store %arg9[%swap3A_102, %swap3A_103], %swap3A_106 {strides = array<i32>} : memref<128x128xf32, #tpu.memory_space<vmem>>, vector<1x16xf32>,
      %scan3A_107 = arith.constant 0 : i32
      scf.yield %scan3A_107 : i32
    }
    %scan3A_7 = arith.constant 128 : i32
    %mul3A_8 = arith.constant 640 : i32
    %mul3A_9 = arith.muli %arg1, %mul3A_8 : i32
    %add3A_10 = arith.constant 0 : i32
    %add3A_11 = arith.addi %mul3A_9, %add3A_10 : i32
    "tpu.region"() ({
      %run_scoped3A_66 = tpu.sem_alloc : memref<!tpu.dma_semaphore, #tpu.memory_space<semaphore_mem>>
      %dma_start3A_67 = arith.constant 0 : i32
      %dma_start3A_68 = tpu.memref_slice %arg11[%add3A_11, %dma_start3A_67] : memref<10240x128xf32, #tpu.memory_space<vmem_shared>> -> memref<128x128xf32, #tpu.memory_space<vmem_shared>>
      %dma_start3A_69 = arith.constant 0 : i32
      %dma_start3A_70 = tpu.memref_slice %arg11[%add3A_11, %dma_start3A_69] : memref<10240x128xf32, #tpu.memory_space<vmem_shared>> -> memref<128x128xf32, #tpu.memory_space<vmem_shared>>
      tpu.enqueue_dma source(%arg9 : memref<128x128xf32, #tpu.memory_space<vmem>>) target(%dma_start3A_70 : memref<128x128xf32, #tpu.memory_space<vmem_shared>>) target_semaphore(%run_scoped3A_66 : memref<!tpu.dma_semaphore, #tpu.memory_space<semaphore_mem>>)
      %dma_wait3A = arith.constant 0 : i32
      %dma_wait3A_71 = tpu.memref_slice %arg11[%add3A_11, %dma_wait3A] : memref<10240x128xf32, #tpu.memory_space<vmem_shared>> -> memref<128x128xf32, #tpu.memory_space<vmem_shared>>
      %dma_wait3A_72 = arith.constant 0 : i32
      %dma_wait3A_73 = tpu.memref_slice %arg11[%add3A_11, %dma_wait3A_72] : memref<10240x128xf32, #tpu.memory_space<vmem_shared>> -> memref<128x128xf32, #tpu.memory_space<vmem_shared>>
      tpu.wait_dma2 semaphore(%run_scoped3A_66 : memref<!tpu.dma_semaphore, #tpu.memory_space<semaphore_mem>>) src(%arg9 : memref<128x128xf32, #tpu.memory_space<vmem>>) dst(%dma_wait3A_73 : memref<128x128xf32, #tpu.memory_space<vmem_shared>>)
      tpu.yield
    }) : () -> ()
    %mul3A_12 = arith.constant 640 : i32
    %mul3A_13 = arith.muli %arg1, %mul3A_12 : i32
    %add3A_14 = arith.constant 128 : i32
    %add3A_15 = arith.addi %mul3A_13, %add3A_14 : i32
    "tpu.region"() ({
      %run_scoped3A_66 = tpu.sem_alloc : memref<!tpu.dma_semaphore, #tpu.memory_space<semaphore_mem>>
      %dma_start3A_67 = arith.constant 0 : i32
      %dma_start3A_68 = tpu.memref_slice %arg11[%add3A_15, %dma_start3A_67] : memref<10240x128xf32, #tpu.memory_space<vmem_shared>> -> memref<128x128xf32, #tpu.memory_space<vmem_shared>>
      %dma_start3A_69 = arith.constant 0 : i32
      %dma_start3A_70 = tpu.memref_slice %arg11[%add3A_15, %dma_start3A_69] : memref<10240x128xf32, #tpu.memory_space<vmem_shared>> -> memref<128x128xf32, #tpu.memory_space<vmem_shared>>
      tpu.enqueue_dma source(%arg9 : memref<128x128xf32, #tpu.memory_space<vmem>>) target(%dma_start3A_70 : memref<128x128xf32, #tpu.memory_space<vmem_shared>>) target_semaphore(%run_scoped3A_66 : memref<!tpu.dma_semaphore, #tpu.memory_space<semaphore_mem>>)
      %dma_wait3A = arith.constant 0 : i32
      %dma_wait3A_71 = tpu.memref_slice %arg11[%add3A_15, %dma_wait3A] : memref<10240x128xf32, #tpu.memory_space<vmem_shared>> -> memref<128x128xf32, #tpu.memory_space<vmem_shared>>
      %dma_wait3A_72 = arith.constant 0 : i32
      %dma_wait3A_73 = tpu.memref_slice %arg11[%add3A_15, %dma_wait3A_72] : memref<10240x128xf32, #tpu.memory_space<vmem_shared>> -> memref<128x128xf32, #tpu.memory_space<vmem_shared>>
      tpu.wait_dma2 semaphore(%run_scoped3A_66 : memref<!tpu.dma_semaphore, #tpu.memory_space<semaphore_mem>>) src(%arg9 : memref<128x128xf32, #tpu.memory_space<vmem>>) dst(%dma_wait3A_73 : memref<128x128xf32, #tpu.memory_space<vmem_shared>>)
      tpu.yield
    }) : () -> ()
    %mul3A_16 = arith.constant 640 : i32
    %mul3A_17 = arith.muli %arg1, %mul3A_16 : i32
    %add3A_18 = arith.constant 256 : i32
    %add3A_19 = arith.addi %mul3A_17, %add3A_18 : i32
    "tpu.region"() ({
      %run_scoped3A_66 = tpu.sem_alloc : memref<!tpu.dma_semaphore, #tpu.memory_space<semaphore_mem>>
      %dma_start3A_67 = arith.constant 0 : i32
      %dma_start3A_68 = tpu.memref_slice %arg11[%add3A_19, %dma_start3A_67] : memref<10240x128xf32, #tpu.memory_space<vmem_shared>> -> memref<128x128xf32, #tpu.memory_space<vmem_shared>>
      %dma_start3A_69 = arith.constant 0 : i32
      %dma_start3A_70 = tpu.memref_slice %arg11[%add3A_19, %dma_start3A_69] : memref<10240x128xf32, #tpu.memory_space<vmem_shared>> -> memref<128x128xf32, #tpu.memory_space<vmem_shared>>
      tpu.enqueue_dma source(%arg9 : memref<128x128xf32, #tpu.memory_space<vmem>>) target(%dma_start3A_70 : memref<128x128xf32, #tpu.memory_space<vmem_shared>>) target_semaphore(%run_scoped3A_66 : memref<!tpu.dma_semaphore, #tpu.memory_space<semaphore_mem>>)
      %dma_wait3A = arith.constant 0 : i32
      %dma_wait3A_71 = tpu.memref_slice %arg11[%add3A_19, %dma_wait3A] : memref<10240x128xf32, #tpu.memory_space<vmem_shared>> -> memref<128x128xf32, #tpu.memory_space<vmem_shared>>
      %dma_wait3A_72 = arith.constant 0 : i32
      %dma_wait3A_73 = tpu.memref_slice %arg11[%add3A_19, %dma_wait3A_72] : memref<10240x128xf32, #tpu.memory_space<vmem_shared>> -> memref<128x128xf32, #tpu.memory_space<vmem_shared>>
      tpu.wait_dma2 semaphore(%run_scoped3A_66 : memref<!tpu.dma_semaphore, #tpu.memory_space<semaphore_mem>>) src(%arg9 : memref<128x128xf32, #tpu.memory_space<vmem>>) dst(%dma_wait3A_73 : memref<128x128xf32, #tpu.memory_space<vmem_shared>>)
      tpu.yield
    }) : () -> ()
    %mul3A_20 = arith.constant 640 : i32
    %mul3A_21 = arith.muli %arg1, %mul3A_20 : i32
    %add3A_22 = arith.constant 384 : i32
    %add3A_23 = arith.addi %mul3A_21, %add3A_22 : i32
    "tpu.region"() ({
      %run_scoped3A_66 = tpu.sem_alloc : memref<!tpu.dma_semaphore, #tpu.memory_space<semaphore_mem>>
      %dma_start3A_67 = arith.constant 0 : i32
      %dma_start3A_68 = tpu.memref_slice %arg11[%add3A_23, %dma_start3A_67] : memref<10240x128xf32, #tpu.memory_space<vmem_shared>> -> memref<128x128xf32, #tpu.memory_space<vmem_shared>>
      %dma_start3A_69 = arith.constant 0 : i32
      %dma_start3A_70 = tpu.memref_slice %arg11[%add3A_23, %dma_start3A_69] : memref<10240x128xf32, #tpu.memory_space<vmem_shared>> -> memref<128x128xf32, #tpu.memory_space<vmem_shared>>
      tpu.enqueue_dma source(%arg9 : memref<128x128xf32, #tpu.memory_space<vmem>>) target(%dma_start3A_70 : memref<128x128xf32, #tpu.memory_space<vmem_shared>>) target_semaphore(%run_scoped3A_66 : memref<!tpu.dma_semaphore, #tpu.memory_space<semaphore_mem>>)
      %dma_wait3A = arith.constant 0 : i32
      %dma_wait3A_71 = tpu.memref_slice %arg11[%add3A_23, %dma_wait3A] : memref<10240x128xf32, #tpu.memory_space<vmem_shared>> -> memref<128x128xf32, #tpu.memory_space<vmem_shared>>
      %dma_wait3A_72 = arith.constant 0 : i32
      %dma_wait3A_73 = tpu.memref_slice %arg11[%add3A_23, %dma_wait3A_72] : memref<10240x128xf32, #tpu.memory_space<vmem_shared>> -> memref<128x128xf32, #tpu.memory_space<vmem_shared>>
      tpu.wait_dma2 semaphore(%run_scoped3A_66 : memref<!tpu.dma_semaphore, #tpu.memory_space<semaphore_mem>>) src(%arg9 : memref<128x128xf32, #tpu.memory_space<vmem>>) dst(%dma_wait3A_73 : memref<128x128xf32, #tpu.memory_space<vmem_shared>>)
      tpu.yield
    }) : () -> ()
    %mul3A_24 = arith.constant 640 : i32
    %mul3A_25 = arith.muli %arg1, %mul3A_24 : i32
    %add3A_26 = arith.constant 512 : i32
    %add3A_27 = arith.addi %mul3A_25, %add3A_26 : i32
    "tpu.region"() ({
      %run_scoped3A_66 = tpu.sem_alloc : memref<!tpu.dma_semaphore, #tpu.memory_space<semaphore_mem>>
      %dma_start3A_67 = arith.constant 0 : i32
      %dma_start3A_68 = tpu.memref_slice %arg11[%add3A_27, %dma_start3A_67] : memref<10240x128xf32, #tpu.memory_space<vmem_shared>> -> memref<128x128xf32, #tpu.memory_space<vmem_shared>>
      %dma_start3A_69 = arith.constant 0 : i32
      %dma_start3A_70 = tpu.memref_slice %arg11[%add3A_27, %dma_start3A_69] : memref<10240x128xf32, #tpu.memory_space<vmem_shared>> -> memref<128x128xf32, #tpu.memory_space<vmem_shared>>
      tpu.enqueue_dma source(%arg9 : memref<128x128xf32, #tpu.memory_space<vmem>>) target(%dma_start3A_70 : memref<128x128xf32, #tpu.memory_space<vmem_shared>>) target_semaphore(%run_scoped3A_66 : memref<!tpu.dma_semaphore, #tpu.memory_space<semaphore_mem>>)
      %dma_wait3A = arith.constant 0 : i32
      %dma_wait3A_71 = tpu.memref_slice %arg11[%add3A_27, %dma_wait3A] : memref<10240x128xf32, #tpu.memory_space<vmem_shared>> -> memref<128x128xf32, #tpu.memory_space<vmem_shared>>
      %dma_wait3A_72 = arith.constant 0 : i32
      %dma_wait3A_73 = tpu.memref_slice %arg11[%add3A_27, %dma_wait3A_72] : memref<10240x128xf32, #tpu.memory_space<vmem_shared>> -> memref<128x128xf32, #tpu.memory_space<vmem_shared>>
      tpu.wait_dma2 semaphore(%run_scoped3A_66 : memref<!tpu.dma_semaphore, #tpu.memory_space<semaphore_mem>>) src(%arg9 : memref<128x128xf32, #tpu.memory_space<vmem>>) dst(%dma_wait3A_73 : memref<128x128xf32, #tpu.memory_space<vmem_shared>>)
      tpu.yield
    }) : () -> ()
    %barrier3A = arith.constant 0 : index
    tpu.barrier barrier_id(%barrier3A)
    %run_scoped3A = arith.constant 0 : i32
    "tpu.region"() ({
      %run_scoped3A_66 = tpu.sem_alloc : memref<!tpu.dma_semaphore, #tpu.memory_space<semaphore_mem>>
      %dma_start3A_67 = arith.constant 0 : i32
      %dma_start3A_68 = arith.constant 0 : i32
      %dma_start3A_69 = tpu.memref_slice %arg3[%add3A, %run_scoped3A, %dma_start3A_67, %dma_start3A_68] : memref<32x2x40x128xi32, #tpu.memory_space<hbm>> -> memref<1x1x40x128xi32, #tpu.memory_space<hbm>>
      %dma_start3A_70 = tpu.memref_squeeze %dma_start3A_69 : memref<1x1x40x128xi32, #tpu.memory_space<hbm>> -> memref<40x128xi32, #tpu.memory_space<hbm>>
      %dma_start3A_71 = arith.constant 0 : i32
      %dma_start3A_72 = arith.constant 0 : i32
      %dma_start3A_73 = tpu.memref_slice %arg3[%add3A, %run_scoped3A, %dma_start3A_71, %dma_start3A_72] : memref<32x2x40x128xi32, #tpu.memory_space<hbm>> -> memref<1x1x40x128xi32, #tpu.memory_space<hbm>>
      %dma_start3A_74 = tpu.memref_squeeze %dma_start3A_73 : memref<1x1x40x128xi32, #tpu.memory_space<hbm>> -> memref<40x128xi32, #tpu.memory_space<hbm>>
      tpu.enqueue_dma source(%dma_start3A_74 : memref<40x128xi32, #tpu.memory_space<hbm>>) target(%arg7 : memref<40x128xi32, #tpu.memory_space<vmem>>) target_semaphore(%run_scoped3A_66 : memref<!tpu.dma_semaphore, #tpu.memory_space<semaphore_mem>>)
      %dma_wait3A = arith.constant 0 : i32
      %dma_wait3A_75 = arith.constant 0 : i32
      %dma_wait3A_76 = tpu.memref_slice %arg3[%add3A, %run_scoped3A, %dma_wait3A, %dma_wait3A_75] : memref<32x2x40x128xi32, #tpu.memory_space<hbm>> -> memref<1x1x40x128xi32, #tpu.memory_space<hbm>>
      %dma_wait3A_77 = tpu.memref_squeeze %dma_wait3A_76 : memref<1x1x40x128xi32, #tpu.memory_space<hbm>> -> memref<40x128xi32, #tpu.memory_space<hbm>>
      %dma_wait3A_78 = arith.constant 0 : i32
      %dma_wait3A_79 = arith.constant 0 : i32
      %dma_wait3A_80 = tpu.memref_slice %arg3[%add3A, %run_scoped3A, %dma_wait3A_78, %dma_wait3A_79] : memref<32x2x40x128xi32, #tpu.memory_space<hbm>> -> memref<1x1x40x128xi32, #tpu.memory_space<hbm>>
      %dma_wait3A_81 = tpu.memref_squeeze %dma_wait3A_80 : memref<1x1x40x128xi32, #tpu.memory_space<hbm>> -> memref<40x128xi32, #tpu.memory_space<hbm>>
      tpu.wait_dma2 semaphore(%run_scoped3A_66 : memref<!tpu.dma_semaphore, #tpu.memory_space<semaphore_mem>>) src(%dma_wait3A_81 : memref<40x128xi32, #tpu.memory_space<hbm>>) dst(%arg7 : memref<40x128xi32, #tpu.memory_space<vmem>>)
      tpu.yield
    }) : () -> ()
    %run_scoped3A_28 = arith.constant 0 : i32
    "tpu.region"() ({
      %run_scoped3A_66 = tpu.sem_alloc : memref<!tpu.dma_semaphore, #tpu.memory_space<semaphore_mem>>
      %dma_start3A_67 = arith.constant 0 : i32
      %dma_start3A_68 = arith.constant 0 : i32
      %dma_start3A_69 = tpu.memref_slice %arg4[%add3A, %run_scoped3A_28, %dma_start3A_67, %dma_start3A_68] : memref<32x2x40x128xi32, #tpu.memory_space<hbm>> -> memref<1x1x40x128xi32, #tpu.memory_space<hbm>>
      %dma_start3A_70 = tpu.memref_squeeze %dma_start3A_69 : memref<1x1x40x128xi32, #tpu.memory_space<hbm>> -> memref<40x128xi32, #tpu.memory_space<hbm>>
      %dma_start3A_71 = arith.constant 0 : i32
      %dma_start3A_72 = arith.constant 0 : i32
      %dma_start3A_73 = tpu.memref_slice %arg4[%add3A, %run_scoped3A_28, %dma_start3A_71, %dma_start3A_72] : memref<32x2x40x128xi32, #tpu.memory_space<hbm>> -> memref<1x1x40x128xi32, #tpu.memory_space<hbm>>
      %dma_start3A_74 = tpu.memref_squeeze %dma_start3A_73 : memref<1x1x40x128xi32, #tpu.memory_space<hbm>> -> memref<40x128xi32, #tpu.memory_space<hbm>>
      tpu.enqueue_dma source(%dma_start3A_74 : memref<40x128xi32, #tpu.memory_space<hbm>>) target(%arg8 : memref<40x128xi32, #tpu.memory_space<vmem>>) target_semaphore(%run_scoped3A_66 : memref<!tpu.dma_semaphore, #tpu.memory_space<semaphore_mem>>)
      %dma_wait3A = arith.constant 0 : i32
      %dma_wait3A_75 = arith.constant 0 : i32
      %dma_wait3A_76 = tpu.memref_slice %arg4[%add3A, %run_scoped3A_28, %dma_wait3A, %dma_wait3A_75] : memref<32x2x40x128xi32, #tpu.memory_space<hbm>> -> memref<1x1x40x128xi32, #tpu.memory_space<hbm>>
      %dma_wait3A_77 = tpu.memref_squeeze %dma_wait3A_76 : memref<1x1x40x128xi32, #tpu.memory_space<hbm>> -> memref<40x128xi32, #tpu.memory_space<hbm>>
      %dma_wait3A_78 = arith.constant 0 : i32
      %dma_wait3A_79 = arith.constant 0 : i32
      %dma_wait3A_80 = tpu.memref_slice %arg4[%add3A, %run_scoped3A_28, %dma_wait3A_78, %dma_wait3A_79] : memref<32x2x40x128xi32, #tpu.memory_space<hbm>> -> memref<1x1x40x128xi32, #tpu.memory_space<hbm>>
      %dma_wait3A_81 = tpu.memref_squeeze %dma_wait3A_80 : memref<1x1x40x128xi32, #tpu.memory_space<hbm>> -> memref<40x128xi32, #tpu.memory_space<hbm>>
      tpu.wait_dma2 semaphore(%run_scoped3A_66 : memref<!tpu.dma_semaphore, #tpu.memory_space<semaphore_mem>>) src(%dma_wait3A_81 : memref<40x128xi32, #tpu.memory_space<hbm>>) dst(%arg8 : memref<40x128xi32, #tpu.memory_space<vmem>>)
      tpu.yield
    }) : () -> ()
    %dma_start3A = arith.constant 0 : i32
    %dma_start3A_29 = arith.constant 0 : i32
    %dma_start3A_30 = tpu.memref_slice %arg7[%dma_start3A, %dma_start3A_29] : memref<40x128xi32, #tpu.memory_space<vmem>> -> memref<1x128xi32, #tpu.memory_space<vmem>>
    %dma_start3A_31 = tpu.memref_squeeze %dma_start3A_30 : memref<1x128xi32, #tpu.memory_space<vmem>> -> memref<128xi32, #tpu.memory_space<vmem>>
    %dma_start3A_32 = arith.constant 0 : i32
    %dma_start3A_33 = arith.constant 0 : i32
    %dma_start3A_34 = tpu.memref_slice %arg2[%dma_start3A_32, %dma_start3A_33] : memref<10240x128xf32, #tpu.memory_space<hbm>> -> memref<10240x128xf32, #tpu.memory_space<hbm>>
    tpu.enqueue_indirect_dma source(%dma_start3A_34 : memref<10240x128xf32, #tpu.memory_space<hbm>>) target(%arg9 : memref<128x128xf32, #tpu.memory_space<vmem>>) offsets(%dma_start3A_31 : memref<128xi32, #tpu.memory_space<vmem>>) semaphore(%arg12 : memref<!tpu.dma_semaphore, #tpu.memory_space<semaphore_mem>>)
    %scan3A_35 = arith.constant 0 : i32
    %scan3A_36 = arith.constant 0 : i32
    %scan3A_37 = arith.constant 20 : i32
    %scan3A_38 = arith.addi %scan3A_36, %scan3A_37 : i32
    %scan3A_39 = arith.constant 1 : i32
    %scan3A_40 = scf.for %scan3A_66 = %scan3A_36 to %scan3A_38 step %scan3A_39 iter_args(%scan3A_67 = %scan3A_35) -> (i32)  : i32 {
      %mul3A_68 = arith.constant 2 : i32
      %mul3A_69 = arith.muli %scan3A_66, %mul3A_68 : i32
      %add3A_70 = arith.constant 0 : i32
      %add3A_71 = arith.addi %mul3A_69, %add3A_70 : i32
      %add3A_72 = arith.constant 1 : i32
      %add3A_73 = arith.addi %add3A_71, %add3A_72 : i32
      %lt3A = arith.constant 40 : i32
      %lt3A_74 = arith.cmpi slt, %add3A_73, %lt3A : i32
      %convert_element_type3A_75 = arith.extui %lt3A_74 : i1 to i32
      %cond3A_76 = arith.constant 0 : i32
      %cond3A_77 = arith.cmpi ne, %convert_element_type3A_75, %cond3A_76 : i32
      scf.if %cond3A_77 {
        %add3A_101 = arith.constant 1 : i32
        %add3A_102 = arith.addi %add3A_71, %add3A_101 : i32
        %dma_start3A_103 = arith.constant 0 : i32
        %dma_start3A_104 = tpu.memref_slice %arg7[%add3A_102, %dma_start3A_103] : memref<40x128xi32, #tpu.memory_space<vmem>> -> memref<1x128xi32, #tpu.memory_space<vmem>>
        %dma_start3A_105 = tpu.memref_squeeze %dma_start3A_104 : memref<1x128xi32, #tpu.memory_space<vmem>> -> memref<128xi32, #tpu.memory_space<vmem>>
        %dma_start3A_106 = arith.constant 0 : i32
        %dma_start3A_107 = arith.constant 0 : i32
        %dma_start3A_108 = tpu.memref_slice %arg2[%dma_start3A_106, %dma_start3A_107] : memref<10240x128xf32, #tpu.memory_space<hbm>> -> memref<10240x128xf32, #tpu.memory_space<hbm>>
        tpu.enqueue_indirect_dma source(%dma_start3A_108 : memref<10240x128xf32, #tpu.memory_space<hbm>>) target(%arg10 : memref<128x128xf32, #tpu.memory_space<vmem>>) offsets(%dma_start3A_105 : memref<128xi32, #tpu.memory_space<vmem>>) semaphore(%arg13 : memref<!tpu.dma_semaphore, #tpu.memory_space<semaphore_mem>>)
      } else {
      }
      %dma_wait3A = arith.constant 0 : i32
      %dma_wait3A_78 = tpu.memref_slice %arg7[%add3A_71, %dma_wait3A] : memref<40x128xi32, #tpu.memory_space<vmem>> -> memref<1x128xi32, #tpu.memory_space<vmem>>
      %dma_wait3A_79 = tpu.memref_squeeze %dma_wait3A_78 : memref<1x128xi32, #tpu.memory_space<vmem>> -> memref<128xi32, #tpu.memory_space<vmem>>
      %dma_wait3A_80 = arith.constant 0 : i32
      %dma_wait3A_81 = arith.constant 0 : i32
      %dma_wait3A_82 = tpu.memref_slice %arg2[%dma_wait3A_80, %dma_wait3A_81] : memref<10240x128xf32, #tpu.memory_space<hbm>> -> memref<10240x128xf32, #tpu.memory_space<hbm>>
      tpu.wait_indirect_dma semaphore(%arg12 : memref<!tpu.dma_semaphore, #tpu.memory_space<semaphore_mem>>) src(%dma_wait3A_82 : memref<10240x128xf32, #tpu.memory_space<hbm>>) dst(%arg9 : memref<128x128xf32, #tpu.memory_space<vmem>>)
      "tpu.region"() ({
        %run_scoped3A_101 = tpu.sem_alloc : memref<!tpu.dma_semaphore, #tpu.memory_space<semaphore_mem>>
        %dma_start3A_102 = arith.constant 0 : i32
        %dma_start3A_103 = tpu.memref_slice %arg8[%add3A_71, %dma_start3A_102] : memref<40x128xi32, #tpu.memory_space<vmem>> -> memref<1x128xi32, #tpu.memory_space<vmem>>
        %dma_start3A_104 = tpu.memref_squeeze %dma_start3A_103 : memref<1x128xi32, #tpu.memory_space<vmem>> -> memref<128xi32, #tpu.memory_space<vmem>>
        %dma_start3A_105 = arith.constant 0 : i32
        %dma_start3A_106 = arith.constant 0 : i32
        %dma_start3A_107 = tpu.memref_slice %arg11[%dma_start3A_105, %dma_start3A_106] : memref<10240x128xf32, #tpu.memory_space<vmem_shared>> -> memref<10240x128xf32, #tpu.memory_space<vmem_shared>>
        tpu.enqueue_indirect_dma source(%arg9 : memref<128x128xf32, #tpu.memory_space<vmem>>) target(%dma_start3A_107 : memref<10240x128xf32, #tpu.memory_space<vmem_shared>>) offsets(%dma_start3A_104 : memref<128xi32, #tpu.memory_space<vmem>>) semaphore(%run_scoped3A_101 : memref<!tpu.dma_semaphore, #tpu.memory_space<semaphore_mem>>) {add = true}
        %dma_wait3A_108 = arith.constant 0 : i32
        %dma_wait3A_109 = tpu.memref_slice %arg8[%add3A_71, %dma_wait3A_108] : memref<40x128xi32, #tpu.memory_space<vmem>> -> memref<1x128xi32, #tpu.memory_space<vmem>>
        %dma_wait3A_110 = tpu.memref_squeeze %dma_wait3A_109 : memref<1x128xi32, #tpu.memory_space<vmem>> -> memref<128xi32, #tpu.memory_space<vmem>>
        %dma_wait3A_111 = arith.constant 0 : i32
        %dma_wait3A_112 = arith.constant 0 : i32
        %dma_wait3A_113 = tpu.memref_slice %arg11[%dma_wait3A_111, %dma_wait3A_112] : memref<10240x128xf32, #tpu.memory_space<vmem_shared>> -> memref<10240x128xf32, #tpu.memory_space<vmem_shared>>
        tpu.wait_indirect_dma semaphore(%run_scoped3A_101 : memref<!tpu.dma_semaphore, #tpu.memory_space<semaphore_mem>>) src(%arg9 : memref<128x128xf32, #tpu.memory_space<vmem>>) dst(%dma_wait3A_113 : memref<10240x128xf32, #tpu.memory_space<vmem_shared>>)
        tpu.yield
      }) : () -> ()
      %mul3A_83 = arith.constant 2 : i32
      %mul3A_84 = arith.muli %scan3A_66, %mul3A_83 : i32
      %add3A_85 = arith.constant 1 : i32
      %add3A_86 = arith.addi %mul3A_84, %add3A_85 : i32
      %add3A_87 = arith.constant 1 : i32
      %add3A_88 = arith.addi %add3A_86, %add3A_87 : i32
      %lt3A_89 = arith.constant 40 : i32
      %lt3A_90 = arith.cmpi slt, %add3A_88, %lt3A_89 : i32
      %convert_element_type3A_91 = arith.extui %lt3A_90 : i1 to i32
      %cond3A_92 = arith.constant 0 : i32
      %cond3A_93 = arith.cmpi ne, %convert_element_type3A_91, %cond3A_92 : i32
      scf.if %cond3A_93 {
        %add3A_101 = arith.constant 1 : i32
        %add3A_102 = arith.addi %add3A_86, %add3A_101 : i32
        %dma_start3A_103 = arith.constant 0 : i32
        %dma_start3A_104 = tpu.memref_slice %arg7[%add3A_102, %dma_start3A_103] : memref<40x128xi32, #tpu.memory_space<vmem>> -> memref<1x128xi32, #tpu.memory_space<vmem>>
        %dma_start3A_105 = tpu.memref_squeeze %dma_start3A_104 : memref<1x128xi32, #tpu.memory_space<vmem>> -> memref<128xi32, #tpu.memory_space<vmem>>
        %dma_start3A_106 = arith.constant 0 : i32
        %dma_start3A_107 = arith.constant 0 : i32
        %dma_start3A_108 = tpu.memref_slice %arg2[%dma_start3A_106, %dma_start3A_107] : memref<10240x128xf32, #tpu.memory_space<hbm>> -> memref<10240x128xf32, #tpu.memory_space<hbm>>
        tpu.enqueue_indirect_dma source(%dma_start3A_108 : memref<10240x128xf32, #tpu.memory_space<hbm>>) target(%arg9 : memref<128x128xf32, #tpu.memory_space<vmem>>) offsets(%dma_start3A_105 : memref<128xi32, #tpu.memory_space<vmem>>) semaphore(%arg12 : memref<!tpu.dma_semaphore, #tpu.memory_space<semaphore_mem>>)
      } else {
      }
      %dma_wait3A_94 = arith.constant 0 : i32
      %dma_wait3A_95 = tpu.memref_slice %arg7[%add3A_86, %dma_wait3A_94] : memref<40x128xi32, #tpu.memory_space<vmem>> -> memref<1x128xi32, #tpu.memory_space<vmem>>
      %dma_wait3A_96 = tpu.memref_squeeze %dma_wait3A_95 : memref<1x128xi32, #tpu.memory_space<vmem>> -> memref<128xi32, #tpu.memory_space<vmem>>
      %dma_wait3A_97 = arith.constant 0 : i32
      %dma_wait3A_98 = arith.constant 0 : i32
      %dma_wait3A_99 = tpu.memref_slice %arg2[%dma_wait3A_97, %dma_wait3A_98] : memref<10240x128xf32, #tpu.memory_space<hbm>> -> memref<10240x128xf32, #tpu.memory_space<hbm>>
      tpu.wait_indirect_dma semaphore(%arg13 : memref<!tpu.dma_semaphore, #tpu.memory_space<semaphore_mem>>) src(%dma_wait3A_99 : memref<10240x128xf32, #tpu.memory_space<hbm>>) dst(%arg10 : memref<128x128xf32, #tpu.memory_space<vmem>>)
      "tpu.region"() ({
        %run_scoped3A_101 = tpu.sem_alloc : memref<!tpu.dma_semaphore, #tpu.memory_space<semaphore_mem>>
        %dma_start3A_102 = arith.constant 0 : i32
        %dma_start3A_103 = tpu.memref_slice %arg8[%add3A_86, %dma_start3A_102] : memref<40x128xi32, #tpu.memory_space<vmem>> -> memref<1x128xi32, #tpu.memory_space<vmem>>
        %dma_start3A_104 = tpu.memref_squeeze %dma_start3A_103 : memref<1x128xi32, #tpu.memory_space<vmem>> -> memref<128xi32, #tpu.memory_space<vmem>>
        %dma_start3A_105 = arith.constant 0 : i32
        %dma_start3A_106 = arith.constant 0 : i32
        %dma_start3A_107 = tpu.memref_slice %arg11[%dma_start3A_105, %dma_start3A_106] : memref<10240x128xf32, #tpu.memory_space<vmem_shared>> -> memref<10240x128xf32, #tpu.memory_space<vmem_shared>>
        tpu.enqueue_indirect_dma source(%arg10 : memref<128x128xf32, #tpu.memory_space<vmem>>) target(%dma_start3A_107 : memref<10240x128xf32, #tpu.memory_space<vmem_shared>>) offsets(%dma_start3A_104 : memref<128xi32, #tpu.memory_space<vmem>>) semaphore(%run_scoped3A_101 : memref<!tpu.dma_semaphore, #tpu.memory_space<semaphore_mem>>) {add = true}
        %dma_wait3A_108 = arith.constant 0 : i32
        %dma_wait3A_109 = tpu.memref_slice %arg8[%add3A_86, %dma_wait3A_108] : memref<40x128xi32, #tpu.memory_space<vmem>> -> memref<1x128xi32, #tpu.memory_space<vmem>>
        %dma_wait3A_110 = tpu.memref_squeeze %dma_wait3A_109 : memref<1x128xi32, #tpu.memory_space<vmem>> -> memref<128xi32, #tpu.memory_space<vmem>>
        %dma_wait3A_111 = arith.constant 0 : i32
        %dma_wait3A_112 = arith.constant 0 : i32
        %dma_wait3A_113 = tpu.memref_slice %arg11[%dma_wait3A_111, %dma_wait3A_112] : memref<10240x128xf32, #tpu.memory_space<vmem_shared>> -> memref<10240x128xf32, #tpu.memory_space<vmem_shared>>
        tpu.wait_indirect_dma semaphore(%run_scoped3A_101 : memref<!tpu.dma_semaphore, #tpu.memory_space<semaphore_mem>>) src(%arg10 : memref<128x128xf32, #tpu.memory_space<vmem>>) dst(%dma_wait3A_113 : memref<10240x128xf32, #tpu.memory_space<vmem_shared>>)
        tpu.yield
      }) : () -> ()
      %scan3A_100 = arith.constant 0 : i32
      scf.yield %scan3A_100 : i32
    }
    %scan3A_41 = arith.constant 20 : i32
    %run_scoped3A_42 = arith.constant 1 : i32
    "tpu.region"() ({
      %run_scoped3A_66 = tpu.sem_alloc : memref<!tpu.dma_semaphore, #tpu.memory_space<semaphore_mem>>
      %dma_start3A_67 = arith.constant 0 : i32
      %dma_start3A_68 = arith.constant 0 : i32
      %dma_start3A_69 = tpu.memref_slice %arg3[%add3A, %run_scoped3A_42, %dma_start3A_67, %dma_start3A_68] : memref<32x2x40x128xi32, #tpu.memory_space<hbm>> -> memref<1x1x40x128xi32, #tpu.memory_space<hbm>>
      %dma_start3A_70 = tpu.memref_squeeze %dma_start3A_69 : memref<1x1x40x128xi32, #tpu.memory_space<hbm>> -> memref<40x128xi32, #tpu.memory_space<hbm>>
      %dma_start3A_71 = arith.constant 0 : i32
      %dma_start3A_72 = arith.constant 0 : i32
      %dma_start3A_73 = tpu.memref_slice %arg3[%add3A, %run_scoped3A_42, %dma_start3A_71, %dma_start3A_72] : memref<32x2x40x128xi32, #tpu.memory_space<hbm>> -> memref<1x1x40x128xi32, #tpu.memory_space<hbm>>
      %dma_start3A_74 = tpu.memref_squeeze %dma_start3A_73 : memref<1x1x40x128xi32, #tpu.memory_space<hbm>> -> memref<40x128xi32, #tpu.memory_space<hbm>>
      tpu.enqueue_dma source(%dma_start3A_74 : memref<40x128xi32, #tpu.memory_space<hbm>>) target(%arg7 : memref<40x128xi32, #tpu.memory_space<vmem>>) target_semaphore(%run_scoped3A_66 : memref<!tpu.dma_semaphore, #tpu.memory_space<semaphore_mem>>)
      %dma_wait3A = arith.constant 0 : i32
      %dma_wait3A_75 = arith.constant 0 : i32
      %dma_wait3A_76 = tpu.memref_slice %arg3[%add3A, %run_scoped3A_42, %dma_wait3A, %dma_wait3A_75] : memref<32x2x40x128xi32, #tpu.memory_space<hbm>> -> memref<1x1x40x128xi32, #tpu.memory_space<hbm>>
      %dma_wait3A_77 = tpu.memref_squeeze %dma_wait3A_76 : memref<1x1x40x128xi32, #tpu.memory_space<hbm>> -> memref<40x128xi32, #tpu.memory_space<hbm>>
      %dma_wait3A_78 = arith.constant 0 : i32
      %dma_wait3A_79 = arith.constant 0 : i32
      %dma_wait3A_80 = tpu.memref_slice %arg3[%add3A, %run_scoped3A_42, %dma_wait3A_78, %dma_wait3A_79] : memref<32x2x40x128xi32, #tpu.memory_space<hbm>> -> memref<1x1x40x128xi32, #tpu.memory_space<hbm>>
      %dma_wait3A_81 = tpu.memref_squeeze %dma_wait3A_80 : memref<1x1x40x128xi32, #tpu.memory_space<hbm>> -> memref<40x128xi32, #tpu.memory_space<hbm>>
      tpu.wait_dma2 semaphore(%run_scoped3A_66 : memref<!tpu.dma_semaphore, #tpu.memory_space<semaphore_mem>>) src(%dma_wait3A_81 : memref<40x128xi32, #tpu.memory_space<hbm>>) dst(%arg7 : memref<40x128xi32, #tpu.memory_space<vmem>>)
      tpu.yield
    }) : () -> ()
    %run_scoped3A_43 = arith.constant 1 : i32
    "tpu.region"() ({
      %run_scoped3A_66 = tpu.sem_alloc : memref<!tpu.dma_semaphore, #tpu.memory_space<semaphore_mem>>
      %dma_start3A_67 = arith.constant 0 : i32
      %dma_start3A_68 = arith.constant 0 : i32
      %dma_start3A_69 = tpu.memref_slice %arg4[%add3A, %run_scoped3A_43, %dma_start3A_67, %dma_start3A_68] : memref<32x2x40x128xi32, #tpu.memory_space<hbm>> -> memref<1x1x40x128xi32, #tpu.memory_space<hbm>>
      %dma_start3A_70 = tpu.memref_squeeze %dma_start3A_69 : memref<1x1x40x128xi32, #tpu.memory_space<hbm>> -> memref<40x128xi32, #tpu.memory_space<hbm>>
      %dma_start3A_71 = arith.constant 0 : i32
      %dma_start3A_72 = arith.constant 0 : i32
      %dma_start3A_73 = tpu.memref_slice %arg4[%add3A, %run_scoped3A_43, %dma_start3A_71, %dma_start3A_72] : memref<32x2x40x128xi32, #tpu.memory_space<hbm>> -> memref<1x1x40x128xi32, #tpu.memory_space<hbm>>
      %dma_start3A_74 = tpu.memref_squeeze %dma_start3A_73 : memref<1x1x40x128xi32, #tpu.memory_space<hbm>> -> memref<40x128xi32, #tpu.memory_space<hbm>>
      tpu.enqueue_dma source(%dma_start3A_74 : memref<40x128xi32, #tpu.memory_space<hbm>>) target(%arg8 : memref<40x128xi32, #tpu.memory_space<vmem>>) target_semaphore(%run_scoped3A_66 : memref<!tpu.dma_semaphore, #tpu.memory_space<semaphore_mem>>)
      %dma_wait3A = arith.constant 0 : i32
      %dma_wait3A_75 = arith.constant 0 : i32
      %dma_wait3A_76 = tpu.memref_slice %arg4[%add3A, %run_scoped3A_43, %dma_wait3A, %dma_wait3A_75] : memref<32x2x40x128xi32, #tpu.memory_space<hbm>> -> memref<1x1x40x128xi32, #tpu.memory_space<hbm>>
      %dma_wait3A_77 = tpu.memref_squeeze %dma_wait3A_76 : memref<1x1x40x128xi32, #tpu.memory_space<hbm>> -> memref<40x128xi32, #tpu.memory_space<hbm>>
      %dma_wait3A_78 = arith.constant 0 : i32
      %dma_wait3A_79 = arith.constant 0 : i32
      %dma_wait3A_80 = tpu.memref_slice %arg4[%add3A, %run_scoped3A_43, %dma_wait3A_78, %dma_wait3A_79] : memref<32x2x40x128xi32, #tpu.memory_space<hbm>> -> memref<1x1x40x128xi32, #tpu.memory_space<hbm>>
      %dma_wait3A_81 = tpu.memref_squeeze %dma_wait3A_80 : memref<1x1x40x128xi32, #tpu.memory_space<hbm>> -> memref<40x128xi32, #tpu.memory_space<hbm>>
      tpu.wait_dma2 semaphore(%run_scoped3A_66 : memref<!tpu.dma_semaphore, #tpu.memory_space<semaphore_mem>>) src(%dma_wait3A_81 : memref<40x128xi32, #tpu.memory_space<hbm>>) dst(%arg8 : memref<40x128xi32, #tpu.memory_space<vmem>>)
      tpu.yield
    }) : () -> ()
    %dma_start3A_44 = arith.constant 0 : i32
    %dma_start3A_45 = arith.constant 0 : i32
    %dma_start3A_46 = tpu.memref_slice %arg7[%dma_start3A_44, %dma_start3A_45] : memref<40x128xi32, #tpu.memory_space<vmem>> -> memref<1x128xi32, #tpu.memory_space<vmem>>
    %dma_start3A_47 = tpu.memref_squeeze %dma_start3A_46 : memref<1x128xi32, #tpu.memory_space<vmem>> -> memref<128xi32, #tpu.memory_space<vmem>>
    %dma_start3A_48 = arith.constant 0 : i32
    %dma_start3A_49 = arith.constant 0 : i32
    %dma_start3A_50 = tpu.memref_slice %arg2[%dma_start3A_48, %dma_start3A_49] : memref<10240x128xf32, #tpu.memory_space<hbm>> -> memref<10240x128xf32, #tpu.memory_space<hbm>>
    tpu.enqueue_indirect_dma source(%dma_start3A_50 : memref<10240x128xf32, #tpu.memory_space<hbm>>) target(%arg9 : memref<128x128xf32, #tpu.memory_space<vmem>>) offsets(%dma_start3A_47 : memref<128xi32, #tpu.memory_space<vmem>>) semaphore(%arg12 : memref<!tpu.dma_semaphore, #tpu.memory_space<semaphore_mem>>)
    %scan3A_51 = arith.constant 0 : i32
    %scan3A_52 = arith.constant 0 : i32
    %scan3A_53 = arith.constant 20 : i32
    %scan3A_54 = arith.addi %scan3A_52, %scan3A_53 : i32
    %scan3A_55 = arith.constant 1 : i32
    %scan3A_56 = scf.for %scan3A_66 = %scan3A_52 to %scan3A_54 step %scan3A_55 iter_args(%scan3A_67 = %scan3A_51) -> (i32)  : i32 {
      %mul3A_68 = arith.constant 2 : i32
      %mul3A_69 = arith.muli %scan3A_66, %mul3A_68 : i32
      %add3A_70 = arith.constant 0 : i32
      %add3A_71 = arith.addi %mul3A_69, %add3A_70 : i32
      %add3A_72 = arith.constant 1 : i32
      %add3A_73 = arith.addi %add3A_71, %add3A_72 : i32
      %lt3A = arith.constant 40 : i32
      %lt3A_74 = arith.cmpi slt, %add3A_73, %lt3A : i32
      %convert_element_type3A_75 = arith.extui %lt3A_74 : i1 to i32
      %cond3A_76 = arith.constant 0 : i32
      %cond3A_77 = arith.cmpi ne, %convert_element_type3A_75, %cond3A_76 : i32
      scf.if %cond3A_77 {
        %add3A_101 = arith.constant 1 : i32
        %add3A_102 = arith.addi %add3A_71, %add3A_101 : i32
        %dma_start3A_103 = arith.constant 0 : i32
        %dma_start3A_104 = tpu.memref_slice %arg7[%add3A_102, %dma_start3A_103] : memref<40x128xi32, #tpu.memory_space<vmem>> -> memref<1x128xi32, #tpu.memory_space<vmem>>
        %dma_start3A_105 = tpu.memref_squeeze %dma_start3A_104 : memref<1x128xi32, #tpu.memory_space<vmem>> -> memref<128xi32, #tpu.memory_space<vmem>>
        %dma_start3A_106 = arith.constant 0 : i32
        %dma_start3A_107 = arith.constant 0 : i32
        %dma_start3A_108 = tpu.memref_slice %arg2[%dma_start3A_106, %dma_start3A_107] : memref<10240x128xf32, #tpu.memory_space<hbm>> -> memref<10240x128xf32, #tpu.memory_space<hbm>>
        tpu.enqueue_indirect_dma source(%dma_start3A_108 : memref<10240x128xf32, #tpu.memory_space<hbm>>) target(%arg10 : memref<128x128xf32, #tpu.memory_space<vmem>>) offsets(%dma_start3A_105 : memref<128xi32, #tpu.memory_space<vmem>>) semaphore(%arg13 : memref<!tpu.dma_semaphore, #tpu.memory_space<semaphore_mem>>)
      } else {
      }
      %dma_wait3A = arith.constant 0 : i32
      %dma_wait3A_78 = tpu.memref_slice %arg7[%add3A_71, %dma_wait3A] : memref<40x128xi32, #tpu.memory_space<vmem>> -> memref<1x128xi32, #tpu.memory_space<vmem>>
      %dma_wait3A_79 = tpu.memref_squeeze %dma_wait3A_78 : memref<1x128xi32, #tpu.memory_space<vmem>> -> memref<128xi32, #tpu.memory_space<vmem>>
      %dma_wait3A_80 = arith.constant 0 : i32
      %dma_wait3A_81 = arith.constant 0 : i32
      %dma_wait3A_82 = tpu.memref_slice %arg2[%dma_wait3A_80, %dma_wait3A_81] : memref<10240x128xf32, #tpu.memory_space<hbm>> -> memref<10240x128xf32, #tpu.memory_space<hbm>>
      tpu.wait_indirect_dma semaphore(%arg12 : memref<!tpu.dma_semaphore, #tpu.memory_space<semaphore_mem>>) src(%dma_wait3A_82 : memref<10240x128xf32, #tpu.memory_space<hbm>>) dst(%arg9 : memref<128x128xf32, #tpu.memory_space<vmem>>)
      "tpu.region"() ({
        %run_scoped3A_101 = tpu.sem_alloc : memref<!tpu.dma_semaphore, #tpu.memory_space<semaphore_mem>>
        %dma_start3A_102 = arith.constant 0 : i32
        %dma_start3A_103 = tpu.memref_slice %arg8[%add3A_71, %dma_start3A_102] : memref<40x128xi32, #tpu.memory_space<vmem>> -> memref<1x128xi32, #tpu.memory_space<vmem>>
        %dma_start3A_104 = tpu.memref_squeeze %dma_start3A_103 : memref<1x128xi32, #tpu.memory_space<vmem>> -> memref<128xi32, #tpu.memory_space<vmem>>
        %dma_start3A_105 = arith.constant 0 : i32
        %dma_start3A_106 = arith.constant 0 : i32
        %dma_start3A_107 = tpu.memref_slice %arg11[%dma_start3A_105, %dma_start3A_106] : memref<10240x128xf32, #tpu.memory_space<vmem_shared>> -> memref<10240x128xf32, #tpu.memory_space<vmem_shared>>
        tpu.enqueue_indirect_dma source(%arg9 : memref<128x128xf32, #tpu.memory_space<vmem>>) target(%dma_start3A_107 : memref<10240x128xf32, #tpu.memory_space<vmem_shared>>) offsets(%dma_start3A_104 : memref<128xi32, #tpu.memory_space<vmem>>) semaphore(%run_scoped3A_101 : memref<!tpu.dma_semaphore, #tpu.memory_space<semaphore_mem>>) {add = true}
        %dma_wait3A_108 = arith.constant 0 : i32
        %dma_wait3A_109 = tpu.memref_slice %arg8[%add3A_71, %dma_wait3A_108] : memref<40x128xi32, #tpu.memory_space<vmem>> -> memref<1x128xi32, #tpu.memory_space<vmem>>
        %dma_wait3A_110 = tpu.memref_squeeze %dma_wait3A_109 : memref<1x128xi32, #tpu.memory_space<vmem>> -> memref<128xi32, #tpu.memory_space<vmem>>
        %dma_wait3A_111 = arith.constant 0 : i32
        %dma_wait3A_112 = arith.constant 0 : i32
        %dma_wait3A_113 = tpu.memref_slice %arg11[%dma_wait3A_111, %dma_wait3A_112] : memref<10240x128xf32, #tpu.memory_space<vmem_shared>> -> memref<10240x128xf32, #tpu.memory_space<vmem_shared>>
        tpu.wait_indirect_dma semaphore(%run_scoped3A_101 : memref<!tpu.dma_semaphore, #tpu.memory_space<semaphore_mem>>) src(%arg9 : memref<128x128xf32, #tpu.memory_space<vmem>>) dst(%dma_wait3A_113 : memref<10240x128xf32, #tpu.memory_space<vmem_shared>>)
        tpu.yield
      }) : () -> ()
      %mul3A_83 = arith.constant 2 : i32
      %mul3A_84 = arith.muli %scan3A_66, %mul3A_83 : i32
      %add3A_85 = arith.constant 1 : i32
      %add3A_86 = arith.addi %mul3A_84, %add3A_85 : i32
      %add3A_87 = arith.constant 1 : i32
      %add3A_88 = arith.addi %add3A_86, %add3A_87 : i32
      %lt3A_89 = arith.constant 40 : i32
      %lt3A_90 = arith.cmpi slt, %add3A_88, %lt3A_89 : i32
      %convert_element_type3A_91 = arith.extui %lt3A_90 : i1 to i32
      %cond3A_92 = arith.constant 0 : i32
      %cond3A_93 = arith.cmpi ne, %convert_element_type3A_91, %cond3A_92 : i32
      scf.if %cond3A_93 {
        %add3A_101 = arith.constant 1 : i32
        %add3A_102 = arith.addi %add3A_86, %add3A_101 : i32
        %dma_start3A_103 = arith.constant 0 : i32
        %dma_start3A_104 = tpu.memref_slice %arg7[%add3A_102, %dma_start3A_103] : memref<40x128xi32, #tpu.memory_space<vmem>> -> memref<1x128xi32, #tpu.memory_space<vmem>>
        %dma_start3A_105 = tpu.memref_squeeze %dma_start3A_104 : memref<1x128xi32, #tpu.memory_space<vmem>> -> memref<128xi32, #tpu.memory_space<vmem>>
        %dma_start3A_106 = arith.constant 0 : i32
        %dma_start3A_107 = arith.constant 0 : i32
        %dma_start3A_108 = tpu.memref_slice %arg2[%dma_start3A_106, %dma_start3A_107] : memref<10240x128xf32, #tpu.memory_space<hbm>> -> memref<10240x128xf32, #tpu.memory_space<hbm>>
        tpu.enqueue_indirect_dma source(%dma_start3A_108 : memref<10240x128xf32, #tpu.memory_space<hbm>>) target(%arg9 : memref<128x128xf32, #tpu.memory_space<vmem>>) offsets(%dma_start3A_105 : memref<128xi32, #tpu.memory_space<vmem>>) semaphore(%arg12 : memref<!tpu.dma_semaphore, #tpu.memory_space<semaphore_mem>>)
      } else {
      }
      %dma_wait3A_94 = arith.constant 0 : i32
      %dma_wait3A_95 = tpu.memref_slice %arg7[%add3A_86, %dma_wait3A_94] : memref<40x128xi32, #tpu.memory_space<vmem>> -> memref<1x128xi32, #tpu.memory_space<vmem>>
      %dma_wait3A_96 = tpu.memref_squeeze %dma_wait3A_95 : memref<1x128xi32, #tpu.memory_space<vmem>> -> memref<128xi32, #tpu.memory_space<vmem>>
      %dma_wait3A_97 = arith.constant 0 : i32
      %dma_wait3A_98 = arith.constant 0 : i32
      %dma_wait3A_99 = tpu.memref_slice %arg2[%dma_wait3A_97, %dma_wait3A_98] : memref<10240x128xf32, #tpu.memory_space<hbm>> -> memref<10240x128xf32, #tpu.memory_space<hbm>>
      tpu.wait_indirect_dma semaphore(%arg13 : memref<!tpu.dma_semaphore, #tpu.memory_space<semaphore_mem>>) src(%dma_wait3A_99 : memref<10240x128xf32, #tpu.memory_space<hbm>>) dst(%arg10 : memref<128x128xf32, #tpu.memory_space<vmem>>)
      "tpu.region"() ({
        %run_scoped3A_101 = tpu.sem_alloc : memref<!tpu.dma_semaphore, #tpu.memory_space<semaphore_mem>>
        %dma_start3A_102 = arith.constant 0 : i32
        %dma_start3A_103 = tpu.memref_slice %arg8[%add3A_86, %dma_start3A_102] : memref<40x128xi32, #tpu.memory_space<vmem>> -> memref<1x128xi32, #tpu.memory_space<vmem>>
        %dma_start3A_104 = tpu.memref_squeeze %dma_start3A_103 : memref<1x128xi32, #tpu.memory_space<vmem>> -> memref<128xi32, #tpu.memory_space<vmem>>
        %dma_start3A_105 = arith.constant 0 : i32
        %dma_start3A_106 = arith.constant 0 : i32
        %dma_start3A_107 = tpu.memref_slice %arg11[%dma_start3A_105, %dma_start3A_106] : memref<10240x128xf32, #tpu.memory_space<vmem_shared>> -> memref<10240x128xf32, #tpu.memory_space<vmem_shared>>
        tpu.enqueue_indirect_dma source(%arg10 : memref<128x128xf32, #tpu.memory_space<vmem>>) target(%dma_start3A_107 : memref<10240x128xf32, #tpu.memory_space<vmem_shared>>) offsets(%dma_start3A_104 : memref<128xi32, #tpu.memory_space<vmem>>) semaphore(%run_scoped3A_101 : memref<!tpu.dma_semaphore, #tpu.memory_space<semaphore_mem>>) {add = true}
        %dma_wait3A_108 = arith.constant 0 : i32
        %dma_wait3A_109 = tpu.memref_slice %arg8[%add3A_86, %dma_wait3A_108] : memref<40x128xi32, #tpu.memory_space<vmem>> -> memref<1x128xi32, #tpu.memory_space<vmem>>
        %dma_wait3A_110 = tpu.memref_squeeze %dma_wait3A_109 : memref<1x128xi32, #tpu.memory_space<vmem>> -> memref<128xi32, #tpu.memory_space<vmem>>
        %dma_wait3A_111 = arith.constant 0 : i32
        %dma_wait3A_112 = arith.constant 0 : i32
        %dma_wait3A_113 = tpu.memref_slice %arg11[%dma_wait3A_111, %dma_wait3A_112] : memref<10240x128xf32, #tpu.memory_space<vmem_shared>> -> memref<10240x128xf32, #tpu.memory_space<vmem_shared>>
        tpu.wait_indirect_dma semaphore(%run_scoped3A_101 : memref<!tpu.dma_semaphore, #tpu.memory_space<semaphore_mem>>) src(%arg10 : memref<128x128xf32, #tpu.memory_space<vmem>>) dst(%dma_wait3A_113 : memref<10240x128xf32, #tpu.memory_space<vmem_shared>>)
        tpu.yield
      }) : () -> ()
      %scan3A_100 = arith.constant 0 : i32
      scf.yield %scan3A_100 : i32
    }
    %scan3A_57 = arith.constant 20 : i32
    %barrier3A_58 = arith.constant 0 : index
    tpu.barrier barrier_id(%barrier3A_58)
    %eq3A = arith.constant 0 : i32
    %eq3A_59 = arith.cmpi eq, %arg0, %eq3A : i32
    %convert_element_type3A = arith.extui %eq3A_59 : i1 to i32
    %cond3A = arith.constant 0 : i32
    %cond3A_60 = arith.cmpi ne, %convert_element_type3A, %cond3A : i32
    scf.if %cond3A_60 {
      %mul3A_66 = arith.constant 640 : i32
      %mul3A_67 = arith.muli %arg1, %mul3A_66 : i32
      %mul3A_68 = arith.constant 640 : i32
      %mul3A_69 = arith.muli %arg1, %mul3A_68 : i32
      "tpu.region"() ({
        %run_scoped3A_70 = tpu.sem_alloc : memref<!tpu.dma_semaphore, #tpu.memory_space<semaphore_mem>>
        %dma_start3A_71 = arith.constant 0 : i32
        %dma_start3A_72 = tpu.memref_slice %arg5[%mul3A_69, %dma_start3A_71] : memref<10240x128xf32, #tpu.memory_space<hbm>> -> memref<640x128xf32, #tpu.memory_space<hbm>>
        %dma_start3A_73 = arith.constant 0 : i32
        %dma_start3A_74 = tpu.memref_slice %arg11[%mul3A_67, %dma_start3A_73] : memref<10240x128xf32, #tpu.memory_space<vmem_shared>> -> memref<640x128xf32, #tpu.memory_space<vmem_shared>>
        tpu.enqueue_dma source(%dma_start3A_74 : memref<640x128xf32, #tpu.memory_space<vmem_shared>>) target(%dma_start3A_72 : memref<640x128xf32, #tpu.memory_space<hbm>>) target_semaphore(%run_scoped3A_70 : memref<!tpu.dma_semaphore, #tpu.memory_space<semaphore_mem>>)
        %dma_wait3A = arith.constant 0 : i32
        %dma_wait3A_75 = tpu.memref_slice %arg5[%mul3A_69, %dma_wait3A] : memref<10240x128xf32, #tpu.memory_space<hbm>> -> memref<640x128xf32, #tpu.memory_space<hbm>>
        %dma_wait3A_76 = arith.constant 0 : i32
        %dma_wait3A_77 = tpu.memref_slice %arg11[%mul3A_67, %dma_wait3A_76] : memref<10240x128xf32, #tpu.memory_space<vmem_shared>> -> memref<640x128xf32, #tpu.memory_space<vmem_shared>>
        tpu.wait_dma2 semaphore(%run_scoped3A_70 : memref<!tpu.dma_semaphore, #tpu.memory_space<semaphore_mem>>) src(%dma_wait3A_77 : memref<640x128xf32, #tpu.memory_space<vmem_shared>>) dst(%dma_wait3A_75 : memref<640x128xf32, #tpu.memory_space<hbm>>)
        tpu.yield
      }) : () -> ()
    } else {
    }
    %eq3A_61 = arith.constant 1 : i32
    %eq3A_62 = arith.cmpi eq, %arg0, %eq3A_61 : i32
    %convert_element_type3A_63 = arith.extui %eq3A_62 : i1 to i32
    %cond3A_64 = arith.constant 0 : i32
    %cond3A_65 = arith.cmpi ne, %convert_element_type3A_63, %cond3A_64 : i32
    scf.if %cond3A_65 {
      %mul3A_66 = arith.constant 640 : i32
      %mul3A_67 = arith.muli %arg1, %mul3A_66 : i32
      %mul3A_68 = arith.constant 640 : i32
      %mul3A_69 = arith.muli %arg1, %mul3A_68 : i32
      "tpu.region"() ({
        %run_scoped3A_70 = tpu.sem_alloc : memref<!tpu.dma_semaphore, #tpu.memory_space<semaphore_mem>>
        %dma_start3A_71 = arith.constant 0 : i32
        %dma_start3A_72 = tpu.memref_slice %arg6[%mul3A_69, %dma_start3A_71] : memref<10240x128xf32, #tpu.memory_space<hbm>> -> memref<640x128xf32, #tpu.memory_space<hbm>>
        %dma_start3A_73 = arith.constant 0 : i32
        %dma_start3A_74 = tpu.memref_slice %arg11[%mul3A_67, %dma_start3A_73] : memref<10240x128xf32, #tpu.memory_space<vmem_shared>> -> memref<640x128xf32, #tpu.memory_space<vmem_shared>>
        tpu.enqueue_dma source(%dma_start3A_74 : memref<640x128xf32, #tpu.memory_space<vmem_shared>>) target(%dma_start3A_72 : memref<640x128xf32, #tpu.memory_space<hbm>>) target_semaphore(%run_scoped3A_70 : memref<!tpu.dma_semaphore, #tpu.memory_space<semaphore_mem>>)
        %dma_wait3A = arith.constant 0 : i32
        %dma_wait3A_75 = tpu.memref_slice %arg6[%mul3A_69, %dma_wait3A] : memref<10240x128xf32, #tpu.memory_space<hbm>> -> memref<640x128xf32, #tpu.memory_space<hbm>>
        %dma_wait3A_76 = arith.constant 0 : i32
        %dma_wait3A_77 = tpu.memref_slice %arg11[%mul3A_67, %dma_wait3A_76] : memref<10240x128xf32, #tpu.memory_space<vmem_shared>> -> memref<640x128xf32, #tpu.memory_space<vmem_shared>>
        tpu.wait_dma2 semaphore(%run_scoped3A_70 : memref<!tpu.dma_semaphore, #tpu.memory_space<semaphore_mem>>) src(%dma_wait3A_77 : memref<640x128xf32, #tpu.memory_space<vmem_shared>>) dst(%dma_wait3A_75 : memref<640x128xf32, #tpu.memory_space<hbm>>)
        tpu.yield
      }) : () -> ()
    } else {
    }
    return
  }
}

#map = affine_map<(d0, d1) -> (0, 0)>
module attributes {stable_mosaic.version = 14 : i64} {
  func.func @_sc_deg(%arg0: i32, %arg1: i32, %arg2: memref<16x20000xi32, #tpu.memory_space<hbm>>, %arg3: memref<80x128xf32, #tpu.memory_space<hbm>>, %arg4: memref<20000xi32, #tpu.memory_space<vmem>>, %arg5: memref<80x128xf32, #tpu.memory_space<vmem>>, %arg6: memref<8x128xf32, #tpu.memory_space<vmem>>, %arg7: memref<8x128xf32, #tpu.memory_space<vmem>>, %arg8: memref<80xi32, #tpu.memory_space<vmem>>, %arg9: memref<80x128xf32, #tpu.memory_space<vmem_shared>>) attributes {dimension_semantics = [#tpu.dimension_semantics<core_parallel>, #tpu.dimension_semantics<subcore_parallel>], iteration_bounds = array<i64: 2, 16>, scalar_prefetch = 0 : i64, scratch_operands = 6 : i64, tpu.core_type = #tpu.core_type<sc_vector_subcore>, window_params = [{transform_indices = #map}, {transform_indices = #map}]} {
    %eq3A = arith.constant 0 : i32
    %eq3A_0 = arith.cmpi eq, %arg0, %eq3A : i32
    %convert_element_type3A = arith.extui %eq3A_0 : i1 to i32
    %cond3A = arith.constant 0 : i32
    %cond3A_1 = arith.cmpi ne, %convert_element_type3A, %cond3A : i32
    scf.if %cond3A_1 {
      "tpu.region"() ({
        %run_scoped3A = tpu.sem_alloc : memref<!tpu.dma_semaphore, #tpu.memory_space<semaphore_mem>>
        %dma_start3A = arith.constant 0 : i32
        %dma_start3A_55 = tpu.memref_slice %arg2[%arg1, %dma_start3A] : memref<16x20000xi32, #tpu.memory_space<hbm>> -> memref<1x20000xi32, #tpu.memory_space<hbm>>
        %dma_start3A_56 = tpu.memref_squeeze %dma_start3A_55 : memref<1x20000xi32, #tpu.memory_space<hbm>> -> memref<20000xi32, #tpu.memory_space<hbm>>
        %dma_start3A_57 = arith.constant 0 : i32
        %dma_start3A_58 = tpu.memref_slice %arg2[%arg1, %dma_start3A_57] : memref<16x20000xi32, #tpu.memory_space<hbm>> -> memref<1x20000xi32, #tpu.memory_space<hbm>>
        %dma_start3A_59 = tpu.memref_squeeze %dma_start3A_58 : memref<1x20000xi32, #tpu.memory_space<hbm>> -> memref<20000xi32, #tpu.memory_space<hbm>>
        tpu.enqueue_dma source(%dma_start3A_59 : memref<20000xi32, #tpu.memory_space<hbm>>) target(%arg4 : memref<20000xi32, #tpu.memory_space<vmem>>) target_semaphore(%run_scoped3A : memref<!tpu.dma_semaphore, #tpu.memory_space<semaphore_mem>>)
        %dma_wait3A = arith.constant 0 : i32
        %dma_wait3A_60 = tpu.memref_slice %arg2[%arg1, %dma_wait3A] : memref<16x20000xi32, #tpu.memory_space<hbm>> -> memref<1x20000xi32, #tpu.memory_space<hbm>>
        %dma_wait3A_61 = tpu.memref_squeeze %dma_wait3A_60 : memref<1x20000xi32, #tpu.memory_space<hbm>> -> memref<20000xi32, #tpu.memory_space<hbm>>
        %dma_wait3A_62 = arith.constant 0 : i32
        %dma_wait3A_63 = tpu.memref_slice %arg2[%arg1, %dma_wait3A_62] : memref<16x20000xi32, #tpu.memory_space<hbm>> -> memref<1x20000xi32, #tpu.memory_space<hbm>>
        %dma_wait3A_64 = tpu.memref_squeeze %dma_wait3A_63 : memref<1x20000xi32, #tpu.memory_space<hbm>> -> memref<20000xi32, #tpu.memory_space<hbm>>
        tpu.wait_dma2 semaphore(%run_scoped3A : memref<!tpu.dma_semaphore, #tpu.memory_space<semaphore_mem>>) src(%dma_wait3A_64 : memref<20000xi32, #tpu.memory_space<hbm>>) dst(%arg4 : memref<20000xi32, #tpu.memory_space<vmem>>)
        tpu.yield
      }) : () -> ()
      %broadcast_in_dim3A = arith.constant 0.000000e+00 : f32
      %broadcast_in_dim3A_2 = vector.broadcast %broadcast_in_dim3A : f32 to vector<16xf32>
      %scan3A = arith.constant 0 : i32
      %scan3A_3 = arith.constant 0 : i32
      %scan3A_4 = arith.constant 80 : i32
      %scan3A_5 = arith.addi %scan3A_3, %scan3A_4 : i32
      %scan3A_6 = arith.constant 1 : i32
      %scan3A_7 = scf.for %scan3A_55 = %scan3A_3 to %scan3A_5 step %scan3A_6 iter_args(%scan3A_56 = %scan3A) -> (i32)  : i32 {
        %swap3A_57 = arith.index_cast %scan3A_55 : i32 to index
        %swap3A_58 = arith.constant 0 : index
        %swap3A_59 = tpu.vector_load %arg5[%swap3A_57, %swap3A_58] {strides = array<i32>} : memref<80x128xf32, #tpu.memory_space<vmem>>, vector<16xf32>,
        tpu.vector_store %arg5[%swap3A_57, %swap3A_58], %broadcast_in_dim3A_2 {strides = array<i32>} : memref<80x128xf32, #tpu.memory_space<vmem>>, vector<16xf32>,
        %swap3A_60 = arith.index_cast %scan3A_55 : i32 to index
        %swap3A_61 = arith.constant 16 : index
        %swap3A_62 = tpu.vector_load %arg5[%swap3A_60, %swap3A_61] {strides = array<i32>} : memref<80x128xf32, #tpu.memory_space<vmem>>, vector<16xf32>,
        tpu.vector_store %arg5[%swap3A_60, %swap3A_61], %broadcast_in_dim3A_2 {strides = array<i32>} : memref<80x128xf32, #tpu.memory_space<vmem>>, vector<16xf32>,
        %swap3A_63 = arith.index_cast %scan3A_55 : i32 to index
        %swap3A_64 = arith.constant 32 : index
        %swap3A_65 = tpu.vector_load %arg5[%swap3A_63, %swap3A_64] {strides = array<i32>} : memref<80x128xf32, #tpu.memory_space<vmem>>, vector<16xf32>,
        tpu.vector_store %arg5[%swap3A_63, %swap3A_64], %broadcast_in_dim3A_2 {strides = array<i32>} : memref<80x128xf32, #tpu.memory_space<vmem>>, vector<16xf32>,
        %swap3A_66 = arith.index_cast %scan3A_55 : i32 to index
        %swap3A_67 = arith.constant 48 : index
        %swap3A_68 = tpu.vector_load %arg5[%swap3A_66, %swap3A_67] {strides = array<i32>} : memref<80x128xf32, #tpu.memory_space<vmem>>, vector<16xf32>,
        tpu.vector_store %arg5[%swap3A_66, %swap3A_67], %broadcast_in_dim3A_2 {strides = array<i32>} : memref<80x128xf32, #tpu.memory_space<vmem>>, vector<16xf32>,
        %swap3A_69 = arith.index_cast %scan3A_55 : i32 to index
        %swap3A_70 = arith.constant 64 : index
        %swap3A_71 = tpu.vector_load %arg5[%swap3A_69, %swap3A_70] {strides = array<i32>} : memref<80x128xf32, #tpu.memory_space<vmem>>, vector<16xf32>,
        tpu.vector_store %arg5[%swap3A_69, %swap3A_70], %broadcast_in_dim3A_2 {strides = array<i32>} : memref<80x128xf32, #tpu.memory_space<vmem>>, vector<16xf32>,
        %swap3A_72 = arith.index_cast %scan3A_55 : i32 to index
        %swap3A_73 = arith.constant 80 : index
        %swap3A_74 = tpu.vector_load %arg5[%swap3A_72, %swap3A_73] {strides = array<i32>} : memref<80x128xf32, #tpu.memory_space<vmem>>, vector<16xf32>,
        tpu.vector_store %arg5[%swap3A_72, %swap3A_73], %broadcast_in_dim3A_2 {strides = array<i32>} : memref<80x128xf32, #tpu.memory_space<vmem>>, vector<16xf32>,
        %swap3A_75 = arith.index_cast %scan3A_55 : i32 to index
        %swap3A_76 = arith.constant 96 : index
        %swap3A_77 = tpu.vector_load %arg5[%swap3A_75, %swap3A_76] {strides = array<i32>} : memref<80x128xf32, #tpu.memory_space<vmem>>, vector<16xf32>,
        tpu.vector_store %arg5[%swap3A_75, %swap3A_76], %broadcast_in_dim3A_2 {strides = array<i32>} : memref<80x128xf32, #tpu.memory_space<vmem>>, vector<16xf32>,
        %swap3A_78 = arith.index_cast %scan3A_55 : i32 to index
        %swap3A_79 = arith.constant 112 : index
        %swap3A_80 = tpu.vector_load %arg5[%swap3A_78, %swap3A_79] {strides = array<i32>} : memref<80x128xf32, #tpu.memory_space<vmem>>, vector<16xf32>,
        tpu.vector_store %arg5[%swap3A_78, %swap3A_79], %broadcast_in_dim3A_2 {strides = array<i32>} : memref<80x128xf32, #tpu.memory_space<vmem>>, vector<16xf32>,
        %scan3A_81 = arith.constant 0 : i32
        scf.yield %scan3A_81 : i32
      }
      %scan3A_8 = arith.constant 80 : i32
      %iota3A = tpu.iota {dimensions = array<i32: 0>} : vector<16xi32>
      %add3A = arith.constant 0 : i32
      %add3A_9 = vector.broadcast %add3A : i32 to vector<16xi32>
      %add3A_10 = arith.addi %iota3A, %add3A_9 : vector<16xi32>
      %swap3A = arith.constant 0 : index
      %swap3A_11 = tpu.vector_load %arg8[%swap3A] {strides = array<i32>} : memref<80xi32, #tpu.memory_space<vmem>>, vector<16xi32>,
      tpu.vector_store %arg8[%swap3A], %add3A_10 {strides = array<i32>} : memref<80xi32, #tpu.memory_space<vmem>>, vector<16xi32>,
      %iota3A_12 = tpu.iota {dimensions = array<i32: 0>} : vector<16xi32>
      %add3A_13 = arith.constant 16 : i32
      %add3A_14 = vector.broadcast %add3A_13 : i32 to vector<16xi32>
      %add3A_15 = arith.addi %iota3A_12, %add3A_14 : vector<16xi32>
      %swap3A_16 = arith.constant 16 : index
      %swap3A_17 = tpu.vector_load %arg8[%swap3A_16] {strides = array<i32>} : memref<80xi32, #tpu.memory_space<vmem>>, vector<16xi32>,
      tpu.vector_store %arg8[%swap3A_16], %add3A_15 {strides = array<i32>} : memref<80xi32, #tpu.memory_space<vmem>>, vector<16xi32>,
      %iota3A_18 = tpu.iota {dimensions = array<i32: 0>} : vector<16xi32>
      %add3A_19 = arith.constant 32 : i32
      %add3A_20 = vector.broadcast %add3A_19 : i32 to vector<16xi32>
      %add3A_21 = arith.addi %iota3A_18, %add3A_20 : vector<16xi32>
      %swap3A_22 = arith.constant 32 : index
      %swap3A_23 = tpu.vector_load %arg8[%swap3A_22] {strides = array<i32>} : memref<80xi32, #tpu.memory_space<vmem>>, vector<16xi32>,
      tpu.vector_store %arg8[%swap3A_22], %add3A_21 {strides = array<i32>} : memref<80xi32, #tpu.memory_space<vmem>>, vector<16xi32>,
      %iota3A_24 = tpu.iota {dimensions = array<i32: 0>} : vector<16xi32>
      %add3A_25 = arith.constant 48 : i32
      %add3A_26 = vector.broadcast %add3A_25 : i32 to vector<16xi32>
      %add3A_27 = arith.addi %iota3A_24, %add3A_26 : vector<16xi32>
      %swap3A_28 = arith.constant 48 : index
      %swap3A_29 = tpu.vector_load %arg8[%swap3A_28] {strides = array<i32>} : memref<80xi32, #tpu.memory_space<vmem>>, vector<16xi32>,
      tpu.vector_store %arg8[%swap3A_28], %add3A_27 {strides = array<i32>} : memref<80xi32, #tpu.memory_space<vmem>>, vector<16xi32>,
      %iota3A_30 = tpu.iota {dimensions = array<i32: 0>} : vector<16xi32>
      %add3A_31 = arith.constant 64 : i32
      %add3A_32 = vector.broadcast %add3A_31 : i32 to vector<16xi32>
      %add3A_33 = arith.addi %iota3A_30, %add3A_32 : vector<16xi32>
      %swap3A_34 = arith.constant 64 : index
      %swap3A_35 = tpu.vector_load %arg8[%swap3A_34] {strides = array<i32>} : memref<80xi32, #tpu.memory_space<vmem>>, vector<16xi32>,
      tpu.vector_store %arg8[%swap3A_34], %add3A_33 {strides = array<i32>} : memref<80xi32, #tpu.memory_space<vmem>>, vector<16xi32>,
      %lt3A = arith.constant 10 : i32
      %lt3A_36 = arith.cmpi slt, %arg1, %lt3A : i32
      %convert_element_type3A_37 = arith.extui %lt3A_36 : i1 to i32
      %cond3A_38 = arith.constant 0 : i32
      %cond3A_39 = arith.cmpi ne, %convert_element_type3A_37, %cond3A_38 : i32
      scf.if %cond3A_39 {
        %broadcast_in_dim3A_55 = arith.constant 0.000000e+00 : f32
        %broadcast_in_dim3A_56 = vector.broadcast %broadcast_in_dim3A_55 : f32 to vector<16xf32>
        %scan3A_57 = arith.constant 0 : i32
        %scan3A_58 = arith.constant 0 : i32
        %scan3A_59 = arith.constant 8 : i32
        %scan3A_60 = arith.addi %scan3A_58, %scan3A_59 : i32
        %scan3A_61 = arith.constant 1 : i32
        %scan3A_62 = scf.for %scan3A_65 = %scan3A_58 to %scan3A_60 step %scan3A_61 iter_args(%scan3A_66 = %scan3A_57) -> (i32)  : i32 {
          %swap3A_67 = arith.index_cast %scan3A_65 : i32 to index
          %swap3A_68 = arith.constant 0 : index
          %swap3A_69 = tpu.vector_load %arg6[%swap3A_67, %swap3A_68] {strides = array<i32>} : memref<8x128xf32, #tpu.memory_space<vmem>>, vector<16xf32>,
          tpu.vector_store %arg6[%swap3A_67, %swap3A_68], %broadcast_in_dim3A_56 {strides = array<i32>} : memref<8x128xf32, #tpu.memory_space<vmem>>, vector<16xf32>,
          %swap3A_70 = arith.index_cast %scan3A_65 : i32 to index
          %swap3A_71 = arith.constant 16 : index
          %swap3A_72 = tpu.vector_load %arg6[%swap3A_70, %swap3A_71] {strides = array<i32>} : memref<8x128xf32, #tpu.memory_space<vmem>>, vector<16xf32>,
          tpu.vector_store %arg6[%swap3A_70, %swap3A_71], %broadcast_in_dim3A_56 {strides = array<i32>} : memref<8x128xf32, #tpu.memory_space<vmem>>, vector<16xf32>,
          %swap3A_73 = arith.index_cast %scan3A_65 : i32 to index
          %swap3A_74 = arith.constant 32 : index
          %swap3A_75 = tpu.vector_load %arg6[%swap3A_73, %swap3A_74] {strides = array<i32>} : memref<8x128xf32, #tpu.memory_space<vmem>>, vector<16xf32>,
          tpu.vector_store %arg6[%swap3A_73, %swap3A_74], %broadcast_in_dim3A_56 {strides = array<i32>} : memref<8x128xf32, #tpu.memory_space<vmem>>, vector<16xf32>,
          %swap3A_76 = arith.index_cast %scan3A_65 : i32 to index
          %swap3A_77 = arith.constant 48 : index
          %swap3A_78 = tpu.vector_load %arg6[%swap3A_76, %swap3A_77] {strides = array<i32>} : memref<8x128xf32, #tpu.memory_space<vmem>>, vector<16xf32>,
          tpu.vector_store %arg6[%swap3A_76, %swap3A_77], %broadcast_in_dim3A_56 {strides = array<i32>} : memref<8x128xf32, #tpu.memory_space<vmem>>, vector<16xf32>,
          %swap3A_79 = arith.index_cast %scan3A_65 : i32 to index
          %swap3A_80 = arith.constant 64 : index
          %swap3A_81 = tpu.vector_load %arg6[%swap3A_79, %swap3A_80] {strides = array<i32>} : memref<8x128xf32, #tpu.memory_space<vmem>>, vector<16xf32>,
          tpu.vector_store %arg6[%swap3A_79, %swap3A_80], %broadcast_in_dim3A_56 {strides = array<i32>} : memref<8x128xf32, #tpu.memory_space<vmem>>, vector<16xf32>,
          %swap3A_82 = arith.index_cast %scan3A_65 : i32 to index
          %swap3A_83 = arith.constant 80 : index
          %swap3A_84 = tpu.vector_load %arg6[%swap3A_82, %swap3A_83] {strides = array<i32>} : memref<8x128xf32, #tpu.memory_space<vmem>>, vector<16xf32>,
          tpu.vector_store %arg6[%swap3A_82, %swap3A_83], %broadcast_in_dim3A_56 {strides = array<i32>} : memref<8x128xf32, #tpu.memory_space<vmem>>, vector<16xf32>,
          %swap3A_85 = arith.index_cast %scan3A_65 : i32 to index
          %swap3A_86 = arith.constant 96 : index
          %swap3A_87 = tpu.vector_load %arg6[%swap3A_85, %swap3A_86] {strides = array<i32>} : memref<8x128xf32, #tpu.memory_space<vmem>>, vector<16xf32>,
          tpu.vector_store %arg6[%swap3A_85, %swap3A_86], %broadcast_in_dim3A_56 {strides = array<i32>} : memref<8x128xf32, #tpu.memory_space<vmem>>, vector<16xf32>,
          %swap3A_88 = arith.index_cast %scan3A_65 : i32 to index
          %swap3A_89 = arith.constant 112 : index
          %swap3A_90 = tpu.vector_load %arg6[%swap3A_88, %swap3A_89] {strides = array<i32>} : memref<8x128xf32, #tpu.memory_space<vmem>>, vector<16xf32>,
          tpu.vector_store %arg6[%swap3A_88, %swap3A_89], %broadcast_in_dim3A_56 {strides = array<i32>} : memref<8x128xf32, #tpu.memory_space<vmem>>, vector<16xf32>,
          %scan3A_91 = arith.constant 0 : i32
          scf.yield %scan3A_91 : i32
        }
        %scan3A_63 = arith.constant 8 : i32
        %mul3A = arith.constant 8 : i32
        %mul3A_64 = arith.muli %arg1, %mul3A : i32
        "tpu.region"() ({
          %run_scoped3A = tpu.sem_alloc : memref<!tpu.dma_semaphore, #tpu.memory_space<semaphore_mem>>
          %dma_start3A = arith.constant 0 : i32
          %dma_start3A_65 = tpu.memref_slice %arg9[%mul3A_64, %dma_start3A] : memref<80x128xf32, #tpu.memory_space<vmem_shared>> -> memref<8x128xf32, #tpu.memory_space<vmem_shared>>
          %dma_start3A_66 = arith.constant 0 : i32
          %dma_start3A_67 = tpu.memref_slice %arg9[%mul3A_64, %dma_start3A_66] : memref<80x128xf32, #tpu.memory_space<vmem_shared>> -> memref<8x128xf32, #tpu.memory_space<vmem_shared>>
          tpu.enqueue_dma source(%arg6 : memref<8x128xf32, #tpu.memory_space<vmem>>) target(%dma_start3A_67 : memref<8x128xf32, #tpu.memory_space<vmem_shared>>) target_semaphore(%run_scoped3A : memref<!tpu.dma_semaphore, #tpu.memory_space<semaphore_mem>>)
          %dma_wait3A = arith.constant 0 : i32
          %dma_wait3A_68 = tpu.memref_slice %arg9[%mul3A_64, %dma_wait3A] : memref<80x128xf32, #tpu.memory_space<vmem_shared>> -> memref<8x128xf32, #tpu.memory_space<vmem_shared>>
          %dma_wait3A_69 = arith.constant 0 : i32
          %dma_wait3A_70 = tpu.memref_slice %arg9[%mul3A_64, %dma_wait3A_69] : memref<80x128xf32, #tpu.memory_space<vmem_shared>> -> memref<8x128xf32, #tpu.memory_space<vmem_shared>>
          tpu.wait_dma2 semaphore(%run_scoped3A : memref<!tpu.dma_semaphore, #tpu.memory_space<semaphore_mem>>) src(%arg6 : memref<8x128xf32, #tpu.memory_space<vmem>>) dst(%dma_wait3A_70 : memref<8x128xf32, #tpu.memory_space<vmem_shared>>)
          tpu.yield
        }) : () -> ()
      } else {
      }
      %barrier3A = arith.constant 0 : index
      tpu.barrier barrier_id(%barrier3A)
      %broadcast_in_dim3A_40 = arith.constant 1.000000e+00 : f32
      %broadcast_in_dim3A_41 = vector.broadcast %broadcast_in_dim3A_40 : f32 to vector<16xf32>
      %scan3A_42 = arith.constant 0 : i32
      %scan3A_43 = arith.constant 0 : i32
      %scan3A_44 = arith.constant 1250 : i32
      %scan3A_45 = arith.addi %scan3A_43, %scan3A_44 : i32
      %scan3A_46 = arith.constant 1 : i32
      %scan3A_47 = scf.for %scan3A_55 = %scan3A_43 to %scan3A_45 step %scan3A_46 iter_args(%scan3A_56 = %scan3A_42) -> (i32)  : i32 {
        %mul3A = arith.constant 16 : i32
        %mul3A_57 = arith.muli %scan3A_55, %mul3A : i32
        %get3A = arith.index_cast %mul3A_57 : i32 to index
        %get3A_58 = tpu.vector_load %arg4[%get3A] {strides = array<i32>} : memref<20000xi32, #tpu.memory_space<vmem>>, vector<16xi32>,
        %shift_right_logical3A = arith.constant 7 : i32
        %shift_right_logical3A_59 = vector.broadcast %shift_right_logical3A : i32 to vector<16xi32>
        %shift_right_logical3A_60 = arith.shrui %get3A_58, %shift_right_logical3A_59 : vector<16xi32>
        %and3A = arith.constant 127 : i32
        %and3A_61 = vector.broadcast %and3A : i32 to vector<16xi32>
        %and3A_62 = arith.andi %get3A_58, %and3A_61 : vector<16xi32>
        tpu.vector_store_idx %arg5[%shift_right_logical3A_60, %and3A_62], %broadcast_in_dim3A_41 {add = true} : memref<80x128xf32, #tpu.memory_space<vmem>>[vector<16xi32>, vector<16xi32>], vector<16xf32>,
        %scan3A_63 = arith.constant 0 : i32
        scf.yield %scan3A_63 : i32
      }
      %scan3A_48 = arith.constant 1250 : i32
      "tpu.region"() ({
        %run_scoped3A = tpu.sem_alloc : memref<!tpu.dma_semaphore, #tpu.memory_space<semaphore_mem>>
        %dma_start3A = arith.constant 0 : i32
        %dma_start3A_55 = arith.constant 0 : i32
        %dma_start3A_56 = tpu.memref_slice %arg9[%dma_start3A, %dma_start3A_55] : memref<80x128xf32, #tpu.memory_space<vmem_shared>> -> memref<80x128xf32, #tpu.memory_space<vmem_shared>>
        tpu.enqueue_indirect_dma source(%arg5 : memref<80x128xf32, #tpu.memory_space<vmem>>) target(%dma_start3A_56 : memref<80x128xf32, #tpu.memory_space<vmem_shared>>) offsets(%arg8 : memref<80xi32, #tpu.memory_space<vmem>>) semaphore(%run_scoped3A : memref<!tpu.dma_semaphore, #tpu.memory_space<semaphore_mem>>) {add = true}
        %dma_wait3A = arith.constant 0 : i32
        %dma_wait3A_57 = arith.constant 0 : i32
        %dma_wait3A_58 = tpu.memref_slice %arg9[%dma_wait3A, %dma_wait3A_57] : memref<80x128xf32, #tpu.memory_space<vmem_shared>> -> memref<80x128xf32, #tpu.memory_space<vmem_shared>>
        tpu.wait_indirect_dma semaphore(%run_scoped3A : memref<!tpu.dma_semaphore, #tpu.memory_space<semaphore_mem>>) src(%arg5 : memref<80x128xf32, #tpu.memory_space<vmem>>) dst(%dma_wait3A_58 : memref<80x128xf32, #tpu.memory_space<vmem_shared>>)
        tpu.yield
      }) : () -> ()
      %barrier3A_49 = arith.constant 0 : index
      tpu.barrier barrier_id(%barrier3A_49)
      %lt3A_50 = arith.constant 10 : i32
      %lt3A_51 = arith.cmpi slt, %arg1, %lt3A_50 : i32
      %convert_element_type3A_52 = arith.extui %lt3A_51 : i1 to i32
      %cond3A_53 = arith.constant 0 : i32
      %cond3A_54 = arith.cmpi ne, %convert_element_type3A_52, %cond3A_53 : i32
      scf.if %cond3A_54 {
        %mul3A = arith.constant 8 : i32
        %mul3A_55 = arith.muli %arg1, %mul3A : i32
        "tpu.region"() ({
          %run_scoped3A = tpu.sem_alloc : memref<!tpu.dma_semaphore, #tpu.memory_space<semaphore_mem>>
          %dma_start3A = arith.constant 0 : i32
          %dma_start3A_2998 = tpu.memref_slice %arg9[%mul3A_55, %dma_start3A] : memref<80x128xf32, #tpu.memory_space<vmem_shared>> -> memref<8x128xf32, #tpu.memory_space<vmem_shared>>
          %dma_start3A_2999 = arith.constant 0 : i32
          %dma_start3A_3000 = tpu.memref_slice %arg9[%mul3A_55, %dma_start3A_2999] : memref<80x128xf32, #tpu.memory_space<vmem_shared>> -> memref<8x128xf32, #tpu.memory_space<vmem_shared>>
          tpu.enqueue_dma source(%dma_start3A_3000 : memref<8x128xf32, #tpu.memory_space<vmem_shared>>) target(%arg6 : memref<8x128xf32, #tpu.memory_space<vmem>>) target_semaphore(%run_scoped3A : memref<!tpu.dma_semaphore, #tpu.memory_space<semaphore_mem>>)
          %dma_wait3A = arith.constant 0 : i32
          %dma_wait3A_3001 = tpu.memref_slice %arg9[%mul3A_55, %dma_wait3A] : memref<80x128xf32, #tpu.memory_space<vmem_shared>> -> memref<8x128xf32, #tpu.memory_space<vmem_shared>>
          %dma_wait3A_3002 = arith.constant 0 : i32
          %dma_wait3A_3003 = tpu.memref_slice %arg9[%mul3A_55, %dma_wait3A_3002] : memref<80x128xf32, #tpu.memory_space<vmem_shared>> -> memref<8x128xf32, #tpu.memory_space<vmem_shared>>
          tpu.wait_dma2 semaphore(%run_scoped3A : memref<!tpu.dma_semaphore, #tpu.memory_space<semaphore_mem>>) src(%dma_wait3A_3003 : memref<8x128xf32, #tpu.memory_space<vmem_shared>>) dst(%arg6 : memref<8x128xf32, #tpu.memory_space<vmem>>)
          tpu.yield
        }) : () -> ()
        %get3A = arith.constant 0 : i32
        %get3A_56 = arith.index_cast %get3A : i32 to index
        %get3A_57 = arith.constant 0 : index
        %get3A_58 = tpu.vector_load %arg6[%get3A_56, %get3A_57] {strides = array<i32>} : memref<8x128xf32, #tpu.memory_space<vmem>>, vector<16xf32>,
        %add3A_59 = arith.constant 1.000000e+00 : f32
        %add3A_60 = vector.broadcast %add3A_59 : f32 to vector<16xf32>
        %add3A_61 = arith.addf %get3A_58, %add3A_60 : vector<16xf32>
        %bitcast3A = vector.bitcast %add3A_61 : vector<16xf32> to vector<16xi32>
        %shift_right_arithmetic3A = arith.constant 1 : i32
        %shift_right_arithmetic3A_62 = vector.broadcast %shift_right_arithmetic3A : i32 to vector<16xi32>
        %shift_right_arithmetic3A_63 = arith.shrsi %bitcast3A, %shift_right_arithmetic3A_62 : vector<16xi32>
        %sub3A = arith.constant 1597463007 : i32
        %sub3A_64 = vector.broadcast %sub3A : i32 to vector<16xi32>
        %sub3A_65 = arith.subi %sub3A_64, %shift_right_arithmetic3A_63 : vector<16xi32>
        %bitcast3A_66 = vector.bitcast %sub3A_65 : vector<16xi32> to vector<16xf32>
        %mul3A_67 = arith.constant 5.000000e-01 : f32
        %mul3A_68 = vector.broadcast %mul3A_67 : f32 to vector<16xf32>
        %mul3A_69 = arith.mulf %mul3A_68, %add3A_61 : vector<16xf32>
        %mul3A_70 = arith.mulf %mul3A_69, %bitcast3A_66 : vector<16xf32>
        %mul3A_71 = arith.mulf %mul3A_70, %bitcast3A_66 : vector<16xf32>
        %sub3A_72 = arith.constant 1.500000e+00 : f32
        %sub3A_73 = vector.broadcast %sub3A_72 : f32 to vector<16xf32>
        %sub3A_74 = arith.subf %sub3A_73, %mul3A_71 : vector<16xf32>
        %mul3A_75 = arith.mulf %bitcast3A_66, %sub3A_74 : vector<16xf32>
        %mul3A_76 = arith.constant 5.000000e-01 : f32
        %mul3A_77 = vector.broadcast %mul3A_76 : f32 to vector<16xf32>
        %mul3A_78 = arith.mulf %mul3A_77, %add3A_61 : vector<16xf32>
        %mul3A_79 = arith.mulf %mul3A_78, %mul3A_75 : vector<16xf32>
        %mul3A_80 = arith.mulf %mul3A_79, %mul3A_75 : vector<16xf32>
        %sub3A_81 = arith.constant 1.500000e+00 : f32
        %sub3A_82 = vector.broadcast %sub3A_81 : f32 to vector<16xf32>
        %sub3A_83 = arith.subf %sub3A_82, %mul3A_80 : vector<16xf32>
        %mul3A_84 = arith.mulf %mul3A_75, %sub3A_83 : vector<16xf32>
        %mul3A_85 = arith.constant 5.000000e-01 : f32
        %mul3A_86 = vector.broadcast %mul3A_85 : f32 to vector<16xf32>
        %mul3A_87 = arith.mulf %mul3A_86, %add3A_61 : vector<16xf32>
        %mul3A_88 = arith.mulf %mul3A_87, %mul3A_84 : vector<16xf32>
        %mul3A_89 = arith.mulf %mul3A_88, %mul3A_84 : vector<16xf32>
        %sub3A_90 = arith.constant 1.500000e+00 : f32
        %sub3A_91 = vector.broadcast %sub3A_90 : f32 to vector<16xf32>
        %sub3A_92 = arith.subf %sub3A_91, %mul3A_89 : vector<16xf32>
        %mul3A_93 = arith.mulf %mul3A_84, %sub3A_92 : vector<16xf32>
        %swap3A_94 = arith.constant 0 : i32
        %swap3A_95 = arith.index_cast %swap3A_94 : i32 to index
        %swap3A_96 = arith.constant 0 : index
        %swap3A_97 = tpu.vector_load %arg7[%swap3A_95, %swap3A_96] {strides = array<i32>} : memref<8x128xf32, #tpu.memory_space<vmem>>, vector<16xf32>,
        tpu.vector_store %arg7[%swap3A_95, %swap3A_96], %mul3A_93 {strides = array<i32>} : memref<8x128xf32, #tpu.memory_space<vmem>>, vector<16xf32>,
        %get3A_98 = arith.constant 0 : i32
        %get3A_99 = arith.index_cast %get3A_98 : i32 to index
        %get3A_100 = arith.constant 16 : index
        %get3A_101 = tpu.vector_load %arg6[%get3A_99, %get3A_100] {strides = array<i32>} : memref<8x128xf32, #tpu.memory_space<vmem>>, vector<16xf32>,
        %add3A_102 = arith.constant 1.000000e+00 : f32
        %add3A_103 = vector.broadcast %add3A_102 : f32 to vector<16xf32>
        %add3A_104 = arith.addf %get3A_101, %add3A_103 : vector<16xf32>
        %bitcast3A_105 = vector.bitcast %add3A_104 : vector<16xf32> to vector<16xi32>
        %shift_right_arithmetic3A_106 = arith.constant 1 : i32
        %shift_right_arithmetic3A_107 = vector.broadcast %shift_right_arithmetic3A_106 : i32 to vector<16xi32>
        %shift_right_arithmetic3A_108 = arith.shrsi %bitcast3A_105, %shift_right_arithmetic3A_107 : vector<16xi32>
        %sub3A_109 = arith.constant 1597463007 : i32
        %sub3A_110 = vector.broadcast %sub3A_109 : i32 to vector<16xi32>
        %sub3A_111 = arith.subi %sub3A_110, %shift_right_arithmetic3A_108 : vector<16xi32>
        %bitcast3A_112 = vector.bitcast %sub3A_111 : vector<16xi32> to vector<16xf32>
        %mul3A_113 = arith.constant 5.000000e-01 : f32
        %mul3A_114 = vector.broadcast %mul3A_113 : f32 to vector<16xf32>
        %mul3A_115 = arith.mulf %mul3A_114, %add3A_104 : vector<16xf32>
        %mul3A_116 = arith.mulf %mul3A_115, %bitcast3A_112 : vector<16xf32>
        %mul3A_117 = arith.mulf %mul3A_116, %bitcast3A_112 : vector<16xf32>
        %sub3A_118 = arith.constant 1.500000e+00 : f32
        %sub3A_119 = vector.broadcast %sub3A_118 : f32 to vector<16xf32>
        %sub3A_120 = arith.subf %sub3A_119, %mul3A_117 : vector<16xf32>
        %mul3A_121 = arith.mulf %bitcast3A_112, %sub3A_120 : vector<16xf32>
        %mul3A_122 = arith.constant 5.000000e-01 : f32
        %mul3A_123 = vector.broadcast %mul3A_122 : f32 to vector<16xf32>
        %mul3A_124 = arith.mulf %mul3A_123, %add3A_104 : vector<16xf32>
        %mul3A_125 = arith.mulf %mul3A_124, %mul3A_121 : vector<16xf32>
        %mul3A_126 = arith.mulf %mul3A_125, %mul3A_121 : vector<16xf32>
        %sub3A_127 = arith.constant 1.500000e+00 : f32
        %sub3A_128 = vector.broadcast %sub3A_127 : f32 to vector<16xf32>
        %sub3A_129 = arith.subf %sub3A_128, %mul3A_126 : vector<16xf32>
        %mul3A_130 = arith.mulf %mul3A_121, %sub3A_129 : vector<16xf32>
        %mul3A_131 = arith.constant 5.000000e-01 : f32
        %mul3A_132 = vector.broadcast %mul3A_131 : f32 to vector<16xf32>
        %mul3A_133 = arith.mulf %mul3A_132, %add3A_104 : vector<16xf32>
        %mul3A_134 = arith.mulf %mul3A_133, %mul3A_130 : vector<16xf32>
        %mul3A_135 = arith.mulf %mul3A_134, %mul3A_130 : vector<16xf32>
        %sub3A_136 = arith.constant 1.500000e+00 : f32
        %sub3A_137 = vector.broadcast %sub3A_136 : f32 to vector<16xf32>
        %sub3A_138 = arith.subf %sub3A_137, %mul3A_135 : vector<16xf32>
        %mul3A_139 = arith.mulf %mul3A_130, %sub3A_138 : vector<16xf32>
        %swap3A_140 = arith.constant 0 : i32
        %swap3A_141 = arith.index_cast %swap3A_140 : i32 to index
        %swap3A_142 = arith.constant 16 : index
        %swap3A_143 = tpu.vector_load %arg7[%swap3A_141, %swap3A_142] {strides = array<i32>} : memref<8x128xf32, #tpu.memory_space<vmem>>, vector<16xf32>,
        tpu.vector_store %arg7[%swap3A_141, %swap3A_142], %mul3A_139 {strides = array<i32>} : memref<8x128xf32, #tpu.memory_space<vmem>>, vector<16xf32>,
        %get3A_144 = arith.constant 0 : i32
        %get3A_145 = arith.index_cast %get3A_144 : i32 to index
        %get3A_146 = arith.constant 32 : index
        %get3A_147 = tpu.vector_load %arg6[%get3A_145, %get3A_146] {strides = array<i32>} : memref<8x128xf32, #tpu.memory_space<vmem>>, vector<16xf32>,
        %add3A_148 = arith.constant 1.000000e+00 : f32
        %add3A_149 = vector.broadcast %add3A_148 : f32 to vector<16xf32>
        %add3A_150 = arith.addf %get3A_147, %add3A_149 : vector<16xf32>
        %bitcast3A_151 = vector.bitcast %add3A_150 : vector<16xf32> to vector<16xi32>
        %shift_right_arithmetic3A_152 = arith.constant 1 : i32
        %shift_right_arithmetic3A_153 = vector.broadcast %shift_right_arithmetic3A_152 : i32 to vector<16xi32>
        %shift_right_arithmetic3A_154 = arith.shrsi %bitcast3A_151, %shift_right_arithmetic3A_153 : vector<16xi32>
        %sub3A_155 = arith.constant 1597463007 : i32
        %sub3A_156 = vector.broadcast %sub3A_155 : i32 to vector<16xi32>
        %sub3A_157 = arith.subi %sub3A_156, %shift_right_arithmetic3A_154 : vector<16xi32>
        %bitcast3A_158 = vector.bitcast %sub3A_157 : vector<16xi32> to vector<16xf32>
        %mul3A_159 = arith.constant 5.000000e-01 : f32
        %mul3A_160 = vector.broadcast %mul3A_159 : f32 to vector<16xf32>
        %mul3A_161 = arith.mulf %mul3A_160, %add3A_150 : vector<16xf32>
        %mul3A_162 = arith.mulf %mul3A_161, %bitcast3A_158 : vector<16xf32>
        %mul3A_163 = arith.mulf %mul3A_162, %bitcast3A_158 : vector<16xf32>
        %sub3A_164 = arith.constant 1.500000e+00 : f32
        %sub3A_165 = vector.broadcast %sub3A_164 : f32 to vector<16xf32>
        %sub3A_166 = arith.subf %sub3A_165, %mul3A_163 : vector<16xf32>
        %mul3A_167 = arith.mulf %bitcast3A_158, %sub3A_166 : vector<16xf32>
        %mul3A_168 = arith.constant 5.000000e-01 : f32
        %mul3A_169 = vector.broadcast %mul3A_168 : f32 to vector<16xf32>
        %mul3A_170 = arith.mulf %mul3A_169, %add3A_150 : vector<16xf32>
        %mul3A_171 = arith.mulf %mul3A_170, %mul3A_167 : vector<16xf32>
        %mul3A_172 = arith.mulf %mul3A_171, %mul3A_167 : vector<16xf32>
        %sub3A_173 = arith.constant 1.500000e+00 : f32
        %sub3A_174 = vector.broadcast %sub3A_173 : f32 to vector<16xf32>
        %sub3A_175 = arith.subf %sub3A_174, %mul3A_172 : vector<16xf32>
        %mul3A_176 = arith.mulf %mul3A_167, %sub3A_175 : vector<16xf32>
        %mul3A_177 = arith.constant 5.000000e-01 : f32
        %mul3A_178 = vector.broadcast %mul3A_177 : f32 to vector<16xf32>
        %mul3A_179 = arith.mulf %mul3A_178, %add3A_150 : vector<16xf32>
        %mul3A_180 = arith.mulf %mul3A_179, %mul3A_176 : vector<16xf32>
        %mul3A_181 = arith.mulf %mul3A_180, %mul3A_176 : vector<16xf32>
        %sub3A_182 = arith.constant 1.500000e+00 : f32
        %sub3A_183 = vector.broadcast %sub3A_182 : f32 to vector<16xf32>
        %sub3A_184 = arith.subf %sub3A_183, %mul3A_181 : vector<16xf32>
        %mul3A_185 = arith.mulf %mul3A_176, %sub3A_184 : vector<16xf32>
        %swap3A_186 = arith.constant 0 : i32
        %swap3A_187 = arith.index_cast %swap3A_186 : i32 to index
        %swap3A_188 = arith.constant 32 : index
        %swap3A_189 = tpu.vector_load %arg7[%swap3A_187, %swap3A_188] {strides = array<i32>} : memref<8x128xf32, #tpu.memory_space<vmem>>, vector<16xf32>,
        tpu.vector_store %arg7[%swap3A_187, %swap3A_188], %mul3A_185 {strides = array<i32>} : memref<8x128xf32, #tpu.memory_space<vmem>>, vector<16xf32>,
        %get3A_190 = arith.constant 0 : i32
        %get3A_191 = arith.index_cast %get3A_190 : i32 to index
        %get3A_192 = arith.constant 48 : index
        %get3A_193 = tpu.vector_load %arg6[%get3A_191, %get3A_192] {strides = array<i32>} : memref<8x128xf32, #tpu.memory_space<vmem>>, vector<16xf32>,
        %add3A_194 = arith.constant 1.000000e+00 : f32
        %add3A_195 = vector.broadcast %add3A_194 : f32 to vector<16xf32>
        %add3A_196 = arith.addf %get3A_193, %add3A_195 : vector<16xf32>
        %bitcast3A_197 = vector.bitcast %add3A_196 : vector<16xf32> to vector<16xi32>
        %shift_right_arithmetic3A_198 = arith.constant 1 : i32
        %shift_right_arithmetic3A_199 = vector.broadcast %shift_right_arithmetic3A_198 : i32 to vector<16xi32>
        %shift_right_arithmetic3A_200 = arith.shrsi %bitcast3A_197, %shift_right_arithmetic3A_199 : vector<16xi32>
        %sub3A_201 = arith.constant 1597463007 : i32
        %sub3A_202 = vector.broadcast %sub3A_201 : i32 to vector<16xi32>
        %sub3A_203 = arith.subi %sub3A_202, %shift_right_arithmetic3A_200 : vector<16xi32>
        %bitcast3A_204 = vector.bitcast %sub3A_203 : vector<16xi32> to vector<16xf32>
        %mul3A_205 = arith.constant 5.000000e-01 : f32
        %mul3A_206 = vector.broadcast %mul3A_205 : f32 to vector<16xf32>
        %mul3A_207 = arith.mulf %mul3A_206, %add3A_196 : vector<16xf32>
        %mul3A_208 = arith.mulf %mul3A_207, %bitcast3A_204 : vector<16xf32>
        %mul3A_209 = arith.mulf %mul3A_208, %bitcast3A_204 : vector<16xf32>
        %sub3A_210 = arith.constant 1.500000e+00 : f32
        %sub3A_211 = vector.broadcast %sub3A_210 : f32 to vector<16xf32>
        %sub3A_212 = arith.subf %sub3A_211, %mul3A_209 : vector<16xf32>
        %mul3A_213 = arith.mulf %bitcast3A_204, %sub3A_212 : vector<16xf32>
        %mul3A_214 = arith.constant 5.000000e-01 : f32
        %mul3A_215 = vector.broadcast %mul3A_214 : f32 to vector<16xf32>
        %mul3A_216 = arith.mulf %mul3A_215, %add3A_196 : vector<16xf32>
        %mul3A_217 = arith.mulf %mul3A_216, %mul3A_213 : vector<16xf32>
        %mul3A_218 = arith.mulf %mul3A_217, %mul3A_213 : vector<16xf32>
        %sub3A_219 = arith.constant 1.500000e+00 : f32
        %sub3A_220 = vector.broadcast %sub3A_219 : f32 to vector<16xf32>
        %sub3A_221 = arith.subf %sub3A_220, %mul3A_218 : vector<16xf32>
        %mul3A_222 = arith.mulf %mul3A_213, %sub3A_221 : vector<16xf32>
        %mul3A_223 = arith.constant 5.000000e-01 : f32
        %mul3A_224 = vector.broadcast %mul3A_223 : f32 to vector<16xf32>
        %mul3A_225 = arith.mulf %mul3A_224, %add3A_196 : vector<16xf32>
        %mul3A_226 = arith.mulf %mul3A_225, %mul3A_222 : vector<16xf32>
        %mul3A_227 = arith.mulf %mul3A_226, %mul3A_222 : vector<16xf32>
        %sub3A_228 = arith.constant 1.500000e+00 : f32
        %sub3A_229 = vector.broadcast %sub3A_228 : f32 to vector<16xf32>
        %sub3A_230 = arith.subf %sub3A_229, %mul3A_227 : vector<16xf32>
        %mul3A_231 = arith.mulf %mul3A_222, %sub3A_230 : vector<16xf32>
        %swap3A_232 = arith.constant 0 : i32
        %swap3A_233 = arith.index_cast %swap3A_232 : i32 to index
        %swap3A_234 = arith.constant 48 : index
        %swap3A_235 = tpu.vector_load %arg7[%swap3A_233, %swap3A_234] {strides = array<i32>} : memref<8x128xf32, #tpu.memory_space<vmem>>, vector<16xf32>,
        tpu.vector_store %arg7[%swap3A_233, %swap3A_234], %mul3A_231 {strides = array<i32>} : memref<8x128xf32, #tpu.memory_space<vmem>>, vector<16xf32>,
        %get3A_236 = arith.constant 0 : i32
        %get3A_237 = arith.index_cast %get3A_236 : i32 to index
        %get3A_238 = arith.constant 64 : index
        %get3A_239 = tpu.vector_load %arg6[%get3A_237, %get3A_238] {strides = array<i32>} : memref<8x128xf32, #tpu.memory_space<vmem>>, vector<16xf32>,
        %add3A_240 = arith.constant 1.000000e+00 : f32
        %add3A_241 = vector.broadcast %add3A_240 : f32 to vector<16xf32>
        %add3A_242 = arith.addf %get3A_239, %add3A_241 : vector<16xf32>
        %bitcast3A_243 = vector.bitcast %add3A_242 : vector<16xf32> to vector<16xi32>
        %shift_right_arithmetic3A_244 = arith.constant 1 : i32
        %shift_right_arithmetic3A_245 = vector.broadcast %shift_right_arithmetic3A_244 : i32 to vector<16xi32>
        %shift_right_arithmetic3A_246 = arith.shrsi %bitcast3A_243, %shift_right_arithmetic3A_245 : vector<16xi32>
        %sub3A_247 = arith.constant 1597463007 : i32
        %sub3A_248 = vector.broadcast %sub3A_247 : i32 to vector<16xi32>
        %sub3A_249 = arith.subi %sub3A_248, %shift_right_arithmetic3A_246 : vector<16xi32>
        %bitcast3A_250 = vector.bitcast %sub3A_249 : vector<16xi32> to vector<16xf32>
        %mul3A_251 = arith.constant 5.000000e-01 : f32
        %mul3A_252 = vector.broadcast %mul3A_251 : f32 to vector<16xf32>
        %mul3A_253 = arith.mulf %mul3A_252, %add3A_242 : vector<16xf32>
        %mul3A_254 = arith.mulf %mul3A_253, %bitcast3A_250 : vector<16xf32>
        %mul3A_255 = arith.mulf %mul3A_254, %bitcast3A_250 : vector<16xf32>
        %sub3A_256 = arith.constant 1.500000e+00 : f32
        %sub3A_257 = vector.broadcast %sub3A_256 : f32 to vector<16xf32>
        %sub3A_258 = arith.subf %sub3A_257, %mul3A_255 : vector<16xf32>
        %mul3A_259 = arith.mulf %bitcast3A_250, %sub3A_258 : vector<16xf32>
        %mul3A_260 = arith.constant 5.000000e-01 : f32
        %mul3A_261 = vector.broadcast %mul3A_260 : f32 to vector<16xf32>
        %mul3A_262 = arith.mulf %mul3A_261, %add3A_242 : vector<16xf32>
        %mul3A_263 = arith.mulf %mul3A_262, %mul3A_259 : vector<16xf32>
        %mul3A_264 = arith.mulf %mul3A_263, %mul3A_259 : vector<16xf32>
        %sub3A_265 = arith.constant 1.500000e+00 : f32
        %sub3A_266 = vector.broadcast %sub3A_265 : f32 to vector<16xf32>
        %sub3A_267 = arith.subf %sub3A_266, %mul3A_264 : vector<16xf32>
        %mul3A_268 = arith.mulf %mul3A_259, %sub3A_267 : vector<16xf32>
        %mul3A_269 = arith.constant 5.000000e-01 : f32
        %mul3A_270 = vector.broadcast %mul3A_269 : f32 to vector<16xf32>
        %mul3A_271 = arith.mulf %mul3A_270, %add3A_242 : vector<16xf32>
        %mul3A_272 = arith.mulf %mul3A_271, %mul3A_268 : vector<16xf32>
        %mul3A_273 = arith.mulf %mul3A_272, %mul3A_268 : vector<16xf32>
        %sub3A_274 = arith.constant 1.500000e+00 : f32
        %sub3A_275 = vector.broadcast %sub3A_274 : f32 to vector<16xf32>
        %sub3A_276 = arith.subf %sub3A_275, %mul3A_273 : vector<16xf32>
        %mul3A_277 = arith.mulf %mul3A_268, %sub3A_276 : vector<16xf32>
        %swap3A_278 = arith.constant 0 : i32
        %swap3A_279 = arith.index_cast %swap3A_278 : i32 to index
        %swap3A_280 = arith.constant 64 : index
        %swap3A_281 = tpu.vector_load %arg7[%swap3A_279, %swap3A_280] {strides = array<i32>} : memref<8x128xf32, #tpu.memory_space<vmem>>, vector<16xf32>,
        tpu.vector_store %arg7[%swap3A_279, %swap3A_280], %mul3A_277 {strides = array<i32>} : memref<8x128xf32, #tpu.memory_space<vmem>>, vector<16xf32>,
        %get3A_282 = arith.constant 0 : i32
        %get3A_283 = arith.index_cast %get3A_282 : i32 to index
        %get3A_284 = arith.constant 80 : index
        %get3A_285 = tpu.vector_load %arg6[%get3A_283, %get3A_284] {strides = array<i32>} : memref<8x128xf32, #tpu.memory_space<vmem>>, vector<16xf32>,
        %add3A_286 = arith.constant 1.000000e+00 : f32
        %add3A_287 = vector.broadcast %add3A_286 : f32 to vector<16xf32>
        %add3A_288 = arith.addf %get3A_285, %add3A_287 : vector<16xf32>
        %bitcast3A_289 = vector.bitcast %add3A_288 : vector<16xf32> to vector<16xi32>
        %shift_right_arithmetic3A_290 = arith.constant 1 : i32
        %shift_right_arithmetic3A_291 = vector.broadcast %shift_right_arithmetic3A_290 : i32 to vector<16xi32>
        %shift_right_arithmetic3A_292 = arith.shrsi %bitcast3A_289, %shift_right_arithmetic3A_291 : vector<16xi32>
        %sub3A_293 = arith.constant 1597463007 : i32
        %sub3A_294 = vector.broadcast %sub3A_293 : i32 to vector<16xi32>
        %sub3A_295 = arith.subi %sub3A_294, %shift_right_arithmetic3A_292 : vector<16xi32>
        %bitcast3A_296 = vector.bitcast %sub3A_295 : vector<16xi32> to vector<16xf32>
        %mul3A_297 = arith.constant 5.000000e-01 : f32
        %mul3A_298 = vector.broadcast %mul3A_297 : f32 to vector<16xf32>
        %mul3A_299 = arith.mulf %mul3A_298, %add3A_288 : vector<16xf32>
        %mul3A_300 = arith.mulf %mul3A_299, %bitcast3A_296 : vector<16xf32>
        %mul3A_301 = arith.mulf %mul3A_300, %bitcast3A_296 : vector<16xf32>
        %sub3A_302 = arith.constant 1.500000e+00 : f32
        %sub3A_303 = vector.broadcast %sub3A_302 : f32 to vector<16xf32>
        %sub3A_304 = arith.subf %sub3A_303, %mul3A_301 : vector<16xf32>
        %mul3A_305 = arith.mulf %bitcast3A_296, %sub3A_304 : vector<16xf32>
        %mul3A_306 = arith.constant 5.000000e-01 : f32
        %mul3A_307 = vector.broadcast %mul3A_306 : f32 to vector<16xf32>
        %mul3A_308 = arith.mulf %mul3A_307, %add3A_288 : vector<16xf32>
        %mul3A_309 = arith.mulf %mul3A_308, %mul3A_305 : vector<16xf32>
        %mul3A_310 = arith.mulf %mul3A_309, %mul3A_305 : vector<16xf32>
        %sub3A_311 = arith.constant 1.500000e+00 : f32
        %sub3A_312 = vector.broadcast %sub3A_311 : f32 to vector<16xf32>
        %sub3A_313 = arith.subf %sub3A_312, %mul3A_310 : vector<16xf32>
        %mul3A_314 = arith.mulf %mul3A_305, %sub3A_313 : vector<16xf32>
        %mul3A_315 = arith.constant 5.000000e-01 : f32
        %mul3A_316 = vector.broadcast %mul3A_315 : f32 to vector<16xf32>
        %mul3A_317 = arith.mulf %mul3A_316, %add3A_288 : vector<16xf32>
        %mul3A_318 = arith.mulf %mul3A_317, %mul3A_314 : vector<16xf32>
        %mul3A_319 = arith.mulf %mul3A_318, %mul3A_314 : vector<16xf32>
        %sub3A_320 = arith.constant 1.500000e+00 : f32
        %sub3A_321 = vector.broadcast %sub3A_320 : f32 to vector<16xf32>
        %sub3A_322 = arith.subf %sub3A_321, %mul3A_319 : vector<16xf32>
        %mul3A_323 = arith.mulf %mul3A_314, %sub3A_322 : vector<16xf32>
        %swap3A_324 = arith.constant 0 : i32
        %swap3A_325 = arith.index_cast %swap3A_324 : i32 to index
        %swap3A_326 = arith.constant 80 : index
        %swap3A_327 = tpu.vector_load %arg7[%swap3A_325, %swap3A_326] {strides = array<i32>} : memref<8x128xf32, #tpu.memory_space<vmem>>, vector<16xf32>,
        tpu.vector_store %arg7[%swap3A_325, %swap3A_326], %mul3A_323 {strides = array<i32>} : memref<8x128xf32, #tpu.memory_space<vmem>>, vector<16xf32>,
        %get3A_328 = arith.constant 0 : i32
        %get3A_329 = arith.index_cast %get3A_328 : i32 to index
        %get3A_330 = arith.constant 96 : index
        %get3A_331 = tpu.vector_load %arg6[%get3A_329, %get3A_330] {strides = array<i32>} : memref<8x128xf32, #tpu.memory_space<vmem>>, vector<16xf32>,
        %add3A_332 = arith.constant 1.000000e+00 : f32
        %add3A_333 = vector.broadcast %add3A_332 : f32 to vector<16xf32>
        %add3A_334 = arith.addf %get3A_331, %add3A_333 : vector<16xf32>
        %bitcast3A_335 = vector.bitcast %add3A_334 : vector<16xf32> to vector<16xi32>
        %shift_right_arithmetic3A_336 = arith.constant 1 : i32
        %shift_right_arithmetic3A_337 = vector.broadcast %shift_right_arithmetic3A_336 : i32 to vector<16xi32>
        %shift_right_arithmetic3A_338 = arith.shrsi %bitcast3A_335, %shift_right_arithmetic3A_337 : vector<16xi32>
        %sub3A_339 = arith.constant 1597463007 : i32
        %sub3A_340 = vector.broadcast %sub3A_339 : i32 to vector<16xi32>
        %sub3A_341 = arith.subi %sub3A_340, %shift_right_arithmetic3A_338 : vector<16xi32>
        %bitcast3A_342 = vector.bitcast %sub3A_341 : vector<16xi32> to vector<16xf32>
        %mul3A_343 = arith.constant 5.000000e-01 : f32
        %mul3A_344 = vector.broadcast %mul3A_343 : f32 to vector<16xf32>
        %mul3A_345 = arith.mulf %mul3A_344, %add3A_334 : vector<16xf32>
        %mul3A_346 = arith.mulf %mul3A_345, %bitcast3A_342 : vector<16xf32>
        %mul3A_347 = arith.mulf %mul3A_346, %bitcast3A_342 : vector<16xf32>
        %sub3A_348 = arith.constant 1.500000e+00 : f32
        %sub3A_349 = vector.broadcast %sub3A_348 : f32 to vector<16xf32>
        %sub3A_350 = arith.subf %sub3A_349, %mul3A_347 : vector<16xf32>
        %mul3A_351 = arith.mulf %bitcast3A_342, %sub3A_350 : vector<16xf32>
        %mul3A_352 = arith.constant 5.000000e-01 : f32
        %mul3A_353 = vector.broadcast %mul3A_352 : f32 to vector<16xf32>
        %mul3A_354 = arith.mulf %mul3A_353, %add3A_334 : vector<16xf32>
        %mul3A_355 = arith.mulf %mul3A_354, %mul3A_351 : vector<16xf32>
        %mul3A_356 = arith.mulf %mul3A_355, %mul3A_351 : vector<16xf32>
        %sub3A_357 = arith.constant 1.500000e+00 : f32
        %sub3A_358 = vector.broadcast %sub3A_357 : f32 to vector<16xf32>
        %sub3A_359 = arith.subf %sub3A_358, %mul3A_356 : vector<16xf32>
        %mul3A_360 = arith.mulf %mul3A_351, %sub3A_359 : vector<16xf32>
        %mul3A_361 = arith.constant 5.000000e-01 : f32
        %mul3A_362 = vector.broadcast %mul3A_361 : f32 to vector<16xf32>
        %mul3A_363 = arith.mulf %mul3A_362, %add3A_334 : vector<16xf32>
        %mul3A_364 = arith.mulf %mul3A_363, %mul3A_360 : vector<16xf32>
        %mul3A_365 = arith.mulf %mul3A_364, %mul3A_360 : vector<16xf32>
        %sub3A_366 = arith.constant 1.500000e+00 : f32
        %sub3A_367 = vector.broadcast %sub3A_366 : f32 to vector<16xf32>
        %sub3A_368 = arith.subf %sub3A_367, %mul3A_365 : vector<16xf32>
        %mul3A_369 = arith.mulf %mul3A_360, %sub3A_368 : vector<16xf32>
        %swap3A_370 = arith.constant 0 : i32
        %swap3A_371 = arith.index_cast %swap3A_370 : i32 to index
        %swap3A_372 = arith.constant 96 : index
        %swap3A_373 = tpu.vector_load %arg7[%swap3A_371, %swap3A_372] {strides = array<i32>} : memref<8x128xf32, #tpu.memory_space<vmem>>, vector<16xf32>,
        tpu.vector_store %arg7[%swap3A_371, %swap3A_372], %mul3A_369 {strides = array<i32>} : memref<8x128xf32, #tpu.memory_space<vmem>>, vector<16xf32>,
        %get3A_374 = arith.constant 0 : i32
        %get3A_375 = arith.index_cast %get3A_374 : i32 to index
        %get3A_376 = arith.constant 112 : index
        %get3A_377 = tpu.vector_load %arg6[%get3A_375, %get3A_376] {strides = array<i32>} : memref<8x128xf32, #tpu.memory_space<vmem>>, vector<16xf32>,
        %add3A_378 = arith.constant 1.000000e+00 : f32
        %add3A_379 = vector.broadcast %add3A_378 : f32 to vector<16xf32>
        %add3A_380 = arith.addf %get3A_377, %add3A_379 : vector<16xf32>
        %bitcast3A_381 = vector.bitcast %add3A_380 : vector<16xf32> to vector<16xi32>
        %shift_right_arithmetic3A_382 = arith.constant 1 : i32
        %shift_right_arithmetic3A_383 = vector.broadcast %shift_right_arithmetic3A_382 : i32 to vector<16xi32>
        %shift_right_arithmetic3A_384 = arith.shrsi %bitcast3A_381, %shift_right_arithmetic3A_383 : vector<16xi32>
        %sub3A_385 = arith.constant 1597463007 : i32
        %sub3A_386 = vector.broadcast %sub3A_385 : i32 to vector<16xi32>
        %sub3A_387 = arith.subi %sub3A_386, %shift_right_arithmetic3A_384 : vector<16xi32>
        %bitcast3A_388 = vector.bitcast %sub3A_387 : vector<16xi32> to vector<16xf32>
        %mul3A_389 = arith.constant 5.000000e-01 : f32
        %mul3A_390 = vector.broadcast %mul3A_389 : f32 to vector<16xf32>
        %mul3A_391 = arith.mulf %mul3A_390, %add3A_380 : vector<16xf32>
        %mul3A_392 = arith.mulf %mul3A_391, %bitcast3A_388 : vector<16xf32>
        %mul3A_393 = arith.mulf %mul3A_392, %bitcast3A_388 : vector<16xf32>
        %sub3A_394 = arith.constant 1.500000e+00 : f32
        %sub3A_395 = vector.broadcast %sub3A_394 : f32 to vector<16xf32>
        %sub3A_396 = arith.subf %sub3A_395, %mul3A_393 : vector<16xf32>
        %mul3A_397 = arith.mulf %bitcast3A_388, %sub3A_396 : vector<16xf32>
        %mul3A_398 = arith.constant 5.000000e-01 : f32
        %mul3A_399 = vector.broadcast %mul3A_398 : f32 to vector<16xf32>
        %mul3A_400 = arith.mulf %mul3A_399, %add3A_380 : vector<16xf32>
        %mul3A_401 = arith.mulf %mul3A_400, %mul3A_397 : vector<16xf32>
        %mul3A_402 = arith.mulf %mul3A_401, %mul3A_397 : vector<16xf32>
        %sub3A_403 = arith.constant 1.500000e+00 : f32
        %sub3A_404 = vector.broadcast %sub3A_403 : f32 to vector<16xf32>
        %sub3A_405 = arith.subf %sub3A_404, %mul3A_402 : vector<16xf32>
        %mul3A_406 = arith.mulf %mul3A_397, %sub3A_405 : vector<16xf32>
        %mul3A_407 = arith.constant 5.000000e-01 : f32
        %mul3A_408 = vector.broadcast %mul3A_407 : f32 to vector<16xf32>
        %mul3A_409 = arith.mulf %mul3A_408, %add3A_380 : vector<16xf32>
        %mul3A_410 = arith.mulf %mul3A_409, %mul3A_406 : vector<16xf32>
        %mul3A_411 = arith.mulf %mul3A_410, %mul3A_406 : vector<16xf32>
        %sub3A_412 = arith.constant 1.500000e+00 : f32
        %sub3A_413 = vector.broadcast %sub3A_412 : f32 to vector<16xf32>
        %sub3A_414 = arith.subf %sub3A_413, %mul3A_411 : vector<16xf32>
        %mul3A_415 = arith.mulf %mul3A_406, %sub3A_414 : vector<16xf32>
        %swap3A_416 = arith.constant 0 : i32
        %swap3A_417 = arith.index_cast %swap3A_416 : i32 to index
        %swap3A_418 = arith.constant 112 : index
        %swap3A_419 = tpu.vector_load %arg7[%swap3A_417, %swap3A_418] {strides = array<i32>} : memref<8x128xf32, #tpu.memory_space<vmem>>, vector<16xf32>,
        tpu.vector_store %arg7[%swap3A_417, %swap3A_418], %mul3A_415 {strides = array<i32>} : memref<8x128xf32, #tpu.memory_space<vmem>>, vector<16xf32>,
        %get3A_420 = arith.constant 1 : i32
        %get3A_421 = arith.index_cast %get3A_420 : i32 to index
        %get3A_422 = arith.constant 0 : index
        %get3A_423 = tpu.vector_load %arg6[%get3A_421, %get3A_422] {strides = array<i32>} : memref<8x128xf32, #tpu.memory_space<vmem>>, vector<16xf32>,
        %add3A_424 = arith.constant 1.000000e+00 : f32
        %add3A_425 = vector.broadcast %add3A_424 : f32 to vector<16xf32>
        %add3A_426 = arith.addf %get3A_423, %add3A_425 : vector<16xf32>
        %bitcast3A_427 = vector.bitcast %add3A_426 : vector<16xf32> to vector<16xi32>
        %shift_right_arithmetic3A_428 = arith.constant 1 : i32
        %shift_right_arithmetic3A_429 = vector.broadcast %shift_right_arithmetic3A_428 : i32 to vector<16xi32>
        %shift_right_arithmetic3A_430 = arith.shrsi %bitcast3A_427, %shift_right_arithmetic3A_429 : vector<16xi32>
        %sub3A_431 = arith.constant 1597463007 : i32
        %sub3A_432 = vector.broadcast %sub3A_431 : i32 to vector<16xi32>
        %sub3A_433 = arith.subi %sub3A_432, %shift_right_arithmetic3A_430 : vector<16xi32>
        %bitcast3A_434 = vector.bitcast %sub3A_433 : vector<16xi32> to vector<16xf32>
        %mul3A_435 = arith.constant 5.000000e-01 : f32
        %mul3A_436 = vector.broadcast %mul3A_435 : f32 to vector<16xf32>
        %mul3A_437 = arith.mulf %mul3A_436, %add3A_426 : vector<16xf32>
        %mul3A_438 = arith.mulf %mul3A_437, %bitcast3A_434 : vector<16xf32>
        %mul3A_439 = arith.mulf %mul3A_438, %bitcast3A_434 : vector<16xf32>
        %sub3A_440 = arith.constant 1.500000e+00 : f32
        %sub3A_441 = vector.broadcast %sub3A_440 : f32 to vector<16xf32>
        %sub3A_442 = arith.subf %sub3A_441, %mul3A_439 : vector<16xf32>
        %mul3A_443 = arith.mulf %bitcast3A_434, %sub3A_442 : vector<16xf32>
        %mul3A_444 = arith.constant 5.000000e-01 : f32
        %mul3A_445 = vector.broadcast %mul3A_444 : f32 to vector<16xf32>
        %mul3A_446 = arith.mulf %mul3A_445, %add3A_426 : vector<16xf32>
        %mul3A_447 = arith.mulf %mul3A_446, %mul3A_443 : vector<16xf32>
        %mul3A_448 = arith.mulf %mul3A_447, %mul3A_443 : vector<16xf32>
        %sub3A_449 = arith.constant 1.500000e+00 : f32
        %sub3A_450 = vector.broadcast %sub3A_449 : f32 to vector<16xf32>
        %sub3A_451 = arith.subf %sub3A_450, %mul3A_448 : vector<16xf32>
        %mul3A_452 = arith.mulf %mul3A_443, %sub3A_451 : vector<16xf32>
        %mul3A_453 = arith.constant 5.000000e-01 : f32
        %mul3A_454 = vector.broadcast %mul3A_453 : f32 to vector<16xf32>
        %mul3A_455 = arith.mulf %mul3A_454, %add3A_426 : vector<16xf32>
        %mul3A_456 = arith.mulf %mul3A_455, %mul3A_452 : vector<16xf32>
        %mul3A_457 = arith.mulf %mul3A_456, %mul3A_452 : vector<16xf32>
        %sub3A_458 = arith.constant 1.500000e+00 : f32
        %sub3A_459 = vector.broadcast %sub3A_458 : f32 to vector<16xf32>
        %sub3A_460 = arith.subf %sub3A_459, %mul3A_457 : vector<16xf32>
        %mul3A_461 = arith.mulf %mul3A_452, %sub3A_460 : vector<16xf32>
        %swap3A_462 = arith.constant 1 : i32
        %swap3A_463 = arith.index_cast %swap3A_462 : i32 to index
        %swap3A_464 = arith.constant 0 : index
        %swap3A_465 = tpu.vector_load %arg7[%swap3A_463, %swap3A_464] {strides = array<i32>} : memref<8x128xf32, #tpu.memory_space<vmem>>, vector<16xf32>,
        tpu.vector_store %arg7[%swap3A_463, %swap3A_464], %mul3A_461 {strides = array<i32>} : memref<8x128xf32, #tpu.memory_space<vmem>>, vector<16xf32>,
        %get3A_466 = arith.constant 1 : i32
        %get3A_467 = arith.index_cast %get3A_466 : i32 to index
        %get3A_468 = arith.constant 16 : index
        %get3A_469 = tpu.vector_load %arg6[%get3A_467, %get3A_468] {strides = array<i32>} : memref<8x128xf32, #tpu.memory_space<vmem>>, vector<16xf32>,
        %add3A_470 = arith.constant 1.000000e+00 : f32
        %add3A_471 = vector.broadcast %add3A_470 : f32 to vector<16xf32>
        %add3A_472 = arith.addf %get3A_469, %add3A_471 : vector<16xf32>
        %bitcast3A_473 = vector.bitcast %add3A_472 : vector<16xf32> to vector<16xi32>
        %shift_right_arithmetic3A_474 = arith.constant 1 : i32
        %shift_right_arithmetic3A_475 = vector.broadcast %shift_right_arithmetic3A_474 : i32 to vector<16xi32>
        %shift_right_arithmetic3A_476 = arith.shrsi %bitcast3A_473, %shift_right_arithmetic3A_475 : vector<16xi32>
        %sub3A_477 = arith.constant 1597463007 : i32
        %sub3A_478 = vector.broadcast %sub3A_477 : i32 to vector<16xi32>
        %sub3A_479 = arith.subi %sub3A_478, %shift_right_arithmetic3A_476 : vector<16xi32>
        %bitcast3A_480 = vector.bitcast %sub3A_479 : vector<16xi32> to vector<16xf32>
        %mul3A_481 = arith.constant 5.000000e-01 : f32
        %mul3A_482 = vector.broadcast %mul3A_481 : f32 to vector<16xf32>
        %mul3A_483 = arith.mulf %mul3A_482, %add3A_472 : vector<16xf32>
        %mul3A_484 = arith.mulf %mul3A_483, %bitcast3A_480 : vector<16xf32>
        %mul3A_485 = arith.mulf %mul3A_484, %bitcast3A_480 : vector<16xf32>
        %sub3A_486 = arith.constant 1.500000e+00 : f32
        %sub3A_487 = vector.broadcast %sub3A_486 : f32 to vector<16xf32>
        %sub3A_488 = arith.subf %sub3A_487, %mul3A_485 : vector<16xf32>
        %mul3A_489 = arith.mulf %bitcast3A_480, %sub3A_488 : vector<16xf32>
        %mul3A_490 = arith.constant 5.000000e-01 : f32
        %mul3A_491 = vector.broadcast %mul3A_490 : f32 to vector<16xf32>
        %mul3A_492 = arith.mulf %mul3A_491, %add3A_472 : vector<16xf32>
        %mul3A_493 = arith.mulf %mul3A_492, %mul3A_489 : vector<16xf32>
        %mul3A_494 = arith.mulf %mul3A_493, %mul3A_489 : vector<16xf32>
        %sub3A_495 = arith.constant 1.500000e+00 : f32
        %sub3A_496 = vector.broadcast %sub3A_495 : f32 to vector<16xf32>
        %sub3A_497 = arith.subf %sub3A_496, %mul3A_494 : vector<16xf32>
        %mul3A_498 = arith.mulf %mul3A_489, %sub3A_497 : vector<16xf32>
        %mul3A_499 = arith.constant 5.000000e-01 : f32
        %mul3A_500 = vector.broadcast %mul3A_499 : f32 to vector<16xf32>
        %mul3A_501 = arith.mulf %mul3A_500, %add3A_472 : vector<16xf32>
        %mul3A_502 = arith.mulf %mul3A_501, %mul3A_498 : vector<16xf32>
        %mul3A_503 = arith.mulf %mul3A_502, %mul3A_498 : vector<16xf32>
        %sub3A_504 = arith.constant 1.500000e+00 : f32
        %sub3A_505 = vector.broadcast %sub3A_504 : f32 to vector<16xf32>
        %sub3A_506 = arith.subf %sub3A_505, %mul3A_503 : vector<16xf32>
        %mul3A_507 = arith.mulf %mul3A_498, %sub3A_506 : vector<16xf32>
        %swap3A_508 = arith.constant 1 : i32
        %swap3A_509 = arith.index_cast %swap3A_508 : i32 to index
        %swap3A_510 = arith.constant 16 : index
        %swap3A_511 = tpu.vector_load %arg7[%swap3A_509, %swap3A_510] {strides = array<i32>} : memref<8x128xf32, #tpu.memory_space<vmem>>, vector<16xf32>,
        tpu.vector_store %arg7[%swap3A_509, %swap3A_510], %mul3A_507 {strides = array<i32>} : memref<8x128xf32, #tpu.memory_space<vmem>>, vector<16xf32>,
        %get3A_512 = arith.constant 1 : i32
        %get3A_513 = arith.index_cast %get3A_512 : i32 to index
        %get3A_514 = arith.constant 32 : index
        %get3A_515 = tpu.vector_load %arg6[%get3A_513, %get3A_514] {strides = array<i32>} : memref<8x128xf32, #tpu.memory_space<vmem>>, vector<16xf32>,
        %add3A_516 = arith.constant 1.000000e+00 : f32
        %add3A_517 = vector.broadcast %add3A_516 : f32 to vector<16xf32>
        %add3A_518 = arith.addf %get3A_515, %add3A_517 : vector<16xf32>
        %bitcast3A_519 = vector.bitcast %add3A_518 : vector<16xf32> to vector<16xi32>
        %shift_right_arithmetic3A_520 = arith.constant 1 : i32
        %shift_right_arithmetic3A_521 = vector.broadcast %shift_right_arithmetic3A_520 : i32 to vector<16xi32>
        %shift_right_arithmetic3A_522 = arith.shrsi %bitcast3A_519, %shift_right_arithmetic3A_521 : vector<16xi32>
        %sub3A_523 = arith.constant 1597463007 : i32
        %sub3A_524 = vector.broadcast %sub3A_523 : i32 to vector<16xi32>
        %sub3A_525 = arith.subi %sub3A_524, %shift_right_arithmetic3A_522 : vector<16xi32>
        %bitcast3A_526 = vector.bitcast %sub3A_525 : vector<16xi32> to vector<16xf32>
        %mul3A_527 = arith.constant 5.000000e-01 : f32
        %mul3A_528 = vector.broadcast %mul3A_527 : f32 to vector<16xf32>
        %mul3A_529 = arith.mulf %mul3A_528, %add3A_518 : vector<16xf32>
        %mul3A_530 = arith.mulf %mul3A_529, %bitcast3A_526 : vector<16xf32>
        %mul3A_531 = arith.mulf %mul3A_530, %bitcast3A_526 : vector<16xf32>
        %sub3A_532 = arith.constant 1.500000e+00 : f32
        %sub3A_533 = vector.broadcast %sub3A_532 : f32 to vector<16xf32>
        %sub3A_534 = arith.subf %sub3A_533, %mul3A_531 : vector<16xf32>
        %mul3A_535 = arith.mulf %bitcast3A_526, %sub3A_534 : vector<16xf32>
        %mul3A_536 = arith.constant 5.000000e-01 : f32
        %mul3A_537 = vector.broadcast %mul3A_536 : f32 to vector<16xf32>
        %mul3A_538 = arith.mulf %mul3A_537, %add3A_518 : vector<16xf32>
        %mul3A_539 = arith.mulf %mul3A_538, %mul3A_535 : vector<16xf32>
        %mul3A_540 = arith.mulf %mul3A_539, %mul3A_535 : vector<16xf32>
        %sub3A_541 = arith.constant 1.500000e+00 : f32
        %sub3A_542 = vector.broadcast %sub3A_541 : f32 to vector<16xf32>
        %sub3A_543 = arith.subf %sub3A_542, %mul3A_540 : vector<16xf32>
        %mul3A_544 = arith.mulf %mul3A_535, %sub3A_543 : vector<16xf32>
        %mul3A_545 = arith.constant 5.000000e-01 : f32
        %mul3A_546 = vector.broadcast %mul3A_545 : f32 to vector<16xf32>
        %mul3A_547 = arith.mulf %mul3A_546, %add3A_518 : vector<16xf32>
        %mul3A_548 = arith.mulf %mul3A_547, %mul3A_544 : vector<16xf32>
        %mul3A_549 = arith.mulf %mul3A_548, %mul3A_544 : vector<16xf32>
        %sub3A_550 = arith.constant 1.500000e+00 : f32
        %sub3A_551 = vector.broadcast %sub3A_550 : f32 to vector<16xf32>
        %sub3A_552 = arith.subf %sub3A_551, %mul3A_549 : vector<16xf32>
        %mul3A_553 = arith.mulf %mul3A_544, %sub3A_552 : vector<16xf32>
        %swap3A_554 = arith.constant 1 : i32
        %swap3A_555 = arith.index_cast %swap3A_554 : i32 to index
        %swap3A_556 = arith.constant 32 : index
        %swap3A_557 = tpu.vector_load %arg7[%swap3A_555, %swap3A_556] {strides = array<i32>} : memref<8x128xf32, #tpu.memory_space<vmem>>, vector<16xf32>,
        tpu.vector_store %arg7[%swap3A_555, %swap3A_556], %mul3A_553 {strides = array<i32>} : memref<8x128xf32, #tpu.memory_space<vmem>>, vector<16xf32>,
        %get3A_558 = arith.constant 1 : i32
        %get3A_559 = arith.index_cast %get3A_558 : i32 to index
        %get3A_560 = arith.constant 48 : index
        %get3A_561 = tpu.vector_load %arg6[%get3A_559, %get3A_560] {strides = array<i32>} : memref<8x128xf32, #tpu.memory_space<vmem>>, vector<16xf32>,
        %add3A_562 = arith.constant 1.000000e+00 : f32
        %add3A_563 = vector.broadcast %add3A_562 : f32 to vector<16xf32>
        %add3A_564 = arith.addf %get3A_561, %add3A_563 : vector<16xf32>
        %bitcast3A_565 = vector.bitcast %add3A_564 : vector<16xf32> to vector<16xi32>
        %shift_right_arithmetic3A_566 = arith.constant 1 : i32
        %shift_right_arithmetic3A_567 = vector.broadcast %shift_right_arithmetic3A_566 : i32 to vector<16xi32>
        %shift_right_arithmetic3A_568 = arith.shrsi %bitcast3A_565, %shift_right_arithmetic3A_567 : vector<16xi32>
        %sub3A_569 = arith.constant 1597463007 : i32
        %sub3A_570 = vector.broadcast %sub3A_569 : i32 to vector<16xi32>
        %sub3A_571 = arith.subi %sub3A_570, %shift_right_arithmetic3A_568 : vector<16xi32>
        %bitcast3A_572 = vector.bitcast %sub3A_571 : vector<16xi32> to vector<16xf32>
        %mul3A_573 = arith.constant 5.000000e-01 : f32
        %mul3A_574 = vector.broadcast %mul3A_573 : f32 to vector<16xf32>
        %mul3A_575 = arith.mulf %mul3A_574, %add3A_564 : vector<16xf32>
        %mul3A_576 = arith.mulf %mul3A_575, %bitcast3A_572 : vector<16xf32>
        %mul3A_577 = arith.mulf %mul3A_576, %bitcast3A_572 : vector<16xf32>
        %sub3A_578 = arith.constant 1.500000e+00 : f32
        %sub3A_579 = vector.broadcast %sub3A_578 : f32 to vector<16xf32>
        %sub3A_580 = arith.subf %sub3A_579, %mul3A_577 : vector<16xf32>
        %mul3A_581 = arith.mulf %bitcast3A_572, %sub3A_580 : vector<16xf32>
        %mul3A_582 = arith.constant 5.000000e-01 : f32
        %mul3A_583 = vector.broadcast %mul3A_582 : f32 to vector<16xf32>
        %mul3A_584 = arith.mulf %mul3A_583, %add3A_564 : vector<16xf32>
        %mul3A_585 = arith.mulf %mul3A_584, %mul3A_581 : vector<16xf32>
        %mul3A_586 = arith.mulf %mul3A_585, %mul3A_581 : vector<16xf32>
        %sub3A_587 = arith.constant 1.500000e+00 : f32
        %sub3A_588 = vector.broadcast %sub3A_587 : f32 to vector<16xf32>
        %sub3A_589 = arith.subf %sub3A_588, %mul3A_586 : vector<16xf32>
        %mul3A_590 = arith.mulf %mul3A_581, %sub3A_589 : vector<16xf32>
        %mul3A_591 = arith.constant 5.000000e-01 : f32
        %mul3A_592 = vector.broadcast %mul3A_591 : f32 to vector<16xf32>
        %mul3A_593 = arith.mulf %mul3A_592, %add3A_564 : vector<16xf32>
        %mul3A_594 = arith.mulf %mul3A_593, %mul3A_590 : vector<16xf32>
        %mul3A_595 = arith.mulf %mul3A_594, %mul3A_590 : vector<16xf32>
        %sub3A_596 = arith.constant 1.500000e+00 : f32
        %sub3A_597 = vector.broadcast %sub3A_596 : f32 to vector<16xf32>
        %sub3A_598 = arith.subf %sub3A_597, %mul3A_595 : vector<16xf32>
        %mul3A_599 = arith.mulf %mul3A_590, %sub3A_598 : vector<16xf32>
        %swap3A_600 = arith.constant 1 : i32
        %swap3A_601 = arith.index_cast %swap3A_600 : i32 to index
        %swap3A_602 = arith.constant 48 : index
        %swap3A_603 = tpu.vector_load %arg7[%swap3A_601, %swap3A_602] {strides = array<i32>} : memref<8x128xf32, #tpu.memory_space<vmem>>, vector<16xf32>,
        tpu.vector_store %arg7[%swap3A_601, %swap3A_602], %mul3A_599 {strides = array<i32>} : memref<8x128xf32, #tpu.memory_space<vmem>>, vector<16xf32>,
        %get3A_604 = arith.constant 1 : i32
        %get3A_605 = arith.index_cast %get3A_604 : i32 to index
        %get3A_606 = arith.constant 64 : index
        %get3A_607 = tpu.vector_load %arg6[%get3A_605, %get3A_606] {strides = array<i32>} : memref<8x128xf32, #tpu.memory_space<vmem>>, vector<16xf32>,
        %add3A_608 = arith.constant 1.000000e+00 : f32
        %add3A_609 = vector.broadcast %add3A_608 : f32 to vector<16xf32>
        %add3A_610 = arith.addf %get3A_607, %add3A_609 : vector<16xf32>
        %bitcast3A_611 = vector.bitcast %add3A_610 : vector<16xf32> to vector<16xi32>
        %shift_right_arithmetic3A_612 = arith.constant 1 : i32
        %shift_right_arithmetic3A_613 = vector.broadcast %shift_right_arithmetic3A_612 : i32 to vector<16xi32>
        %shift_right_arithmetic3A_614 = arith.shrsi %bitcast3A_611, %shift_right_arithmetic3A_613 : vector<16xi32>
        %sub3A_615 = arith.constant 1597463007 : i32
        %sub3A_616 = vector.broadcast %sub3A_615 : i32 to vector<16xi32>
        %sub3A_617 = arith.subi %sub3A_616, %shift_right_arithmetic3A_614 : vector<16xi32>
        %bitcast3A_618 = vector.bitcast %sub3A_617 : vector<16xi32> to vector<16xf32>
        %mul3A_619 = arith.constant 5.000000e-01 : f32
        %mul3A_620 = vector.broadcast %mul3A_619 : f32 to vector<16xf32>
        %mul3A_621 = arith.mulf %mul3A_620, %add3A_610 : vector<16xf32>
        %mul3A_622 = arith.mulf %mul3A_621, %bitcast3A_618 : vector<16xf32>
        %mul3A_623 = arith.mulf %mul3A_622, %bitcast3A_618 : vector<16xf32>
        %sub3A_624 = arith.constant 1.500000e+00 : f32
        %sub3A_625 = vector.broadcast %sub3A_624 : f32 to vector<16xf32>
        %sub3A_626 = arith.subf %sub3A_625, %mul3A_623 : vector<16xf32>
        %mul3A_627 = arith.mulf %bitcast3A_618, %sub3A_626 : vector<16xf32>
        %mul3A_628 = arith.constant 5.000000e-01 : f32
        %mul3A_629 = vector.broadcast %mul3A_628 : f32 to vector<16xf32>
        %mul3A_630 = arith.mulf %mul3A_629, %add3A_610 : vector<16xf32>
        %mul3A_631 = arith.mulf %mul3A_630, %mul3A_627 : vector<16xf32>
        %mul3A_632 = arith.mulf %mul3A_631, %mul3A_627 : vector<16xf32>
        %sub3A_633 = arith.constant 1.500000e+00 : f32
        %sub3A_634 = vector.broadcast %sub3A_633 : f32 to vector<16xf32>
        %sub3A_635 = arith.subf %sub3A_634, %mul3A_632 : vector<16xf32>
        %mul3A_636 = arith.mulf %mul3A_627, %sub3A_635 : vector<16xf32>
        %mul3A_637 = arith.constant 5.000000e-01 : f32
        %mul3A_638 = vector.broadcast %mul3A_637 : f32 to vector<16xf32>
        %mul3A_639 = arith.mulf %mul3A_638, %add3A_610 : vector<16xf32>
        %mul3A_640 = arith.mulf %mul3A_639, %mul3A_636 : vector<16xf32>
        %mul3A_641 = arith.mulf %mul3A_640, %mul3A_636 : vector<16xf32>
        %sub3A_642 = arith.constant 1.500000e+00 : f32
        %sub3A_643 = vector.broadcast %sub3A_642 : f32 to vector<16xf32>
        %sub3A_644 = arith.subf %sub3A_643, %mul3A_641 : vector<16xf32>
        %mul3A_645 = arith.mulf %mul3A_636, %sub3A_644 : vector<16xf32>
        %swap3A_646 = arith.constant 1 : i32
        %swap3A_647 = arith.index_cast %swap3A_646 : i32 to index
        %swap3A_648 = arith.constant 64 : index
        %swap3A_649 = tpu.vector_load %arg7[%swap3A_647, %swap3A_648] {strides = array<i32>} : memref<8x128xf32, #tpu.memory_space<vmem>>, vector<16xf32>,
        tpu.vector_store %arg7[%swap3A_647, %swap3A_648], %mul3A_645 {strides = array<i32>} : memref<8x128xf32, #tpu.memory_space<vmem>>, vector<16xf32>,
        %get3A_650 = arith.constant 1 : i32
        %get3A_651 = arith.index_cast %get3A_650 : i32 to index
        %get3A_652 = arith.constant 80 : index
        %get3A_653 = tpu.vector_load %arg6[%get3A_651, %get3A_652] {strides = array<i32>} : memref<8x128xf32, #tpu.memory_space<vmem>>, vector<16xf32>,
        %add3A_654 = arith.constant 1.000000e+00 : f32
        %add3A_655 = vector.broadcast %add3A_654 : f32 to vector<16xf32>
        %add3A_656 = arith.addf %get3A_653, %add3A_655 : vector<16xf32>
        %bitcast3A_657 = vector.bitcast %add3A_656 : vector<16xf32> to vector<16xi32>
        %shift_right_arithmetic3A_658 = arith.constant 1 : i32
        %shift_right_arithmetic3A_659 = vector.broadcast %shift_right_arithmetic3A_658 : i32 to vector<16xi32>
        %shift_right_arithmetic3A_660 = arith.shrsi %bitcast3A_657, %shift_right_arithmetic3A_659 : vector<16xi32>
        %sub3A_661 = arith.constant 1597463007 : i32
        %sub3A_662 = vector.broadcast %sub3A_661 : i32 to vector<16xi32>
        %sub3A_663 = arith.subi %sub3A_662, %shift_right_arithmetic3A_660 : vector<16xi32>
        %bitcast3A_664 = vector.bitcast %sub3A_663 : vector<16xi32> to vector<16xf32>
        %mul3A_665 = arith.constant 5.000000e-01 : f32
        %mul3A_666 = vector.broadcast %mul3A_665 : f32 to vector<16xf32>
        %mul3A_667 = arith.mulf %mul3A_666, %add3A_656 : vector<16xf32>
        %mul3A_668 = arith.mulf %mul3A_667, %bitcast3A_664 : vector<16xf32>
        %mul3A_669 = arith.mulf %mul3A_668, %bitcast3A_664 : vector<16xf32>
        %sub3A_670 = arith.constant 1.500000e+00 : f32
        %sub3A_671 = vector.broadcast %sub3A_670 : f32 to vector<16xf32>
        %sub3A_672 = arith.subf %sub3A_671, %mul3A_669 : vector<16xf32>
        %mul3A_673 = arith.mulf %bitcast3A_664, %sub3A_672 : vector<16xf32>
        %mul3A_674 = arith.constant 5.000000e-01 : f32
        %mul3A_675 = vector.broadcast %mul3A_674 : f32 to vector<16xf32>
        %mul3A_676 = arith.mulf %mul3A_675, %add3A_656 : vector<16xf32>
        %mul3A_677 = arith.mulf %mul3A_676, %mul3A_673 : vector<16xf32>
        %mul3A_678 = arith.mulf %mul3A_677, %mul3A_673 : vector<16xf32>
        %sub3A_679 = arith.constant 1.500000e+00 : f32
        %sub3A_680 = vector.broadcast %sub3A_679 : f32 to vector<16xf32>
        %sub3A_681 = arith.subf %sub3A_680, %mul3A_678 : vector<16xf32>
        %mul3A_682 = arith.mulf %mul3A_673, %sub3A_681 : vector<16xf32>
        %mul3A_683 = arith.constant 5.000000e-01 : f32
        %mul3A_684 = vector.broadcast %mul3A_683 : f32 to vector<16xf32>
        %mul3A_685 = arith.mulf %mul3A_684, %add3A_656 : vector<16xf32>
        %mul3A_686 = arith.mulf %mul3A_685, %mul3A_682 : vector<16xf32>
        %mul3A_687 = arith.mulf %mul3A_686, %mul3A_682 : vector<16xf32>
        %sub3A_688 = arith.constant 1.500000e+00 : f32
        %sub3A_689 = vector.broadcast %sub3A_688 : f32 to vector<16xf32>
        %sub3A_690 = arith.subf %sub3A_689, %mul3A_687 : vector<16xf32>
        %mul3A_691 = arith.mulf %mul3A_682, %sub3A_690 : vector<16xf32>
        %swap3A_692 = arith.constant 1 : i32
        %swap3A_693 = arith.index_cast %swap3A_692 : i32 to index
        %swap3A_694 = arith.constant 80 : index
        %swap3A_695 = tpu.vector_load %arg7[%swap3A_693, %swap3A_694] {strides = array<i32>} : memref<8x128xf32, #tpu.memory_space<vmem>>, vector<16xf32>,
        tpu.vector_store %arg7[%swap3A_693, %swap3A_694], %mul3A_691 {strides = array<i32>} : memref<8x128xf32, #tpu.memory_space<vmem>>, vector<16xf32>,
        %get3A_696 = arith.constant 1 : i32
        %get3A_697 = arith.index_cast %get3A_696 : i32 to index
        %get3A_698 = arith.constant 96 : index
        %get3A_699 = tpu.vector_load %arg6[%get3A_697, %get3A_698] {strides = array<i32>} : memref<8x128xf32, #tpu.memory_space<vmem>>, vector<16xf32>,
        %add3A_700 = arith.constant 1.000000e+00 : f32
        %add3A_701 = vector.broadcast %add3A_700 : f32 to vector<16xf32>
        %add3A_702 = arith.addf %get3A_699, %add3A_701 : vector<16xf32>
        %bitcast3A_703 = vector.bitcast %add3A_702 : vector<16xf32> to vector<16xi32>
        %shift_right_arithmetic3A_704 = arith.constant 1 : i32
        %shift_right_arithmetic3A_705 = vector.broadcast %shift_right_arithmetic3A_704 : i32 to vector<16xi32>
        %shift_right_arithmetic3A_706 = arith.shrsi %bitcast3A_703, %shift_right_arithmetic3A_705 : vector<16xi32>
        %sub3A_707 = arith.constant 1597463007 : i32
        %sub3A_708 = vector.broadcast %sub3A_707 : i32 to vector<16xi32>
        %sub3A_709 = arith.subi %sub3A_708, %shift_right_arithmetic3A_706 : vector<16xi32>
        %bitcast3A_710 = vector.bitcast %sub3A_709 : vector<16xi32> to vector<16xf32>
        %mul3A_711 = arith.constant 5.000000e-01 : f32
        %mul3A_712 = vector.broadcast %mul3A_711 : f32 to vector<16xf32>
        %mul3A_713 = arith.mulf %mul3A_712, %add3A_702 : vector<16xf32>
        %mul3A_714 = arith.mulf %mul3A_713, %bitcast3A_710 : vector<16xf32>
        %mul3A_715 = arith.mulf %mul3A_714, %bitcast3A_710 : vector<16xf32>
        %sub3A_716 = arith.constant 1.500000e+00 : f32
        %sub3A_717 = vector.broadcast %sub3A_716 : f32 to vector<16xf32>
        %sub3A_718 = arith.subf %sub3A_717, %mul3A_715 : vector<16xf32>
        %mul3A_719 = arith.mulf %bitcast3A_710, %sub3A_718 : vector<16xf32>
        %mul3A_720 = arith.constant 5.000000e-01 : f32
        %mul3A_721 = vector.broadcast %mul3A_720 : f32 to vector<16xf32>
        %mul3A_722 = arith.mulf %mul3A_721, %add3A_702 : vector<16xf32>
        %mul3A_723 = arith.mulf %mul3A_722, %mul3A_719 : vector<16xf32>
        %mul3A_724 = arith.mulf %mul3A_723, %mul3A_719 : vector<16xf32>
        %sub3A_725 = arith.constant 1.500000e+00 : f32
        %sub3A_726 = vector.broadcast %sub3A_725 : f32 to vector<16xf32>
        %sub3A_727 = arith.subf %sub3A_726, %mul3A_724 : vector<16xf32>
        %mul3A_728 = arith.mulf %mul3A_719, %sub3A_727 : vector<16xf32>
        %mul3A_729 = arith.constant 5.000000e-01 : f32
        %mul3A_730 = vector.broadcast %mul3A_729 : f32 to vector<16xf32>
        %mul3A_731 = arith.mulf %mul3A_730, %add3A_702 : vector<16xf32>
        %mul3A_732 = arith.mulf %mul3A_731, %mul3A_728 : vector<16xf32>
        %mul3A_733 = arith.mulf %mul3A_732, %mul3A_728 : vector<16xf32>
        %sub3A_734 = arith.constant 1.500000e+00 : f32
        %sub3A_735 = vector.broadcast %sub3A_734 : f32 to vector<16xf32>
        %sub3A_736 = arith.subf %sub3A_735, %mul3A_733 : vector<16xf32>
        %mul3A_737 = arith.mulf %mul3A_728, %sub3A_736 : vector<16xf32>
        %swap3A_738 = arith.constant 1 : i32
        %swap3A_739 = arith.index_cast %swap3A_738 : i32 to index
        %swap3A_740 = arith.constant 96 : index
        %swap3A_741 = tpu.vector_load %arg7[%swap3A_739, %swap3A_740] {strides = array<i32>} : memref<8x128xf32, #tpu.memory_space<vmem>>, vector<16xf32>,
        tpu.vector_store %arg7[%swap3A_739, %swap3A_740], %mul3A_737 {strides = array<i32>} : memref<8x128xf32, #tpu.memory_space<vmem>>, vector<16xf32>,
        %get3A_742 = arith.constant 1 : i32
        %get3A_743 = arith.index_cast %get3A_742 : i32 to index
        %get3A_744 = arith.constant 112 : index
        %get3A_745 = tpu.vector_load %arg6[%get3A_743, %get3A_744] {strides = array<i32>} : memref<8x128xf32, #tpu.memory_space<vmem>>, vector<16xf32>,
        %add3A_746 = arith.constant 1.000000e+00 : f32
        %add3A_747 = vector.broadcast %add3A_746 : f32 to vector<16xf32>
        %add3A_748 = arith.addf %get3A_745, %add3A_747 : vector<16xf32>
        %bitcast3A_749 = vector.bitcast %add3A_748 : vector<16xf32> to vector<16xi32>
        %shift_right_arithmetic3A_750 = arith.constant 1 : i32
        %shift_right_arithmetic3A_751 = vector.broadcast %shift_right_arithmetic3A_750 : i32 to vector<16xi32>
        %shift_right_arithmetic3A_752 = arith.shrsi %bitcast3A_749, %shift_right_arithmetic3A_751 : vector<16xi32>
        %sub3A_753 = arith.constant 1597463007 : i32
        %sub3A_754 = vector.broadcast %sub3A_753 : i32 to vector<16xi32>
        %sub3A_755 = arith.subi %sub3A_754, %shift_right_arithmetic3A_752 : vector<16xi32>
        %bitcast3A_756 = vector.bitcast %sub3A_755 : vector<16xi32> to vector<16xf32>
        %mul3A_757 = arith.constant 5.000000e-01 : f32
        %mul3A_758 = vector.broadcast %mul3A_757 : f32 to vector<16xf32>
        %mul3A_759 = arith.mulf %mul3A_758, %add3A_748 : vector<16xf32>
        %mul3A_760 = arith.mulf %mul3A_759, %bitcast3A_756 : vector<16xf32>
        %mul3A_761 = arith.mulf %mul3A_760, %bitcast3A_756 : vector<16xf32>
        %sub3A_762 = arith.constant 1.500000e+00 : f32
        %sub3A_763 = vector.broadcast %sub3A_762 : f32 to vector<16xf32>
        %sub3A_764 = arith.subf %sub3A_763, %mul3A_761 : vector<16xf32>
        %mul3A_765 = arith.mulf %bitcast3A_756, %sub3A_764 : vector<16xf32>
        %mul3A_766 = arith.constant 5.000000e-01 : f32
        %mul3A_767 = vector.broadcast %mul3A_766 : f32 to vector<16xf32>
        %mul3A_768 = arith.mulf %mul3A_767, %add3A_748 : vector<16xf32>
        %mul3A_769 = arith.mulf %mul3A_768, %mul3A_765 : vector<16xf32>
        %mul3A_770 = arith.mulf %mul3A_769, %mul3A_765 : vector<16xf32>
        %sub3A_771 = arith.constant 1.500000e+00 : f32
        %sub3A_772 = vector.broadcast %sub3A_771 : f32 to vector<16xf32>
        %sub3A_773 = arith.subf %sub3A_772, %mul3A_770 : vector<16xf32>
        %mul3A_774 = arith.mulf %mul3A_765, %sub3A_773 : vector<16xf32>
        %mul3A_775 = arith.constant 5.000000e-01 : f32
        %mul3A_776 = vector.broadcast %mul3A_775 : f32 to vector<16xf32>
        %mul3A_777 = arith.mulf %mul3A_776, %add3A_748 : vector<16xf32>
        %mul3A_778 = arith.mulf %mul3A_777, %mul3A_774 : vector<16xf32>
        %mul3A_779 = arith.mulf %mul3A_778, %mul3A_774 : vector<16xf32>
        %sub3A_780 = arith.constant 1.500000e+00 : f32
        %sub3A_781 = vector.broadcast %sub3A_780 : f32 to vector<16xf32>
        %sub3A_782 = arith.subf %sub3A_781, %mul3A_779 : vector<16xf32>
        %mul3A_783 = arith.mulf %mul3A_774, %sub3A_782 : vector<16xf32>
        %swap3A_784 = arith.constant 1 : i32
        %swap3A_785 = arith.index_cast %swap3A_784 : i32 to index
        %swap3A_786 = arith.constant 112 : index
        %swap3A_787 = tpu.vector_load %arg7[%swap3A_785, %swap3A_786] {strides = array<i32>} : memref<8x128xf32, #tpu.memory_space<vmem>>, vector<16xf32>,
        tpu.vector_store %arg7[%swap3A_785, %swap3A_786], %mul3A_783 {strides = array<i32>} : memref<8x128xf32, #tpu.memory_space<vmem>>, vector<16xf32>,
        %get3A_788 = arith.constant 2 : i32
        %get3A_789 = arith.index_cast %get3A_788 : i32 to index
        %get3A_790 = arith.constant 0 : index
        %get3A_791 = tpu.vector_load %arg6[%get3A_789, %get3A_790] {strides = array<i32>} : memref<8x128xf32, #tpu.memory_space<vmem>>, vector<16xf32>,
        %add3A_792 = arith.constant 1.000000e+00 : f32
        %add3A_793 = vector.broadcast %add3A_792 : f32 to vector<16xf32>
        %add3A_794 = arith.addf %get3A_791, %add3A_793 : vector<16xf32>
        %bitcast3A_795 = vector.bitcast %add3A_794 : vector<16xf32> to vector<16xi32>
        %shift_right_arithmetic3A_796 = arith.constant 1 : i32
        %shift_right_arithmetic3A_797 = vector.broadcast %shift_right_arithmetic3A_796 : i32 to vector<16xi32>
        %shift_right_arithmetic3A_798 = arith.shrsi %bitcast3A_795, %shift_right_arithmetic3A_797 : vector<16xi32>
        %sub3A_799 = arith.constant 1597463007 : i32
        %sub3A_800 = vector.broadcast %sub3A_799 : i32 to vector<16xi32>
        %sub3A_801 = arith.subi %sub3A_800, %shift_right_arithmetic3A_798 : vector<16xi32>
        %bitcast3A_802 = vector.bitcast %sub3A_801 : vector<16xi32> to vector<16xf32>
        %mul3A_803 = arith.constant 5.000000e-01 : f32
        %mul3A_804 = vector.broadcast %mul3A_803 : f32 to vector<16xf32>
        %mul3A_805 = arith.mulf %mul3A_804, %add3A_794 : vector<16xf32>
        %mul3A_806 = arith.mulf %mul3A_805, %bitcast3A_802 : vector<16xf32>
        %mul3A_807 = arith.mulf %mul3A_806, %bitcast3A_802 : vector<16xf32>
        %sub3A_808 = arith.constant 1.500000e+00 : f32
        %sub3A_809 = vector.broadcast %sub3A_808 : f32 to vector<16xf32>
        %sub3A_810 = arith.subf %sub3A_809, %mul3A_807 : vector<16xf32>
        %mul3A_811 = arith.mulf %bitcast3A_802, %sub3A_810 : vector<16xf32>
        %mul3A_812 = arith.constant 5.000000e-01 : f32
        %mul3A_813 = vector.broadcast %mul3A_812 : f32 to vector<16xf32>
        %mul3A_814 = arith.mulf %mul3A_813, %add3A_794 : vector<16xf32>
        %mul3A_815 = arith.mulf %mul3A_814, %mul3A_811 : vector<16xf32>
        %mul3A_816 = arith.mulf %mul3A_815, %mul3A_811 : vector<16xf32>
        %sub3A_817 = arith.constant 1.500000e+00 : f32
        %sub3A_818 = vector.broadcast %sub3A_817 : f32 to vector<16xf32>
        %sub3A_819 = arith.subf %sub3A_818, %mul3A_816 : vector<16xf32>
        %mul3A_820 = arith.mulf %mul3A_811, %sub3A_819 : vector<16xf32>
        %mul3A_821 = arith.constant 5.000000e-01 : f32
        %mul3A_822 = vector.broadcast %mul3A_821 : f32 to vector<16xf32>
        %mul3A_823 = arith.mulf %mul3A_822, %add3A_794 : vector<16xf32>
        %mul3A_824 = arith.mulf %mul3A_823, %mul3A_820 : vector<16xf32>
        %mul3A_825 = arith.mulf %mul3A_824, %mul3A_820 : vector<16xf32>
        %sub3A_826 = arith.constant 1.500000e+00 : f32
        %sub3A_827 = vector.broadcast %sub3A_826 : f32 to vector<16xf32>
        %sub3A_828 = arith.subf %sub3A_827, %mul3A_825 : vector<16xf32>
        %mul3A_829 = arith.mulf %mul3A_820, %sub3A_828 : vector<16xf32>
        %swap3A_830 = arith.constant 2 : i32
        %swap3A_831 = arith.index_cast %swap3A_830 : i32 to index
        %swap3A_832 = arith.constant 0 : index
        %swap3A_833 = tpu.vector_load %arg7[%swap3A_831, %swap3A_832] {strides = array<i32>} : memref<8x128xf32, #tpu.memory_space<vmem>>, vector<16xf32>,
        tpu.vector_store %arg7[%swap3A_831, %swap3A_832], %mul3A_829 {strides = array<i32>} : memref<8x128xf32, #tpu.memory_space<vmem>>, vector<16xf32>,
        %get3A_834 = arith.constant 2 : i32
        %get3A_835 = arith.index_cast %get3A_834 : i32 to index
        %get3A_836 = arith.constant 16 : index
        %get3A_837 = tpu.vector_load %arg6[%get3A_835, %get3A_836] {strides = array<i32>} : memref<8x128xf32, #tpu.memory_space<vmem>>, vector<16xf32>,
        %add3A_838 = arith.constant 1.000000e+00 : f32
        %add3A_839 = vector.broadcast %add3A_838 : f32 to vector<16xf32>
        %add3A_840 = arith.addf %get3A_837, %add3A_839 : vector<16xf32>
        %bitcast3A_841 = vector.bitcast %add3A_840 : vector<16xf32> to vector<16xi32>
        %shift_right_arithmetic3A_842 = arith.constant 1 : i32
        %shift_right_arithmetic3A_843 = vector.broadcast %shift_right_arithmetic3A_842 : i32 to vector<16xi32>
        %shift_right_arithmetic3A_844 = arith.shrsi %bitcast3A_841, %shift_right_arithmetic3A_843 : vector<16xi32>
        %sub3A_845 = arith.constant 1597463007 : i32
        %sub3A_846 = vector.broadcast %sub3A_845 : i32 to vector<16xi32>
        %sub3A_847 = arith.subi %sub3A_846, %shift_right_arithmetic3A_844 : vector<16xi32>
        %bitcast3A_848 = vector.bitcast %sub3A_847 : vector<16xi32> to vector<16xf32>
        %mul3A_849 = arith.constant 5.000000e-01 : f32
        %mul3A_850 = vector.broadcast %mul3A_849 : f32 to vector<16xf32>
        %mul3A_851 = arith.mulf %mul3A_850, %add3A_840 : vector<16xf32>
        %mul3A_852 = arith.mulf %mul3A_851, %bitcast3A_848 : vector<16xf32>
        %mul3A_853 = arith.mulf %mul3A_852, %bitcast3A_848 : vector<16xf32>
        %sub3A_854 = arith.constant 1.500000e+00 : f32
        %sub3A_855 = vector.broadcast %sub3A_854 : f32 to vector<16xf32>
        %sub3A_856 = arith.subf %sub3A_855, %mul3A_853 : vector<16xf32>
        %mul3A_857 = arith.mulf %bitcast3A_848, %sub3A_856 : vector<16xf32>
        %mul3A_858 = arith.constant 5.000000e-01 : f32
        %mul3A_859 = vector.broadcast %mul3A_858 : f32 to vector<16xf32>
        %mul3A_860 = arith.mulf %mul3A_859, %add3A_840 : vector<16xf32>
        %mul3A_861 = arith.mulf %mul3A_860, %mul3A_857 : vector<16xf32>
        %mul3A_862 = arith.mulf %mul3A_861, %mul3A_857 : vector<16xf32>
        %sub3A_863 = arith.constant 1.500000e+00 : f32
        %sub3A_864 = vector.broadcast %sub3A_863 : f32 to vector<16xf32>
        %sub3A_865 = arith.subf %sub3A_864, %mul3A_862 : vector<16xf32>
        %mul3A_866 = arith.mulf %mul3A_857, %sub3A_865 : vector<16xf32>
        %mul3A_867 = arith.constant 5.000000e-01 : f32
        %mul3A_868 = vector.broadcast %mul3A_867 : f32 to vector<16xf32>
        %mul3A_869 = arith.mulf %mul3A_868, %add3A_840 : vector<16xf32>
        %mul3A_870 = arith.mulf %mul3A_869, %mul3A_866 : vector<16xf32>
        %mul3A_871 = arith.mulf %mul3A_870, %mul3A_866 : vector<16xf32>
        %sub3A_872 = arith.constant 1.500000e+00 : f32
        %sub3A_873 = vector.broadcast %sub3A_872 : f32 to vector<16xf32>
        %sub3A_874 = arith.subf %sub3A_873, %mul3A_871 : vector<16xf32>
        %mul3A_875 = arith.mulf %mul3A_866, %sub3A_874 : vector<16xf32>
        %swap3A_876 = arith.constant 2 : i32
        %swap3A_877 = arith.index_cast %swap3A_876 : i32 to index
        %swap3A_878 = arith.constant 16 : index
        %swap3A_879 = tpu.vector_load %arg7[%swap3A_877, %swap3A_878] {strides = array<i32>} : memref<8x128xf32, #tpu.memory_space<vmem>>, vector<16xf32>,
        tpu.vector_store %arg7[%swap3A_877, %swap3A_878], %mul3A_875 {strides = array<i32>} : memref<8x128xf32, #tpu.memory_space<vmem>>, vector<16xf32>,
        %get3A_880 = arith.constant 2 : i32
        %get3A_881 = arith.index_cast %get3A_880 : i32 to index
        %get3A_882 = arith.constant 32 : index
        %get3A_883 = tpu.vector_load %arg6[%get3A_881, %get3A_882] {strides = array<i32>} : memref<8x128xf32, #tpu.memory_space<vmem>>, vector<16xf32>,
        %add3A_884 = arith.constant 1.000000e+00 : f32
        %add3A_885 = vector.broadcast %add3A_884 : f32 to vector<16xf32>
        %add3A_886 = arith.addf %get3A_883, %add3A_885 : vector<16xf32>
        %bitcast3A_887 = vector.bitcast %add3A_886 : vector<16xf32> to vector<16xi32>
        %shift_right_arithmetic3A_888 = arith.constant 1 : i32
        %shift_right_arithmetic3A_889 = vector.broadcast %shift_right_arithmetic3A_888 : i32 to vector<16xi32>
        %shift_right_arithmetic3A_890 = arith.shrsi %bitcast3A_887, %shift_right_arithmetic3A_889 : vector<16xi32>
        %sub3A_891 = arith.constant 1597463007 : i32
        %sub3A_892 = vector.broadcast %sub3A_891 : i32 to vector<16xi32>
        %sub3A_893 = arith.subi %sub3A_892, %shift_right_arithmetic3A_890 : vector<16xi32>
        %bitcast3A_894 = vector.bitcast %sub3A_893 : vector<16xi32> to vector<16xf32>
        %mul3A_895 = arith.constant 5.000000e-01 : f32
        %mul3A_896 = vector.broadcast %mul3A_895 : f32 to vector<16xf32>
        %mul3A_897 = arith.mulf %mul3A_896, %add3A_886 : vector<16xf32>
        %mul3A_898 = arith.mulf %mul3A_897, %bitcast3A_894 : vector<16xf32>
        %mul3A_899 = arith.mulf %mul3A_898, %bitcast3A_894 : vector<16xf32>
        %sub3A_900 = arith.constant 1.500000e+00 : f32
        %sub3A_901 = vector.broadcast %sub3A_900 : f32 to vector<16xf32>
        %sub3A_902 = arith.subf %sub3A_901, %mul3A_899 : vector<16xf32>
        %mul3A_903 = arith.mulf %bitcast3A_894, %sub3A_902 : vector<16xf32>
        %mul3A_904 = arith.constant 5.000000e-01 : f32
        %mul3A_905 = vector.broadcast %mul3A_904 : f32 to vector<16xf32>
        %mul3A_906 = arith.mulf %mul3A_905, %add3A_886 : vector<16xf32>
        %mul3A_907 = arith.mulf %mul3A_906, %mul3A_903 : vector<16xf32>
        %mul3A_908 = arith.mulf %mul3A_907, %mul3A_903 : vector<16xf32>
        %sub3A_909 = arith.constant 1.500000e+00 : f32
        %sub3A_910 = vector.broadcast %sub3A_909 : f32 to vector<16xf32>
        %sub3A_911 = arith.subf %sub3A_910, %mul3A_908 : vector<16xf32>
        %mul3A_912 = arith.mulf %mul3A_903, %sub3A_911 : vector<16xf32>
        %mul3A_913 = arith.constant 5.000000e-01 : f32
        %mul3A_914 = vector.broadcast %mul3A_913 : f32 to vector<16xf32>
        %mul3A_915 = arith.mulf %mul3A_914, %add3A_886 : vector<16xf32>
        %mul3A_916 = arith.mulf %mul3A_915, %mul3A_912 : vector<16xf32>
        %mul3A_917 = arith.mulf %mul3A_916, %mul3A_912 : vector<16xf32>
        %sub3A_918 = arith.constant 1.500000e+00 : f32
        %sub3A_919 = vector.broadcast %sub3A_918 : f32 to vector<16xf32>
        %sub3A_920 = arith.subf %sub3A_919, %mul3A_917 : vector<16xf32>
        %mul3A_921 = arith.mulf %mul3A_912, %sub3A_920 : vector<16xf32>
        %swap3A_922 = arith.constant 2 : i32
        %swap3A_923 = arith.index_cast %swap3A_922 : i32 to index
        %swap3A_924 = arith.constant 32 : index
        %swap3A_925 = tpu.vector_load %arg7[%swap3A_923, %swap3A_924] {strides = array<i32>} : memref<8x128xf32, #tpu.memory_space<vmem>>, vector<16xf32>,
        tpu.vector_store %arg7[%swap3A_923, %swap3A_924], %mul3A_921 {strides = array<i32>} : memref<8x128xf32, #tpu.memory_space<vmem>>, vector<16xf32>,
        %get3A_926 = arith.constant 2 : i32
        %get3A_927 = arith.index_cast %get3A_926 : i32 to index
        %get3A_928 = arith.constant 48 : index
        %get3A_929 = tpu.vector_load %arg6[%get3A_927, %get3A_928] {strides = array<i32>} : memref<8x128xf32, #tpu.memory_space<vmem>>, vector<16xf32>,
        %add3A_930 = arith.constant 1.000000e+00 : f32
        %add3A_931 = vector.broadcast %add3A_930 : f32 to vector<16xf32>
        %add3A_932 = arith.addf %get3A_929, %add3A_931 : vector<16xf32>
        %bitcast3A_933 = vector.bitcast %add3A_932 : vector<16xf32> to vector<16xi32>
        %shift_right_arithmetic3A_934 = arith.constant 1 : i32
        %shift_right_arithmetic3A_935 = vector.broadcast %shift_right_arithmetic3A_934 : i32 to vector<16xi32>
        %shift_right_arithmetic3A_936 = arith.shrsi %bitcast3A_933, %shift_right_arithmetic3A_935 : vector<16xi32>
        %sub3A_937 = arith.constant 1597463007 : i32
        %sub3A_938 = vector.broadcast %sub3A_937 : i32 to vector<16xi32>
        %sub3A_939 = arith.subi %sub3A_938, %shift_right_arithmetic3A_936 : vector<16xi32>
        %bitcast3A_940 = vector.bitcast %sub3A_939 : vector<16xi32> to vector<16xf32>
        %mul3A_941 = arith.constant 5.000000e-01 : f32
        %mul3A_942 = vector.broadcast %mul3A_941 : f32 to vector<16xf32>
        %mul3A_943 = arith.mulf %mul3A_942, %add3A_932 : vector<16xf32>
        %mul3A_944 = arith.mulf %mul3A_943, %bitcast3A_940 : vector<16xf32>
        %mul3A_945 = arith.mulf %mul3A_944, %bitcast3A_940 : vector<16xf32>
        %sub3A_946 = arith.constant 1.500000e+00 : f32
        %sub3A_947 = vector.broadcast %sub3A_946 : f32 to vector<16xf32>
        %sub3A_948 = arith.subf %sub3A_947, %mul3A_945 : vector<16xf32>
        %mul3A_949 = arith.mulf %bitcast3A_940, %sub3A_948 : vector<16xf32>
        %mul3A_950 = arith.constant 5.000000e-01 : f32
        %mul3A_951 = vector.broadcast %mul3A_950 : f32 to vector<16xf32>
        %mul3A_952 = arith.mulf %mul3A_951, %add3A_932 : vector<16xf32>
        %mul3A_953 = arith.mulf %mul3A_952, %mul3A_949 : vector<16xf32>
        %mul3A_954 = arith.mulf %mul3A_953, %mul3A_949 : vector<16xf32>
        %sub3A_955 = arith.constant 1.500000e+00 : f32
        %sub3A_956 = vector.broadcast %sub3A_955 : f32 to vector<16xf32>
        %sub3A_957 = arith.subf %sub3A_956, %mul3A_954 : vector<16xf32>
        %mul3A_958 = arith.mulf %mul3A_949, %sub3A_957 : vector<16xf32>
        %mul3A_959 = arith.constant 5.000000e-01 : f32
        %mul3A_960 = vector.broadcast %mul3A_959 : f32 to vector<16xf32>
        %mul3A_961 = arith.mulf %mul3A_960, %add3A_932 : vector<16xf32>
        %mul3A_962 = arith.mulf %mul3A_961, %mul3A_958 : vector<16xf32>
        %mul3A_963 = arith.mulf %mul3A_962, %mul3A_958 : vector<16xf32>
        %sub3A_964 = arith.constant 1.500000e+00 : f32
        %sub3A_965 = vector.broadcast %sub3A_964 : f32 to vector<16xf32>
        %sub3A_966 = arith.subf %sub3A_965, %mul3A_963 : vector<16xf32>
        %mul3A_967 = arith.mulf %mul3A_958, %sub3A_966 : vector<16xf32>
        %swap3A_968 = arith.constant 2 : i32
        %swap3A_969 = arith.index_cast %swap3A_968 : i32 to index
        %swap3A_970 = arith.constant 48 : index
        %swap3A_971 = tpu.vector_load %arg7[%swap3A_969, %swap3A_970] {strides = array<i32>} : memref<8x128xf32, #tpu.memory_space<vmem>>, vector<16xf32>,
        tpu.vector_store %arg7[%swap3A_969, %swap3A_970], %mul3A_967 {strides = array<i32>} : memref<8x128xf32, #tpu.memory_space<vmem>>, vector<16xf32>,
        %get3A_972 = arith.constant 2 : i32
        %get3A_973 = arith.index_cast %get3A_972 : i32 to index
        %get3A_974 = arith.constant 64 : index
        %get3A_975 = tpu.vector_load %arg6[%get3A_973, %get3A_974] {strides = array<i32>} : memref<8x128xf32, #tpu.memory_space<vmem>>, vector<16xf32>,
        %add3A_976 = arith.constant 1.000000e+00 : f32
        %add3A_977 = vector.broadcast %add3A_976 : f32 to vector<16xf32>
        %add3A_978 = arith.addf %get3A_975, %add3A_977 : vector<16xf32>
        %bitcast3A_979 = vector.bitcast %add3A_978 : vector<16xf32> to vector<16xi32>
        %shift_right_arithmetic3A_980 = arith.constant 1 : i32
        %shift_right_arithmetic3A_981 = vector.broadcast %shift_right_arithmetic3A_980 : i32 to vector<16xi32>
        %shift_right_arithmetic3A_982 = arith.shrsi %bitcast3A_979, %shift_right_arithmetic3A_981 : vector<16xi32>
        %sub3A_983 = arith.constant 1597463007 : i32
        %sub3A_984 = vector.broadcast %sub3A_983 : i32 to vector<16xi32>
        %sub3A_985 = arith.subi %sub3A_984, %shift_right_arithmetic3A_982 : vector<16xi32>
        %bitcast3A_986 = vector.bitcast %sub3A_985 : vector<16xi32> to vector<16xf32>
        %mul3A_987 = arith.constant 5.000000e-01 : f32
        %mul3A_988 = vector.broadcast %mul3A_987 : f32 to vector<16xf32>
        %mul3A_989 = arith.mulf %mul3A_988, %add3A_978 : vector<16xf32>
        %mul3A_990 = arith.mulf %mul3A_989, %bitcast3A_986 : vector<16xf32>
        %mul3A_991 = arith.mulf %mul3A_990, %bitcast3A_986 : vector<16xf32>
        %sub3A_992 = arith.constant 1.500000e+00 : f32
        %sub3A_993 = vector.broadcast %sub3A_992 : f32 to vector<16xf32>
        %sub3A_994 = arith.subf %sub3A_993, %mul3A_991 : vector<16xf32>
        %mul3A_995 = arith.mulf %bitcast3A_986, %sub3A_994 : vector<16xf32>
        %mul3A_996 = arith.constant 5.000000e-01 : f32
        %mul3A_997 = vector.broadcast %mul3A_996 : f32 to vector<16xf32>
        %mul3A_998 = arith.mulf %mul3A_997, %add3A_978 : vector<16xf32>
        %mul3A_999 = arith.mulf %mul3A_998, %mul3A_995 : vector<16xf32>
        %mul3A_1000 = arith.mulf %mul3A_999, %mul3A_995 : vector<16xf32>
        %sub3A_1001 = arith.constant 1.500000e+00 : f32
        %sub3A_1002 = vector.broadcast %sub3A_1001 : f32 to vector<16xf32>
        %sub3A_1003 = arith.subf %sub3A_1002, %mul3A_1000 : vector<16xf32>
        %mul3A_1004 = arith.mulf %mul3A_995, %sub3A_1003 : vector<16xf32>
        %mul3A_1005 = arith.constant 5.000000e-01 : f32
        %mul3A_1006 = vector.broadcast %mul3A_1005 : f32 to vector<16xf32>
        %mul3A_1007 = arith.mulf %mul3A_1006, %add3A_978 : vector<16xf32>
        %mul3A_1008 = arith.mulf %mul3A_1007, %mul3A_1004 : vector<16xf32>
        %mul3A_1009 = arith.mulf %mul3A_1008, %mul3A_1004 : vector<16xf32>
        %sub3A_1010 = arith.constant 1.500000e+00 : f32
        %sub3A_1011 = vector.broadcast %sub3A_1010 : f32 to vector<16xf32>
        %sub3A_1012 = arith.subf %sub3A_1011, %mul3A_1009 : vector<16xf32>
        %mul3A_1013 = arith.mulf %mul3A_1004, %sub3A_1012 : vector<16xf32>
        %swap3A_1014 = arith.constant 2 : i32
        %swap3A_1015 = arith.index_cast %swap3A_1014 : i32 to index
        %swap3A_1016 = arith.constant 64 : index
        %swap3A_1017 = tpu.vector_load %arg7[%swap3A_1015, %swap3A_1016] {strides = array<i32>} : memref<8x128xf32, #tpu.memory_space<vmem>>, vector<16xf32>,
        tpu.vector_store %arg7[%swap3A_1015, %swap3A_1016], %mul3A_1013 {strides = array<i32>} : memref<8x128xf32, #tpu.memory_space<vmem>>, vector<16xf32>,
        %get3A_1018 = arith.constant 2 : i32
        %get3A_1019 = arith.index_cast %get3A_1018 : i32 to index
        %get3A_1020 = arith.constant 80 : index
        %get3A_1021 = tpu.vector_load %arg6[%get3A_1019, %get3A_1020] {strides = array<i32>} : memref<8x128xf32, #tpu.memory_space<vmem>>, vector<16xf32>,
        %add3A_1022 = arith.constant 1.000000e+00 : f32
        %add3A_1023 = vector.broadcast %add3A_1022 : f32 to vector<16xf32>
        %add3A_1024 = arith.addf %get3A_1021, %add3A_1023 : vector<16xf32>
        %bitcast3A_1025 = vector.bitcast %add3A_1024 : vector<16xf32> to vector<16xi32>
        %shift_right_arithmetic3A_1026 = arith.constant 1 : i32
        %shift_right_arithmetic3A_1027 = vector.broadcast %shift_right_arithmetic3A_1026 : i32 to vector<16xi32>
        %shift_right_arithmetic3A_1028 = arith.shrsi %bitcast3A_1025, %shift_right_arithmetic3A_1027 : vector<16xi32>
        %sub3A_1029 = arith.constant 1597463007 : i32
        %sub3A_1030 = vector.broadcast %sub3A_1029 : i32 to vector<16xi32>
        %sub3A_1031 = arith.subi %sub3A_1030, %shift_right_arithmetic3A_1028 : vector<16xi32>
        %bitcast3A_1032 = vector.bitcast %sub3A_1031 : vector<16xi32> to vector<16xf32>
        %mul3A_1033 = arith.constant 5.000000e-01 : f32
        %mul3A_1034 = vector.broadcast %mul3A_1033 : f32 to vector<16xf32>
        %mul3A_1035 = arith.mulf %mul3A_1034, %add3A_1024 : vector<16xf32>
        %mul3A_1036 = arith.mulf %mul3A_1035, %bitcast3A_1032 : vector<16xf32>
        %mul3A_1037 = arith.mulf %mul3A_1036, %bitcast3A_1032 : vector<16xf32>
        %sub3A_1038 = arith.constant 1.500000e+00 : f32
        %sub3A_1039 = vector.broadcast %sub3A_1038 : f32 to vector<16xf32>
        %sub3A_1040 = arith.subf %sub3A_1039, %mul3A_1037 : vector<16xf32>
        %mul3A_1041 = arith.mulf %bitcast3A_1032, %sub3A_1040 : vector<16xf32>
        %mul3A_1042 = arith.constant 5.000000e-01 : f32
        %mul3A_1043 = vector.broadcast %mul3A_1042 : f32 to vector<16xf32>
        %mul3A_1044 = arith.mulf %mul3A_1043, %add3A_1024 : vector<16xf32>
        %mul3A_1045 = arith.mulf %mul3A_1044, %mul3A_1041 : vector<16xf32>
        %mul3A_1046 = arith.mulf %mul3A_1045, %mul3A_1041 : vector<16xf32>
        %sub3A_1047 = arith.constant 1.500000e+00 : f32
        %sub3A_1048 = vector.broadcast %sub3A_1047 : f32 to vector<16xf32>
        %sub3A_1049 = arith.subf %sub3A_1048, %mul3A_1046 : vector<16xf32>
        %mul3A_1050 = arith.mulf %mul3A_1041, %sub3A_1049 : vector<16xf32>
        %mul3A_1051 = arith.constant 5.000000e-01 : f32
        %mul3A_1052 = vector.broadcast %mul3A_1051 : f32 to vector<16xf32>
        %mul3A_1053 = arith.mulf %mul3A_1052, %add3A_1024 : vector<16xf32>
        %mul3A_1054 = arith.mulf %mul3A_1053, %mul3A_1050 : vector<16xf32>
        %mul3A_1055 = arith.mulf %mul3A_1054, %mul3A_1050 : vector<16xf32>
        %sub3A_1056 = arith.constant 1.500000e+00 : f32
        %sub3A_1057 = vector.broadcast %sub3A_1056 : f32 to vector<16xf32>
        %sub3A_1058 = arith.subf %sub3A_1057, %mul3A_1055 : vector<16xf32>
        %mul3A_1059 = arith.mulf %mul3A_1050, %sub3A_1058 : vector<16xf32>
        %swap3A_1060 = arith.constant 2 : i32
        %swap3A_1061 = arith.index_cast %swap3A_1060 : i32 to index
        %swap3A_1062 = arith.constant 80 : index
        %swap3A_1063 = tpu.vector_load %arg7[%swap3A_1061, %swap3A_1062] {strides = array<i32>} : memref<8x128xf32, #tpu.memory_space<vmem>>, vector<16xf32>,
        tpu.vector_store %arg7[%swap3A_1061, %swap3A_1062], %mul3A_1059 {strides = array<i32>} : memref<8x128xf32, #tpu.memory_space<vmem>>, vector<16xf32>,
        %get3A_1064 = arith.constant 2 : i32
        %get3A_1065 = arith.index_cast %get3A_1064 : i32 to index
        %get3A_1066 = arith.constant 96 : index
        %get3A_1067 = tpu.vector_load %arg6[%get3A_1065, %get3A_1066] {strides = array<i32>} : memref<8x128xf32, #tpu.memory_space<vmem>>, vector<16xf32>,
        %add3A_1068 = arith.constant 1.000000e+00 : f32
        %add3A_1069 = vector.broadcast %add3A_1068 : f32 to vector<16xf32>
        %add3A_1070 = arith.addf %get3A_1067, %add3A_1069 : vector<16xf32>
        %bitcast3A_1071 = vector.bitcast %add3A_1070 : vector<16xf32> to vector<16xi32>
        %shift_right_arithmetic3A_1072 = arith.constant 1 : i32
        %shift_right_arithmetic3A_1073 = vector.broadcast %shift_right_arithmetic3A_1072 : i32 to vector<16xi32>
        %shift_right_arithmetic3A_1074 = arith.shrsi %bitcast3A_1071, %shift_right_arithmetic3A_1073 : vector<16xi32>
        %sub3A_1075 = arith.constant 1597463007 : i32
        %sub3A_1076 = vector.broadcast %sub3A_1075 : i32 to vector<16xi32>
        %sub3A_1077 = arith.subi %sub3A_1076, %shift_right_arithmetic3A_1074 : vector<16xi32>
        %bitcast3A_1078 = vector.bitcast %sub3A_1077 : vector<16xi32> to vector<16xf32>
        %mul3A_1079 = arith.constant 5.000000e-01 : f32
        %mul3A_1080 = vector.broadcast %mul3A_1079 : f32 to vector<16xf32>
        %mul3A_1081 = arith.mulf %mul3A_1080, %add3A_1070 : vector<16xf32>
        %mul3A_1082 = arith.mulf %mul3A_1081, %bitcast3A_1078 : vector<16xf32>
        %mul3A_1083 = arith.mulf %mul3A_1082, %bitcast3A_1078 : vector<16xf32>
        %sub3A_1084 = arith.constant 1.500000e+00 : f32
        %sub3A_1085 = vector.broadcast %sub3A_1084 : f32 to vector<16xf32>
        %sub3A_1086 = arith.subf %sub3A_1085, %mul3A_1083 : vector<16xf32>
        %mul3A_1087 = arith.mulf %bitcast3A_1078, %sub3A_1086 : vector<16xf32>
        %mul3A_1088 = arith.constant 5.000000e-01 : f32
        %mul3A_1089 = vector.broadcast %mul3A_1088 : f32 to vector<16xf32>
        %mul3A_1090 = arith.mulf %mul3A_1089, %add3A_1070 : vector<16xf32>
        %mul3A_1091 = arith.mulf %mul3A_1090, %mul3A_1087 : vector<16xf32>
        %mul3A_1092 = arith.mulf %mul3A_1091, %mul3A_1087 : vector<16xf32>
        %sub3A_1093 = arith.constant 1.500000e+00 : f32
        %sub3A_1094 = vector.broadcast %sub3A_1093 : f32 to vector<16xf32>
        %sub3A_1095 = arith.subf %sub3A_1094, %mul3A_1092 : vector<16xf32>
        %mul3A_1096 = arith.mulf %mul3A_1087, %sub3A_1095 : vector<16xf32>
        %mul3A_1097 = arith.constant 5.000000e-01 : f32
        %mul3A_1098 = vector.broadcast %mul3A_1097 : f32 to vector<16xf32>
        %mul3A_1099 = arith.mulf %mul3A_1098, %add3A_1070 : vector<16xf32>
        %mul3A_1100 = arith.mulf %mul3A_1099, %mul3A_1096 : vector<16xf32>
        %mul3A_1101 = arith.mulf %mul3A_1100, %mul3A_1096 : vector<16xf32>
        %sub3A_1102 = arith.constant 1.500000e+00 : f32
        %sub3A_1103 = vector.broadcast %sub3A_1102 : f32 to vector<16xf32>
        %sub3A_1104 = arith.subf %sub3A_1103, %mul3A_1101 : vector<16xf32>
        %mul3A_1105 = arith.mulf %mul3A_1096, %sub3A_1104 : vector<16xf32>
        %swap3A_1106 = arith.constant 2 : i32
        %swap3A_1107 = arith.index_cast %swap3A_1106 : i32 to index
        %swap3A_1108 = arith.constant 96 : index
        %swap3A_1109 = tpu.vector_load %arg7[%swap3A_1107, %swap3A_1108] {strides = array<i32>} : memref<8x128xf32, #tpu.memory_space<vmem>>, vector<16xf32>,
        tpu.vector_store %arg7[%swap3A_1107, %swap3A_1108], %mul3A_1105 {strides = array<i32>} : memref<8x128xf32, #tpu.memory_space<vmem>>, vector<16xf32>,
        %get3A_1110 = arith.constant 2 : i32
        %get3A_1111 = arith.index_cast %get3A_1110 : i32 to index
        %get3A_1112 = arith.constant 112 : index
        %get3A_1113 = tpu.vector_load %arg6[%get3A_1111, %get3A_1112] {strides = array<i32>} : memref<8x128xf32, #tpu.memory_space<vmem>>, vector<16xf32>,
        %add3A_1114 = arith.constant 1.000000e+00 : f32
        %add3A_1115 = vector.broadcast %add3A_1114 : f32 to vector<16xf32>
        %add3A_1116 = arith.addf %get3A_1113, %add3A_1115 : vector<16xf32>
        %bitcast3A_1117 = vector.bitcast %add3A_1116 : vector<16xf32> to vector<16xi32>
        %shift_right_arithmetic3A_1118 = arith.constant 1 : i32
        %shift_right_arithmetic3A_1119 = vector.broadcast %shift_right_arithmetic3A_1118 : i32 to vector<16xi32>
        %shift_right_arithmetic3A_1120 = arith.shrsi %bitcast3A_1117, %shift_right_arithmetic3A_1119 : vector<16xi32>
        %sub3A_1121 = arith.constant 1597463007 : i32
        %sub3A_1122 = vector.broadcast %sub3A_1121 : i32 to vector<16xi32>
        %sub3A_1123 = arith.subi %sub3A_1122, %shift_right_arithmetic3A_1120 : vector<16xi32>
        %bitcast3A_1124 = vector.bitcast %sub3A_1123 : vector<16xi32> to vector<16xf32>
        %mul3A_1125 = arith.constant 5.000000e-01 : f32
        %mul3A_1126 = vector.broadcast %mul3A_1125 : f32 to vector<16xf32>
        %mul3A_1127 = arith.mulf %mul3A_1126, %add3A_1116 : vector<16xf32>
        %mul3A_1128 = arith.mulf %mul3A_1127, %bitcast3A_1124 : vector<16xf32>
        %mul3A_1129 = arith.mulf %mul3A_1128, %bitcast3A_1124 : vector<16xf32>
        %sub3A_1130 = arith.constant 1.500000e+00 : f32
        %sub3A_1131 = vector.broadcast %sub3A_1130 : f32 to vector<16xf32>
        %sub3A_1132 = arith.subf %sub3A_1131, %mul3A_1129 : vector<16xf32>
        %mul3A_1133 = arith.mulf %bitcast3A_1124, %sub3A_1132 : vector<16xf32>
        %mul3A_1134 = arith.constant 5.000000e-01 : f32
        %mul3A_1135 = vector.broadcast %mul3A_1134 : f32 to vector<16xf32>
        %mul3A_1136 = arith.mulf %mul3A_1135, %add3A_1116 : vector<16xf32>
        %mul3A_1137 = arith.mulf %mul3A_1136, %mul3A_1133 : vector<16xf32>
        %mul3A_1138 = arith.mulf %mul3A_1137, %mul3A_1133 : vector<16xf32>
        %sub3A_1139 = arith.constant 1.500000e+00 : f32
        %sub3A_1140 = vector.broadcast %sub3A_1139 : f32 to vector<16xf32>
        %sub3A_1141 = arith.subf %sub3A_1140, %mul3A_1138 : vector<16xf32>
        %mul3A_1142 = arith.mulf %mul3A_1133, %sub3A_1141 : vector<16xf32>
        %mul3A_1143 = arith.constant 5.000000e-01 : f32
        %mul3A_1144 = vector.broadcast %mul3A_1143 : f32 to vector<16xf32>
        %mul3A_1145 = arith.mulf %mul3A_1144, %add3A_1116 : vector<16xf32>
        %mul3A_1146 = arith.mulf %mul3A_1145, %mul3A_1142 : vector<16xf32>
        %mul3A_1147 = arith.mulf %mul3A_1146, %mul3A_1142 : vector<16xf32>
        %sub3A_1148 = arith.constant 1.500000e+00 : f32
        %sub3A_1149 = vector.broadcast %sub3A_1148 : f32 to vector<16xf32>
        %sub3A_1150 = arith.subf %sub3A_1149, %mul3A_1147 : vector<16xf32>
        %mul3A_1151 = arith.mulf %mul3A_1142, %sub3A_1150 : vector<16xf32>
        %swap3A_1152 = arith.constant 2 : i32
        %swap3A_1153 = arith.index_cast %swap3A_1152 : i32 to index
        %swap3A_1154 = arith.constant 112 : index
        %swap3A_1155 = tpu.vector_load %arg7[%swap3A_1153, %swap3A_1154] {strides = array<i32>} : memref<8x128xf32, #tpu.memory_space<vmem>>, vector<16xf32>,
        tpu.vector_store %arg7[%swap3A_1153, %swap3A_1154], %mul3A_1151 {strides = array<i32>} : memref<8x128xf32, #tpu.memory_space<vmem>>, vector<16xf32>,
        %get3A_1156 = arith.constant 3 : i32
        %get3A_1157 = arith.index_cast %get3A_1156 : i32 to index
        %get3A_1158 = arith.constant 0 : index
        %get3A_1159 = tpu.vector_load %arg6[%get3A_1157, %get3A_1158] {strides = array<i32>} : memref<8x128xf32, #tpu.memory_space<vmem>>, vector<16xf32>,
        %add3A_1160 = arith.constant 1.000000e+00 : f32
        %add3A_1161 = vector.broadcast %add3A_1160 : f32 to vector<16xf32>
        %add3A_1162 = arith.addf %get3A_1159, %add3A_1161 : vector<16xf32>
        %bitcast3A_1163 = vector.bitcast %add3A_1162 : vector<16xf32> to vector<16xi32>
        %shift_right_arithmetic3A_1164 = arith.constant 1 : i32
        %shift_right_arithmetic3A_1165 = vector.broadcast %shift_right_arithmetic3A_1164 : i32 to vector<16xi32>
        %shift_right_arithmetic3A_1166 = arith.shrsi %bitcast3A_1163, %shift_right_arithmetic3A_1165 : vector<16xi32>
        %sub3A_1167 = arith.constant 1597463007 : i32
        %sub3A_1168 = vector.broadcast %sub3A_1167 : i32 to vector<16xi32>
        %sub3A_1169 = arith.subi %sub3A_1168, %shift_right_arithmetic3A_1166 : vector<16xi32>
        %bitcast3A_1170 = vector.bitcast %sub3A_1169 : vector<16xi32> to vector<16xf32>
        %mul3A_1171 = arith.constant 5.000000e-01 : f32
        %mul3A_1172 = vector.broadcast %mul3A_1171 : f32 to vector<16xf32>
        %mul3A_1173 = arith.mulf %mul3A_1172, %add3A_1162 : vector<16xf32>
        %mul3A_1174 = arith.mulf %mul3A_1173, %bitcast3A_1170 : vector<16xf32>
        %mul3A_1175 = arith.mulf %mul3A_1174, %bitcast3A_1170 : vector<16xf32>
        %sub3A_1176 = arith.constant 1.500000e+00 : f32
        %sub3A_1177 = vector.broadcast %sub3A_1176 : f32 to vector<16xf32>
        %sub3A_1178 = arith.subf %sub3A_1177, %mul3A_1175 : vector<16xf32>
        %mul3A_1179 = arith.mulf %bitcast3A_1170, %sub3A_1178 : vector<16xf32>
        %mul3A_1180 = arith.constant 5.000000e-01 : f32
        %mul3A_1181 = vector.broadcast %mul3A_1180 : f32 to vector<16xf32>
        %mul3A_1182 = arith.mulf %mul3A_1181, %add3A_1162 : vector<16xf32>
        %mul3A_1183 = arith.mulf %mul3A_1182, %mul3A_1179 : vector<16xf32>
        %mul3A_1184 = arith.mulf %mul3A_1183, %mul3A_1179 : vector<16xf32>
        %sub3A_1185 = arith.constant 1.500000e+00 : f32
        %sub3A_1186 = vector.broadcast %sub3A_1185 : f32 to vector<16xf32>
        %sub3A_1187 = arith.subf %sub3A_1186, %mul3A_1184 : vector<16xf32>
        %mul3A_1188 = arith.mulf %mul3A_1179, %sub3A_1187 : vector<16xf32>
        %mul3A_1189 = arith.constant 5.000000e-01 : f32
        %mul3A_1190 = vector.broadcast %mul3A_1189 : f32 to vector<16xf32>
        %mul3A_1191 = arith.mulf %mul3A_1190, %add3A_1162 : vector<16xf32>
        %mul3A_1192 = arith.mulf %mul3A_1191, %mul3A_1188 : vector<16xf32>
        %mul3A_1193 = arith.mulf %mul3A_1192, %mul3A_1188 : vector<16xf32>
        %sub3A_1194 = arith.constant 1.500000e+00 : f32
        %sub3A_1195 = vector.broadcast %sub3A_1194 : f32 to vector<16xf32>
        %sub3A_1196 = arith.subf %sub3A_1195, %mul3A_1193 : vector<16xf32>
        %mul3A_1197 = arith.mulf %mul3A_1188, %sub3A_1196 : vector<16xf32>
        %swap3A_1198 = arith.constant 3 : i32
        %swap3A_1199 = arith.index_cast %swap3A_1198 : i32 to index
        %swap3A_1200 = arith.constant 0 : index
        %swap3A_1201 = tpu.vector_load %arg7[%swap3A_1199, %swap3A_1200] {strides = array<i32>} : memref<8x128xf32, #tpu.memory_space<vmem>>, vector<16xf32>,
        tpu.vector_store %arg7[%swap3A_1199, %swap3A_1200], %mul3A_1197 {strides = array<i32>} : memref<8x128xf32, #tpu.memory_space<vmem>>, vector<16xf32>,
        %get3A_1202 = arith.constant 3 : i32
        %get3A_1203 = arith.index_cast %get3A_1202 : i32 to index
        %get3A_1204 = arith.constant 16 : index
        %get3A_1205 = tpu.vector_load %arg6[%get3A_1203, %get3A_1204] {strides = array<i32>} : memref<8x128xf32, #tpu.memory_space<vmem>>, vector<16xf32>,
        %add3A_1206 = arith.constant 1.000000e+00 : f32
        %add3A_1207 = vector.broadcast %add3A_1206 : f32 to vector<16xf32>
        %add3A_1208 = arith.addf %get3A_1205, %add3A_1207 : vector<16xf32>
        %bitcast3A_1209 = vector.bitcast %add3A_1208 : vector<16xf32> to vector<16xi32>
        %shift_right_arithmetic3A_1210 = arith.constant 1 : i32
        %shift_right_arithmetic3A_1211 = vector.broadcast %shift_right_arithmetic3A_1210 : i32 to vector<16xi32>
        %shift_right_arithmetic3A_1212 = arith.shrsi %bitcast3A_1209, %shift_right_arithmetic3A_1211 : vector<16xi32>
        %sub3A_1213 = arith.constant 1597463007 : i32
        %sub3A_1214 = vector.broadcast %sub3A_1213 : i32 to vector<16xi32>
        %sub3A_1215 = arith.subi %sub3A_1214, %shift_right_arithmetic3A_1212 : vector<16xi32>
        %bitcast3A_1216 = vector.bitcast %sub3A_1215 : vector<16xi32> to vector<16xf32>
        %mul3A_1217 = arith.constant 5.000000e-01 : f32
        %mul3A_1218 = vector.broadcast %mul3A_1217 : f32 to vector<16xf32>
        %mul3A_1219 = arith.mulf %mul3A_1218, %add3A_1208 : vector<16xf32>
        %mul3A_1220 = arith.mulf %mul3A_1219, %bitcast3A_1216 : vector<16xf32>
        %mul3A_1221 = arith.mulf %mul3A_1220, %bitcast3A_1216 : vector<16xf32>
        %sub3A_1222 = arith.constant 1.500000e+00 : f32
        %sub3A_1223 = vector.broadcast %sub3A_1222 : f32 to vector<16xf32>
        %sub3A_1224 = arith.subf %sub3A_1223, %mul3A_1221 : vector<16xf32>
        %mul3A_1225 = arith.mulf %bitcast3A_1216, %sub3A_1224 : vector<16xf32>
        %mul3A_1226 = arith.constant 5.000000e-01 : f32
        %mul3A_1227 = vector.broadcast %mul3A_1226 : f32 to vector<16xf32>
        %mul3A_1228 = arith.mulf %mul3A_1227, %add3A_1208 : vector<16xf32>
        %mul3A_1229 = arith.mulf %mul3A_1228, %mul3A_1225 : vector<16xf32>
        %mul3A_1230 = arith.mulf %mul3A_1229, %mul3A_1225 : vector<16xf32>
        %sub3A_1231 = arith.constant 1.500000e+00 : f32
        %sub3A_1232 = vector.broadcast %sub3A_1231 : f32 to vector<16xf32>
        %sub3A_1233 = arith.subf %sub3A_1232, %mul3A_1230 : vector<16xf32>
        %mul3A_1234 = arith.mulf %mul3A_1225, %sub3A_1233 : vector<16xf32>
        %mul3A_1235 = arith.constant 5.000000e-01 : f32
        %mul3A_1236 = vector.broadcast %mul3A_1235 : f32 to vector<16xf32>
        %mul3A_1237 = arith.mulf %mul3A_1236, %add3A_1208 : vector<16xf32>
        %mul3A_1238 = arith.mulf %mul3A_1237, %mul3A_1234 : vector<16xf32>
        %mul3A_1239 = arith.mulf %mul3A_1238, %mul3A_1234 : vector<16xf32>
        %sub3A_1240 = arith.constant 1.500000e+00 : f32
        %sub3A_1241 = vector.broadcast %sub3A_1240 : f32 to vector<16xf32>
        %sub3A_1242 = arith.subf %sub3A_1241, %mul3A_1239 : vector<16xf32>
        %mul3A_1243 = arith.mulf %mul3A_1234, %sub3A_1242 : vector<16xf32>
        %swap3A_1244 = arith.constant 3 : i32
        %swap3A_1245 = arith.index_cast %swap3A_1244 : i32 to index
        %swap3A_1246 = arith.constant 16 : index
        %swap3A_1247 = tpu.vector_load %arg7[%swap3A_1245, %swap3A_1246] {strides = array<i32>} : memref<8x128xf32, #tpu.memory_space<vmem>>, vector<16xf32>,
        tpu.vector_store %arg7[%swap3A_1245, %swap3A_1246], %mul3A_1243 {strides = array<i32>} : memref<8x128xf32, #tpu.memory_space<vmem>>, vector<16xf32>,
        %get3A_1248 = arith.constant 3 : i32
        %get3A_1249 = arith.index_cast %get3A_1248 : i32 to index
        %get3A_1250 = arith.constant 32 : index
        %get3A_1251 = tpu.vector_load %arg6[%get3A_1249, %get3A_1250] {strides = array<i32>} : memref<8x128xf32, #tpu.memory_space<vmem>>, vector<16xf32>,
        %add3A_1252 = arith.constant 1.000000e+00 : f32
        %add3A_1253 = vector.broadcast %add3A_1252 : f32 to vector<16xf32>
        %add3A_1254 = arith.addf %get3A_1251, %add3A_1253 : vector<16xf32>
        %bitcast3A_1255 = vector.bitcast %add3A_1254 : vector<16xf32> to vector<16xi32>
        %shift_right_arithmetic3A_1256 = arith.constant 1 : i32
        %shift_right_arithmetic3A_1257 = vector.broadcast %shift_right_arithmetic3A_1256 : i32 to vector<16xi32>
        %shift_right_arithmetic3A_1258 = arith.shrsi %bitcast3A_1255, %shift_right_arithmetic3A_1257 : vector<16xi32>
        %sub3A_1259 = arith.constant 1597463007 : i32
        %sub3A_1260 = vector.broadcast %sub3A_1259 : i32 to vector<16xi32>
        %sub3A_1261 = arith.subi %sub3A_1260, %shift_right_arithmetic3A_1258 : vector<16xi32>
        %bitcast3A_1262 = vector.bitcast %sub3A_1261 : vector<16xi32> to vector<16xf32>
        %mul3A_1263 = arith.constant 5.000000e-01 : f32
        %mul3A_1264 = vector.broadcast %mul3A_1263 : f32 to vector<16xf32>
        %mul3A_1265 = arith.mulf %mul3A_1264, %add3A_1254 : vector<16xf32>
        %mul3A_1266 = arith.mulf %mul3A_1265, %bitcast3A_1262 : vector<16xf32>
        %mul3A_1267 = arith.mulf %mul3A_1266, %bitcast3A_1262 : vector<16xf32>
        %sub3A_1268 = arith.constant 1.500000e+00 : f32
        %sub3A_1269 = vector.broadcast %sub3A_1268 : f32 to vector<16xf32>
        %sub3A_1270 = arith.subf %sub3A_1269, %mul3A_1267 : vector<16xf32>
        %mul3A_1271 = arith.mulf %bitcast3A_1262, %sub3A_1270 : vector<16xf32>
        %mul3A_1272 = arith.constant 5.000000e-01 : f32
        %mul3A_1273 = vector.broadcast %mul3A_1272 : f32 to vector<16xf32>
        %mul3A_1274 = arith.mulf %mul3A_1273, %add3A_1254 : vector<16xf32>
        %mul3A_1275 = arith.mulf %mul3A_1274, %mul3A_1271 : vector<16xf32>
        %mul3A_1276 = arith.mulf %mul3A_1275, %mul3A_1271 : vector<16xf32>
        %sub3A_1277 = arith.constant 1.500000e+00 : f32
        %sub3A_1278 = vector.broadcast %sub3A_1277 : f32 to vector<16xf32>
        %sub3A_1279 = arith.subf %sub3A_1278, %mul3A_1276 : vector<16xf32>
        %mul3A_1280 = arith.mulf %mul3A_1271, %sub3A_1279 : vector<16xf32>
        %mul3A_1281 = arith.constant 5.000000e-01 : f32
        %mul3A_1282 = vector.broadcast %mul3A_1281 : f32 to vector<16xf32>
        %mul3A_1283 = arith.mulf %mul3A_1282, %add3A_1254 : vector<16xf32>
        %mul3A_1284 = arith.mulf %mul3A_1283, %mul3A_1280 : vector<16xf32>
        %mul3A_1285 = arith.mulf %mul3A_1284, %mul3A_1280 : vector<16xf32>
        %sub3A_1286 = arith.constant 1.500000e+00 : f32
        %sub3A_1287 = vector.broadcast %sub3A_1286 : f32 to vector<16xf32>
        %sub3A_1288 = arith.subf %sub3A_1287, %mul3A_1285 : vector<16xf32>
        %mul3A_1289 = arith.mulf %mul3A_1280, %sub3A_1288 : vector<16xf32>
        %swap3A_1290 = arith.constant 3 : i32
        %swap3A_1291 = arith.index_cast %swap3A_1290 : i32 to index
        %swap3A_1292 = arith.constant 32 : index
        %swap3A_1293 = tpu.vector_load %arg7[%swap3A_1291, %swap3A_1292] {strides = array<i32>} : memref<8x128xf32, #tpu.memory_space<vmem>>, vector<16xf32>,
        tpu.vector_store %arg7[%swap3A_1291, %swap3A_1292], %mul3A_1289 {strides = array<i32>} : memref<8x128xf32, #tpu.memory_space<vmem>>, vector<16xf32>,
        %get3A_1294 = arith.constant 3 : i32
        %get3A_1295 = arith.index_cast %get3A_1294 : i32 to index
        %get3A_1296 = arith.constant 48 : index
        %get3A_1297 = tpu.vector_load %arg6[%get3A_1295, %get3A_1296] {strides = array<i32>} : memref<8x128xf32, #tpu.memory_space<vmem>>, vector<16xf32>,
        %add3A_1298 = arith.constant 1.000000e+00 : f32
        %add3A_1299 = vector.broadcast %add3A_1298 : f32 to vector<16xf32>
        %add3A_1300 = arith.addf %get3A_1297, %add3A_1299 : vector<16xf32>
        %bitcast3A_1301 = vector.bitcast %add3A_1300 : vector<16xf32> to vector<16xi32>
        %shift_right_arithmetic3A_1302 = arith.constant 1 : i32
        %shift_right_arithmetic3A_1303 = vector.broadcast %shift_right_arithmetic3A_1302 : i32 to vector<16xi32>
        %shift_right_arithmetic3A_1304 = arith.shrsi %bitcast3A_1301, %shift_right_arithmetic3A_1303 : vector<16xi32>
        %sub3A_1305 = arith.constant 1597463007 : i32
        %sub3A_1306 = vector.broadcast %sub3A_1305 : i32 to vector<16xi32>
        %sub3A_1307 = arith.subi %sub3A_1306, %shift_right_arithmetic3A_1304 : vector<16xi32>
        %bitcast3A_1308 = vector.bitcast %sub3A_1307 : vector<16xi32> to vector<16xf32>
        %mul3A_1309 = arith.constant 5.000000e-01 : f32
        %mul3A_1310 = vector.broadcast %mul3A_1309 : f32 to vector<16xf32>
        %mul3A_1311 = arith.mulf %mul3A_1310, %add3A_1300 : vector<16xf32>
        %mul3A_1312 = arith.mulf %mul3A_1311, %bitcast3A_1308 : vector<16xf32>
        %mul3A_1313 = arith.mulf %mul3A_1312, %bitcast3A_1308 : vector<16xf32>
        %sub3A_1314 = arith.constant 1.500000e+00 : f32
        %sub3A_1315 = vector.broadcast %sub3A_1314 : f32 to vector<16xf32>
        %sub3A_1316 = arith.subf %sub3A_1315, %mul3A_1313 : vector<16xf32>
        %mul3A_1317 = arith.mulf %bitcast3A_1308, %sub3A_1316 : vector<16xf32>
        %mul3A_1318 = arith.constant 5.000000e-01 : f32
        %mul3A_1319 = vector.broadcast %mul3A_1318 : f32 to vector<16xf32>
        %mul3A_1320 = arith.mulf %mul3A_1319, %add3A_1300 : vector<16xf32>
        %mul3A_1321 = arith.mulf %mul3A_1320, %mul3A_1317 : vector<16xf32>
        %mul3A_1322 = arith.mulf %mul3A_1321, %mul3A_1317 : vector<16xf32>
        %sub3A_1323 = arith.constant 1.500000e+00 : f32
        %sub3A_1324 = vector.broadcast %sub3A_1323 : f32 to vector<16xf32>
        %sub3A_1325 = arith.subf %sub3A_1324, %mul3A_1322 : vector<16xf32>
        %mul3A_1326 = arith.mulf %mul3A_1317, %sub3A_1325 : vector<16xf32>
        %mul3A_1327 = arith.constant 5.000000e-01 : f32
        %mul3A_1328 = vector.broadcast %mul3A_1327 : f32 to vector<16xf32>
        %mul3A_1329 = arith.mulf %mul3A_1328, %add3A_1300 : vector<16xf32>
        %mul3A_1330 = arith.mulf %mul3A_1329, %mul3A_1326 : vector<16xf32>
        %mul3A_1331 = arith.mulf %mul3A_1330, %mul3A_1326 : vector<16xf32>
        %sub3A_1332 = arith.constant 1.500000e+00 : f32
        %sub3A_1333 = vector.broadcast %sub3A_1332 : f32 to vector<16xf32>
        %sub3A_1334 = arith.subf %sub3A_1333, %mul3A_1331 : vector<16xf32>
        %mul3A_1335 = arith.mulf %mul3A_1326, %sub3A_1334 : vector<16xf32>
        %swap3A_1336 = arith.constant 3 : i32
        %swap3A_1337 = arith.index_cast %swap3A_1336 : i32 to index
        %swap3A_1338 = arith.constant 48 : index
        %swap3A_1339 = tpu.vector_load %arg7[%swap3A_1337, %swap3A_1338] {strides = array<i32>} : memref<8x128xf32, #tpu.memory_space<vmem>>, vector<16xf32>,
        tpu.vector_store %arg7[%swap3A_1337, %swap3A_1338], %mul3A_1335 {strides = array<i32>} : memref<8x128xf32, #tpu.memory_space<vmem>>, vector<16xf32>,
        %get3A_1340 = arith.constant 3 : i32
        %get3A_1341 = arith.index_cast %get3A_1340 : i32 to index
        %get3A_1342 = arith.constant 64 : index
        %get3A_1343 = tpu.vector_load %arg6[%get3A_1341, %get3A_1342] {strides = array<i32>} : memref<8x128xf32, #tpu.memory_space<vmem>>, vector<16xf32>,
        %add3A_1344 = arith.constant 1.000000e+00 : f32
        %add3A_1345 = vector.broadcast %add3A_1344 : f32 to vector<16xf32>
        %add3A_1346 = arith.addf %get3A_1343, %add3A_1345 : vector<16xf32>
        %bitcast3A_1347 = vector.bitcast %add3A_1346 : vector<16xf32> to vector<16xi32>
        %shift_right_arithmetic3A_1348 = arith.constant 1 : i32
        %shift_right_arithmetic3A_1349 = vector.broadcast %shift_right_arithmetic3A_1348 : i32 to vector<16xi32>
        %shift_right_arithmetic3A_1350 = arith.shrsi %bitcast3A_1347, %shift_right_arithmetic3A_1349 : vector<16xi32>
        %sub3A_1351 = arith.constant 1597463007 : i32
        %sub3A_1352 = vector.broadcast %sub3A_1351 : i32 to vector<16xi32>
        %sub3A_1353 = arith.subi %sub3A_1352, %shift_right_arithmetic3A_1350 : vector<16xi32>
        %bitcast3A_1354 = vector.bitcast %sub3A_1353 : vector<16xi32> to vector<16xf32>
        %mul3A_1355 = arith.constant 5.000000e-01 : f32
        %mul3A_1356 = vector.broadcast %mul3A_1355 : f32 to vector<16xf32>
        %mul3A_1357 = arith.mulf %mul3A_1356, %add3A_1346 : vector<16xf32>
        %mul3A_1358 = arith.mulf %mul3A_1357, %bitcast3A_1354 : vector<16xf32>
        %mul3A_1359 = arith.mulf %mul3A_1358, %bitcast3A_1354 : vector<16xf32>
        %sub3A_1360 = arith.constant 1.500000e+00 : f32
        %sub3A_1361 = vector.broadcast %sub3A_1360 : f32 to vector<16xf32>
        %sub3A_1362 = arith.subf %sub3A_1361, %mul3A_1359 : vector<16xf32>
        %mul3A_1363 = arith.mulf %bitcast3A_1354, %sub3A_1362 : vector<16xf32>
        %mul3A_1364 = arith.constant 5.000000e-01 : f32
        %mul3A_1365 = vector.broadcast %mul3A_1364 : f32 to vector<16xf32>
        %mul3A_1366 = arith.mulf %mul3A_1365, %add3A_1346 : vector<16xf32>
        %mul3A_1367 = arith.mulf %mul3A_1366, %mul3A_1363 : vector<16xf32>
        %mul3A_1368 = arith.mulf %mul3A_1367, %mul3A_1363 : vector<16xf32>
        %sub3A_1369 = arith.constant 1.500000e+00 : f32
        %sub3A_1370 = vector.broadcast %sub3A_1369 : f32 to vector<16xf32>
        %sub3A_1371 = arith.subf %sub3A_1370, %mul3A_1368 : vector<16xf32>
        %mul3A_1372 = arith.mulf %mul3A_1363, %sub3A_1371 : vector<16xf32>
        %mul3A_1373 = arith.constant 5.000000e-01 : f32
        %mul3A_1374 = vector.broadcast %mul3A_1373 : f32 to vector<16xf32>
        %mul3A_1375 = arith.mulf %mul3A_1374, %add3A_1346 : vector<16xf32>
        %mul3A_1376 = arith.mulf %mul3A_1375, %mul3A_1372 : vector<16xf32>
        %mul3A_1377 = arith.mulf %mul3A_1376, %mul3A_1372 : vector<16xf32>
        %sub3A_1378 = arith.constant 1.500000e+00 : f32
        %sub3A_1379 = vector.broadcast %sub3A_1378 : f32 to vector<16xf32>
        %sub3A_1380 = arith.subf %sub3A_1379, %mul3A_1377 : vector<16xf32>
        %mul3A_1381 = arith.mulf %mul3A_1372, %sub3A_1380 : vector<16xf32>
        %swap3A_1382 = arith.constant 3 : i32
        %swap3A_1383 = arith.index_cast %swap3A_1382 : i32 to index
        %swap3A_1384 = arith.constant 64 : index
        %swap3A_1385 = tpu.vector_load %arg7[%swap3A_1383, %swap3A_1384] {strides = array<i32>} : memref<8x128xf32, #tpu.memory_space<vmem>>, vector<16xf32>,
        tpu.vector_store %arg7[%swap3A_1383, %swap3A_1384], %mul3A_1381 {strides = array<i32>} : memref<8x128xf32, #tpu.memory_space<vmem>>, vector<16xf32>,
        %get3A_1386 = arith.constant 3 : i32
        %get3A_1387 = arith.index_cast %get3A_1386 : i32 to index
        %get3A_1388 = arith.constant 80 : index
        %get3A_1389 = tpu.vector_load %arg6[%get3A_1387, %get3A_1388] {strides = array<i32>} : memref<8x128xf32, #tpu.memory_space<vmem>>, vector<16xf32>,
        %add3A_1390 = arith.constant 1.000000e+00 : f32
        %add3A_1391 = vector.broadcast %add3A_1390 : f32 to vector<16xf32>
        %add3A_1392 = arith.addf %get3A_1389, %add3A_1391 : vector<16xf32>
        %bitcast3A_1393 = vector.bitcast %add3A_1392 : vector<16xf32> to vector<16xi32>
        %shift_right_arithmetic3A_1394 = arith.constant 1 : i32
        %shift_right_arithmetic3A_1395 = vector.broadcast %shift_right_arithmetic3A_1394 : i32 to vector<16xi32>
        %shift_right_arithmetic3A_1396 = arith.shrsi %bitcast3A_1393, %shift_right_arithmetic3A_1395 : vector<16xi32>
        %sub3A_1397 = arith.constant 1597463007 : i32
        %sub3A_1398 = vector.broadcast %sub3A_1397 : i32 to vector<16xi32>
        %sub3A_1399 = arith.subi %sub3A_1398, %shift_right_arithmetic3A_1396 : vector<16xi32>
        %bitcast3A_1400 = vector.bitcast %sub3A_1399 : vector<16xi32> to vector<16xf32>
        %mul3A_1401 = arith.constant 5.000000e-01 : f32
        %mul3A_1402 = vector.broadcast %mul3A_1401 : f32 to vector<16xf32>
        %mul3A_1403 = arith.mulf %mul3A_1402, %add3A_1392 : vector<16xf32>
        %mul3A_1404 = arith.mulf %mul3A_1403, %bitcast3A_1400 : vector<16xf32>
        %mul3A_1405 = arith.mulf %mul3A_1404, %bitcast3A_1400 : vector<16xf32>
        %sub3A_1406 = arith.constant 1.500000e+00 : f32
        %sub3A_1407 = vector.broadcast %sub3A_1406 : f32 to vector<16xf32>
        %sub3A_1408 = arith.subf %sub3A_1407, %mul3A_1405 : vector<16xf32>
        %mul3A_1409 = arith.mulf %bitcast3A_1400, %sub3A_1408 : vector<16xf32>
        %mul3A_1410 = arith.constant 5.000000e-01 : f32
        %mul3A_1411 = vector.broadcast %mul3A_1410 : f32 to vector<16xf32>
        %mul3A_1412 = arith.mulf %mul3A_1411, %add3A_1392 : vector<16xf32>
        %mul3A_1413 = arith.mulf %mul3A_1412, %mul3A_1409 : vector<16xf32>
        %mul3A_1414 = arith.mulf %mul3A_1413, %mul3A_1409 : vector<16xf32>
        %sub3A_1415 = arith.constant 1.500000e+00 : f32
        %sub3A_1416 = vector.broadcast %sub3A_1415 : f32 to vector<16xf32>
        %sub3A_1417 = arith.subf %sub3A_1416, %mul3A_1414 : vector<16xf32>
        %mul3A_1418 = arith.mulf %mul3A_1409, %sub3A_1417 : vector<16xf32>
        %mul3A_1419 = arith.constant 5.000000e-01 : f32
        %mul3A_1420 = vector.broadcast %mul3A_1419 : f32 to vector<16xf32>
        %mul3A_1421 = arith.mulf %mul3A_1420, %add3A_1392 : vector<16xf32>
        %mul3A_1422 = arith.mulf %mul3A_1421, %mul3A_1418 : vector<16xf32>
        %mul3A_1423 = arith.mulf %mul3A_1422, %mul3A_1418 : vector<16xf32>
        %sub3A_1424 = arith.constant 1.500000e+00 : f32
        %sub3A_1425 = vector.broadcast %sub3A_1424 : f32 to vector<16xf32>
        %sub3A_1426 = arith.subf %sub3A_1425, %mul3A_1423 : vector<16xf32>
        %mul3A_1427 = arith.mulf %mul3A_1418, %sub3A_1426 : vector<16xf32>
        %swap3A_1428 = arith.constant 3 : i32
        %swap3A_1429 = arith.index_cast %swap3A_1428 : i32 to index
        %swap3A_1430 = arith.constant 80 : index
        %swap3A_1431 = tpu.vector_load %arg7[%swap3A_1429, %swap3A_1430] {strides = array<i32>} : memref<8x128xf32, #tpu.memory_space<vmem>>, vector<16xf32>,
        tpu.vector_store %arg7[%swap3A_1429, %swap3A_1430], %mul3A_1427 {strides = array<i32>} : memref<8x128xf32, #tpu.memory_space<vmem>>, vector<16xf32>,
        %get3A_1432 = arith.constant 3 : i32
        %get3A_1433 = arith.index_cast %get3A_1432 : i32 to index
        %get3A_1434 = arith.constant 96 : index
        %get3A_1435 = tpu.vector_load %arg6[%get3A_1433, %get3A_1434] {strides = array<i32>} : memref<8x128xf32, #tpu.memory_space<vmem>>, vector<16xf32>,
        %add3A_1436 = arith.constant 1.000000e+00 : f32
        %add3A_1437 = vector.broadcast %add3A_1436 : f32 to vector<16xf32>
        %add3A_1438 = arith.addf %get3A_1435, %add3A_1437 : vector<16xf32>
        %bitcast3A_1439 = vector.bitcast %add3A_1438 : vector<16xf32> to vector<16xi32>
        %shift_right_arithmetic3A_1440 = arith.constant 1 : i32
        %shift_right_arithmetic3A_1441 = vector.broadcast %shift_right_arithmetic3A_1440 : i32 to vector<16xi32>
        %shift_right_arithmetic3A_1442 = arith.shrsi %bitcast3A_1439, %shift_right_arithmetic3A_1441 : vector<16xi32>
        %sub3A_1443 = arith.constant 1597463007 : i32
        %sub3A_1444 = vector.broadcast %sub3A_1443 : i32 to vector<16xi32>
        %sub3A_1445 = arith.subi %sub3A_1444, %shift_right_arithmetic3A_1442 : vector<16xi32>
        %bitcast3A_1446 = vector.bitcast %sub3A_1445 : vector<16xi32> to vector<16xf32>
        %mul3A_1447 = arith.constant 5.000000e-01 : f32
        %mul3A_1448 = vector.broadcast %mul3A_1447 : f32 to vector<16xf32>
        %mul3A_1449 = arith.mulf %mul3A_1448, %add3A_1438 : vector<16xf32>
        %mul3A_1450 = arith.mulf %mul3A_1449, %bitcast3A_1446 : vector<16xf32>
        %mul3A_1451 = arith.mulf %mul3A_1450, %bitcast3A_1446 : vector<16xf32>
        %sub3A_1452 = arith.constant 1.500000e+00 : f32
        %sub3A_1453 = vector.broadcast %sub3A_1452 : f32 to vector<16xf32>
        %sub3A_1454 = arith.subf %sub3A_1453, %mul3A_1451 : vector<16xf32>
        %mul3A_1455 = arith.mulf %bitcast3A_1446, %sub3A_1454 : vector<16xf32>
        %mul3A_1456 = arith.constant 5.000000e-01 : f32
        %mul3A_1457 = vector.broadcast %mul3A_1456 : f32 to vector<16xf32>
        %mul3A_1458 = arith.mulf %mul3A_1457, %add3A_1438 : vector<16xf32>
        %mul3A_1459 = arith.mulf %mul3A_1458, %mul3A_1455 : vector<16xf32>
        %mul3A_1460 = arith.mulf %mul3A_1459, %mul3A_1455 : vector<16xf32>
        %sub3A_1461 = arith.constant 1.500000e+00 : f32
        %sub3A_1462 = vector.broadcast %sub3A_1461 : f32 to vector<16xf32>
        %sub3A_1463 = arith.subf %sub3A_1462, %mul3A_1460 : vector<16xf32>
        %mul3A_1464 = arith.mulf %mul3A_1455, %sub3A_1463 : vector<16xf32>
        %mul3A_1465 = arith.constant 5.000000e-01 : f32
        %mul3A_1466 = vector.broadcast %mul3A_1465 : f32 to vector<16xf32>
        %mul3A_1467 = arith.mulf %mul3A_1466, %add3A_1438 : vector<16xf32>
        %mul3A_1468 = arith.mulf %mul3A_1467, %mul3A_1464 : vector<16xf32>
        %mul3A_1469 = arith.mulf %mul3A_1468, %mul3A_1464 : vector<16xf32>
        %sub3A_1470 = arith.constant 1.500000e+00 : f32
        %sub3A_1471 = vector.broadcast %sub3A_1470 : f32 to vector<16xf32>
        %sub3A_1472 = arith.subf %sub3A_1471, %mul3A_1469 : vector<16xf32>
        %mul3A_1473 = arith.mulf %mul3A_1464, %sub3A_1472 : vector<16xf32>
        %swap3A_1474 = arith.constant 3 : i32
        %swap3A_1475 = arith.index_cast %swap3A_1474 : i32 to index
        %swap3A_1476 = arith.constant 96 : index
        %swap3A_1477 = tpu.vector_load %arg7[%swap3A_1475, %swap3A_1476] {strides = array<i32>} : memref<8x128xf32, #tpu.memory_space<vmem>>, vector<16xf32>,
        tpu.vector_store %arg7[%swap3A_1475, %swap3A_1476], %mul3A_1473 {strides = array<i32>} : memref<8x128xf32, #tpu.memory_space<vmem>>, vector<16xf32>,
        %get3A_1478 = arith.constant 3 : i32
        %get3A_1479 = arith.index_cast %get3A_1478 : i32 to index
        %get3A_1480 = arith.constant 112 : index
        %get3A_1481 = tpu.vector_load %arg6[%get3A_1479, %get3A_1480] {strides = array<i32>} : memref<8x128xf32, #tpu.memory_space<vmem>>, vector<16xf32>,
        %add3A_1482 = arith.constant 1.000000e+00 : f32
        %add3A_1483 = vector.broadcast %add3A_1482 : f32 to vector<16xf32>
        %add3A_1484 = arith.addf %get3A_1481, %add3A_1483 : vector<16xf32>
        %bitcast3A_1485 = vector.bitcast %add3A_1484 : vector<16xf32> to vector<16xi32>
        %shift_right_arithmetic3A_1486 = arith.constant 1 : i32
        %shift_right_arithmetic3A_1487 = vector.broadcast %shift_right_arithmetic3A_1486 : i32 to vector<16xi32>
        %shift_right_arithmetic3A_1488 = arith.shrsi %bitcast3A_1485, %shift_right_arithmetic3A_1487 : vector<16xi32>
        %sub3A_1489 = arith.constant 1597463007 : i32
        %sub3A_1490 = vector.broadcast %sub3A_1489 : i32 to vector<16xi32>
        %sub3A_1491 = arith.subi %sub3A_1490, %shift_right_arithmetic3A_1488 : vector<16xi32>
        %bitcast3A_1492 = vector.bitcast %sub3A_1491 : vector<16xi32> to vector<16xf32>
        %mul3A_1493 = arith.constant 5.000000e-01 : f32
        %mul3A_1494 = vector.broadcast %mul3A_1493 : f32 to vector<16xf32>
        %mul3A_1495 = arith.mulf %mul3A_1494, %add3A_1484 : vector<16xf32>
        %mul3A_1496 = arith.mulf %mul3A_1495, %bitcast3A_1492 : vector<16xf32>
        %mul3A_1497 = arith.mulf %mul3A_1496, %bitcast3A_1492 : vector<16xf32>
        %sub3A_1498 = arith.constant 1.500000e+00 : f32
        %sub3A_1499 = vector.broadcast %sub3A_1498 : f32 to vector<16xf32>
        %sub3A_1500 = arith.subf %sub3A_1499, %mul3A_1497 : vector<16xf32>
        %mul3A_1501 = arith.mulf %bitcast3A_1492, %sub3A_1500 : vector<16xf32>
        %mul3A_1502 = arith.constant 5.000000e-01 : f32
        %mul3A_1503 = vector.broadcast %mul3A_1502 : f32 to vector<16xf32>
        %mul3A_1504 = arith.mulf %mul3A_1503, %add3A_1484 : vector<16xf32>
        %mul3A_1505 = arith.mulf %mul3A_1504, %mul3A_1501 : vector<16xf32>
        %mul3A_1506 = arith.mulf %mul3A_1505, %mul3A_1501 : vector<16xf32>
        %sub3A_1507 = arith.constant 1.500000e+00 : f32
        %sub3A_1508 = vector.broadcast %sub3A_1507 : f32 to vector<16xf32>
        %sub3A_1509 = arith.subf %sub3A_1508, %mul3A_1506 : vector<16xf32>
        %mul3A_1510 = arith.mulf %mul3A_1501, %sub3A_1509 : vector<16xf32>
        %mul3A_1511 = arith.constant 5.000000e-01 : f32
        %mul3A_1512 = vector.broadcast %mul3A_1511 : f32 to vector<16xf32>
        %mul3A_1513 = arith.mulf %mul3A_1512, %add3A_1484 : vector<16xf32>
        %mul3A_1514 = arith.mulf %mul3A_1513, %mul3A_1510 : vector<16xf32>
        %mul3A_1515 = arith.mulf %mul3A_1514, %mul3A_1510 : vector<16xf32>
        %sub3A_1516 = arith.constant 1.500000e+00 : f32
        %sub3A_1517 = vector.broadcast %sub3A_1516 : f32 to vector<16xf32>
        %sub3A_1518 = arith.subf %sub3A_1517, %mul3A_1515 : vector<16xf32>
        %mul3A_1519 = arith.mulf %mul3A_1510, %sub3A_1518 : vector<16xf32>
        %swap3A_1520 = arith.constant 3 : i32
        %swap3A_1521 = arith.index_cast %swap3A_1520 : i32 to index
        %swap3A_1522 = arith.constant 112 : index
        %swap3A_1523 = tpu.vector_load %arg7[%swap3A_1521, %swap3A_1522] {strides = array<i32>} : memref<8x128xf32, #tpu.memory_space<vmem>>, vector<16xf32>,
        tpu.vector_store %arg7[%swap3A_1521, %swap3A_1522], %mul3A_1519 {strides = array<i32>} : memref<8x128xf32, #tpu.memory_space<vmem>>, vector<16xf32>,
        %get3A_1524 = arith.constant 4 : i32
        %get3A_1525 = arith.index_cast %get3A_1524 : i32 to index
        %get3A_1526 = arith.constant 0 : index
        %get3A_1527 = tpu.vector_load %arg6[%get3A_1525, %get3A_1526] {strides = array<i32>} : memref<8x128xf32, #tpu.memory_space<vmem>>, vector<16xf32>,
        %add3A_1528 = arith.constant 1.000000e+00 : f32
        %add3A_1529 = vector.broadcast %add3A_1528 : f32 to vector<16xf32>
        %add3A_1530 = arith.addf %get3A_1527, %add3A_1529 : vector<16xf32>
        %bitcast3A_1531 = vector.bitcast %add3A_1530 : vector<16xf32> to vector<16xi32>
        %shift_right_arithmetic3A_1532 = arith.constant 1 : i32
        %shift_right_arithmetic3A_1533 = vector.broadcast %shift_right_arithmetic3A_1532 : i32 to vector<16xi32>
        %shift_right_arithmetic3A_1534 = arith.shrsi %bitcast3A_1531, %shift_right_arithmetic3A_1533 : vector<16xi32>
        %sub3A_1535 = arith.constant 1597463007 : i32
        %sub3A_1536 = vector.broadcast %sub3A_1535 : i32 to vector<16xi32>
        %sub3A_1537 = arith.subi %sub3A_1536, %shift_right_arithmetic3A_1534 : vector<16xi32>
        %bitcast3A_1538 = vector.bitcast %sub3A_1537 : vector<16xi32> to vector<16xf32>
        %mul3A_1539 = arith.constant 5.000000e-01 : f32
        %mul3A_1540 = vector.broadcast %mul3A_1539 : f32 to vector<16xf32>
        %mul3A_1541 = arith.mulf %mul3A_1540, %add3A_1530 : vector<16xf32>
        %mul3A_1542 = arith.mulf %mul3A_1541, %bitcast3A_1538 : vector<16xf32>
        %mul3A_1543 = arith.mulf %mul3A_1542, %bitcast3A_1538 : vector<16xf32>
        %sub3A_1544 = arith.constant 1.500000e+00 : f32
        %sub3A_1545 = vector.broadcast %sub3A_1544 : f32 to vector<16xf32>
        %sub3A_1546 = arith.subf %sub3A_1545, %mul3A_1543 : vector<16xf32>
        %mul3A_1547 = arith.mulf %bitcast3A_1538, %sub3A_1546 : vector<16xf32>
        %mul3A_1548 = arith.constant 5.000000e-01 : f32
        %mul3A_1549 = vector.broadcast %mul3A_1548 : f32 to vector<16xf32>
        %mul3A_1550 = arith.mulf %mul3A_1549, %add3A_1530 : vector<16xf32>
        %mul3A_1551 = arith.mulf %mul3A_1550, %mul3A_1547 : vector<16xf32>
        %mul3A_1552 = arith.mulf %mul3A_1551, %mul3A_1547 : vector<16xf32>
        %sub3A_1553 = arith.constant 1.500000e+00 : f32
        %sub3A_1554 = vector.broadcast %sub3A_1553 : f32 to vector<16xf32>
        %sub3A_1555 = arith.subf %sub3A_1554, %mul3A_1552 : vector<16xf32>
        %mul3A_1556 = arith.mulf %mul3A_1547, %sub3A_1555 : vector<16xf32>
        %mul3A_1557 = arith.constant 5.000000e-01 : f32
        %mul3A_1558 = vector.broadcast %mul3A_1557 : f32 to vector<16xf32>
        %mul3A_1559 = arith.mulf %mul3A_1558, %add3A_1530 : vector<16xf32>
        %mul3A_1560 = arith.mulf %mul3A_1559, %mul3A_1556 : vector<16xf32>
        %mul3A_1561 = arith.mulf %mul3A_1560, %mul3A_1556 : vector<16xf32>
        %sub3A_1562 = arith.constant 1.500000e+00 : f32
        %sub3A_1563 = vector.broadcast %sub3A_1562 : f32 to vector<16xf32>
        %sub3A_1564 = arith.subf %sub3A_1563, %mul3A_1561 : vector<16xf32>
        %mul3A_1565 = arith.mulf %mul3A_1556, %sub3A_1564 : vector<16xf32>
        %swap3A_1566 = arith.constant 4 : i32
        %swap3A_1567 = arith.index_cast %swap3A_1566 : i32 to index
        %swap3A_1568 = arith.constant 0 : index
        %swap3A_1569 = tpu.vector_load %arg7[%swap3A_1567, %swap3A_1568] {strides = array<i32>} : memref<8x128xf32, #tpu.memory_space<vmem>>, vector<16xf32>,
        tpu.vector_store %arg7[%swap3A_1567, %swap3A_1568], %mul3A_1565 {strides = array<i32>} : memref<8x128xf32, #tpu.memory_space<vmem>>, vector<16xf32>,
        %get3A_1570 = arith.constant 4 : i32
        %get3A_1571 = arith.index_cast %get3A_1570 : i32 to index
        %get3A_1572 = arith.constant 16 : index
        %get3A_1573 = tpu.vector_load %arg6[%get3A_1571, %get3A_1572] {strides = array<i32>} : memref<8x128xf32, #tpu.memory_space<vmem>>, vector<16xf32>,
        %add3A_1574 = arith.constant 1.000000e+00 : f32
        %add3A_1575 = vector.broadcast %add3A_1574 : f32 to vector<16xf32>
        %add3A_1576 = arith.addf %get3A_1573, %add3A_1575 : vector<16xf32>
        %bitcast3A_1577 = vector.bitcast %add3A_1576 : vector<16xf32> to vector<16xi32>
        %shift_right_arithmetic3A_1578 = arith.constant 1 : i32
        %shift_right_arithmetic3A_1579 = vector.broadcast %shift_right_arithmetic3A_1578 : i32 to vector<16xi32>
        %shift_right_arithmetic3A_1580 = arith.shrsi %bitcast3A_1577, %shift_right_arithmetic3A_1579 : vector<16xi32>
        %sub3A_1581 = arith.constant 1597463007 : i32
        %sub3A_1582 = vector.broadcast %sub3A_1581 : i32 to vector<16xi32>
        %sub3A_1583 = arith.subi %sub3A_1582, %shift_right_arithmetic3A_1580 : vector<16xi32>
        %bitcast3A_1584 = vector.bitcast %sub3A_1583 : vector<16xi32> to vector<16xf32>
        %mul3A_1585 = arith.constant 5.000000e-01 : f32
        %mul3A_1586 = vector.broadcast %mul3A_1585 : f32 to vector<16xf32>
        %mul3A_1587 = arith.mulf %mul3A_1586, %add3A_1576 : vector<16xf32>
        %mul3A_1588 = arith.mulf %mul3A_1587, %bitcast3A_1584 : vector<16xf32>
        %mul3A_1589 = arith.mulf %mul3A_1588, %bitcast3A_1584 : vector<16xf32>
        %sub3A_1590 = arith.constant 1.500000e+00 : f32
        %sub3A_1591 = vector.broadcast %sub3A_1590 : f32 to vector<16xf32>
        %sub3A_1592 = arith.subf %sub3A_1591, %mul3A_1589 : vector<16xf32>
        %mul3A_1593 = arith.mulf %bitcast3A_1584, %sub3A_1592 : vector<16xf32>
        %mul3A_1594 = arith.constant 5.000000e-01 : f32
        %mul3A_1595 = vector.broadcast %mul3A_1594 : f32 to vector<16xf32>
        %mul3A_1596 = arith.mulf %mul3A_1595, %add3A_1576 : vector<16xf32>
        %mul3A_1597 = arith.mulf %mul3A_1596, %mul3A_1593 : vector<16xf32>
        %mul3A_1598 = arith.mulf %mul3A_1597, %mul3A_1593 : vector<16xf32>
        %sub3A_1599 = arith.constant 1.500000e+00 : f32
        %sub3A_1600 = vector.broadcast %sub3A_1599 : f32 to vector<16xf32>
        %sub3A_1601 = arith.subf %sub3A_1600, %mul3A_1598 : vector<16xf32>
        %mul3A_1602 = arith.mulf %mul3A_1593, %sub3A_1601 : vector<16xf32>
        %mul3A_1603 = arith.constant 5.000000e-01 : f32
        %mul3A_1604 = vector.broadcast %mul3A_1603 : f32 to vector<16xf32>
        %mul3A_1605 = arith.mulf %mul3A_1604, %add3A_1576 : vector<16xf32>
        %mul3A_1606 = arith.mulf %mul3A_1605, %mul3A_1602 : vector<16xf32>
        %mul3A_1607 = arith.mulf %mul3A_1606, %mul3A_1602 : vector<16xf32>
        %sub3A_1608 = arith.constant 1.500000e+00 : f32
        %sub3A_1609 = vector.broadcast %sub3A_1608 : f32 to vector<16xf32>
        %sub3A_1610 = arith.subf %sub3A_1609, %mul3A_1607 : vector<16xf32>
        %mul3A_1611 = arith.mulf %mul3A_1602, %sub3A_1610 : vector<16xf32>
        %swap3A_1612 = arith.constant 4 : i32
        %swap3A_1613 = arith.index_cast %swap3A_1612 : i32 to index
        %swap3A_1614 = arith.constant 16 : index
        %swap3A_1615 = tpu.vector_load %arg7[%swap3A_1613, %swap3A_1614] {strides = array<i32>} : memref<8x128xf32, #tpu.memory_space<vmem>>, vector<16xf32>,
        tpu.vector_store %arg7[%swap3A_1613, %swap3A_1614], %mul3A_1611 {strides = array<i32>} : memref<8x128xf32, #tpu.memory_space<vmem>>, vector<16xf32>,
        %get3A_1616 = arith.constant 4 : i32
        %get3A_1617 = arith.index_cast %get3A_1616 : i32 to index
        %get3A_1618 = arith.constant 32 : index
        %get3A_1619 = tpu.vector_load %arg6[%get3A_1617, %get3A_1618] {strides = array<i32>} : memref<8x128xf32, #tpu.memory_space<vmem>>, vector<16xf32>,
        %add3A_1620 = arith.constant 1.000000e+00 : f32
        %add3A_1621 = vector.broadcast %add3A_1620 : f32 to vector<16xf32>
        %add3A_1622 = arith.addf %get3A_1619, %add3A_1621 : vector<16xf32>
        %bitcast3A_1623 = vector.bitcast %add3A_1622 : vector<16xf32> to vector<16xi32>
        %shift_right_arithmetic3A_1624 = arith.constant 1 : i32
        %shift_right_arithmetic3A_1625 = vector.broadcast %shift_right_arithmetic3A_1624 : i32 to vector<16xi32>
        %shift_right_arithmetic3A_1626 = arith.shrsi %bitcast3A_1623, %shift_right_arithmetic3A_1625 : vector<16xi32>
        %sub3A_1627 = arith.constant 1597463007 : i32
        %sub3A_1628 = vector.broadcast %sub3A_1627 : i32 to vector<16xi32>
        %sub3A_1629 = arith.subi %sub3A_1628, %shift_right_arithmetic3A_1626 : vector<16xi32>
        %bitcast3A_1630 = vector.bitcast %sub3A_1629 : vector<16xi32> to vector<16xf32>
        %mul3A_1631 = arith.constant 5.000000e-01 : f32
        %mul3A_1632 = vector.broadcast %mul3A_1631 : f32 to vector<16xf32>
        %mul3A_1633 = arith.mulf %mul3A_1632, %add3A_1622 : vector<16xf32>
        %mul3A_1634 = arith.mulf %mul3A_1633, %bitcast3A_1630 : vector<16xf32>
        %mul3A_1635 = arith.mulf %mul3A_1634, %bitcast3A_1630 : vector<16xf32>
        %sub3A_1636 = arith.constant 1.500000e+00 : f32
        %sub3A_1637 = vector.broadcast %sub3A_1636 : f32 to vector<16xf32>
        %sub3A_1638 = arith.subf %sub3A_1637, %mul3A_1635 : vector<16xf32>
        %mul3A_1639 = arith.mulf %bitcast3A_1630, %sub3A_1638 : vector<16xf32>
        %mul3A_1640 = arith.constant 5.000000e-01 : f32
        %mul3A_1641 = vector.broadcast %mul3A_1640 : f32 to vector<16xf32>
        %mul3A_1642 = arith.mulf %mul3A_1641, %add3A_1622 : vector<16xf32>
        %mul3A_1643 = arith.mulf %mul3A_1642, %mul3A_1639 : vector<16xf32>
        %mul3A_1644 = arith.mulf %mul3A_1643, %mul3A_1639 : vector<16xf32>
        %sub3A_1645 = arith.constant 1.500000e+00 : f32
        %sub3A_1646 = vector.broadcast %sub3A_1645 : f32 to vector<16xf32>
        %sub3A_1647 = arith.subf %sub3A_1646, %mul3A_1644 : vector<16xf32>
        %mul3A_1648 = arith.mulf %mul3A_1639, %sub3A_1647 : vector<16xf32>
        %mul3A_1649 = arith.constant 5.000000e-01 : f32
        %mul3A_1650 = vector.broadcast %mul3A_1649 : f32 to vector<16xf32>
        %mul3A_1651 = arith.mulf %mul3A_1650, %add3A_1622 : vector<16xf32>
        %mul3A_1652 = arith.mulf %mul3A_1651, %mul3A_1648 : vector<16xf32>
        %mul3A_1653 = arith.mulf %mul3A_1652, %mul3A_1648 : vector<16xf32>
        %sub3A_1654 = arith.constant 1.500000e+00 : f32
        %sub3A_1655 = vector.broadcast %sub3A_1654 : f32 to vector<16xf32>
        %sub3A_1656 = arith.subf %sub3A_1655, %mul3A_1653 : vector<16xf32>
        %mul3A_1657 = arith.mulf %mul3A_1648, %sub3A_1656 : vector<16xf32>
        %swap3A_1658 = arith.constant 4 : i32
        %swap3A_1659 = arith.index_cast %swap3A_1658 : i32 to index
        %swap3A_1660 = arith.constant 32 : index
        %swap3A_1661 = tpu.vector_load %arg7[%swap3A_1659, %swap3A_1660] {strides = array<i32>} : memref<8x128xf32, #tpu.memory_space<vmem>>, vector<16xf32>,
        tpu.vector_store %arg7[%swap3A_1659, %swap3A_1660], %mul3A_1657 {strides = array<i32>} : memref<8x128xf32, #tpu.memory_space<vmem>>, vector<16xf32>,
        %get3A_1662 = arith.constant 4 : i32
        %get3A_1663 = arith.index_cast %get3A_1662 : i32 to index
        %get3A_1664 = arith.constant 48 : index
        %get3A_1665 = tpu.vector_load %arg6[%get3A_1663, %get3A_1664] {strides = array<i32>} : memref<8x128xf32, #tpu.memory_space<vmem>>, vector<16xf32>,
        %add3A_1666 = arith.constant 1.000000e+00 : f32
        %add3A_1667 = vector.broadcast %add3A_1666 : f32 to vector<16xf32>
        %add3A_1668 = arith.addf %get3A_1665, %add3A_1667 : vector<16xf32>
        %bitcast3A_1669 = vector.bitcast %add3A_1668 : vector<16xf32> to vector<16xi32>
        %shift_right_arithmetic3A_1670 = arith.constant 1 : i32
        %shift_right_arithmetic3A_1671 = vector.broadcast %shift_right_arithmetic3A_1670 : i32 to vector<16xi32>
        %shift_right_arithmetic3A_1672 = arith.shrsi %bitcast3A_1669, %shift_right_arithmetic3A_1671 : vector<16xi32>
        %sub3A_1673 = arith.constant 1597463007 : i32
        %sub3A_1674 = vector.broadcast %sub3A_1673 : i32 to vector<16xi32>
        %sub3A_1675 = arith.subi %sub3A_1674, %shift_right_arithmetic3A_1672 : vector<16xi32>
        %bitcast3A_1676 = vector.bitcast %sub3A_1675 : vector<16xi32> to vector<16xf32>
        %mul3A_1677 = arith.constant 5.000000e-01 : f32
        %mul3A_1678 = vector.broadcast %mul3A_1677 : f32 to vector<16xf32>
        %mul3A_1679 = arith.mulf %mul3A_1678, %add3A_1668 : vector<16xf32>
        %mul3A_1680 = arith.mulf %mul3A_1679, %bitcast3A_1676 : vector<16xf32>
        %mul3A_1681 = arith.mulf %mul3A_1680, %bitcast3A_1676 : vector<16xf32>
        %sub3A_1682 = arith.constant 1.500000e+00 : f32
        %sub3A_1683 = vector.broadcast %sub3A_1682 : f32 to vector<16xf32>
        %sub3A_1684 = arith.subf %sub3A_1683, %mul3A_1681 : vector<16xf32>
        %mul3A_1685 = arith.mulf %bitcast3A_1676, %sub3A_1684 : vector<16xf32>
        %mul3A_1686 = arith.constant 5.000000e-01 : f32
        %mul3A_1687 = vector.broadcast %mul3A_1686 : f32 to vector<16xf32>
        %mul3A_1688 = arith.mulf %mul3A_1687, %add3A_1668 : vector<16xf32>
        %mul3A_1689 = arith.mulf %mul3A_1688, %mul3A_1685 : vector<16xf32>
        %mul3A_1690 = arith.mulf %mul3A_1689, %mul3A_1685 : vector<16xf32>
        %sub3A_1691 = arith.constant 1.500000e+00 : f32
        %sub3A_1692 = vector.broadcast %sub3A_1691 : f32 to vector<16xf32>
        %sub3A_1693 = arith.subf %sub3A_1692, %mul3A_1690 : vector<16xf32>
        %mul3A_1694 = arith.mulf %mul3A_1685, %sub3A_1693 : vector<16xf32>
        %mul3A_1695 = arith.constant 5.000000e-01 : f32
        %mul3A_1696 = vector.broadcast %mul3A_1695 : f32 to vector<16xf32>
        %mul3A_1697 = arith.mulf %mul3A_1696, %add3A_1668 : vector<16xf32>
        %mul3A_1698 = arith.mulf %mul3A_1697, %mul3A_1694 : vector<16xf32>
        %mul3A_1699 = arith.mulf %mul3A_1698, %mul3A_1694 : vector<16xf32>
        %sub3A_1700 = arith.constant 1.500000e+00 : f32
        %sub3A_1701 = vector.broadcast %sub3A_1700 : f32 to vector<16xf32>
        %sub3A_1702 = arith.subf %sub3A_1701, %mul3A_1699 : vector<16xf32>
        %mul3A_1703 = arith.mulf %mul3A_1694, %sub3A_1702 : vector<16xf32>
        %swap3A_1704 = arith.constant 4 : i32
        %swap3A_1705 = arith.index_cast %swap3A_1704 : i32 to index
        %swap3A_1706 = arith.constant 48 : index
        %swap3A_1707 = tpu.vector_load %arg7[%swap3A_1705, %swap3A_1706] {strides = array<i32>} : memref<8x128xf32, #tpu.memory_space<vmem>>, vector<16xf32>,
        tpu.vector_store %arg7[%swap3A_1705, %swap3A_1706], %mul3A_1703 {strides = array<i32>} : memref<8x128xf32, #tpu.memory_space<vmem>>, vector<16xf32>,
        %get3A_1708 = arith.constant 4 : i32
        %get3A_1709 = arith.index_cast %get3A_1708 : i32 to index
        %get3A_1710 = arith.constant 64 : index
        %get3A_1711 = tpu.vector_load %arg6[%get3A_1709, %get3A_1710] {strides = array<i32>} : memref<8x128xf32, #tpu.memory_space<vmem>>, vector<16xf32>,
        %add3A_1712 = arith.constant 1.000000e+00 : f32
        %add3A_1713 = vector.broadcast %add3A_1712 : f32 to vector<16xf32>
        %add3A_1714 = arith.addf %get3A_1711, %add3A_1713 : vector<16xf32>
        %bitcast3A_1715 = vector.bitcast %add3A_1714 : vector<16xf32> to vector<16xi32>
        %shift_right_arithmetic3A_1716 = arith.constant 1 : i32
        %shift_right_arithmetic3A_1717 = vector.broadcast %shift_right_arithmetic3A_1716 : i32 to vector<16xi32>
        %shift_right_arithmetic3A_1718 = arith.shrsi %bitcast3A_1715, %shift_right_arithmetic3A_1717 : vector<16xi32>
        %sub3A_1719 = arith.constant 1597463007 : i32
        %sub3A_1720 = vector.broadcast %sub3A_1719 : i32 to vector<16xi32>
        %sub3A_1721 = arith.subi %sub3A_1720, %shift_right_arithmetic3A_1718 : vector<16xi32>
        %bitcast3A_1722 = vector.bitcast %sub3A_1721 : vector<16xi32> to vector<16xf32>
        %mul3A_1723 = arith.constant 5.000000e-01 : f32
        %mul3A_1724 = vector.broadcast %mul3A_1723 : f32 to vector<16xf32>
        %mul3A_1725 = arith.mulf %mul3A_1724, %add3A_1714 : vector<16xf32>
        %mul3A_1726 = arith.mulf %mul3A_1725, %bitcast3A_1722 : vector<16xf32>
        %mul3A_1727 = arith.mulf %mul3A_1726, %bitcast3A_1722 : vector<16xf32>
        %sub3A_1728 = arith.constant 1.500000e+00 : f32
        %sub3A_1729 = vector.broadcast %sub3A_1728 : f32 to vector<16xf32>
        %sub3A_1730 = arith.subf %sub3A_1729, %mul3A_1727 : vector<16xf32>
        %mul3A_1731 = arith.mulf %bitcast3A_1722, %sub3A_1730 : vector<16xf32>
        %mul3A_1732 = arith.constant 5.000000e-01 : f32
        %mul3A_1733 = vector.broadcast %mul3A_1732 : f32 to vector<16xf32>
        %mul3A_1734 = arith.mulf %mul3A_1733, %add3A_1714 : vector<16xf32>
        %mul3A_1735 = arith.mulf %mul3A_1734, %mul3A_1731 : vector<16xf32>
        %mul3A_1736 = arith.mulf %mul3A_1735, %mul3A_1731 : vector<16xf32>
        %sub3A_1737 = arith.constant 1.500000e+00 : f32
        %sub3A_1738 = vector.broadcast %sub3A_1737 : f32 to vector<16xf32>
        %sub3A_1739 = arith.subf %sub3A_1738, %mul3A_1736 : vector<16xf32>
        %mul3A_1740 = arith.mulf %mul3A_1731, %sub3A_1739 : vector<16xf32>
        %mul3A_1741 = arith.constant 5.000000e-01 : f32
        %mul3A_1742 = vector.broadcast %mul3A_1741 : f32 to vector<16xf32>
        %mul3A_1743 = arith.mulf %mul3A_1742, %add3A_1714 : vector<16xf32>
        %mul3A_1744 = arith.mulf %mul3A_1743, %mul3A_1740 : vector<16xf32>
        %mul3A_1745 = arith.mulf %mul3A_1744, %mul3A_1740 : vector<16xf32>
        %sub3A_1746 = arith.constant 1.500000e+00 : f32
        %sub3A_1747 = vector.broadcast %sub3A_1746 : f32 to vector<16xf32>
        %sub3A_1748 = arith.subf %sub3A_1747, %mul3A_1745 : vector<16xf32>
        %mul3A_1749 = arith.mulf %mul3A_1740, %sub3A_1748 : vector<16xf32>
        %swap3A_1750 = arith.constant 4 : i32
        %swap3A_1751 = arith.index_cast %swap3A_1750 : i32 to index
        %swap3A_1752 = arith.constant 64 : index
        %swap3A_1753 = tpu.vector_load %arg7[%swap3A_1751, %swap3A_1752] {strides = array<i32>} : memref<8x128xf32, #tpu.memory_space<vmem>>, vector<16xf32>,
        tpu.vector_store %arg7[%swap3A_1751, %swap3A_1752], %mul3A_1749 {strides = array<i32>} : memref<8x128xf32, #tpu.memory_space<vmem>>, vector<16xf32>,
        %get3A_1754 = arith.constant 4 : i32
        %get3A_1755 = arith.index_cast %get3A_1754 : i32 to index
        %get3A_1756 = arith.constant 80 : index
        %get3A_1757 = tpu.vector_load %arg6[%get3A_1755, %get3A_1756] {strides = array<i32>} : memref<8x128xf32, #tpu.memory_space<vmem>>, vector<16xf32>,
        %add3A_1758 = arith.constant 1.000000e+00 : f32
        %add3A_1759 = vector.broadcast %add3A_1758 : f32 to vector<16xf32>
        %add3A_1760 = arith.addf %get3A_1757, %add3A_1759 : vector<16xf32>
        %bitcast3A_1761 = vector.bitcast %add3A_1760 : vector<16xf32> to vector<16xi32>
        %shift_right_arithmetic3A_1762 = arith.constant 1 : i32
        %shift_right_arithmetic3A_1763 = vector.broadcast %shift_right_arithmetic3A_1762 : i32 to vector<16xi32>
        %shift_right_arithmetic3A_1764 = arith.shrsi %bitcast3A_1761, %shift_right_arithmetic3A_1763 : vector<16xi32>
        %sub3A_1765 = arith.constant 1597463007 : i32
        %sub3A_1766 = vector.broadcast %sub3A_1765 : i32 to vector<16xi32>
        %sub3A_1767 = arith.subi %sub3A_1766, %shift_right_arithmetic3A_1764 : vector<16xi32>
        %bitcast3A_1768 = vector.bitcast %sub3A_1767 : vector<16xi32> to vector<16xf32>
        %mul3A_1769 = arith.constant 5.000000e-01 : f32
        %mul3A_1770 = vector.broadcast %mul3A_1769 : f32 to vector<16xf32>
        %mul3A_1771 = arith.mulf %mul3A_1770, %add3A_1760 : vector<16xf32>
        %mul3A_1772 = arith.mulf %mul3A_1771, %bitcast3A_1768 : vector<16xf32>
        %mul3A_1773 = arith.mulf %mul3A_1772, %bitcast3A_1768 : vector<16xf32>
        %sub3A_1774 = arith.constant 1.500000e+00 : f32
        %sub3A_1775 = vector.broadcast %sub3A_1774 : f32 to vector<16xf32>
        %sub3A_1776 = arith.subf %sub3A_1775, %mul3A_1773 : vector<16xf32>
        %mul3A_1777 = arith.mulf %bitcast3A_1768, %sub3A_1776 : vector<16xf32>
        %mul3A_1778 = arith.constant 5.000000e-01 : f32
        %mul3A_1779 = vector.broadcast %mul3A_1778 : f32 to vector<16xf32>
        %mul3A_1780 = arith.mulf %mul3A_1779, %add3A_1760 : vector<16xf32>
        %mul3A_1781 = arith.mulf %mul3A_1780, %mul3A_1777 : vector<16xf32>
        %mul3A_1782 = arith.mulf %mul3A_1781, %mul3A_1777 : vector<16xf32>
        %sub3A_1783 = arith.constant 1.500000e+00 : f32
        %sub3A_1784 = vector.broadcast %sub3A_1783 : f32 to vector<16xf32>
        %sub3A_1785 = arith.subf %sub3A_1784, %mul3A_1782 : vector<16xf32>
        %mul3A_1786 = arith.mulf %mul3A_1777, %sub3A_1785 : vector<16xf32>
        %mul3A_1787 = arith.constant 5.000000e-01 : f32
        %mul3A_1788 = vector.broadcast %mul3A_1787 : f32 to vector<16xf32>
        %mul3A_1789 = arith.mulf %mul3A_1788, %add3A_1760 : vector<16xf32>
        %mul3A_1790 = arith.mulf %mul3A_1789, %mul3A_1786 : vector<16xf32>
        %mul3A_1791 = arith.mulf %mul3A_1790, %mul3A_1786 : vector<16xf32>
        %sub3A_1792 = arith.constant 1.500000e+00 : f32
        %sub3A_1793 = vector.broadcast %sub3A_1792 : f32 to vector<16xf32>
        %sub3A_1794 = arith.subf %sub3A_1793, %mul3A_1791 : vector<16xf32>
        %mul3A_1795 = arith.mulf %mul3A_1786, %sub3A_1794 : vector<16xf32>
        %swap3A_1796 = arith.constant 4 : i32
        %swap3A_1797 = arith.index_cast %swap3A_1796 : i32 to index
        %swap3A_1798 = arith.constant 80 : index
        %swap3A_1799 = tpu.vector_load %arg7[%swap3A_1797, %swap3A_1798] {strides = array<i32>} : memref<8x128xf32, #tpu.memory_space<vmem>>, vector<16xf32>,
        tpu.vector_store %arg7[%swap3A_1797, %swap3A_1798], %mul3A_1795 {strides = array<i32>} : memref<8x128xf32, #tpu.memory_space<vmem>>, vector<16xf32>,
        %get3A_1800 = arith.constant 4 : i32
        %get3A_1801 = arith.index_cast %get3A_1800 : i32 to index
        %get3A_1802 = arith.constant 96 : index
        %get3A_1803 = tpu.vector_load %arg6[%get3A_1801, %get3A_1802] {strides = array<i32>} : memref<8x128xf32, #tpu.memory_space<vmem>>, vector<16xf32>,
        %add3A_1804 = arith.constant 1.000000e+00 : f32
        %add3A_1805 = vector.broadcast %add3A_1804 : f32 to vector<16xf32>
        %add3A_1806 = arith.addf %get3A_1803, %add3A_1805 : vector<16xf32>
        %bitcast3A_1807 = vector.bitcast %add3A_1806 : vector<16xf32> to vector<16xi32>
        %shift_right_arithmetic3A_1808 = arith.constant 1 : i32
        %shift_right_arithmetic3A_1809 = vector.broadcast %shift_right_arithmetic3A_1808 : i32 to vector<16xi32>
        %shift_right_arithmetic3A_1810 = arith.shrsi %bitcast3A_1807, %shift_right_arithmetic3A_1809 : vector<16xi32>
        %sub3A_1811 = arith.constant 1597463007 : i32
        %sub3A_1812 = vector.broadcast %sub3A_1811 : i32 to vector<16xi32>
        %sub3A_1813 = arith.subi %sub3A_1812, %shift_right_arithmetic3A_1810 : vector<16xi32>
        %bitcast3A_1814 = vector.bitcast %sub3A_1813 : vector<16xi32> to vector<16xf32>
        %mul3A_1815 = arith.constant 5.000000e-01 : f32
        %mul3A_1816 = vector.broadcast %mul3A_1815 : f32 to vector<16xf32>
        %mul3A_1817 = arith.mulf %mul3A_1816, %add3A_1806 : vector<16xf32>
        %mul3A_1818 = arith.mulf %mul3A_1817, %bitcast3A_1814 : vector<16xf32>
        %mul3A_1819 = arith.mulf %mul3A_1818, %bitcast3A_1814 : vector<16xf32>
        %sub3A_1820 = arith.constant 1.500000e+00 : f32
        %sub3A_1821 = vector.broadcast %sub3A_1820 : f32 to vector<16xf32>
        %sub3A_1822 = arith.subf %sub3A_1821, %mul3A_1819 : vector<16xf32>
        %mul3A_1823 = arith.mulf %bitcast3A_1814, %sub3A_1822 : vector<16xf32>
        %mul3A_1824 = arith.constant 5.000000e-01 : f32
        %mul3A_1825 = vector.broadcast %mul3A_1824 : f32 to vector<16xf32>
        %mul3A_1826 = arith.mulf %mul3A_1825, %add3A_1806 : vector<16xf32>
        %mul3A_1827 = arith.mulf %mul3A_1826, %mul3A_1823 : vector<16xf32>
        %mul3A_1828 = arith.mulf %mul3A_1827, %mul3A_1823 : vector<16xf32>
        %sub3A_1829 = arith.constant 1.500000e+00 : f32
        %sub3A_1830 = vector.broadcast %sub3A_1829 : f32 to vector<16xf32>
        %sub3A_1831 = arith.subf %sub3A_1830, %mul3A_1828 : vector<16xf32>
        %mul3A_1832 = arith.mulf %mul3A_1823, %sub3A_1831 : vector<16xf32>
        %mul3A_1833 = arith.constant 5.000000e-01 : f32
        %mul3A_1834 = vector.broadcast %mul3A_1833 : f32 to vector<16xf32>
        %mul3A_1835 = arith.mulf %mul3A_1834, %add3A_1806 : vector<16xf32>
        %mul3A_1836 = arith.mulf %mul3A_1835, %mul3A_1832 : vector<16xf32>
        %mul3A_1837 = arith.mulf %mul3A_1836, %mul3A_1832 : vector<16xf32>
        %sub3A_1838 = arith.constant 1.500000e+00 : f32
        %sub3A_1839 = vector.broadcast %sub3A_1838 : f32 to vector<16xf32>
        %sub3A_1840 = arith.subf %sub3A_1839, %mul3A_1837 : vector<16xf32>
        %mul3A_1841 = arith.mulf %mul3A_1832, %sub3A_1840 : vector<16xf32>
        %swap3A_1842 = arith.constant 4 : i32
        %swap3A_1843 = arith.index_cast %swap3A_1842 : i32 to index
        %swap3A_1844 = arith.constant 96 : index
        %swap3A_1845 = tpu.vector_load %arg7[%swap3A_1843, %swap3A_1844] {strides = array<i32>} : memref<8x128xf32, #tpu.memory_space<vmem>>, vector<16xf32>,
        tpu.vector_store %arg7[%swap3A_1843, %swap3A_1844], %mul3A_1841 {strides = array<i32>} : memref<8x128xf32, #tpu.memory_space<vmem>>, vector<16xf32>,
        %get3A_1846 = arith.constant 4 : i32
        %get3A_1847 = arith.index_cast %get3A_1846 : i32 to index
        %get3A_1848 = arith.constant 112 : index
        %get3A_1849 = tpu.vector_load %arg6[%get3A_1847, %get3A_1848] {strides = array<i32>} : memref<8x128xf32, #tpu.memory_space<vmem>>, vector<16xf32>,
        %add3A_1850 = arith.constant 1.000000e+00 : f32
        %add3A_1851 = vector.broadcast %add3A_1850 : f32 to vector<16xf32>
        %add3A_1852 = arith.addf %get3A_1849, %add3A_1851 : vector<16xf32>
        %bitcast3A_1853 = vector.bitcast %add3A_1852 : vector<16xf32> to vector<16xi32>
        %shift_right_arithmetic3A_1854 = arith.constant 1 : i32
        %shift_right_arithmetic3A_1855 = vector.broadcast %shift_right_arithmetic3A_1854 : i32 to vector<16xi32>
        %shift_right_arithmetic3A_1856 = arith.shrsi %bitcast3A_1853, %shift_right_arithmetic3A_1855 : vector<16xi32>
        %sub3A_1857 = arith.constant 1597463007 : i32
        %sub3A_1858 = vector.broadcast %sub3A_1857 : i32 to vector<16xi32>
        %sub3A_1859 = arith.subi %sub3A_1858, %shift_right_arithmetic3A_1856 : vector<16xi32>
        %bitcast3A_1860 = vector.bitcast %sub3A_1859 : vector<16xi32> to vector<16xf32>
        %mul3A_1861 = arith.constant 5.000000e-01 : f32
        %mul3A_1862 = vector.broadcast %mul3A_1861 : f32 to vector<16xf32>
        %mul3A_1863 = arith.mulf %mul3A_1862, %add3A_1852 : vector<16xf32>
        %mul3A_1864 = arith.mulf %mul3A_1863, %bitcast3A_1860 : vector<16xf32>
        %mul3A_1865 = arith.mulf %mul3A_1864, %bitcast3A_1860 : vector<16xf32>
        %sub3A_1866 = arith.constant 1.500000e+00 : f32
        %sub3A_1867 = vector.broadcast %sub3A_1866 : f32 to vector<16xf32>
        %sub3A_1868 = arith.subf %sub3A_1867, %mul3A_1865 : vector<16xf32>
        %mul3A_1869 = arith.mulf %bitcast3A_1860, %sub3A_1868 : vector<16xf32>
        %mul3A_1870 = arith.constant 5.000000e-01 : f32
        %mul3A_1871 = vector.broadcast %mul3A_1870 : f32 to vector<16xf32>
        %mul3A_1872 = arith.mulf %mul3A_1871, %add3A_1852 : vector<16xf32>
        %mul3A_1873 = arith.mulf %mul3A_1872, %mul3A_1869 : vector<16xf32>
        %mul3A_1874 = arith.mulf %mul3A_1873, %mul3A_1869 : vector<16xf32>
        %sub3A_1875 = arith.constant 1.500000e+00 : f32
        %sub3A_1876 = vector.broadcast %sub3A_1875 : f32 to vector<16xf32>
        %sub3A_1877 = arith.subf %sub3A_1876, %mul3A_1874 : vector<16xf32>
        %mul3A_1878 = arith.mulf %mul3A_1869, %sub3A_1877 : vector<16xf32>
        %mul3A_1879 = arith.constant 5.000000e-01 : f32
        %mul3A_1880 = vector.broadcast %mul3A_1879 : f32 to vector<16xf32>
        %mul3A_1881 = arith.mulf %mul3A_1880, %add3A_1852 : vector<16xf32>
        %mul3A_1882 = arith.mulf %mul3A_1881, %mul3A_1878 : vector<16xf32>
        %mul3A_1883 = arith.mulf %mul3A_1882, %mul3A_1878 : vector<16xf32>
        %sub3A_1884 = arith.constant 1.500000e+00 : f32
        %sub3A_1885 = vector.broadcast %sub3A_1884 : f32 to vector<16xf32>
        %sub3A_1886 = arith.subf %sub3A_1885, %mul3A_1883 : vector<16xf32>
        %mul3A_1887 = arith.mulf %mul3A_1878, %sub3A_1886 : vector<16xf32>
        %swap3A_1888 = arith.constant 4 : i32
        %swap3A_1889 = arith.index_cast %swap3A_1888 : i32 to index
        %swap3A_1890 = arith.constant 112 : index
        %swap3A_1891 = tpu.vector_load %arg7[%swap3A_1889, %swap3A_1890] {strides = array<i32>} : memref<8x128xf32, #tpu.memory_space<vmem>>, vector<16xf32>,
        tpu.vector_store %arg7[%swap3A_1889, %swap3A_1890], %mul3A_1887 {strides = array<i32>} : memref<8x128xf32, #tpu.memory_space<vmem>>, vector<16xf32>,
        %get3A_1892 = arith.constant 5 : i32
        %get3A_1893 = arith.index_cast %get3A_1892 : i32 to index
        %get3A_1894 = arith.constant 0 : index
        %get3A_1895 = tpu.vector_load %arg6[%get3A_1893, %get3A_1894] {strides = array<i32>} : memref<8x128xf32, #tpu.memory_space<vmem>>, vector<16xf32>,
        %add3A_1896 = arith.constant 1.000000e+00 : f32
        %add3A_1897 = vector.broadcast %add3A_1896 : f32 to vector<16xf32>
        %add3A_1898 = arith.addf %get3A_1895, %add3A_1897 : vector<16xf32>
        %bitcast3A_1899 = vector.bitcast %add3A_1898 : vector<16xf32> to vector<16xi32>
        %shift_right_arithmetic3A_1900 = arith.constant 1 : i32
        %shift_right_arithmetic3A_1901 = vector.broadcast %shift_right_arithmetic3A_1900 : i32 to vector<16xi32>
        %shift_right_arithmetic3A_1902 = arith.shrsi %bitcast3A_1899, %shift_right_arithmetic3A_1901 : vector<16xi32>
        %sub3A_1903 = arith.constant 1597463007 : i32
        %sub3A_1904 = vector.broadcast %sub3A_1903 : i32 to vector<16xi32>
        %sub3A_1905 = arith.subi %sub3A_1904, %shift_right_arithmetic3A_1902 : vector<16xi32>
        %bitcast3A_1906 = vector.bitcast %sub3A_1905 : vector<16xi32> to vector<16xf32>
        %mul3A_1907 = arith.constant 5.000000e-01 : f32
        %mul3A_1908 = vector.broadcast %mul3A_1907 : f32 to vector<16xf32>
        %mul3A_1909 = arith.mulf %mul3A_1908, %add3A_1898 : vector<16xf32>
        %mul3A_1910 = arith.mulf %mul3A_1909, %bitcast3A_1906 : vector<16xf32>
        %mul3A_1911 = arith.mulf %mul3A_1910, %bitcast3A_1906 : vector<16xf32>
        %sub3A_1912 = arith.constant 1.500000e+00 : f32
        %sub3A_1913 = vector.broadcast %sub3A_1912 : f32 to vector<16xf32>
        %sub3A_1914 = arith.subf %sub3A_1913, %mul3A_1911 : vector<16xf32>
        %mul3A_1915 = arith.mulf %bitcast3A_1906, %sub3A_1914 : vector<16xf32>
        %mul3A_1916 = arith.constant 5.000000e-01 : f32
        %mul3A_1917 = vector.broadcast %mul3A_1916 : f32 to vector<16xf32>
        %mul3A_1918 = arith.mulf %mul3A_1917, %add3A_1898 : vector<16xf32>
        %mul3A_1919 = arith.mulf %mul3A_1918, %mul3A_1915 : vector<16xf32>
        %mul3A_1920 = arith.mulf %mul3A_1919, %mul3A_1915 : vector<16xf32>
        %sub3A_1921 = arith.constant 1.500000e+00 : f32
        %sub3A_1922 = vector.broadcast %sub3A_1921 : f32 to vector<16xf32>
        %sub3A_1923 = arith.subf %sub3A_1922, %mul3A_1920 : vector<16xf32>
        %mul3A_1924 = arith.mulf %mul3A_1915, %sub3A_1923 : vector<16xf32>
        %mul3A_1925 = arith.constant 5.000000e-01 : f32
        %mul3A_1926 = vector.broadcast %mul3A_1925 : f32 to vector<16xf32>
        %mul3A_1927 = arith.mulf %mul3A_1926, %add3A_1898 : vector<16xf32>
        %mul3A_1928 = arith.mulf %mul3A_1927, %mul3A_1924 : vector<16xf32>
        %mul3A_1929 = arith.mulf %mul3A_1928, %mul3A_1924 : vector<16xf32>
        %sub3A_1930 = arith.constant 1.500000e+00 : f32
        %sub3A_1931 = vector.broadcast %sub3A_1930 : f32 to vector<16xf32>
        %sub3A_1932 = arith.subf %sub3A_1931, %mul3A_1929 : vector<16xf32>
        %mul3A_1933 = arith.mulf %mul3A_1924, %sub3A_1932 : vector<16xf32>
        %swap3A_1934 = arith.constant 5 : i32
        %swap3A_1935 = arith.index_cast %swap3A_1934 : i32 to index
        %swap3A_1936 = arith.constant 0 : index
        %swap3A_1937 = tpu.vector_load %arg7[%swap3A_1935, %swap3A_1936] {strides = array<i32>} : memref<8x128xf32, #tpu.memory_space<vmem>>, vector<16xf32>,
        tpu.vector_store %arg7[%swap3A_1935, %swap3A_1936], %mul3A_1933 {strides = array<i32>} : memref<8x128xf32, #tpu.memory_space<vmem>>, vector<16xf32>,
        %get3A_1938 = arith.constant 5 : i32
        %get3A_1939 = arith.index_cast %get3A_1938 : i32 to index
        %get3A_1940 = arith.constant 16 : index
        %get3A_1941 = tpu.vector_load %arg6[%get3A_1939, %get3A_1940] {strides = array<i32>} : memref<8x128xf32, #tpu.memory_space<vmem>>, vector<16xf32>,
        %add3A_1942 = arith.constant 1.000000e+00 : f32
        %add3A_1943 = vector.broadcast %add3A_1942 : f32 to vector<16xf32>
        %add3A_1944 = arith.addf %get3A_1941, %add3A_1943 : vector<16xf32>
        %bitcast3A_1945 = vector.bitcast %add3A_1944 : vector<16xf32> to vector<16xi32>
        %shift_right_arithmetic3A_1946 = arith.constant 1 : i32
        %shift_right_arithmetic3A_1947 = vector.broadcast %shift_right_arithmetic3A_1946 : i32 to vector<16xi32>
        %shift_right_arithmetic3A_1948 = arith.shrsi %bitcast3A_1945, %shift_right_arithmetic3A_1947 : vector<16xi32>
        %sub3A_1949 = arith.constant 1597463007 : i32
        %sub3A_1950 = vector.broadcast %sub3A_1949 : i32 to vector<16xi32>
        %sub3A_1951 = arith.subi %sub3A_1950, %shift_right_arithmetic3A_1948 : vector<16xi32>
        %bitcast3A_1952 = vector.bitcast %sub3A_1951 : vector<16xi32> to vector<16xf32>
        %mul3A_1953 = arith.constant 5.000000e-01 : f32
        %mul3A_1954 = vector.broadcast %mul3A_1953 : f32 to vector<16xf32>
        %mul3A_1955 = arith.mulf %mul3A_1954, %add3A_1944 : vector<16xf32>
        %mul3A_1956 = arith.mulf %mul3A_1955, %bitcast3A_1952 : vector<16xf32>
        %mul3A_1957 = arith.mulf %mul3A_1956, %bitcast3A_1952 : vector<16xf32>
        %sub3A_1958 = arith.constant 1.500000e+00 : f32
        %sub3A_1959 = vector.broadcast %sub3A_1958 : f32 to vector<16xf32>
        %sub3A_1960 = arith.subf %sub3A_1959, %mul3A_1957 : vector<16xf32>
        %mul3A_1961 = arith.mulf %bitcast3A_1952, %sub3A_1960 : vector<16xf32>
        %mul3A_1962 = arith.constant 5.000000e-01 : f32
        %mul3A_1963 = vector.broadcast %mul3A_1962 : f32 to vector<16xf32>
        %mul3A_1964 = arith.mulf %mul3A_1963, %add3A_1944 : vector<16xf32>
        %mul3A_1965 = arith.mulf %mul3A_1964, %mul3A_1961 : vector<16xf32>
        %mul3A_1966 = arith.mulf %mul3A_1965, %mul3A_1961 : vector<16xf32>
        %sub3A_1967 = arith.constant 1.500000e+00 : f32
        %sub3A_1968 = vector.broadcast %sub3A_1967 : f32 to vector<16xf32>
        %sub3A_1969 = arith.subf %sub3A_1968, %mul3A_1966 : vector<16xf32>
        %mul3A_1970 = arith.mulf %mul3A_1961, %sub3A_1969 : vector<16xf32>
        %mul3A_1971 = arith.constant 5.000000e-01 : f32
        %mul3A_1972 = vector.broadcast %mul3A_1971 : f32 to vector<16xf32>
        %mul3A_1973 = arith.mulf %mul3A_1972, %add3A_1944 : vector<16xf32>
        %mul3A_1974 = arith.mulf %mul3A_1973, %mul3A_1970 : vector<16xf32>
        %mul3A_1975 = arith.mulf %mul3A_1974, %mul3A_1970 : vector<16xf32>
        %sub3A_1976 = arith.constant 1.500000e+00 : f32
        %sub3A_1977 = vector.broadcast %sub3A_1976 : f32 to vector<16xf32>
        %sub3A_1978 = arith.subf %sub3A_1977, %mul3A_1975 : vector<16xf32>
        %mul3A_1979 = arith.mulf %mul3A_1970, %sub3A_1978 : vector<16xf32>
        %swap3A_1980 = arith.constant 5 : i32
        %swap3A_1981 = arith.index_cast %swap3A_1980 : i32 to index
        %swap3A_1982 = arith.constant 16 : index
        %swap3A_1983 = tpu.vector_load %arg7[%swap3A_1981, %swap3A_1982] {strides = array<i32>} : memref<8x128xf32, #tpu.memory_space<vmem>>, vector<16xf32>,
        tpu.vector_store %arg7[%swap3A_1981, %swap3A_1982], %mul3A_1979 {strides = array<i32>} : memref<8x128xf32, #tpu.memory_space<vmem>>, vector<16xf32>,
        %get3A_1984 = arith.constant 5 : i32
        %get3A_1985 = arith.index_cast %get3A_1984 : i32 to index
        %get3A_1986 = arith.constant 32 : index
        %get3A_1987 = tpu.vector_load %arg6[%get3A_1985, %get3A_1986] {strides = array<i32>} : memref<8x128xf32, #tpu.memory_space<vmem>>, vector<16xf32>,
        %add3A_1988 = arith.constant 1.000000e+00 : f32
        %add3A_1989 = vector.broadcast %add3A_1988 : f32 to vector<16xf32>
        %add3A_1990 = arith.addf %get3A_1987, %add3A_1989 : vector<16xf32>
        %bitcast3A_1991 = vector.bitcast %add3A_1990 : vector<16xf32> to vector<16xi32>
        %shift_right_arithmetic3A_1992 = arith.constant 1 : i32
        %shift_right_arithmetic3A_1993 = vector.broadcast %shift_right_arithmetic3A_1992 : i32 to vector<16xi32>
        %shift_right_arithmetic3A_1994 = arith.shrsi %bitcast3A_1991, %shift_right_arithmetic3A_1993 : vector<16xi32>
        %sub3A_1995 = arith.constant 1597463007 : i32
        %sub3A_1996 = vector.broadcast %sub3A_1995 : i32 to vector<16xi32>
        %sub3A_1997 = arith.subi %sub3A_1996, %shift_right_arithmetic3A_1994 : vector<16xi32>
        %bitcast3A_1998 = vector.bitcast %sub3A_1997 : vector<16xi32> to vector<16xf32>
        %mul3A_1999 = arith.constant 5.000000e-01 : f32
        %mul3A_2000 = vector.broadcast %mul3A_1999 : f32 to vector<16xf32>
        %mul3A_2001 = arith.mulf %mul3A_2000, %add3A_1990 : vector<16xf32>
        %mul3A_2002 = arith.mulf %mul3A_2001, %bitcast3A_1998 : vector<16xf32>
        %mul3A_2003 = arith.mulf %mul3A_2002, %bitcast3A_1998 : vector<16xf32>
        %sub3A_2004 = arith.constant 1.500000e+00 : f32
        %sub3A_2005 = vector.broadcast %sub3A_2004 : f32 to vector<16xf32>
        %sub3A_2006 = arith.subf %sub3A_2005, %mul3A_2003 : vector<16xf32>
        %mul3A_2007 = arith.mulf %bitcast3A_1998, %sub3A_2006 : vector<16xf32>
        %mul3A_2008 = arith.constant 5.000000e-01 : f32
        %mul3A_2009 = vector.broadcast %mul3A_2008 : f32 to vector<16xf32>
        %mul3A_2010 = arith.mulf %mul3A_2009, %add3A_1990 : vector<16xf32>
        %mul3A_2011 = arith.mulf %mul3A_2010, %mul3A_2007 : vector<16xf32>
        %mul3A_2012 = arith.mulf %mul3A_2011, %mul3A_2007 : vector<16xf32>
        %sub3A_2013 = arith.constant 1.500000e+00 : f32
        %sub3A_2014 = vector.broadcast %sub3A_2013 : f32 to vector<16xf32>
        %sub3A_2015 = arith.subf %sub3A_2014, %mul3A_2012 : vector<16xf32>
        %mul3A_2016 = arith.mulf %mul3A_2007, %sub3A_2015 : vector<16xf32>
        %mul3A_2017 = arith.constant 5.000000e-01 : f32
        %mul3A_2018 = vector.broadcast %mul3A_2017 : f32 to vector<16xf32>
        %mul3A_2019 = arith.mulf %mul3A_2018, %add3A_1990 : vector<16xf32>
        %mul3A_2020 = arith.mulf %mul3A_2019, %mul3A_2016 : vector<16xf32>
        %mul3A_2021 = arith.mulf %mul3A_2020, %mul3A_2016 : vector<16xf32>
        %sub3A_2022 = arith.constant 1.500000e+00 : f32
        %sub3A_2023 = vector.broadcast %sub3A_2022 : f32 to vector<16xf32>
        %sub3A_2024 = arith.subf %sub3A_2023, %mul3A_2021 : vector<16xf32>
        %mul3A_2025 = arith.mulf %mul3A_2016, %sub3A_2024 : vector<16xf32>
        %swap3A_2026 = arith.constant 5 : i32
        %swap3A_2027 = arith.index_cast %swap3A_2026 : i32 to index
        %swap3A_2028 = arith.constant 32 : index
        %swap3A_2029 = tpu.vector_load %arg7[%swap3A_2027, %swap3A_2028] {strides = array<i32>} : memref<8x128xf32, #tpu.memory_space<vmem>>, vector<16xf32>,
        tpu.vector_store %arg7[%swap3A_2027, %swap3A_2028], %mul3A_2025 {strides = array<i32>} : memref<8x128xf32, #tpu.memory_space<vmem>>, vector<16xf32>,
        %get3A_2030 = arith.constant 5 : i32
        %get3A_2031 = arith.index_cast %get3A_2030 : i32 to index
        %get3A_2032 = arith.constant 48 : index
        %get3A_2033 = tpu.vector_load %arg6[%get3A_2031, %get3A_2032] {strides = array<i32>} : memref<8x128xf32, #tpu.memory_space<vmem>>, vector<16xf32>,
        %add3A_2034 = arith.constant 1.000000e+00 : f32
        %add3A_2035 = vector.broadcast %add3A_2034 : f32 to vector<16xf32>
        %add3A_2036 = arith.addf %get3A_2033, %add3A_2035 : vector<16xf32>
        %bitcast3A_2037 = vector.bitcast %add3A_2036 : vector<16xf32> to vector<16xi32>
        %shift_right_arithmetic3A_2038 = arith.constant 1 : i32
        %shift_right_arithmetic3A_2039 = vector.broadcast %shift_right_arithmetic3A_2038 : i32 to vector<16xi32>
        %shift_right_arithmetic3A_2040 = arith.shrsi %bitcast3A_2037, %shift_right_arithmetic3A_2039 : vector<16xi32>
        %sub3A_2041 = arith.constant 1597463007 : i32
        %sub3A_2042 = vector.broadcast %sub3A_2041 : i32 to vector<16xi32>
        %sub3A_2043 = arith.subi %sub3A_2042, %shift_right_arithmetic3A_2040 : vector<16xi32>
        %bitcast3A_2044 = vector.bitcast %sub3A_2043 : vector<16xi32> to vector<16xf32>
        %mul3A_2045 = arith.constant 5.000000e-01 : f32
        %mul3A_2046 = vector.broadcast %mul3A_2045 : f32 to vector<16xf32>
        %mul3A_2047 = arith.mulf %mul3A_2046, %add3A_2036 : vector<16xf32>
        %mul3A_2048 = arith.mulf %mul3A_2047, %bitcast3A_2044 : vector<16xf32>
        %mul3A_2049 = arith.mulf %mul3A_2048, %bitcast3A_2044 : vector<16xf32>
        %sub3A_2050 = arith.constant 1.500000e+00 : f32
        %sub3A_2051 = vector.broadcast %sub3A_2050 : f32 to vector<16xf32>
        %sub3A_2052 = arith.subf %sub3A_2051, %mul3A_2049 : vector<16xf32>
        %mul3A_2053 = arith.mulf %bitcast3A_2044, %sub3A_2052 : vector<16xf32>
        %mul3A_2054 = arith.constant 5.000000e-01 : f32
        %mul3A_2055 = vector.broadcast %mul3A_2054 : f32 to vector<16xf32>
        %mul3A_2056 = arith.mulf %mul3A_2055, %add3A_2036 : vector<16xf32>
        %mul3A_2057 = arith.mulf %mul3A_2056, %mul3A_2053 : vector<16xf32>
        %mul3A_2058 = arith.mulf %mul3A_2057, %mul3A_2053 : vector<16xf32>
        %sub3A_2059 = arith.constant 1.500000e+00 : f32
        %sub3A_2060 = vector.broadcast %sub3A_2059 : f32 to vector<16xf32>
        %sub3A_2061 = arith.subf %sub3A_2060, %mul3A_2058 : vector<16xf32>
        %mul3A_2062 = arith.mulf %mul3A_2053, %sub3A_2061 : vector<16xf32>
        %mul3A_2063 = arith.constant 5.000000e-01 : f32
        %mul3A_2064 = vector.broadcast %mul3A_2063 : f32 to vector<16xf32>
        %mul3A_2065 = arith.mulf %mul3A_2064, %add3A_2036 : vector<16xf32>
        %mul3A_2066 = arith.mulf %mul3A_2065, %mul3A_2062 : vector<16xf32>
        %mul3A_2067 = arith.mulf %mul3A_2066, %mul3A_2062 : vector<16xf32>
        %sub3A_2068 = arith.constant 1.500000e+00 : f32
        %sub3A_2069 = vector.broadcast %sub3A_2068 : f32 to vector<16xf32>
        %sub3A_2070 = arith.subf %sub3A_2069, %mul3A_2067 : vector<16xf32>
        %mul3A_2071 = arith.mulf %mul3A_2062, %sub3A_2070 : vector<16xf32>
        %swap3A_2072 = arith.constant 5 : i32
        %swap3A_2073 = arith.index_cast %swap3A_2072 : i32 to index
        %swap3A_2074 = arith.constant 48 : index
        %swap3A_2075 = tpu.vector_load %arg7[%swap3A_2073, %swap3A_2074] {strides = array<i32>} : memref<8x128xf32, #tpu.memory_space<vmem>>, vector<16xf32>,
        tpu.vector_store %arg7[%swap3A_2073, %swap3A_2074], %mul3A_2071 {strides = array<i32>} : memref<8x128xf32, #tpu.memory_space<vmem>>, vector<16xf32>,
        %get3A_2076 = arith.constant 5 : i32
        %get3A_2077 = arith.index_cast %get3A_2076 : i32 to index
        %get3A_2078 = arith.constant 64 : index
        %get3A_2079 = tpu.vector_load %arg6[%get3A_2077, %get3A_2078] {strides = array<i32>} : memref<8x128xf32, #tpu.memory_space<vmem>>, vector<16xf32>,
        %add3A_2080 = arith.constant 1.000000e+00 : f32
        %add3A_2081 = vector.broadcast %add3A_2080 : f32 to vector<16xf32>
        %add3A_2082 = arith.addf %get3A_2079, %add3A_2081 : vector<16xf32>
        %bitcast3A_2083 = vector.bitcast %add3A_2082 : vector<16xf32> to vector<16xi32>
        %shift_right_arithmetic3A_2084 = arith.constant 1 : i32
        %shift_right_arithmetic3A_2085 = vector.broadcast %shift_right_arithmetic3A_2084 : i32 to vector<16xi32>
        %shift_right_arithmetic3A_2086 = arith.shrsi %bitcast3A_2083, %shift_right_arithmetic3A_2085 : vector<16xi32>
        %sub3A_2087 = arith.constant 1597463007 : i32
        %sub3A_2088 = vector.broadcast %sub3A_2087 : i32 to vector<16xi32>
        %sub3A_2089 = arith.subi %sub3A_2088, %shift_right_arithmetic3A_2086 : vector<16xi32>
        %bitcast3A_2090 = vector.bitcast %sub3A_2089 : vector<16xi32> to vector<16xf32>
        %mul3A_2091 = arith.constant 5.000000e-01 : f32
        %mul3A_2092 = vector.broadcast %mul3A_2091 : f32 to vector<16xf32>
        %mul3A_2093 = arith.mulf %mul3A_2092, %add3A_2082 : vector<16xf32>
        %mul3A_2094 = arith.mulf %mul3A_2093, %bitcast3A_2090 : vector<16xf32>
        %mul3A_2095 = arith.mulf %mul3A_2094, %bitcast3A_2090 : vector<16xf32>
        %sub3A_2096 = arith.constant 1.500000e+00 : f32
        %sub3A_2097 = vector.broadcast %sub3A_2096 : f32 to vector<16xf32>
        %sub3A_2098 = arith.subf %sub3A_2097, %mul3A_2095 : vector<16xf32>
        %mul3A_2099 = arith.mulf %bitcast3A_2090, %sub3A_2098 : vector<16xf32>
        %mul3A_2100 = arith.constant 5.000000e-01 : f32
        %mul3A_2101 = vector.broadcast %mul3A_2100 : f32 to vector<16xf32>
        %mul3A_2102 = arith.mulf %mul3A_2101, %add3A_2082 : vector<16xf32>
        %mul3A_2103 = arith.mulf %mul3A_2102, %mul3A_2099 : vector<16xf32>
        %mul3A_2104 = arith.mulf %mul3A_2103, %mul3A_2099 : vector<16xf32>
        %sub3A_2105 = arith.constant 1.500000e+00 : f32
        %sub3A_2106 = vector.broadcast %sub3A_2105 : f32 to vector<16xf32>
        %sub3A_2107 = arith.subf %sub3A_2106, %mul3A_2104 : vector<16xf32>
        %mul3A_2108 = arith.mulf %mul3A_2099, %sub3A_2107 : vector<16xf32>
        %mul3A_2109 = arith.constant 5.000000e-01 : f32
        %mul3A_2110 = vector.broadcast %mul3A_2109 : f32 to vector<16xf32>
        %mul3A_2111 = arith.mulf %mul3A_2110, %add3A_2082 : vector<16xf32>
        %mul3A_2112 = arith.mulf %mul3A_2111, %mul3A_2108 : vector<16xf32>
        %mul3A_2113 = arith.mulf %mul3A_2112, %mul3A_2108 : vector<16xf32>
        %sub3A_2114 = arith.constant 1.500000e+00 : f32
        %sub3A_2115 = vector.broadcast %sub3A_2114 : f32 to vector<16xf32>
        %sub3A_2116 = arith.subf %sub3A_2115, %mul3A_2113 : vector<16xf32>
        %mul3A_2117 = arith.mulf %mul3A_2108, %sub3A_2116 : vector<16xf32>
        %swap3A_2118 = arith.constant 5 : i32
        %swap3A_2119 = arith.index_cast %swap3A_2118 : i32 to index
        %swap3A_2120 = arith.constant 64 : index
        %swap3A_2121 = tpu.vector_load %arg7[%swap3A_2119, %swap3A_2120] {strides = array<i32>} : memref<8x128xf32, #tpu.memory_space<vmem>>, vector<16xf32>,
        tpu.vector_store %arg7[%swap3A_2119, %swap3A_2120], %mul3A_2117 {strides = array<i32>} : memref<8x128xf32, #tpu.memory_space<vmem>>, vector<16xf32>,
        %get3A_2122 = arith.constant 5 : i32
        %get3A_2123 = arith.index_cast %get3A_2122 : i32 to index
        %get3A_2124 = arith.constant 80 : index
        %get3A_2125 = tpu.vector_load %arg6[%get3A_2123, %get3A_2124] {strides = array<i32>} : memref<8x128xf32, #tpu.memory_space<vmem>>, vector<16xf32>,
        %add3A_2126 = arith.constant 1.000000e+00 : f32
        %add3A_2127 = vector.broadcast %add3A_2126 : f32 to vector<16xf32>
        %add3A_2128 = arith.addf %get3A_2125, %add3A_2127 : vector<16xf32>
        %bitcast3A_2129 = vector.bitcast %add3A_2128 : vector<16xf32> to vector<16xi32>
        %shift_right_arithmetic3A_2130 = arith.constant 1 : i32
        %shift_right_arithmetic3A_2131 = vector.broadcast %shift_right_arithmetic3A_2130 : i32 to vector<16xi32>
        %shift_right_arithmetic3A_2132 = arith.shrsi %bitcast3A_2129, %shift_right_arithmetic3A_2131 : vector<16xi32>
        %sub3A_2133 = arith.constant 1597463007 : i32
        %sub3A_2134 = vector.broadcast %sub3A_2133 : i32 to vector<16xi32>
        %sub3A_2135 = arith.subi %sub3A_2134, %shift_right_arithmetic3A_2132 : vector<16xi32>
        %bitcast3A_2136 = vector.bitcast %sub3A_2135 : vector<16xi32> to vector<16xf32>
        %mul3A_2137 = arith.constant 5.000000e-01 : f32
        %mul3A_2138 = vector.broadcast %mul3A_2137 : f32 to vector<16xf32>
        %mul3A_2139 = arith.mulf %mul3A_2138, %add3A_2128 : vector<16xf32>
        %mul3A_2140 = arith.mulf %mul3A_2139, %bitcast3A_2136 : vector<16xf32>
        %mul3A_2141 = arith.mulf %mul3A_2140, %bitcast3A_2136 : vector<16xf32>
        %sub3A_2142 = arith.constant 1.500000e+00 : f32
        %sub3A_2143 = vector.broadcast %sub3A_2142 : f32 to vector<16xf32>
        %sub3A_2144 = arith.subf %sub3A_2143, %mul3A_2141 : vector<16xf32>
        %mul3A_2145 = arith.mulf %bitcast3A_2136, %sub3A_2144 : vector<16xf32>
        %mul3A_2146 = arith.constant 5.000000e-01 : f32
        %mul3A_2147 = vector.broadcast %mul3A_2146 : f32 to vector<16xf32>
        %mul3A_2148 = arith.mulf %mul3A_2147, %add3A_2128 : vector<16xf32>
        %mul3A_2149 = arith.mulf %mul3A_2148, %mul3A_2145 : vector<16xf32>
        %mul3A_2150 = arith.mulf %mul3A_2149, %mul3A_2145 : vector<16xf32>
        %sub3A_2151 = arith.constant 1.500000e+00 : f32
        %sub3A_2152 = vector.broadcast %sub3A_2151 : f32 to vector<16xf32>
        %sub3A_2153 = arith.subf %sub3A_2152, %mul3A_2150 : vector<16xf32>
        %mul3A_2154 = arith.mulf %mul3A_2145, %sub3A_2153 : vector<16xf32>
        %mul3A_2155 = arith.constant 5.000000e-01 : f32
        %mul3A_2156 = vector.broadcast %mul3A_2155 : f32 to vector<16xf32>
        %mul3A_2157 = arith.mulf %mul3A_2156, %add3A_2128 : vector<16xf32>
        %mul3A_2158 = arith.mulf %mul3A_2157, %mul3A_2154 : vector<16xf32>
        %mul3A_2159 = arith.mulf %mul3A_2158, %mul3A_2154 : vector<16xf32>
        %sub3A_2160 = arith.constant 1.500000e+00 : f32
        %sub3A_2161 = vector.broadcast %sub3A_2160 : f32 to vector<16xf32>
        %sub3A_2162 = arith.subf %sub3A_2161, %mul3A_2159 : vector<16xf32>
        %mul3A_2163 = arith.mulf %mul3A_2154, %sub3A_2162 : vector<16xf32>
        %swap3A_2164 = arith.constant 5 : i32
        %swap3A_2165 = arith.index_cast %swap3A_2164 : i32 to index
        %swap3A_2166 = arith.constant 80 : index
        %swap3A_2167 = tpu.vector_load %arg7[%swap3A_2165, %swap3A_2166] {strides = array<i32>} : memref<8x128xf32, #tpu.memory_space<vmem>>, vector<16xf32>,
        tpu.vector_store %arg7[%swap3A_2165, %swap3A_2166], %mul3A_2163 {strides = array<i32>} : memref<8x128xf32, #tpu.memory_space<vmem>>, vector<16xf32>,
        %get3A_2168 = arith.constant 5 : i32
        %get3A_2169 = arith.index_cast %get3A_2168 : i32 to index
        %get3A_2170 = arith.constant 96 : index
        %get3A_2171 = tpu.vector_load %arg6[%get3A_2169, %get3A_2170] {strides = array<i32>} : memref<8x128xf32, #tpu.memory_space<vmem>>, vector<16xf32>,
        %add3A_2172 = arith.constant 1.000000e+00 : f32
        %add3A_2173 = vector.broadcast %add3A_2172 : f32 to vector<16xf32>
        %add3A_2174 = arith.addf %get3A_2171, %add3A_2173 : vector<16xf32>
        %bitcast3A_2175 = vector.bitcast %add3A_2174 : vector<16xf32> to vector<16xi32>
        %shift_right_arithmetic3A_2176 = arith.constant 1 : i32
        %shift_right_arithmetic3A_2177 = vector.broadcast %shift_right_arithmetic3A_2176 : i32 to vector<16xi32>
        %shift_right_arithmetic3A_2178 = arith.shrsi %bitcast3A_2175, %shift_right_arithmetic3A_2177 : vector<16xi32>
        %sub3A_2179 = arith.constant 1597463007 : i32
        %sub3A_2180 = vector.broadcast %sub3A_2179 : i32 to vector<16xi32>
        %sub3A_2181 = arith.subi %sub3A_2180, %shift_right_arithmetic3A_2178 : vector<16xi32>
        %bitcast3A_2182 = vector.bitcast %sub3A_2181 : vector<16xi32> to vector<16xf32>
        %mul3A_2183 = arith.constant 5.000000e-01 : f32
        %mul3A_2184 = vector.broadcast %mul3A_2183 : f32 to vector<16xf32>
        %mul3A_2185 = arith.mulf %mul3A_2184, %add3A_2174 : vector<16xf32>
        %mul3A_2186 = arith.mulf %mul3A_2185, %bitcast3A_2182 : vector<16xf32>
        %mul3A_2187 = arith.mulf %mul3A_2186, %bitcast3A_2182 : vector<16xf32>
        %sub3A_2188 = arith.constant 1.500000e+00 : f32
        %sub3A_2189 = vector.broadcast %sub3A_2188 : f32 to vector<16xf32>
        %sub3A_2190 = arith.subf %sub3A_2189, %mul3A_2187 : vector<16xf32>
        %mul3A_2191 = arith.mulf %bitcast3A_2182, %sub3A_2190 : vector<16xf32>
        %mul3A_2192 = arith.constant 5.000000e-01 : f32
        %mul3A_2193 = vector.broadcast %mul3A_2192 : f32 to vector<16xf32>
        %mul3A_2194 = arith.mulf %mul3A_2193, %add3A_2174 : vector<16xf32>
        %mul3A_2195 = arith.mulf %mul3A_2194, %mul3A_2191 : vector<16xf32>
        %mul3A_2196 = arith.mulf %mul3A_2195, %mul3A_2191 : vector<16xf32>
        %sub3A_2197 = arith.constant 1.500000e+00 : f32
        %sub3A_2198 = vector.broadcast %sub3A_2197 : f32 to vector<16xf32>
        %sub3A_2199 = arith.subf %sub3A_2198, %mul3A_2196 : vector<16xf32>
        %mul3A_2200 = arith.mulf %mul3A_2191, %sub3A_2199 : vector<16xf32>
        %mul3A_2201 = arith.constant 5.000000e-01 : f32
        %mul3A_2202 = vector.broadcast %mul3A_2201 : f32 to vector<16xf32>
        %mul3A_2203 = arith.mulf %mul3A_2202, %add3A_2174 : vector<16xf32>
        %mul3A_2204 = arith.mulf %mul3A_2203, %mul3A_2200 : vector<16xf32>
        %mul3A_2205 = arith.mulf %mul3A_2204, %mul3A_2200 : vector<16xf32>
        %sub3A_2206 = arith.constant 1.500000e+00 : f32
        %sub3A_2207 = vector.broadcast %sub3A_2206 : f32 to vector<16xf32>
        %sub3A_2208 = arith.subf %sub3A_2207, %mul3A_2205 : vector<16xf32>
        %mul3A_2209 = arith.mulf %mul3A_2200, %sub3A_2208 : vector<16xf32>
        %swap3A_2210 = arith.constant 5 : i32
        %swap3A_2211 = arith.index_cast %swap3A_2210 : i32 to index
        %swap3A_2212 = arith.constant 96 : index
        %swap3A_2213 = tpu.vector_load %arg7[%swap3A_2211, %swap3A_2212] {strides = array<i32>} : memref<8x128xf32, #tpu.memory_space<vmem>>, vector<16xf32>,
        tpu.vector_store %arg7[%swap3A_2211, %swap3A_2212], %mul3A_2209 {strides = array<i32>} : memref<8x128xf32, #tpu.memory_space<vmem>>, vector<16xf32>,
        %get3A_2214 = arith.constant 5 : i32
        %get3A_2215 = arith.index_cast %get3A_2214 : i32 to index
        %get3A_2216 = arith.constant 112 : index
        %get3A_2217 = tpu.vector_load %arg6[%get3A_2215, %get3A_2216] {strides = array<i32>} : memref<8x128xf32, #tpu.memory_space<vmem>>, vector<16xf32>,
        %add3A_2218 = arith.constant 1.000000e+00 : f32
        %add3A_2219 = vector.broadcast %add3A_2218 : f32 to vector<16xf32>
        %add3A_2220 = arith.addf %get3A_2217, %add3A_2219 : vector<16xf32>
        %bitcast3A_2221 = vector.bitcast %add3A_2220 : vector<16xf32> to vector<16xi32>
        %shift_right_arithmetic3A_2222 = arith.constant 1 : i32
        %shift_right_arithmetic3A_2223 = vector.broadcast %shift_right_arithmetic3A_2222 : i32 to vector<16xi32>
        %shift_right_arithmetic3A_2224 = arith.shrsi %bitcast3A_2221, %shift_right_arithmetic3A_2223 : vector<16xi32>
        %sub3A_2225 = arith.constant 1597463007 : i32
        %sub3A_2226 = vector.broadcast %sub3A_2225 : i32 to vector<16xi32>
        %sub3A_2227 = arith.subi %sub3A_2226, %shift_right_arithmetic3A_2224 : vector<16xi32>
        %bitcast3A_2228 = vector.bitcast %sub3A_2227 : vector<16xi32> to vector<16xf32>
        %mul3A_2229 = arith.constant 5.000000e-01 : f32
        %mul3A_2230 = vector.broadcast %mul3A_2229 : f32 to vector<16xf32>
        %mul3A_2231 = arith.mulf %mul3A_2230, %add3A_2220 : vector<16xf32>
        %mul3A_2232 = arith.mulf %mul3A_2231, %bitcast3A_2228 : vector<16xf32>
        %mul3A_2233 = arith.mulf %mul3A_2232, %bitcast3A_2228 : vector<16xf32>
        %sub3A_2234 = arith.constant 1.500000e+00 : f32
        %sub3A_2235 = vector.broadcast %sub3A_2234 : f32 to vector<16xf32>
        %sub3A_2236 = arith.subf %sub3A_2235, %mul3A_2233 : vector<16xf32>
        %mul3A_2237 = arith.mulf %bitcast3A_2228, %sub3A_2236 : vector<16xf32>
        %mul3A_2238 = arith.constant 5.000000e-01 : f32
        %mul3A_2239 = vector.broadcast %mul3A_2238 : f32 to vector<16xf32>
        %mul3A_2240 = arith.mulf %mul3A_2239, %add3A_2220 : vector<16xf32>
        %mul3A_2241 = arith.mulf %mul3A_2240, %mul3A_2237 : vector<16xf32>
        %mul3A_2242 = arith.mulf %mul3A_2241, %mul3A_2237 : vector<16xf32>
        %sub3A_2243 = arith.constant 1.500000e+00 : f32
        %sub3A_2244 = vector.broadcast %sub3A_2243 : f32 to vector<16xf32>
        %sub3A_2245 = arith.subf %sub3A_2244, %mul3A_2242 : vector<16xf32>
        %mul3A_2246 = arith.mulf %mul3A_2237, %sub3A_2245 : vector<16xf32>
        %mul3A_2247 = arith.constant 5.000000e-01 : f32
        %mul3A_2248 = vector.broadcast %mul3A_2247 : f32 to vector<16xf32>
        %mul3A_2249 = arith.mulf %mul3A_2248, %add3A_2220 : vector<16xf32>
        %mul3A_2250 = arith.mulf %mul3A_2249, %mul3A_2246 : vector<16xf32>
        %mul3A_2251 = arith.mulf %mul3A_2250, %mul3A_2246 : vector<16xf32>
        %sub3A_2252 = arith.constant 1.500000e+00 : f32
        %sub3A_2253 = vector.broadcast %sub3A_2252 : f32 to vector<16xf32>
        %sub3A_2254 = arith.subf %sub3A_2253, %mul3A_2251 : vector<16xf32>
        %mul3A_2255 = arith.mulf %mul3A_2246, %sub3A_2254 : vector<16xf32>
        %swap3A_2256 = arith.constant 5 : i32
        %swap3A_2257 = arith.index_cast %swap3A_2256 : i32 to index
        %swap3A_2258 = arith.constant 112 : index
        %swap3A_2259 = tpu.vector_load %arg7[%swap3A_2257, %swap3A_2258] {strides = array<i32>} : memref<8x128xf32, #tpu.memory_space<vmem>>, vector<16xf32>,
        tpu.vector_store %arg7[%swap3A_2257, %swap3A_2258], %mul3A_2255 {strides = array<i32>} : memref<8x128xf32, #tpu.memory_space<vmem>>, vector<16xf32>,
        %get3A_2260 = arith.constant 6 : i32
        %get3A_2261 = arith.index_cast %get3A_2260 : i32 to index
        %get3A_2262 = arith.constant 0 : index
        %get3A_2263 = tpu.vector_load %arg6[%get3A_2261, %get3A_2262] {strides = array<i32>} : memref<8x128xf32, #tpu.memory_space<vmem>>, vector<16xf32>,
        %add3A_2264 = arith.constant 1.000000e+00 : f32
        %add3A_2265 = vector.broadcast %add3A_2264 : f32 to vector<16xf32>
        %add3A_2266 = arith.addf %get3A_2263, %add3A_2265 : vector<16xf32>
        %bitcast3A_2267 = vector.bitcast %add3A_2266 : vector<16xf32> to vector<16xi32>
        %shift_right_arithmetic3A_2268 = arith.constant 1 : i32
        %shift_right_arithmetic3A_2269 = vector.broadcast %shift_right_arithmetic3A_2268 : i32 to vector<16xi32>
        %shift_right_arithmetic3A_2270 = arith.shrsi %bitcast3A_2267, %shift_right_arithmetic3A_2269 : vector<16xi32>
        %sub3A_2271 = arith.constant 1597463007 : i32
        %sub3A_2272 = vector.broadcast %sub3A_2271 : i32 to vector<16xi32>
        %sub3A_2273 = arith.subi %sub3A_2272, %shift_right_arithmetic3A_2270 : vector<16xi32>
        %bitcast3A_2274 = vector.bitcast %sub3A_2273 : vector<16xi32> to vector<16xf32>
        %mul3A_2275 = arith.constant 5.000000e-01 : f32
        %mul3A_2276 = vector.broadcast %mul3A_2275 : f32 to vector<16xf32>
        %mul3A_2277 = arith.mulf %mul3A_2276, %add3A_2266 : vector<16xf32>
        %mul3A_2278 = arith.mulf %mul3A_2277, %bitcast3A_2274 : vector<16xf32>
        %mul3A_2279 = arith.mulf %mul3A_2278, %bitcast3A_2274 : vector<16xf32>
        %sub3A_2280 = arith.constant 1.500000e+00 : f32
        %sub3A_2281 = vector.broadcast %sub3A_2280 : f32 to vector<16xf32>
        %sub3A_2282 = arith.subf %sub3A_2281, %mul3A_2279 : vector<16xf32>
        %mul3A_2283 = arith.mulf %bitcast3A_2274, %sub3A_2282 : vector<16xf32>
        %mul3A_2284 = arith.constant 5.000000e-01 : f32
        %mul3A_2285 = vector.broadcast %mul3A_2284 : f32 to vector<16xf32>
        %mul3A_2286 = arith.mulf %mul3A_2285, %add3A_2266 : vector<16xf32>
        %mul3A_2287 = arith.mulf %mul3A_2286, %mul3A_2283 : vector<16xf32>
        %mul3A_2288 = arith.mulf %mul3A_2287, %mul3A_2283 : vector<16xf32>
        %sub3A_2289 = arith.constant 1.500000e+00 : f32
        %sub3A_2290 = vector.broadcast %sub3A_2289 : f32 to vector<16xf32>
        %sub3A_2291 = arith.subf %sub3A_2290, %mul3A_2288 : vector<16xf32>
        %mul3A_2292 = arith.mulf %mul3A_2283, %sub3A_2291 : vector<16xf32>
        %mul3A_2293 = arith.constant 5.000000e-01 : f32
        %mul3A_2294 = vector.broadcast %mul3A_2293 : f32 to vector<16xf32>
        %mul3A_2295 = arith.mulf %mul3A_2294, %add3A_2266 : vector<16xf32>
        %mul3A_2296 = arith.mulf %mul3A_2295, %mul3A_2292 : vector<16xf32>
        %mul3A_2297 = arith.mulf %mul3A_2296, %mul3A_2292 : vector<16xf32>
        %sub3A_2298 = arith.constant 1.500000e+00 : f32
        %sub3A_2299 = vector.broadcast %sub3A_2298 : f32 to vector<16xf32>
        %sub3A_2300 = arith.subf %sub3A_2299, %mul3A_2297 : vector<16xf32>
        %mul3A_2301 = arith.mulf %mul3A_2292, %sub3A_2300 : vector<16xf32>
        %swap3A_2302 = arith.constant 6 : i32
        %swap3A_2303 = arith.index_cast %swap3A_2302 : i32 to index
        %swap3A_2304 = arith.constant 0 : index
        %swap3A_2305 = tpu.vector_load %arg7[%swap3A_2303, %swap3A_2304] {strides = array<i32>} : memref<8x128xf32, #tpu.memory_space<vmem>>, vector<16xf32>,
        tpu.vector_store %arg7[%swap3A_2303, %swap3A_2304], %mul3A_2301 {strides = array<i32>} : memref<8x128xf32, #tpu.memory_space<vmem>>, vector<16xf32>,
        %get3A_2306 = arith.constant 6 : i32
        %get3A_2307 = arith.index_cast %get3A_2306 : i32 to index
        %get3A_2308 = arith.constant 16 : index
        %get3A_2309 = tpu.vector_load %arg6[%get3A_2307, %get3A_2308] {strides = array<i32>} : memref<8x128xf32, #tpu.memory_space<vmem>>, vector<16xf32>,
        %add3A_2310 = arith.constant 1.000000e+00 : f32
        %add3A_2311 = vector.broadcast %add3A_2310 : f32 to vector<16xf32>
        %add3A_2312 = arith.addf %get3A_2309, %add3A_2311 : vector<16xf32>
        %bitcast3A_2313 = vector.bitcast %add3A_2312 : vector<16xf32> to vector<16xi32>
        %shift_right_arithmetic3A_2314 = arith.constant 1 : i32
        %shift_right_arithmetic3A_2315 = vector.broadcast %shift_right_arithmetic3A_2314 : i32 to vector<16xi32>
        %shift_right_arithmetic3A_2316 = arith.shrsi %bitcast3A_2313, %shift_right_arithmetic3A_2315 : vector<16xi32>
        %sub3A_2317 = arith.constant 1597463007 : i32
        %sub3A_2318 = vector.broadcast %sub3A_2317 : i32 to vector<16xi32>
        %sub3A_2319 = arith.subi %sub3A_2318, %shift_right_arithmetic3A_2316 : vector<16xi32>
        %bitcast3A_2320 = vector.bitcast %sub3A_2319 : vector<16xi32> to vector<16xf32>
        %mul3A_2321 = arith.constant 5.000000e-01 : f32
        %mul3A_2322 = vector.broadcast %mul3A_2321 : f32 to vector<16xf32>
        %mul3A_2323 = arith.mulf %mul3A_2322, %add3A_2312 : vector<16xf32>
        %mul3A_2324 = arith.mulf %mul3A_2323, %bitcast3A_2320 : vector<16xf32>
        %mul3A_2325 = arith.mulf %mul3A_2324, %bitcast3A_2320 : vector<16xf32>
        %sub3A_2326 = arith.constant 1.500000e+00 : f32
        %sub3A_2327 = vector.broadcast %sub3A_2326 : f32 to vector<16xf32>
        %sub3A_2328 = arith.subf %sub3A_2327, %mul3A_2325 : vector<16xf32>
        %mul3A_2329 = arith.mulf %bitcast3A_2320, %sub3A_2328 : vector<16xf32>
        %mul3A_2330 = arith.constant 5.000000e-01 : f32
        %mul3A_2331 = vector.broadcast %mul3A_2330 : f32 to vector<16xf32>
        %mul3A_2332 = arith.mulf %mul3A_2331, %add3A_2312 : vector<16xf32>
        %mul3A_2333 = arith.mulf %mul3A_2332, %mul3A_2329 : vector<16xf32>
        %mul3A_2334 = arith.mulf %mul3A_2333, %mul3A_2329 : vector<16xf32>
        %sub3A_2335 = arith.constant 1.500000e+00 : f32
        %sub3A_2336 = vector.broadcast %sub3A_2335 : f32 to vector<16xf32>
        %sub3A_2337 = arith.subf %sub3A_2336, %mul3A_2334 : vector<16xf32>
        %mul3A_2338 = arith.mulf %mul3A_2329, %sub3A_2337 : vector<16xf32>
        %mul3A_2339 = arith.constant 5.000000e-01 : f32
        %mul3A_2340 = vector.broadcast %mul3A_2339 : f32 to vector<16xf32>
        %mul3A_2341 = arith.mulf %mul3A_2340, %add3A_2312 : vector<16xf32>
        %mul3A_2342 = arith.mulf %mul3A_2341, %mul3A_2338 : vector<16xf32>
        %mul3A_2343 = arith.mulf %mul3A_2342, %mul3A_2338 : vector<16xf32>
        %sub3A_2344 = arith.constant 1.500000e+00 : f32
        %sub3A_2345 = vector.broadcast %sub3A_2344 : f32 to vector<16xf32>
        %sub3A_2346 = arith.subf %sub3A_2345, %mul3A_2343 : vector<16xf32>
        %mul3A_2347 = arith.mulf %mul3A_2338, %sub3A_2346 : vector<16xf32>
        %swap3A_2348 = arith.constant 6 : i32
        %swap3A_2349 = arith.index_cast %swap3A_2348 : i32 to index
        %swap3A_2350 = arith.constant 16 : index
        %swap3A_2351 = tpu.vector_load %arg7[%swap3A_2349, %swap3A_2350] {strides = array<i32>} : memref<8x128xf32, #tpu.memory_space<vmem>>, vector<16xf32>,
        tpu.vector_store %arg7[%swap3A_2349, %swap3A_2350], %mul3A_2347 {strides = array<i32>} : memref<8x128xf32, #tpu.memory_space<vmem>>, vector<16xf32>,
        %get3A_2352 = arith.constant 6 : i32
        %get3A_2353 = arith.index_cast %get3A_2352 : i32 to index
        %get3A_2354 = arith.constant 32 : index
        %get3A_2355 = tpu.vector_load %arg6[%get3A_2353, %get3A_2354] {strides = array<i32>} : memref<8x128xf32, #tpu.memory_space<vmem>>, vector<16xf32>,
        %add3A_2356 = arith.constant 1.000000e+00 : f32
        %add3A_2357 = vector.broadcast %add3A_2356 : f32 to vector<16xf32>
        %add3A_2358 = arith.addf %get3A_2355, %add3A_2357 : vector<16xf32>
        %bitcast3A_2359 = vector.bitcast %add3A_2358 : vector<16xf32> to vector<16xi32>
        %shift_right_arithmetic3A_2360 = arith.constant 1 : i32
        %shift_right_arithmetic3A_2361 = vector.broadcast %shift_right_arithmetic3A_2360 : i32 to vector<16xi32>
        %shift_right_arithmetic3A_2362 = arith.shrsi %bitcast3A_2359, %shift_right_arithmetic3A_2361 : vector<16xi32>
        %sub3A_2363 = arith.constant 1597463007 : i32
        %sub3A_2364 = vector.broadcast %sub3A_2363 : i32 to vector<16xi32>
        %sub3A_2365 = arith.subi %sub3A_2364, %shift_right_arithmetic3A_2362 : vector<16xi32>
        %bitcast3A_2366 = vector.bitcast %sub3A_2365 : vector<16xi32> to vector<16xf32>
        %mul3A_2367 = arith.constant 5.000000e-01 : f32
        %mul3A_2368 = vector.broadcast %mul3A_2367 : f32 to vector<16xf32>
        %mul3A_2369 = arith.mulf %mul3A_2368, %add3A_2358 : vector<16xf32>
        %mul3A_2370 = arith.mulf %mul3A_2369, %bitcast3A_2366 : vector<16xf32>
        %mul3A_2371 = arith.mulf %mul3A_2370, %bitcast3A_2366 : vector<16xf32>
        %sub3A_2372 = arith.constant 1.500000e+00 : f32
        %sub3A_2373 = vector.broadcast %sub3A_2372 : f32 to vector<16xf32>
        %sub3A_2374 = arith.subf %sub3A_2373, %mul3A_2371 : vector<16xf32>
        %mul3A_2375 = arith.mulf %bitcast3A_2366, %sub3A_2374 : vector<16xf32>
        %mul3A_2376 = arith.constant 5.000000e-01 : f32
        %mul3A_2377 = vector.broadcast %mul3A_2376 : f32 to vector<16xf32>
        %mul3A_2378 = arith.mulf %mul3A_2377, %add3A_2358 : vector<16xf32>
        %mul3A_2379 = arith.mulf %mul3A_2378, %mul3A_2375 : vector<16xf32>
        %mul3A_2380 = arith.mulf %mul3A_2379, %mul3A_2375 : vector<16xf32>
        %sub3A_2381 = arith.constant 1.500000e+00 : f32
        %sub3A_2382 = vector.broadcast %sub3A_2381 : f32 to vector<16xf32>
        %sub3A_2383 = arith.subf %sub3A_2382, %mul3A_2380 : vector<16xf32>
        %mul3A_2384 = arith.mulf %mul3A_2375, %sub3A_2383 : vector<16xf32>
        %mul3A_2385 = arith.constant 5.000000e-01 : f32
        %mul3A_2386 = vector.broadcast %mul3A_2385 : f32 to vector<16xf32>
        %mul3A_2387 = arith.mulf %mul3A_2386, %add3A_2358 : vector<16xf32>
        %mul3A_2388 = arith.mulf %mul3A_2387, %mul3A_2384 : vector<16xf32>
        %mul3A_2389 = arith.mulf %mul3A_2388, %mul3A_2384 : vector<16xf32>
        %sub3A_2390 = arith.constant 1.500000e+00 : f32
        %sub3A_2391 = vector.broadcast %sub3A_2390 : f32 to vector<16xf32>
        %sub3A_2392 = arith.subf %sub3A_2391, %mul3A_2389 : vector<16xf32>
        %mul3A_2393 = arith.mulf %mul3A_2384, %sub3A_2392 : vector<16xf32>
        %swap3A_2394 = arith.constant 6 : i32
        %swap3A_2395 = arith.index_cast %swap3A_2394 : i32 to index
        %swap3A_2396 = arith.constant 32 : index
        %swap3A_2397 = tpu.vector_load %arg7[%swap3A_2395, %swap3A_2396] {strides = array<i32>} : memref<8x128xf32, #tpu.memory_space<vmem>>, vector<16xf32>,
        tpu.vector_store %arg7[%swap3A_2395, %swap3A_2396], %mul3A_2393 {strides = array<i32>} : memref<8x128xf32, #tpu.memory_space<vmem>>, vector<16xf32>,
        %get3A_2398 = arith.constant 6 : i32
        %get3A_2399 = arith.index_cast %get3A_2398 : i32 to index
        %get3A_2400 = arith.constant 48 : index
        %get3A_2401 = tpu.vector_load %arg6[%get3A_2399, %get3A_2400] {strides = array<i32>} : memref<8x128xf32, #tpu.memory_space<vmem>>, vector<16xf32>,
        %add3A_2402 = arith.constant 1.000000e+00 : f32
        %add3A_2403 = vector.broadcast %add3A_2402 : f32 to vector<16xf32>
        %add3A_2404 = arith.addf %get3A_2401, %add3A_2403 : vector<16xf32>
        %bitcast3A_2405 = vector.bitcast %add3A_2404 : vector<16xf32> to vector<16xi32>
        %shift_right_arithmetic3A_2406 = arith.constant 1 : i32
        %shift_right_arithmetic3A_2407 = vector.broadcast %shift_right_arithmetic3A_2406 : i32 to vector<16xi32>
        %shift_right_arithmetic3A_2408 = arith.shrsi %bitcast3A_2405, %shift_right_arithmetic3A_2407 : vector<16xi32>
        %sub3A_2409 = arith.constant 1597463007 : i32
        %sub3A_2410 = vector.broadcast %sub3A_2409 : i32 to vector<16xi32>
        %sub3A_2411 = arith.subi %sub3A_2410, %shift_right_arithmetic3A_2408 : vector<16xi32>
        %bitcast3A_2412 = vector.bitcast %sub3A_2411 : vector<16xi32> to vector<16xf32>
        %mul3A_2413 = arith.constant 5.000000e-01 : f32
        %mul3A_2414 = vector.broadcast %mul3A_2413 : f32 to vector<16xf32>
        %mul3A_2415 = arith.mulf %mul3A_2414, %add3A_2404 : vector<16xf32>
        %mul3A_2416 = arith.mulf %mul3A_2415, %bitcast3A_2412 : vector<16xf32>
        %mul3A_2417 = arith.mulf %mul3A_2416, %bitcast3A_2412 : vector<16xf32>
        %sub3A_2418 = arith.constant 1.500000e+00 : f32
        %sub3A_2419 = vector.broadcast %sub3A_2418 : f32 to vector<16xf32>
        %sub3A_2420 = arith.subf %sub3A_2419, %mul3A_2417 : vector<16xf32>
        %mul3A_2421 = arith.mulf %bitcast3A_2412, %sub3A_2420 : vector<16xf32>
        %mul3A_2422 = arith.constant 5.000000e-01 : f32
        %mul3A_2423 = vector.broadcast %mul3A_2422 : f32 to vector<16xf32>
        %mul3A_2424 = arith.mulf %mul3A_2423, %add3A_2404 : vector<16xf32>
        %mul3A_2425 = arith.mulf %mul3A_2424, %mul3A_2421 : vector<16xf32>
        %mul3A_2426 = arith.mulf %mul3A_2425, %mul3A_2421 : vector<16xf32>
        %sub3A_2427 = arith.constant 1.500000e+00 : f32
        %sub3A_2428 = vector.broadcast %sub3A_2427 : f32 to vector<16xf32>
        %sub3A_2429 = arith.subf %sub3A_2428, %mul3A_2426 : vector<16xf32>
        %mul3A_2430 = arith.mulf %mul3A_2421, %sub3A_2429 : vector<16xf32>
        %mul3A_2431 = arith.constant 5.000000e-01 : f32
        %mul3A_2432 = vector.broadcast %mul3A_2431 : f32 to vector<16xf32>
        %mul3A_2433 = arith.mulf %mul3A_2432, %add3A_2404 : vector<16xf32>
        %mul3A_2434 = arith.mulf %mul3A_2433, %mul3A_2430 : vector<16xf32>
        %mul3A_2435 = arith.mulf %mul3A_2434, %mul3A_2430 : vector<16xf32>
        %sub3A_2436 = arith.constant 1.500000e+00 : f32
        %sub3A_2437 = vector.broadcast %sub3A_2436 : f32 to vector<16xf32>
        %sub3A_2438 = arith.subf %sub3A_2437, %mul3A_2435 : vector<16xf32>
        %mul3A_2439 = arith.mulf %mul3A_2430, %sub3A_2438 : vector<16xf32>
        %swap3A_2440 = arith.constant 6 : i32
        %swap3A_2441 = arith.index_cast %swap3A_2440 : i32 to index
        %swap3A_2442 = arith.constant 48 : index
        %swap3A_2443 = tpu.vector_load %arg7[%swap3A_2441, %swap3A_2442] {strides = array<i32>} : memref<8x128xf32, #tpu.memory_space<vmem>>, vector<16xf32>,
        tpu.vector_store %arg7[%swap3A_2441, %swap3A_2442], %mul3A_2439 {strides = array<i32>} : memref<8x128xf32, #tpu.memory_space<vmem>>, vector<16xf32>,
        %get3A_2444 = arith.constant 6 : i32
        %get3A_2445 = arith.index_cast %get3A_2444 : i32 to index
        %get3A_2446 = arith.constant 64 : index
        %get3A_2447 = tpu.vector_load %arg6[%get3A_2445, %get3A_2446] {strides = array<i32>} : memref<8x128xf32, #tpu.memory_space<vmem>>, vector<16xf32>,
        %add3A_2448 = arith.constant 1.000000e+00 : f32
        %add3A_2449 = vector.broadcast %add3A_2448 : f32 to vector<16xf32>
        %add3A_2450 = arith.addf %get3A_2447, %add3A_2449 : vector<16xf32>
        %bitcast3A_2451 = vector.bitcast %add3A_2450 : vector<16xf32> to vector<16xi32>
        %shift_right_arithmetic3A_2452 = arith.constant 1 : i32
        %shift_right_arithmetic3A_2453 = vector.broadcast %shift_right_arithmetic3A_2452 : i32 to vector<16xi32>
        %shift_right_arithmetic3A_2454 = arith.shrsi %bitcast3A_2451, %shift_right_arithmetic3A_2453 : vector<16xi32>
        %sub3A_2455 = arith.constant 1597463007 : i32
        %sub3A_2456 = vector.broadcast %sub3A_2455 : i32 to vector<16xi32>
        %sub3A_2457 = arith.subi %sub3A_2456, %shift_right_arithmetic3A_2454 : vector<16xi32>
        %bitcast3A_2458 = vector.bitcast %sub3A_2457 : vector<16xi32> to vector<16xf32>
        %mul3A_2459 = arith.constant 5.000000e-01 : f32
        %mul3A_2460 = vector.broadcast %mul3A_2459 : f32 to vector<16xf32>
        %mul3A_2461 = arith.mulf %mul3A_2460, %add3A_2450 : vector<16xf32>
        %mul3A_2462 = arith.mulf %mul3A_2461, %bitcast3A_2458 : vector<16xf32>
        %mul3A_2463 = arith.mulf %mul3A_2462, %bitcast3A_2458 : vector<16xf32>
        %sub3A_2464 = arith.constant 1.500000e+00 : f32
        %sub3A_2465 = vector.broadcast %sub3A_2464 : f32 to vector<16xf32>
        %sub3A_2466 = arith.subf %sub3A_2465, %mul3A_2463 : vector<16xf32>
        %mul3A_2467 = arith.mulf %bitcast3A_2458, %sub3A_2466 : vector<16xf32>
        %mul3A_2468 = arith.constant 5.000000e-01 : f32
        %mul3A_2469 = vector.broadcast %mul3A_2468 : f32 to vector<16xf32>
        %mul3A_2470 = arith.mulf %mul3A_2469, %add3A_2450 : vector<16xf32>
        %mul3A_2471 = arith.mulf %mul3A_2470, %mul3A_2467 : vector<16xf32>
        %mul3A_2472 = arith.mulf %mul3A_2471, %mul3A_2467 : vector<16xf32>
        %sub3A_2473 = arith.constant 1.500000e+00 : f32
        %sub3A_2474 = vector.broadcast %sub3A_2473 : f32 to vector<16xf32>
        %sub3A_2475 = arith.subf %sub3A_2474, %mul3A_2472 : vector<16xf32>
        %mul3A_2476 = arith.mulf %mul3A_2467, %sub3A_2475 : vector<16xf32>
        %mul3A_2477 = arith.constant 5.000000e-01 : f32
        %mul3A_2478 = vector.broadcast %mul3A_2477 : f32 to vector<16xf32>
        %mul3A_2479 = arith.mulf %mul3A_2478, %add3A_2450 : vector<16xf32>
        %mul3A_2480 = arith.mulf %mul3A_2479, %mul3A_2476 : vector<16xf32>
        %mul3A_2481 = arith.mulf %mul3A_2480, %mul3A_2476 : vector<16xf32>
        %sub3A_2482 = arith.constant 1.500000e+00 : f32
        %sub3A_2483 = vector.broadcast %sub3A_2482 : f32 to vector<16xf32>
        %sub3A_2484 = arith.subf %sub3A_2483, %mul3A_2481 : vector<16xf32>
        %mul3A_2485 = arith.mulf %mul3A_2476, %sub3A_2484 : vector<16xf32>
        %swap3A_2486 = arith.constant 6 : i32
        %swap3A_2487 = arith.index_cast %swap3A_2486 : i32 to index
        %swap3A_2488 = arith.constant 64 : index
        %swap3A_2489 = tpu.vector_load %arg7[%swap3A_2487, %swap3A_2488] {strides = array<i32>} : memref<8x128xf32, #tpu.memory_space<vmem>>, vector<16xf32>,
        tpu.vector_store %arg7[%swap3A_2487, %swap3A_2488], %mul3A_2485 {strides = array<i32>} : memref<8x128xf32, #tpu.memory_space<vmem>>, vector<16xf32>,
        %get3A_2490 = arith.constant 6 : i32
        %get3A_2491 = arith.index_cast %get3A_2490 : i32 to index
        %get3A_2492 = arith.constant 80 : index
        %get3A_2493 = tpu.vector_load %arg6[%get3A_2491, %get3A_2492] {strides = array<i32>} : memref<8x128xf32, #tpu.memory_space<vmem>>, vector<16xf32>,
        %add3A_2494 = arith.constant 1.000000e+00 : f32
        %add3A_2495 = vector.broadcast %add3A_2494 : f32 to vector<16xf32>
        %add3A_2496 = arith.addf %get3A_2493, %add3A_2495 : vector<16xf32>
        %bitcast3A_2497 = vector.bitcast %add3A_2496 : vector<16xf32> to vector<16xi32>
        %shift_right_arithmetic3A_2498 = arith.constant 1 : i32
        %shift_right_arithmetic3A_2499 = vector.broadcast %shift_right_arithmetic3A_2498 : i32 to vector<16xi32>
        %shift_right_arithmetic3A_2500 = arith.shrsi %bitcast3A_2497, %shift_right_arithmetic3A_2499 : vector<16xi32>
        %sub3A_2501 = arith.constant 1597463007 : i32
        %sub3A_2502 = vector.broadcast %sub3A_2501 : i32 to vector<16xi32>
        %sub3A_2503 = arith.subi %sub3A_2502, %shift_right_arithmetic3A_2500 : vector<16xi32>
        %bitcast3A_2504 = vector.bitcast %sub3A_2503 : vector<16xi32> to vector<16xf32>
        %mul3A_2505 = arith.constant 5.000000e-01 : f32
        %mul3A_2506 = vector.broadcast %mul3A_2505 : f32 to vector<16xf32>
        %mul3A_2507 = arith.mulf %mul3A_2506, %add3A_2496 : vector<16xf32>
        %mul3A_2508 = arith.mulf %mul3A_2507, %bitcast3A_2504 : vector<16xf32>
        %mul3A_2509 = arith.mulf %mul3A_2508, %bitcast3A_2504 : vector<16xf32>
        %sub3A_2510 = arith.constant 1.500000e+00 : f32
        %sub3A_2511 = vector.broadcast %sub3A_2510 : f32 to vector<16xf32>
        %sub3A_2512 = arith.subf %sub3A_2511, %mul3A_2509 : vector<16xf32>
        %mul3A_2513 = arith.mulf %bitcast3A_2504, %sub3A_2512 : vector<16xf32>
        %mul3A_2514 = arith.constant 5.000000e-01 : f32
        %mul3A_2515 = vector.broadcast %mul3A_2514 : f32 to vector<16xf32>
        %mul3A_2516 = arith.mulf %mul3A_2515, %add3A_2496 : vector<16xf32>
        %mul3A_2517 = arith.mulf %mul3A_2516, %mul3A_2513 : vector<16xf32>
        %mul3A_2518 = arith.mulf %mul3A_2517, %mul3A_2513 : vector<16xf32>
        %sub3A_2519 = arith.constant 1.500000e+00 : f32
        %sub3A_2520 = vector.broadcast %sub3A_2519 : f32 to vector<16xf32>
        %sub3A_2521 = arith.subf %sub3A_2520, %mul3A_2518 : vector<16xf32>
        %mul3A_2522 = arith.mulf %mul3A_2513, %sub3A_2521 : vector<16xf32>
        %mul3A_2523 = arith.constant 5.000000e-01 : f32
        %mul3A_2524 = vector.broadcast %mul3A_2523 : f32 to vector<16xf32>
        %mul3A_2525 = arith.mulf %mul3A_2524, %add3A_2496 : vector<16xf32>
        %mul3A_2526 = arith.mulf %mul3A_2525, %mul3A_2522 : vector<16xf32>
        %mul3A_2527 = arith.mulf %mul3A_2526, %mul3A_2522 : vector<16xf32>
        %sub3A_2528 = arith.constant 1.500000e+00 : f32
        %sub3A_2529 = vector.broadcast %sub3A_2528 : f32 to vector<16xf32>
        %sub3A_2530 = arith.subf %sub3A_2529, %mul3A_2527 : vector<16xf32>
        %mul3A_2531 = arith.mulf %mul3A_2522, %sub3A_2530 : vector<16xf32>
        %swap3A_2532 = arith.constant 6 : i32
        %swap3A_2533 = arith.index_cast %swap3A_2532 : i32 to index
        %swap3A_2534 = arith.constant 80 : index
        %swap3A_2535 = tpu.vector_load %arg7[%swap3A_2533, %swap3A_2534] {strides = array<i32>} : memref<8x128xf32, #tpu.memory_space<vmem>>, vector<16xf32>,
        tpu.vector_store %arg7[%swap3A_2533, %swap3A_2534], %mul3A_2531 {strides = array<i32>} : memref<8x128xf32, #tpu.memory_space<vmem>>, vector<16xf32>,
        %get3A_2536 = arith.constant 6 : i32
        %get3A_2537 = arith.index_cast %get3A_2536 : i32 to index
        %get3A_2538 = arith.constant 96 : index
        %get3A_2539 = tpu.vector_load %arg6[%get3A_2537, %get3A_2538] {strides = array<i32>} : memref<8x128xf32, #tpu.memory_space<vmem>>, vector<16xf32>,
        %add3A_2540 = arith.constant 1.000000e+00 : f32
        %add3A_2541 = vector.broadcast %add3A_2540 : f32 to vector<16xf32>
        %add3A_2542 = arith.addf %get3A_2539, %add3A_2541 : vector<16xf32>
        %bitcast3A_2543 = vector.bitcast %add3A_2542 : vector<16xf32> to vector<16xi32>
        %shift_right_arithmetic3A_2544 = arith.constant 1 : i32
        %shift_right_arithmetic3A_2545 = vector.broadcast %shift_right_arithmetic3A_2544 : i32 to vector<16xi32>
        %shift_right_arithmetic3A_2546 = arith.shrsi %bitcast3A_2543, %shift_right_arithmetic3A_2545 : vector<16xi32>
        %sub3A_2547 = arith.constant 1597463007 : i32
        %sub3A_2548 = vector.broadcast %sub3A_2547 : i32 to vector<16xi32>
        %sub3A_2549 = arith.subi %sub3A_2548, %shift_right_arithmetic3A_2546 : vector<16xi32>
        %bitcast3A_2550 = vector.bitcast %sub3A_2549 : vector<16xi32> to vector<16xf32>
        %mul3A_2551 = arith.constant 5.000000e-01 : f32
        %mul3A_2552 = vector.broadcast %mul3A_2551 : f32 to vector<16xf32>
        %mul3A_2553 = arith.mulf %mul3A_2552, %add3A_2542 : vector<16xf32>
        %mul3A_2554 = arith.mulf %mul3A_2553, %bitcast3A_2550 : vector<16xf32>
        %mul3A_2555 = arith.mulf %mul3A_2554, %bitcast3A_2550 : vector<16xf32>
        %sub3A_2556 = arith.constant 1.500000e+00 : f32
        %sub3A_2557 = vector.broadcast %sub3A_2556 : f32 to vector<16xf32>
        %sub3A_2558 = arith.subf %sub3A_2557, %mul3A_2555 : vector<16xf32>
        %mul3A_2559 = arith.mulf %bitcast3A_2550, %sub3A_2558 : vector<16xf32>
        %mul3A_2560 = arith.constant 5.000000e-01 : f32
        %mul3A_2561 = vector.broadcast %mul3A_2560 : f32 to vector<16xf32>
        %mul3A_2562 = arith.mulf %mul3A_2561, %add3A_2542 : vector<16xf32>
        %mul3A_2563 = arith.mulf %mul3A_2562, %mul3A_2559 : vector<16xf32>
        %mul3A_2564 = arith.mulf %mul3A_2563, %mul3A_2559 : vector<16xf32>
        %sub3A_2565 = arith.constant 1.500000e+00 : f32
        %sub3A_2566 = vector.broadcast %sub3A_2565 : f32 to vector<16xf32>
        %sub3A_2567 = arith.subf %sub3A_2566, %mul3A_2564 : vector<16xf32>
        %mul3A_2568 = arith.mulf %mul3A_2559, %sub3A_2567 : vector<16xf32>
        %mul3A_2569 = arith.constant 5.000000e-01 : f32
        %mul3A_2570 = vector.broadcast %mul3A_2569 : f32 to vector<16xf32>
        %mul3A_2571 = arith.mulf %mul3A_2570, %add3A_2542 : vector<16xf32>
        %mul3A_2572 = arith.mulf %mul3A_2571, %mul3A_2568 : vector<16xf32>
        %mul3A_2573 = arith.mulf %mul3A_2572, %mul3A_2568 : vector<16xf32>
        %sub3A_2574 = arith.constant 1.500000e+00 : f32
        %sub3A_2575 = vector.broadcast %sub3A_2574 : f32 to vector<16xf32>
        %sub3A_2576 = arith.subf %sub3A_2575, %mul3A_2573 : vector<16xf32>
        %mul3A_2577 = arith.mulf %mul3A_2568, %sub3A_2576 : vector<16xf32>
        %swap3A_2578 = arith.constant 6 : i32
        %swap3A_2579 = arith.index_cast %swap3A_2578 : i32 to index
        %swap3A_2580 = arith.constant 96 : index
        %swap3A_2581 = tpu.vector_load %arg7[%swap3A_2579, %swap3A_2580] {strides = array<i32>} : memref<8x128xf32, #tpu.memory_space<vmem>>, vector<16xf32>,
        tpu.vector_store %arg7[%swap3A_2579, %swap3A_2580], %mul3A_2577 {strides = array<i32>} : memref<8x128xf32, #tpu.memory_space<vmem>>, vector<16xf32>,
        %get3A_2582 = arith.constant 6 : i32
        %get3A_2583 = arith.index_cast %get3A_2582 : i32 to index
        %get3A_2584 = arith.constant 112 : index
        %get3A_2585 = tpu.vector_load %arg6[%get3A_2583, %get3A_2584] {strides = array<i32>} : memref<8x128xf32, #tpu.memory_space<vmem>>, vector<16xf32>,
        %add3A_2586 = arith.constant 1.000000e+00 : f32
        %add3A_2587 = vector.broadcast %add3A_2586 : f32 to vector<16xf32>
        %add3A_2588 = arith.addf %get3A_2585, %add3A_2587 : vector<16xf32>
        %bitcast3A_2589 = vector.bitcast %add3A_2588 : vector<16xf32> to vector<16xi32>
        %shift_right_arithmetic3A_2590 = arith.constant 1 : i32
        %shift_right_arithmetic3A_2591 = vector.broadcast %shift_right_arithmetic3A_2590 : i32 to vector<16xi32>
        %shift_right_arithmetic3A_2592 = arith.shrsi %bitcast3A_2589, %shift_right_arithmetic3A_2591 : vector<16xi32>
        %sub3A_2593 = arith.constant 1597463007 : i32
        %sub3A_2594 = vector.broadcast %sub3A_2593 : i32 to vector<16xi32>
        %sub3A_2595 = arith.subi %sub3A_2594, %shift_right_arithmetic3A_2592 : vector<16xi32>
        %bitcast3A_2596 = vector.bitcast %sub3A_2595 : vector<16xi32> to vector<16xf32>
        %mul3A_2597 = arith.constant 5.000000e-01 : f32
        %mul3A_2598 = vector.broadcast %mul3A_2597 : f32 to vector<16xf32>
        %mul3A_2599 = arith.mulf %mul3A_2598, %add3A_2588 : vector<16xf32>
        %mul3A_2600 = arith.mulf %mul3A_2599, %bitcast3A_2596 : vector<16xf32>
        %mul3A_2601 = arith.mulf %mul3A_2600, %bitcast3A_2596 : vector<16xf32>
        %sub3A_2602 = arith.constant 1.500000e+00 : f32
        %sub3A_2603 = vector.broadcast %sub3A_2602 : f32 to vector<16xf32>
        %sub3A_2604 = arith.subf %sub3A_2603, %mul3A_2601 : vector<16xf32>
        %mul3A_2605 = arith.mulf %bitcast3A_2596, %sub3A_2604 : vector<16xf32>
        %mul3A_2606 = arith.constant 5.000000e-01 : f32
        %mul3A_2607 = vector.broadcast %mul3A_2606 : f32 to vector<16xf32>
        %mul3A_2608 = arith.mulf %mul3A_2607, %add3A_2588 : vector<16xf32>
        %mul3A_2609 = arith.mulf %mul3A_2608, %mul3A_2605 : vector<16xf32>
        %mul3A_2610 = arith.mulf %mul3A_2609, %mul3A_2605 : vector<16xf32>
        %sub3A_2611 = arith.constant 1.500000e+00 : f32
        %sub3A_2612 = vector.broadcast %sub3A_2611 : f32 to vector<16xf32>
        %sub3A_2613 = arith.subf %sub3A_2612, %mul3A_2610 : vector<16xf32>
        %mul3A_2614 = arith.mulf %mul3A_2605, %sub3A_2613 : vector<16xf32>
        %mul3A_2615 = arith.constant 5.000000e-01 : f32
        %mul3A_2616 = vector.broadcast %mul3A_2615 : f32 to vector<16xf32>
        %mul3A_2617 = arith.mulf %mul3A_2616, %add3A_2588 : vector<16xf32>
        %mul3A_2618 = arith.mulf %mul3A_2617, %mul3A_2614 : vector<16xf32>
        %mul3A_2619 = arith.mulf %mul3A_2618, %mul3A_2614 : vector<16xf32>
        %sub3A_2620 = arith.constant 1.500000e+00 : f32
        %sub3A_2621 = vector.broadcast %sub3A_2620 : f32 to vector<16xf32>
        %sub3A_2622 = arith.subf %sub3A_2621, %mul3A_2619 : vector<16xf32>
        %mul3A_2623 = arith.mulf %mul3A_2614, %sub3A_2622 : vector<16xf32>
        %swap3A_2624 = arith.constant 6 : i32
        %swap3A_2625 = arith.index_cast %swap3A_2624 : i32 to index
        %swap3A_2626 = arith.constant 112 : index
        %swap3A_2627 = tpu.vector_load %arg7[%swap3A_2625, %swap3A_2626] {strides = array<i32>} : memref<8x128xf32, #tpu.memory_space<vmem>>, vector<16xf32>,
        tpu.vector_store %arg7[%swap3A_2625, %swap3A_2626], %mul3A_2623 {strides = array<i32>} : memref<8x128xf32, #tpu.memory_space<vmem>>, vector<16xf32>,
        %get3A_2628 = arith.constant 7 : i32
        %get3A_2629 = arith.index_cast %get3A_2628 : i32 to index
        %get3A_2630 = arith.constant 0 : index
        %get3A_2631 = tpu.vector_load %arg6[%get3A_2629, %get3A_2630] {strides = array<i32>} : memref<8x128xf32, #tpu.memory_space<vmem>>, vector<16xf32>,
        %add3A_2632 = arith.constant 1.000000e+00 : f32
        %add3A_2633 = vector.broadcast %add3A_2632 : f32 to vector<16xf32>
        %add3A_2634 = arith.addf %get3A_2631, %add3A_2633 : vector<16xf32>
        %bitcast3A_2635 = vector.bitcast %add3A_2634 : vector<16xf32> to vector<16xi32>
        %shift_right_arithmetic3A_2636 = arith.constant 1 : i32
        %shift_right_arithmetic3A_2637 = vector.broadcast %shift_right_arithmetic3A_2636 : i32 to vector<16xi32>
        %shift_right_arithmetic3A_2638 = arith.shrsi %bitcast3A_2635, %shift_right_arithmetic3A_2637 : vector<16xi32>
        %sub3A_2639 = arith.constant 1597463007 : i32
        %sub3A_2640 = vector.broadcast %sub3A_2639 : i32 to vector<16xi32>
        %sub3A_2641 = arith.subi %sub3A_2640, %shift_right_arithmetic3A_2638 : vector<16xi32>
        %bitcast3A_2642 = vector.bitcast %sub3A_2641 : vector<16xi32> to vector<16xf32>
        %mul3A_2643 = arith.constant 5.000000e-01 : f32
        %mul3A_2644 = vector.broadcast %mul3A_2643 : f32 to vector<16xf32>
        %mul3A_2645 = arith.mulf %mul3A_2644, %add3A_2634 : vector<16xf32>
        %mul3A_2646 = arith.mulf %mul3A_2645, %bitcast3A_2642 : vector<16xf32>
        %mul3A_2647 = arith.mulf %mul3A_2646, %bitcast3A_2642 : vector<16xf32>
        %sub3A_2648 = arith.constant 1.500000e+00 : f32
        %sub3A_2649 = vector.broadcast %sub3A_2648 : f32 to vector<16xf32>
        %sub3A_2650 = arith.subf %sub3A_2649, %mul3A_2647 : vector<16xf32>
        %mul3A_2651 = arith.mulf %bitcast3A_2642, %sub3A_2650 : vector<16xf32>
        %mul3A_2652 = arith.constant 5.000000e-01 : f32
        %mul3A_2653 = vector.broadcast %mul3A_2652 : f32 to vector<16xf32>
        %mul3A_2654 = arith.mulf %mul3A_2653, %add3A_2634 : vector<16xf32>
        %mul3A_2655 = arith.mulf %mul3A_2654, %mul3A_2651 : vector<16xf32>
        %mul3A_2656 = arith.mulf %mul3A_2655, %mul3A_2651 : vector<16xf32>
        %sub3A_2657 = arith.constant 1.500000e+00 : f32
        %sub3A_2658 = vector.broadcast %sub3A_2657 : f32 to vector<16xf32>
        %sub3A_2659 = arith.subf %sub3A_2658, %mul3A_2656 : vector<16xf32>
        %mul3A_2660 = arith.mulf %mul3A_2651, %sub3A_2659 : vector<16xf32>
        %mul3A_2661 = arith.constant 5.000000e-01 : f32
        %mul3A_2662 = vector.broadcast %mul3A_2661 : f32 to vector<16xf32>
        %mul3A_2663 = arith.mulf %mul3A_2662, %add3A_2634 : vector<16xf32>
        %mul3A_2664 = arith.mulf %mul3A_2663, %mul3A_2660 : vector<16xf32>
        %mul3A_2665 = arith.mulf %mul3A_2664, %mul3A_2660 : vector<16xf32>
        %sub3A_2666 = arith.constant 1.500000e+00 : f32
        %sub3A_2667 = vector.broadcast %sub3A_2666 : f32 to vector<16xf32>
        %sub3A_2668 = arith.subf %sub3A_2667, %mul3A_2665 : vector<16xf32>
        %mul3A_2669 = arith.mulf %mul3A_2660, %sub3A_2668 : vector<16xf32>
        %swap3A_2670 = arith.constant 7 : i32
        %swap3A_2671 = arith.index_cast %swap3A_2670 : i32 to index
        %swap3A_2672 = arith.constant 0 : index
        %swap3A_2673 = tpu.vector_load %arg7[%swap3A_2671, %swap3A_2672] {strides = array<i32>} : memref<8x128xf32, #tpu.memory_space<vmem>>, vector<16xf32>,
        tpu.vector_store %arg7[%swap3A_2671, %swap3A_2672], %mul3A_2669 {strides = array<i32>} : memref<8x128xf32, #tpu.memory_space<vmem>>, vector<16xf32>,
        %get3A_2674 = arith.constant 7 : i32
        %get3A_2675 = arith.index_cast %get3A_2674 : i32 to index
        %get3A_2676 = arith.constant 16 : index
        %get3A_2677 = tpu.vector_load %arg6[%get3A_2675, %get3A_2676] {strides = array<i32>} : memref<8x128xf32, #tpu.memory_space<vmem>>, vector<16xf32>,
        %add3A_2678 = arith.constant 1.000000e+00 : f32
        %add3A_2679 = vector.broadcast %add3A_2678 : f32 to vector<16xf32>
        %add3A_2680 = arith.addf %get3A_2677, %add3A_2679 : vector<16xf32>
        %bitcast3A_2681 = vector.bitcast %add3A_2680 : vector<16xf32> to vector<16xi32>
        %shift_right_arithmetic3A_2682 = arith.constant 1 : i32
        %shift_right_arithmetic3A_2683 = vector.broadcast %shift_right_arithmetic3A_2682 : i32 to vector<16xi32>
        %shift_right_arithmetic3A_2684 = arith.shrsi %bitcast3A_2681, %shift_right_arithmetic3A_2683 : vector<16xi32>
        %sub3A_2685 = arith.constant 1597463007 : i32
        %sub3A_2686 = vector.broadcast %sub3A_2685 : i32 to vector<16xi32>
        %sub3A_2687 = arith.subi %sub3A_2686, %shift_right_arithmetic3A_2684 : vector<16xi32>
        %bitcast3A_2688 = vector.bitcast %sub3A_2687 : vector<16xi32> to vector<16xf32>
        %mul3A_2689 = arith.constant 5.000000e-01 : f32
        %mul3A_2690 = vector.broadcast %mul3A_2689 : f32 to vector<16xf32>
        %mul3A_2691 = arith.mulf %mul3A_2690, %add3A_2680 : vector<16xf32>
        %mul3A_2692 = arith.mulf %mul3A_2691, %bitcast3A_2688 : vector<16xf32>
        %mul3A_2693 = arith.mulf %mul3A_2692, %bitcast3A_2688 : vector<16xf32>
        %sub3A_2694 = arith.constant 1.500000e+00 : f32
        %sub3A_2695 = vector.broadcast %sub3A_2694 : f32 to vector<16xf32>
        %sub3A_2696 = arith.subf %sub3A_2695, %mul3A_2693 : vector<16xf32>
        %mul3A_2697 = arith.mulf %bitcast3A_2688, %sub3A_2696 : vector<16xf32>
        %mul3A_2698 = arith.constant 5.000000e-01 : f32
        %mul3A_2699 = vector.broadcast %mul3A_2698 : f32 to vector<16xf32>
        %mul3A_2700 = arith.mulf %mul3A_2699, %add3A_2680 : vector<16xf32>
        %mul3A_2701 = arith.mulf %mul3A_2700, %mul3A_2697 : vector<16xf32>
        %mul3A_2702 = arith.mulf %mul3A_2701, %mul3A_2697 : vector<16xf32>
        %sub3A_2703 = arith.constant 1.500000e+00 : f32
        %sub3A_2704 = vector.broadcast %sub3A_2703 : f32 to vector<16xf32>
        %sub3A_2705 = arith.subf %sub3A_2704, %mul3A_2702 : vector<16xf32>
        %mul3A_2706 = arith.mulf %mul3A_2697, %sub3A_2705 : vector<16xf32>
        %mul3A_2707 = arith.constant 5.000000e-01 : f32
        %mul3A_2708 = vector.broadcast %mul3A_2707 : f32 to vector<16xf32>
        %mul3A_2709 = arith.mulf %mul3A_2708, %add3A_2680 : vector<16xf32>
        %mul3A_2710 = arith.mulf %mul3A_2709, %mul3A_2706 : vector<16xf32>
        %mul3A_2711 = arith.mulf %mul3A_2710, %mul3A_2706 : vector<16xf32>
        %sub3A_2712 = arith.constant 1.500000e+00 : f32
        %sub3A_2713 = vector.broadcast %sub3A_2712 : f32 to vector<16xf32>
        %sub3A_2714 = arith.subf %sub3A_2713, %mul3A_2711 : vector<16xf32>
        %mul3A_2715 = arith.mulf %mul3A_2706, %sub3A_2714 : vector<16xf32>
        %swap3A_2716 = arith.constant 7 : i32
        %swap3A_2717 = arith.index_cast %swap3A_2716 : i32 to index
        %swap3A_2718 = arith.constant 16 : index
        %swap3A_2719 = tpu.vector_load %arg7[%swap3A_2717, %swap3A_2718] {strides = array<i32>} : memref<8x128xf32, #tpu.memory_space<vmem>>, vector<16xf32>,
        tpu.vector_store %arg7[%swap3A_2717, %swap3A_2718], %mul3A_2715 {strides = array<i32>} : memref<8x128xf32, #tpu.memory_space<vmem>>, vector<16xf32>,
        %get3A_2720 = arith.constant 7 : i32
        %get3A_2721 = arith.index_cast %get3A_2720 : i32 to index
        %get3A_2722 = arith.constant 32 : index
        %get3A_2723 = tpu.vector_load %arg6[%get3A_2721, %get3A_2722] {strides = array<i32>} : memref<8x128xf32, #tpu.memory_space<vmem>>, vector<16xf32>,
        %add3A_2724 = arith.constant 1.000000e+00 : f32
        %add3A_2725 = vector.broadcast %add3A_2724 : f32 to vector<16xf32>
        %add3A_2726 = arith.addf %get3A_2723, %add3A_2725 : vector<16xf32>
        %bitcast3A_2727 = vector.bitcast %add3A_2726 : vector<16xf32> to vector<16xi32>
        %shift_right_arithmetic3A_2728 = arith.constant 1 : i32
        %shift_right_arithmetic3A_2729 = vector.broadcast %shift_right_arithmetic3A_2728 : i32 to vector<16xi32>
        %shift_right_arithmetic3A_2730 = arith.shrsi %bitcast3A_2727, %shift_right_arithmetic3A_2729 : vector<16xi32>
        %sub3A_2731 = arith.constant 1597463007 : i32
        %sub3A_2732 = vector.broadcast %sub3A_2731 : i32 to vector<16xi32>
        %sub3A_2733 = arith.subi %sub3A_2732, %shift_right_arithmetic3A_2730 : vector<16xi32>
        %bitcast3A_2734 = vector.bitcast %sub3A_2733 : vector<16xi32> to vector<16xf32>
        %mul3A_2735 = arith.constant 5.000000e-01 : f32
        %mul3A_2736 = vector.broadcast %mul3A_2735 : f32 to vector<16xf32>
        %mul3A_2737 = arith.mulf %mul3A_2736, %add3A_2726 : vector<16xf32>
        %mul3A_2738 = arith.mulf %mul3A_2737, %bitcast3A_2734 : vector<16xf32>
        %mul3A_2739 = arith.mulf %mul3A_2738, %bitcast3A_2734 : vector<16xf32>
        %sub3A_2740 = arith.constant 1.500000e+00 : f32
        %sub3A_2741 = vector.broadcast %sub3A_2740 : f32 to vector<16xf32>
        %sub3A_2742 = arith.subf %sub3A_2741, %mul3A_2739 : vector<16xf32>
        %mul3A_2743 = arith.mulf %bitcast3A_2734, %sub3A_2742 : vector<16xf32>
        %mul3A_2744 = arith.constant 5.000000e-01 : f32
        %mul3A_2745 = vector.broadcast %mul3A_2744 : f32 to vector<16xf32>
        %mul3A_2746 = arith.mulf %mul3A_2745, %add3A_2726 : vector<16xf32>
        %mul3A_2747 = arith.mulf %mul3A_2746, %mul3A_2743 : vector<16xf32>
        %mul3A_2748 = arith.mulf %mul3A_2747, %mul3A_2743 : vector<16xf32>
        %sub3A_2749 = arith.constant 1.500000e+00 : f32
        %sub3A_2750 = vector.broadcast %sub3A_2749 : f32 to vector<16xf32>
        %sub3A_2751 = arith.subf %sub3A_2750, %mul3A_2748 : vector<16xf32>
        %mul3A_2752 = arith.mulf %mul3A_2743, %sub3A_2751 : vector<16xf32>
        %mul3A_2753 = arith.constant 5.000000e-01 : f32
        %mul3A_2754 = vector.broadcast %mul3A_2753 : f32 to vector<16xf32>
        %mul3A_2755 = arith.mulf %mul3A_2754, %add3A_2726 : vector<16xf32>
        %mul3A_2756 = arith.mulf %mul3A_2755, %mul3A_2752 : vector<16xf32>
        %mul3A_2757 = arith.mulf %mul3A_2756, %mul3A_2752 : vector<16xf32>
        %sub3A_2758 = arith.constant 1.500000e+00 : f32
        %sub3A_2759 = vector.broadcast %sub3A_2758 : f32 to vector<16xf32>
        %sub3A_2760 = arith.subf %sub3A_2759, %mul3A_2757 : vector<16xf32>
        %mul3A_2761 = arith.mulf %mul3A_2752, %sub3A_2760 : vector<16xf32>
        %swap3A_2762 = arith.constant 7 : i32
        %swap3A_2763 = arith.index_cast %swap3A_2762 : i32 to index
        %swap3A_2764 = arith.constant 32 : index
        %swap3A_2765 = tpu.vector_load %arg7[%swap3A_2763, %swap3A_2764] {strides = array<i32>} : memref<8x128xf32, #tpu.memory_space<vmem>>, vector<16xf32>,
        tpu.vector_store %arg7[%swap3A_2763, %swap3A_2764], %mul3A_2761 {strides = array<i32>} : memref<8x128xf32, #tpu.memory_space<vmem>>, vector<16xf32>,
        %get3A_2766 = arith.constant 7 : i32
        %get3A_2767 = arith.index_cast %get3A_2766 : i32 to index
        %get3A_2768 = arith.constant 48 : index
        %get3A_2769 = tpu.vector_load %arg6[%get3A_2767, %get3A_2768] {strides = array<i32>} : memref<8x128xf32, #tpu.memory_space<vmem>>, vector<16xf32>,
        %add3A_2770 = arith.constant 1.000000e+00 : f32
        %add3A_2771 = vector.broadcast %add3A_2770 : f32 to vector<16xf32>
        %add3A_2772 = arith.addf %get3A_2769, %add3A_2771 : vector<16xf32>
        %bitcast3A_2773 = vector.bitcast %add3A_2772 : vector<16xf32> to vector<16xi32>
        %shift_right_arithmetic3A_2774 = arith.constant 1 : i32
        %shift_right_arithmetic3A_2775 = vector.broadcast %shift_right_arithmetic3A_2774 : i32 to vector<16xi32>
        %shift_right_arithmetic3A_2776 = arith.shrsi %bitcast3A_2773, %shift_right_arithmetic3A_2775 : vector<16xi32>
        %sub3A_2777 = arith.constant 1597463007 : i32
        %sub3A_2778 = vector.broadcast %sub3A_2777 : i32 to vector<16xi32>
        %sub3A_2779 = arith.subi %sub3A_2778, %shift_right_arithmetic3A_2776 : vector<16xi32>
        %bitcast3A_2780 = vector.bitcast %sub3A_2779 : vector<16xi32> to vector<16xf32>
        %mul3A_2781 = arith.constant 5.000000e-01 : f32
        %mul3A_2782 = vector.broadcast %mul3A_2781 : f32 to vector<16xf32>
        %mul3A_2783 = arith.mulf %mul3A_2782, %add3A_2772 : vector<16xf32>
        %mul3A_2784 = arith.mulf %mul3A_2783, %bitcast3A_2780 : vector<16xf32>
        %mul3A_2785 = arith.mulf %mul3A_2784, %bitcast3A_2780 : vector<16xf32>
        %sub3A_2786 = arith.constant 1.500000e+00 : f32
        %sub3A_2787 = vector.broadcast %sub3A_2786 : f32 to vector<16xf32>
        %sub3A_2788 = arith.subf %sub3A_2787, %mul3A_2785 : vector<16xf32>
        %mul3A_2789 = arith.mulf %bitcast3A_2780, %sub3A_2788 : vector<16xf32>
        %mul3A_2790 = arith.constant 5.000000e-01 : f32
        %mul3A_2791 = vector.broadcast %mul3A_2790 : f32 to vector<16xf32>
        %mul3A_2792 = arith.mulf %mul3A_2791, %add3A_2772 : vector<16xf32>
        %mul3A_2793 = arith.mulf %mul3A_2792, %mul3A_2789 : vector<16xf32>
        %mul3A_2794 = arith.mulf %mul3A_2793, %mul3A_2789 : vector<16xf32>
        %sub3A_2795 = arith.constant 1.500000e+00 : f32
        %sub3A_2796 = vector.broadcast %sub3A_2795 : f32 to vector<16xf32>
        %sub3A_2797 = arith.subf %sub3A_2796, %mul3A_2794 : vector<16xf32>
        %mul3A_2798 = arith.mulf %mul3A_2789, %sub3A_2797 : vector<16xf32>
        %mul3A_2799 = arith.constant 5.000000e-01 : f32
        %mul3A_2800 = vector.broadcast %mul3A_2799 : f32 to vector<16xf32>
        %mul3A_2801 = arith.mulf %mul3A_2800, %add3A_2772 : vector<16xf32>
        %mul3A_2802 = arith.mulf %mul3A_2801, %mul3A_2798 : vector<16xf32>
        %mul3A_2803 = arith.mulf %mul3A_2802, %mul3A_2798 : vector<16xf32>
        %sub3A_2804 = arith.constant 1.500000e+00 : f32
        %sub3A_2805 = vector.broadcast %sub3A_2804 : f32 to vector<16xf32>
        %sub3A_2806 = arith.subf %sub3A_2805, %mul3A_2803 : vector<16xf32>
        %mul3A_2807 = arith.mulf %mul3A_2798, %sub3A_2806 : vector<16xf32>
        %swap3A_2808 = arith.constant 7 : i32
        %swap3A_2809 = arith.index_cast %swap3A_2808 : i32 to index
        %swap3A_2810 = arith.constant 48 : index
        %swap3A_2811 = tpu.vector_load %arg7[%swap3A_2809, %swap3A_2810] {strides = array<i32>} : memref<8x128xf32, #tpu.memory_space<vmem>>, vector<16xf32>,
        tpu.vector_store %arg7[%swap3A_2809, %swap3A_2810], %mul3A_2807 {strides = array<i32>} : memref<8x128xf32, #tpu.memory_space<vmem>>, vector<16xf32>,
        %get3A_2812 = arith.constant 7 : i32
        %get3A_2813 = arith.index_cast %get3A_2812 : i32 to index
        %get3A_2814 = arith.constant 64 : index
        %get3A_2815 = tpu.vector_load %arg6[%get3A_2813, %get3A_2814] {strides = array<i32>} : memref<8x128xf32, #tpu.memory_space<vmem>>, vector<16xf32>,
        %add3A_2816 = arith.constant 1.000000e+00 : f32
        %add3A_2817 = vector.broadcast %add3A_2816 : f32 to vector<16xf32>
        %add3A_2818 = arith.addf %get3A_2815, %add3A_2817 : vector<16xf32>
        %bitcast3A_2819 = vector.bitcast %add3A_2818 : vector<16xf32> to vector<16xi32>
        %shift_right_arithmetic3A_2820 = arith.constant 1 : i32
        %shift_right_arithmetic3A_2821 = vector.broadcast %shift_right_arithmetic3A_2820 : i32 to vector<16xi32>
        %shift_right_arithmetic3A_2822 = arith.shrsi %bitcast3A_2819, %shift_right_arithmetic3A_2821 : vector<16xi32>
        %sub3A_2823 = arith.constant 1597463007 : i32
        %sub3A_2824 = vector.broadcast %sub3A_2823 : i32 to vector<16xi32>
        %sub3A_2825 = arith.subi %sub3A_2824, %shift_right_arithmetic3A_2822 : vector<16xi32>
        %bitcast3A_2826 = vector.bitcast %sub3A_2825 : vector<16xi32> to vector<16xf32>
        %mul3A_2827 = arith.constant 5.000000e-01 : f32
        %mul3A_2828 = vector.broadcast %mul3A_2827 : f32 to vector<16xf32>
        %mul3A_2829 = arith.mulf %mul3A_2828, %add3A_2818 : vector<16xf32>
        %mul3A_2830 = arith.mulf %mul3A_2829, %bitcast3A_2826 : vector<16xf32>
        %mul3A_2831 = arith.mulf %mul3A_2830, %bitcast3A_2826 : vector<16xf32>
        %sub3A_2832 = arith.constant 1.500000e+00 : f32
        %sub3A_2833 = vector.broadcast %sub3A_2832 : f32 to vector<16xf32>
        %sub3A_2834 = arith.subf %sub3A_2833, %mul3A_2831 : vector<16xf32>
        %mul3A_2835 = arith.mulf %bitcast3A_2826, %sub3A_2834 : vector<16xf32>
        %mul3A_2836 = arith.constant 5.000000e-01 : f32
        %mul3A_2837 = vector.broadcast %mul3A_2836 : f32 to vector<16xf32>
        %mul3A_2838 = arith.mulf %mul3A_2837, %add3A_2818 : vector<16xf32>
        %mul3A_2839 = arith.mulf %mul3A_2838, %mul3A_2835 : vector<16xf32>
        %mul3A_2840 = arith.mulf %mul3A_2839, %mul3A_2835 : vector<16xf32>
        %sub3A_2841 = arith.constant 1.500000e+00 : f32
        %sub3A_2842 = vector.broadcast %sub3A_2841 : f32 to vector<16xf32>
        %sub3A_2843 = arith.subf %sub3A_2842, %mul3A_2840 : vector<16xf32>
        %mul3A_2844 = arith.mulf %mul3A_2835, %sub3A_2843 : vector<16xf32>
        %mul3A_2845 = arith.constant 5.000000e-01 : f32
        %mul3A_2846 = vector.broadcast %mul3A_2845 : f32 to vector<16xf32>
        %mul3A_2847 = arith.mulf %mul3A_2846, %add3A_2818 : vector<16xf32>
        %mul3A_2848 = arith.mulf %mul3A_2847, %mul3A_2844 : vector<16xf32>
        %mul3A_2849 = arith.mulf %mul3A_2848, %mul3A_2844 : vector<16xf32>
        %sub3A_2850 = arith.constant 1.500000e+00 : f32
        %sub3A_2851 = vector.broadcast %sub3A_2850 : f32 to vector<16xf32>
        %sub3A_2852 = arith.subf %sub3A_2851, %mul3A_2849 : vector<16xf32>
        %mul3A_2853 = arith.mulf %mul3A_2844, %sub3A_2852 : vector<16xf32>
        %swap3A_2854 = arith.constant 7 : i32
        %swap3A_2855 = arith.index_cast %swap3A_2854 : i32 to index
        %swap3A_2856 = arith.constant 64 : index
        %swap3A_2857 = tpu.vector_load %arg7[%swap3A_2855, %swap3A_2856] {strides = array<i32>} : memref<8x128xf32, #tpu.memory_space<vmem>>, vector<16xf32>,
        tpu.vector_store %arg7[%swap3A_2855, %swap3A_2856], %mul3A_2853 {strides = array<i32>} : memref<8x128xf32, #tpu.memory_space<vmem>>, vector<16xf32>,
        %get3A_2858 = arith.constant 7 : i32
        %get3A_2859 = arith.index_cast %get3A_2858 : i32 to index
        %get3A_2860 = arith.constant 80 : index
        %get3A_2861 = tpu.vector_load %arg6[%get3A_2859, %get3A_2860] {strides = array<i32>} : memref<8x128xf32, #tpu.memory_space<vmem>>, vector<16xf32>,
        %add3A_2862 = arith.constant 1.000000e+00 : f32
        %add3A_2863 = vector.broadcast %add3A_2862 : f32 to vector<16xf32>
        %add3A_2864 = arith.addf %get3A_2861, %add3A_2863 : vector<16xf32>
        %bitcast3A_2865 = vector.bitcast %add3A_2864 : vector<16xf32> to vector<16xi32>
        %shift_right_arithmetic3A_2866 = arith.constant 1 : i32
        %shift_right_arithmetic3A_2867 = vector.broadcast %shift_right_arithmetic3A_2866 : i32 to vector<16xi32>
        %shift_right_arithmetic3A_2868 = arith.shrsi %bitcast3A_2865, %shift_right_arithmetic3A_2867 : vector<16xi32>
        %sub3A_2869 = arith.constant 1597463007 : i32
        %sub3A_2870 = vector.broadcast %sub3A_2869 : i32 to vector<16xi32>
        %sub3A_2871 = arith.subi %sub3A_2870, %shift_right_arithmetic3A_2868 : vector<16xi32>
        %bitcast3A_2872 = vector.bitcast %sub3A_2871 : vector<16xi32> to vector<16xf32>
        %mul3A_2873 = arith.constant 5.000000e-01 : f32
        %mul3A_2874 = vector.broadcast %mul3A_2873 : f32 to vector<16xf32>
        %mul3A_2875 = arith.mulf %mul3A_2874, %add3A_2864 : vector<16xf32>
        %mul3A_2876 = arith.mulf %mul3A_2875, %bitcast3A_2872 : vector<16xf32>
        %mul3A_2877 = arith.mulf %mul3A_2876, %bitcast3A_2872 : vector<16xf32>
        %sub3A_2878 = arith.constant 1.500000e+00 : f32
        %sub3A_2879 = vector.broadcast %sub3A_2878 : f32 to vector<16xf32>
        %sub3A_2880 = arith.subf %sub3A_2879, %mul3A_2877 : vector<16xf32>
        %mul3A_2881 = arith.mulf %bitcast3A_2872, %sub3A_2880 : vector<16xf32>
        %mul3A_2882 = arith.constant 5.000000e-01 : f32
        %mul3A_2883 = vector.broadcast %mul3A_2882 : f32 to vector<16xf32>
        %mul3A_2884 = arith.mulf %mul3A_2883, %add3A_2864 : vector<16xf32>
        %mul3A_2885 = arith.mulf %mul3A_2884, %mul3A_2881 : vector<16xf32>
        %mul3A_2886 = arith.mulf %mul3A_2885, %mul3A_2881 : vector<16xf32>
        %sub3A_2887 = arith.constant 1.500000e+00 : f32
        %sub3A_2888 = vector.broadcast %sub3A_2887 : f32 to vector<16xf32>
        %sub3A_2889 = arith.subf %sub3A_2888, %mul3A_2886 : vector<16xf32>
        %mul3A_2890 = arith.mulf %mul3A_2881, %sub3A_2889 : vector<16xf32>
        %mul3A_2891 = arith.constant 5.000000e-01 : f32
        %mul3A_2892 = vector.broadcast %mul3A_2891 : f32 to vector<16xf32>
        %mul3A_2893 = arith.mulf %mul3A_2892, %add3A_2864 : vector<16xf32>
        %mul3A_2894 = arith.mulf %mul3A_2893, %mul3A_2890 : vector<16xf32>
        %mul3A_2895 = arith.mulf %mul3A_2894, %mul3A_2890 : vector<16xf32>
        %sub3A_2896 = arith.constant 1.500000e+00 : f32
        %sub3A_2897 = vector.broadcast %sub3A_2896 : f32 to vector<16xf32>
        %sub3A_2898 = arith.subf %sub3A_2897, %mul3A_2895 : vector<16xf32>
        %mul3A_2899 = arith.mulf %mul3A_2890, %sub3A_2898 : vector<16xf32>
        %swap3A_2900 = arith.constant 7 : i32
        %swap3A_2901 = arith.index_cast %swap3A_2900 : i32 to index
        %swap3A_2902 = arith.constant 80 : index
        %swap3A_2903 = tpu.vector_load %arg7[%swap3A_2901, %swap3A_2902] {strides = array<i32>} : memref<8x128xf32, #tpu.memory_space<vmem>>, vector<16xf32>,
        tpu.vector_store %arg7[%swap3A_2901, %swap3A_2902], %mul3A_2899 {strides = array<i32>} : memref<8x128xf32, #tpu.memory_space<vmem>>, vector<16xf32>,
        %get3A_2904 = arith.constant 7 : i32
        %get3A_2905 = arith.index_cast %get3A_2904 : i32 to index
        %get3A_2906 = arith.constant 96 : index
        %get3A_2907 = tpu.vector_load %arg6[%get3A_2905, %get3A_2906] {strides = array<i32>} : memref<8x128xf32, #tpu.memory_space<vmem>>, vector<16xf32>,
        %add3A_2908 = arith.constant 1.000000e+00 : f32
        %add3A_2909 = vector.broadcast %add3A_2908 : f32 to vector<16xf32>
        %add3A_2910 = arith.addf %get3A_2907, %add3A_2909 : vector<16xf32>
        %bitcast3A_2911 = vector.bitcast %add3A_2910 : vector<16xf32> to vector<16xi32>
        %shift_right_arithmetic3A_2912 = arith.constant 1 : i32
        %shift_right_arithmetic3A_2913 = vector.broadcast %shift_right_arithmetic3A_2912 : i32 to vector<16xi32>
        %shift_right_arithmetic3A_2914 = arith.shrsi %bitcast3A_2911, %shift_right_arithmetic3A_2913 : vector<16xi32>
        %sub3A_2915 = arith.constant 1597463007 : i32
        %sub3A_2916 = vector.broadcast %sub3A_2915 : i32 to vector<16xi32>
        %sub3A_2917 = arith.subi %sub3A_2916, %shift_right_arithmetic3A_2914 : vector<16xi32>
        %bitcast3A_2918 = vector.bitcast %sub3A_2917 : vector<16xi32> to vector<16xf32>
        %mul3A_2919 = arith.constant 5.000000e-01 : f32
        %mul3A_2920 = vector.broadcast %mul3A_2919 : f32 to vector<16xf32>
        %mul3A_2921 = arith.mulf %mul3A_2920, %add3A_2910 : vector<16xf32>
        %mul3A_2922 = arith.mulf %mul3A_2921, %bitcast3A_2918 : vector<16xf32>
        %mul3A_2923 = arith.mulf %mul3A_2922, %bitcast3A_2918 : vector<16xf32>
        %sub3A_2924 = arith.constant 1.500000e+00 : f32
        %sub3A_2925 = vector.broadcast %sub3A_2924 : f32 to vector<16xf32>
        %sub3A_2926 = arith.subf %sub3A_2925, %mul3A_2923 : vector<16xf32>
        %mul3A_2927 = arith.mulf %bitcast3A_2918, %sub3A_2926 : vector<16xf32>
        %mul3A_2928 = arith.constant 5.000000e-01 : f32
        %mul3A_2929 = vector.broadcast %mul3A_2928 : f32 to vector<16xf32>
        %mul3A_2930 = arith.mulf %mul3A_2929, %add3A_2910 : vector<16xf32>
        %mul3A_2931 = arith.mulf %mul3A_2930, %mul3A_2927 : vector<16xf32>
        %mul3A_2932 = arith.mulf %mul3A_2931, %mul3A_2927 : vector<16xf32>
        %sub3A_2933 = arith.constant 1.500000e+00 : f32
        %sub3A_2934 = vector.broadcast %sub3A_2933 : f32 to vector<16xf32>
        %sub3A_2935 = arith.subf %sub3A_2934, %mul3A_2932 : vector<16xf32>
        %mul3A_2936 = arith.mulf %mul3A_2927, %sub3A_2935 : vector<16xf32>
        %mul3A_2937 = arith.constant 5.000000e-01 : f32
        %mul3A_2938 = vector.broadcast %mul3A_2937 : f32 to vector<16xf32>
        %mul3A_2939 = arith.mulf %mul3A_2938, %add3A_2910 : vector<16xf32>
        %mul3A_2940 = arith.mulf %mul3A_2939, %mul3A_2936 : vector<16xf32>
        %mul3A_2941 = arith.mulf %mul3A_2940, %mul3A_2936 : vector<16xf32>
        %sub3A_2942 = arith.constant 1.500000e+00 : f32
        %sub3A_2943 = vector.broadcast %sub3A_2942 : f32 to vector<16xf32>
        %sub3A_2944 = arith.subf %sub3A_2943, %mul3A_2941 : vector<16xf32>
        %mul3A_2945 = arith.mulf %mul3A_2936, %sub3A_2944 : vector<16xf32>
        %swap3A_2946 = arith.constant 7 : i32
        %swap3A_2947 = arith.index_cast %swap3A_2946 : i32 to index
        %swap3A_2948 = arith.constant 96 : index
        %swap3A_2949 = tpu.vector_load %arg7[%swap3A_2947, %swap3A_2948] {strides = array<i32>} : memref<8x128xf32, #tpu.memory_space<vmem>>, vector<16xf32>,
        tpu.vector_store %arg7[%swap3A_2947, %swap3A_2948], %mul3A_2945 {strides = array<i32>} : memref<8x128xf32, #tpu.memory_space<vmem>>, vector<16xf32>,
        %get3A_2950 = arith.constant 7 : i32
        %get3A_2951 = arith.index_cast %get3A_2950 : i32 to index
        %get3A_2952 = arith.constant 112 : index
        %get3A_2953 = tpu.vector_load %arg6[%get3A_2951, %get3A_2952] {strides = array<i32>} : memref<8x128xf32, #tpu.memory_space<vmem>>, vector<16xf32>,
        %add3A_2954 = arith.constant 1.000000e+00 : f32
        %add3A_2955 = vector.broadcast %add3A_2954 : f32 to vector<16xf32>
        %add3A_2956 = arith.addf %get3A_2953, %add3A_2955 : vector<16xf32>
        %bitcast3A_2957 = vector.bitcast %add3A_2956 : vector<16xf32> to vector<16xi32>
        %shift_right_arithmetic3A_2958 = arith.constant 1 : i32
        %shift_right_arithmetic3A_2959 = vector.broadcast %shift_right_arithmetic3A_2958 : i32 to vector<16xi32>
        %shift_right_arithmetic3A_2960 = arith.shrsi %bitcast3A_2957, %shift_right_arithmetic3A_2959 : vector<16xi32>
        %sub3A_2961 = arith.constant 1597463007 : i32
        %sub3A_2962 = vector.broadcast %sub3A_2961 : i32 to vector<16xi32>
        %sub3A_2963 = arith.subi %sub3A_2962, %shift_right_arithmetic3A_2960 : vector<16xi32>
        %bitcast3A_2964 = vector.bitcast %sub3A_2963 : vector<16xi32> to vector<16xf32>
        %mul3A_2965 = arith.constant 5.000000e-01 : f32
        %mul3A_2966 = vector.broadcast %mul3A_2965 : f32 to vector<16xf32>
        %mul3A_2967 = arith.mulf %mul3A_2966, %add3A_2956 : vector<16xf32>
        %mul3A_2968 = arith.mulf %mul3A_2967, %bitcast3A_2964 : vector<16xf32>
        %mul3A_2969 = arith.mulf %mul3A_2968, %bitcast3A_2964 : vector<16xf32>
        %sub3A_2970 = arith.constant 1.500000e+00 : f32
        %sub3A_2971 = vector.broadcast %sub3A_2970 : f32 to vector<16xf32>
        %sub3A_2972 = arith.subf %sub3A_2971, %mul3A_2969 : vector<16xf32>
        %mul3A_2973 = arith.mulf %bitcast3A_2964, %sub3A_2972 : vector<16xf32>
        %mul3A_2974 = arith.constant 5.000000e-01 : f32
        %mul3A_2975 = vector.broadcast %mul3A_2974 : f32 to vector<16xf32>
        %mul3A_2976 = arith.mulf %mul3A_2975, %add3A_2956 : vector<16xf32>
        %mul3A_2977 = arith.mulf %mul3A_2976, %mul3A_2973 : vector<16xf32>
        %mul3A_2978 = arith.mulf %mul3A_2977, %mul3A_2973 : vector<16xf32>
        %sub3A_2979 = arith.constant 1.500000e+00 : f32
        %sub3A_2980 = vector.broadcast %sub3A_2979 : f32 to vector<16xf32>
        %sub3A_2981 = arith.subf %sub3A_2980, %mul3A_2978 : vector<16xf32>
        %mul3A_2982 = arith.mulf %mul3A_2973, %sub3A_2981 : vector<16xf32>
        %mul3A_2983 = arith.constant 5.000000e-01 : f32
        %mul3A_2984 = vector.broadcast %mul3A_2983 : f32 to vector<16xf32>
        %mul3A_2985 = arith.mulf %mul3A_2984, %add3A_2956 : vector<16xf32>
        %mul3A_2986 = arith.mulf %mul3A_2985, %mul3A_2982 : vector<16xf32>
        %mul3A_2987 = arith.mulf %mul3A_2986, %mul3A_2982 : vector<16xf32>
        %sub3A_2988 = arith.constant 1.500000e+00 : f32
        %sub3A_2989 = vector.broadcast %sub3A_2988 : f32 to vector<16xf32>
        %sub3A_2990 = arith.subf %sub3A_2989, %mul3A_2987 : vector<16xf32>
        %mul3A_2991 = arith.mulf %mul3A_2982, %sub3A_2990 : vector<16xf32>
        %swap3A_2992 = arith.constant 7 : i32
        %swap3A_2993 = arith.index_cast %swap3A_2992 : i32 to index
        %swap3A_2994 = arith.constant 112 : index
        %swap3A_2995 = tpu.vector_load %arg7[%swap3A_2993, %swap3A_2994] {strides = array<i32>} : memref<8x128xf32, #tpu.memory_space<vmem>>, vector<16xf32>,
        tpu.vector_store %arg7[%swap3A_2993, %swap3A_2994], %mul3A_2991 {strides = array<i32>} : memref<8x128xf32, #tpu.memory_space<vmem>>, vector<16xf32>,
        %mul3A_2996 = arith.constant 8 : i32
        %mul3A_2997 = arith.muli %arg1, %mul3A_2996 : i32
        "tpu.region"() ({
          %run_scoped3A = tpu.sem_alloc : memref<!tpu.dma_semaphore, #tpu.memory_space<semaphore_mem>>
          %dma_start3A = arith.constant 0 : i32
          %dma_start3A_2998 = tpu.memref_slice %arg3[%mul3A_2997, %dma_start3A] : memref<80x128xf32, #tpu.memory_space<hbm>> -> memref<8x128xf32, #tpu.memory_space<hbm>>
          %dma_start3A_2999 = arith.constant 0 : i32
          %dma_start3A_3000 = tpu.memref_slice %arg3[%mul3A_2997, %dma_start3A_2999] : memref<80x128xf32, #tpu.memory_space<hbm>> -> memref<8x128xf32, #tpu.memory_space<hbm>>
          tpu.enqueue_dma source(%arg7 : memref<8x128xf32, #tpu.memory_space<vmem>>) target(%dma_start3A_3000 : memref<8x128xf32, #tpu.memory_space<hbm>>) target_semaphore(%run_scoped3A : memref<!tpu.dma_semaphore, #tpu.memory_space<semaphore_mem>>)
          %dma_wait3A = arith.constant 0 : i32
          %dma_wait3A_3001 = tpu.memref_slice %arg3[%mul3A_2997, %dma_wait3A] : memref<80x128xf32, #tpu.memory_space<hbm>> -> memref<8x128xf32, #tpu.memory_space<hbm>>
          %dma_wait3A_3002 = arith.constant 0 : i32
          %dma_wait3A_3003 = tpu.memref_slice %arg3[%mul3A_2997, %dma_wait3A_3002] : memref<80x128xf32, #tpu.memory_space<hbm>> -> memref<8x128xf32, #tpu.memory_space<hbm>>
          tpu.wait_dma2 semaphore(%run_scoped3A : memref<!tpu.dma_semaphore, #tpu.memory_space<semaphore_mem>>) src(%arg7 : memref<8x128xf32, #tpu.memory_space<vmem>>) dst(%dma_wait3A_3003 : memref<8x128xf32, #tpu.memory_space<hbm>>)
          tpu.yield
        }) : () -> ()
      } else {
      }
    } else {
    }
    return
  }
}

module attributes {stable_mosaic.version = 14 : i64} {
  func.func @_tc_mid_body(%arg0: i32, %arg1: memref<512x128xf32, #tpu.memory_space<vmem>>, %arg2: memref<512x128xf32, #tpu.memory_space<vmem>>, %arg3: memref<512x128xf32, #tpu.memory_space<vmem>>, %arg4: memref<512x1xf32, #tpu.memory_space<vmem>>, %arg5: memref<1x128xf32, #tpu.memory_space<vmem>>, %arg6: memref<128x128xf32, #tpu.memory_space<vmem>>, %arg7: memref<512x128xf32, #tpu.memory_space<vmem>>) attributes {dimension_semantics = [#tpu.dimension_semantics<arbitrary>], iteration_bounds = array<i64: 20>, scalar_prefetch = 0 : i64, scratch_operands = 0 : i64, tpu.core_type = #tpu.core_type<tc>, window_params = [{transform_indices = @transform_0, window_bounds = array<i64: 512, 128>}, {transform_indices = @transform_1, window_bounds = array<i64: 512, 128>}, {transform_indices = @transform_2, window_bounds = array<i64: 512, 128>}, {transform_indices = @transform_3, window_bounds = array<i64: 512, 1>}, {pipeline_mode = #tpu.pipeline_mode<synchronous>, transform_indices = @transform_4, window_bounds = array<i64: 1, 128>}, {pipeline_mode = #tpu.pipeline_mode<synchronous>, transform_indices = @transform_5, window_bounds = array<i64: 128, 128>}, {transform_indices = @transform_6, window_bounds = array<i64: 512, 128>}]} {
    %get3A = arith.constant 0 : index
    %get3A_0 = arith.constant 0 : index
    %get3A_1 = vector.load %arg4[%get3A, %get3A_0] : memref<512x1xf32, #tpu.memory_space<vmem>>, vector<512x1xf32>
    %get3A_2 = arith.constant 0 : index
    %get3A_3 = arith.constant 0 : index
    %get3A_4 = vector.load %arg1[%get3A_2, %get3A_3] : memref<512x128xf32, #tpu.memory_space<vmem>>, vector<512x128xf32>
    %get3A_5 = arith.constant 0 : index
    %get3A_6 = arith.constant 0 : index
    %get3A_7 = vector.load %arg2[%get3A_5, %get3A_6] : memref<512x128xf32, #tpu.memory_space<vmem>>, vector<512x128xf32>
    %add3A = arith.addf %get3A_4, %get3A_7 : vector<512x128xf32>
    %get3A_8 = arith.constant 0 : index
    %get3A_9 = arith.constant 0 : index
    %get3A_10 = vector.load %arg3[%get3A_8, %get3A_9] : memref<512x128xf32, #tpu.memory_space<vmem>>, vector<512x128xf32>
    %add3A_11 = arith.addf %add3A, %get3A_10 : vector<512x128xf32>
    %mul3A = vector.broadcast %get3A_1 : vector<512x1xf32> to vector<512x128xf32>
    %mul3A_12 = arith.mulf %add3A_11, %mul3A : vector<512x128xf32>
    %get3A_13 = arith.constant 0 : index
    %get3A_14 = arith.constant 0 : index
    %get3A_15 = vector.load %arg5[%get3A_13, %get3A_14] : memref<1x128xf32, #tpu.memory_space<vmem>>, vector<1x128xf32>
    %add3A_16 = vector.broadcast %get3A_15 : vector<1x128xf32> to vector<512x128xf32>
    %add3A_17 = arith.addf %mul3A_12, %add3A_16 : vector<512x128xf32>
    %max3A = arith.constant 0.000000e+00 : f32
    %max3A_18 = vector.broadcast %max3A : f32 to vector<512x128xf32>
    %max3A_19 = arith.maximumf %add3A_17, %max3A_18 : vector<512x128xf32>
    %get3A_20 = arith.constant 0 : index
    %get3A_21 = arith.constant 0 : index
    %get3A_22 = vector.load %arg6[%get3A_20, %get3A_21] : memref<128x128xf32, #tpu.memory_space<vmem>>, vector<128x128xf32>
    %dot_general3A = arith.constant dense<0.000000e+00> : vector<512x128xf32>
    %dot_general3A_23 = tpu.matmul %max3A_19, %get3A_22, %dot_general3A {dimension_numbers = #tpu.dot_dimension_numbers<[1], [0], [0], [1], [0, 0, 1, 1], [], []>, precision = #tpu.contract_precision<fp32>, transpose_lhs_hint = false} : vector<512x128xf32>, vector<128x128xf32>, vector<512x128xf32> -> vector<512x128xf32>
    %mul3A_24 = vector.broadcast %get3A_1 : vector<512x1xf32> to vector<512x128xf32>
    %mul3A_25 = arith.mulf %dot_general3A_23, %mul3A_24 : vector<512x128xf32>
    %swap3A = arith.constant 0 : index
    %swap3A_26 = arith.constant 0 : index
    %swap3A_27 = vector.load %arg7[%swap3A, %swap3A_26] : memref<512x128xf32, #tpu.memory_space<vmem>>, vector<512x128xf32>
    tpu.vector_store %arg7[%swap3A, %swap3A_26], %mul3A_25 {strides = array<i32>} : memref<512x128xf32, #tpu.memory_space<vmem>>, vector<512x128xf32>,
    return
  }
  func.func @transform_0(%arg0: i32) -> (i32, i32) {
    %c0_i32 = arith.constant 0 : i32
    %c0_i32_0 = arith.constant 0 : i32
    return %arg0, %c0_i32 : i32, i32
  }
  func.func @transform_1(%arg0: i32) -> (i32, i32) {
    %c0_i32 = arith.constant 0 : i32
    %c0_i32_0 = arith.constant 0 : i32
    return %arg0, %c0_i32 : i32, i32
  }
  func.func @transform_2(%arg0: i32) -> (i32, i32) {
    %c0_i32 = arith.constant 0 : i32
    %c0_i32_0 = arith.constant 0 : i32
    return %arg0, %c0_i32 : i32, i32
  }
  func.func @transform_3(%arg0: i32) -> (i32, i32) {
    %c0_i32 = arith.constant 0 : i32
    %c0_i32_0 = arith.constant 0 : i32
    return %arg0, %c0_i32 : i32, i32
  }
  func.func @transform_4(%arg0: i32) -> (i32, i32) {
    %c0_i32 = arith.constant 0 : i32
    %c0_i32_0 = arith.constant 0 : i32
    %c0_i32_1 = arith.constant 0 : i32
    return %c0_i32, %c0_i32_0 : i32, i32
  }
  func.func @transform_5(%arg0: i32) -> (i32, i32) {
    %c0_i32 = arith.constant 0 : i32
    %c0_i32_0 = arith.constant 0 : i32
    %c0_i32_1 = arith.constant 0 : i32
    return %c0_i32, %c0_i32_0 : i32, i32
  }
  func.func @transform_6(%arg0: i32) -> (i32, i32) {
    %c0_i32 = arith.constant 0 : i32
    %c0_i32_0 = arith.constant 0 : i32
    return %arg0, %c0_i32 : i32, i32
  }
}

module attributes {stable_mosaic.version = 14 : i64} {
  func.func @_tc_prep_body(%arg0: i32, %arg1: memref<512x128xf32, #tpu.memory_space<vmem>>, %arg2: memref<512x1xf32, #tpu.memory_space<vmem>>, %arg3: memref<128x128xf32, #tpu.memory_space<vmem>>, %arg4: memref<512x128xf32, #tpu.memory_space<vmem>>) attributes {dimension_semantics = [#tpu.dimension_semantics<arbitrary>], iteration_bounds = array<i64: 20>, scalar_prefetch = 0 : i64, scratch_operands = 0 : i64, tpu.core_type = #tpu.core_type<tc>, window_params = [{transform_indices = @transform_0, window_bounds = array<i64: 512, 128>}, {transform_indices = @transform_1, window_bounds = array<i64: 512, 1>}, {pipeline_mode = #tpu.pipeline_mode<synchronous>, transform_indices = @transform_2, window_bounds = array<i64: 128, 128>}, {transform_indices = @transform_3, window_bounds = array<i64: 512, 128>}]} {
    %get3A = arith.constant 0 : index
    %get3A_0 = arith.constant 0 : index
    %get3A_1 = vector.load %arg1[%get3A, %get3A_0] : memref<512x128xf32, #tpu.memory_space<vmem>>, vector<512x128xf32>
    %get3A_2 = arith.constant 0 : index
    %get3A_3 = arith.constant 0 : index
    %get3A_4 = vector.load %arg3[%get3A_2, %get3A_3] : memref<128x128xf32, #tpu.memory_space<vmem>>, vector<128x128xf32>
    %dot_general3A = arith.constant dense<0.000000e+00> : vector<512x128xf32>
    %dot_general3A_5 = tpu.matmul %get3A_1, %get3A_4, %dot_general3A {dimension_numbers = #tpu.dot_dimension_numbers<[1], [0], [0], [1], [0, 0, 1, 1], [], []>, precision = #tpu.contract_precision<fp32>, transpose_lhs_hint = false} : vector<512x128xf32>, vector<128x128xf32>, vector<512x128xf32> -> vector<512x128xf32>
    %get3A_6 = arith.constant 0 : index
    %get3A_7 = arith.constant 0 : index
    %get3A_8 = vector.load %arg2[%get3A_6, %get3A_7] : memref<512x1xf32, #tpu.memory_space<vmem>>, vector<512x1xf32>
    %mul3A = vector.broadcast %get3A_8 : vector<512x1xf32> to vector<512x128xf32>
    %mul3A_9 = arith.mulf %dot_general3A_5, %mul3A : vector<512x128xf32>
    %swap3A = arith.constant 0 : index
    %swap3A_10 = arith.constant 0 : index
    %swap3A_11 = vector.load %arg4[%swap3A, %swap3A_10] : memref<512x128xf32, #tpu.memory_space<vmem>>, vector<512x128xf32>
    tpu.vector_store %arg4[%swap3A, %swap3A_10], %mul3A_9 {strides = array<i32>} : memref<512x128xf32, #tpu.memory_space<vmem>>, vector<512x128xf32>,
    return
  }
  func.func @transform_0(%arg0: i32) -> (i32, i32) {
    %c0_i32 = arith.constant 0 : i32
    %c0_i32_0 = arith.constant 0 : i32
    return %arg0, %c0_i32 : i32, i32
  }
  func.func @transform_1(%arg0: i32) -> (i32, i32) {
    %c0_i32 = arith.constant 0 : i32
    %c0_i32_0 = arith.constant 0 : i32
    return %arg0, %c0_i32 : i32, i32
  }
  func.func @transform_2(%arg0: i32) -> (i32, i32) {
    %c0_i32 = arith.constant 0 : i32
    %c0_i32_0 = arith.constant 0 : i32
    %c0_i32_1 = arith.constant 0 : i32
    return %c0_i32, %c0_i32_0 : i32, i32
  }
  func.func @transform_3(%arg0: i32) -> (i32, i32) {
    %c0_i32 = arith.constant 0 : i32
    %c0_i32_0 = arith.constant 0 : i32
    return %arg0, %c0_i32 : i32, i32
  }
}

module attributes {stable_mosaic.version = 14 : i64} {
  func.func @_tc_final_body(%arg0: i32, %arg1: memref<512x128xf32, #tpu.memory_space<vmem>>, %arg2: memref<512x128xf32, #tpu.memory_space<vmem>>, %arg3: memref<512x128xf32, #tpu.memory_space<vmem>>, %arg4: memref<512x1xf32, #tpu.memory_space<vmem>>, %arg5: memref<1x128xf32, #tpu.memory_space<vmem>>, %arg6: memref<512x128xf32, #tpu.memory_space<vmem>>) attributes {dimension_semantics = [#tpu.dimension_semantics<arbitrary>], iteration_bounds = array<i64: 20>, scalar_prefetch = 0 : i64, scratch_operands = 0 : i64, tpu.core_type = #tpu.core_type<tc>, window_params = [{transform_indices = @transform_0, window_bounds = array<i64: 512, 128>}, {transform_indices = @transform_1, window_bounds = array<i64: 512, 128>}, {transform_indices = @transform_2, window_bounds = array<i64: 512, 128>}, {transform_indices = @transform_3, window_bounds = array<i64: 512, 1>}, {pipeline_mode = #tpu.pipeline_mode<synchronous>, transform_indices = @transform_4, window_bounds = array<i64: 1, 128>}, {transform_indices = @transform_5, window_bounds = array<i64: 512, 128>}]} {
    %get3A = arith.constant 0 : index
    %get3A_0 = arith.constant 0 : index
    %get3A_1 = vector.load %arg1[%get3A, %get3A_0] : memref<512x128xf32, #tpu.memory_space<vmem>>, vector<512x128xf32>
    %get3A_2 = arith.constant 0 : index
    %get3A_3 = arith.constant 0 : index
    %get3A_4 = vector.load %arg2[%get3A_2, %get3A_3] : memref<512x128xf32, #tpu.memory_space<vmem>>, vector<512x128xf32>
    %add3A = arith.addf %get3A_1, %get3A_4 : vector<512x128xf32>
    %get3A_5 = arith.constant 0 : index
    %get3A_6 = arith.constant 0 : index
    %get3A_7 = vector.load %arg3[%get3A_5, %get3A_6] : memref<512x128xf32, #tpu.memory_space<vmem>>, vector<512x128xf32>
    %add3A_8 = arith.addf %add3A, %get3A_7 : vector<512x128xf32>
    %get3A_9 = arith.constant 0 : index
    %get3A_10 = arith.constant 0 : index
    %get3A_11 = vector.load %arg4[%get3A_9, %get3A_10] : memref<512x1xf32, #tpu.memory_space<vmem>>, vector<512x1xf32>
    %mul3A = vector.broadcast %get3A_11 : vector<512x1xf32> to vector<512x128xf32>
    %mul3A_12 = arith.mulf %add3A_8, %mul3A : vector<512x128xf32>
    %get3A_13 = arith.constant 0 : index
    %get3A_14 = arith.constant 0 : index
    %get3A_15 = vector.load %arg5[%get3A_13, %get3A_14] : memref<1x128xf32, #tpu.memory_space<vmem>>, vector<1x128xf32>
    %add3A_16 = vector.broadcast %get3A_15 : vector<1x128xf32> to vector<512x128xf32>
    %add3A_17 = arith.addf %mul3A_12, %add3A_16 : vector<512x128xf32>
    %max3A = arith.constant 0.000000e+00 : f32
    %max3A_18 = vector.broadcast %max3A : f32 to vector<512x128xf32>
    %max3A_19 = arith.maximumf %add3A_17, %max3A_18 : vector<512x128xf32>
    %swap3A = arith.constant 0 : index
    %swap3A_20 = arith.constant 0 : index
    %swap3A_21 = vector.load %arg6[%swap3A, %swap3A_20] : memref<512x128xf32, #tpu.memory_space<vmem>>, vector<512x128xf32>
    tpu.vector_store %arg6[%swap3A, %swap3A_20], %max3A_19 {strides = array<i32>} : memref<512x128xf32, #tpu.memory_space<vmem>>, vector<512x128xf32>,
    return
  }
  func.func @transform_0(%arg0: i32) -> (i32, i32) {
    %c0_i32 = arith.constant 0 : i32
    %c0_i32_0 = arith.constant 0 : i32
    return %arg0, %c0_i32 : i32, i32
  }
  func.func @transform_1(%arg0: i32) -> (i32, i32) {
    %c0_i32 = arith.constant 0 : i32
    %c0_i32_0 = arith.constant 0 : i32
    return %arg0, %c0_i32 : i32, i32
  }
  func.func @transform_2(%arg0: i32) -> (i32, i32) {
    %c0_i32 = arith.constant 0 : i32
    %c0_i32_0 = arith.constant 0 : i32
    return %arg0, %c0_i32 : i32, i32
  }
  func.func @transform_3(%arg0: i32) -> (i32, i32) {
    %c0_i32 = arith.constant 0 : i32
    %c0_i32_0 = arith.constant 0 : i32
    return %arg0, %c0_i32 : i32, i32
  }
  func.func @transform_4(%arg0: i32) -> (i32, i32) {
    %c0_i32 = arith.constant 0 : i32
    %c0_i32_0 = arith.constant 0 : i32
    %c0_i32_1 = arith.constant 0 : i32
    return %c0_i32, %c0_i32_0 : i32, i32
  }
  func.func @transform_5(%arg0: i32) -> (i32, i32) {
    %c0_i32 = arith.constant 0 : i32
    %c0_i32_0 = arith.constant 0 : i32
    return %arg0, %c0_i32 : i32, i32
  }
}

</mosaic_0001>

<sc_bundles>
// kernel: kernel.11.cloned.1.call-start
scs
__scs_entry_jumppad:
0x0: {  	(pc) =	sbr.rel $0x88, $3  }
0x1: {  	(tag) =	ssettag $0x0;
	lr =	simm.s32 $0x1  }
0x2: {  	[smem:$0x3F9B] =	sst lr;
	_ =	strace $0xD0000000  }
0x3: {  	_ = 	snop  }
0x4: {  	_ = 	snop  }
0x5: {  	_ = 	snop  }
0x6: {  	_ = 	snop  }
0x7: {  	_ = 	snop  }
__scs_overlays_trampoline_lowered:
0x8: {  	[smem:$0x3FAA] =	sst s0  }
0x9: {  	[smem:$0x3FAB] =	sst s1  }
0xa: {  	[smem:$0x3FAC] =	sst s2  }
0xb: {  	[smem:$0x3FAD] =	sst s3  }
0xc: {  	[smem:$0x3FAE] =	sst s4  }
0xd: {  	[smem:$0x3FAF] =	sst s5  }
0xe: {  	[smem:$0x3FB0] =	sst s6  }
0xf: {  	[smem:$0x3FB1] =	sst s7  }
0x10: {  	[smem:$0x3FB2] =	sst s8  }
0x11: {  	[smem:$0x3FB3] =	sst s9;
	s0 =	simm.s32 @!p0 $0x0  }
0x12: {  	s1 =	sld [smem:$0x3F99];
	s0 =	simm.s32 @p0 $0x1  }
0x13: {  	[smem:$0x3FB4] =	sst s0;
	s0 =	simm.s32 @!p1 $0x0  }
0x14: {  	s2 =	sld [smem:$0x3F98];
	s0 =	simm.s32 @p1 $0x1  }
0x15: {  	[smem:$0x3FB5] =	sst s0;
	s0 =	simm.s32 @!p2 $0x0  }
0x16: {  	s3 =	sld [smem:$0x3FDB];
	s0 =	simm.s32 @p2 $0x1  }
0x17: {  	s4 =	simm.s32 $0x1BF5;
	[smem:$0x3FB7] =	sst s0  }
0x18: {  	s0 =	sld [smem:$0x3F9A];
	_ =	swait.ge [sflag:s4], $0x0  }
0x19: {  	s7 =	sld [smem:$0x3F9B]  }
0x1a: {  	s8 =	sadd.s32 $0xFFFFE003, lr  }
0x1b: {  	s9 =	sadd.s32 $0xFFFFFEF7, lr;
	s5 =	simm.s32 $0xFFFFFFFF;
	p2 =	slt.u32 s8, $0xFFFFF086  }
0x1c: {  	p1 =	slt.u32 s9, $0xF7A;
	s5 =	simm.s32 @!p2 $0x0  }
0x1d: {  	s5 =	simm.s32 @p1 $0x1;
	p0 =	seq.s32 s7, s2  }
0x1e: {  	s7 =	smul.u32 @!p0 $0xF7A, s2;
	p2 =	seq.s32 @!p0 s5, $0x0  }
0x1f: {  	s9 =	smul.u32 $0xF7A, s1;
	s8 =	simm.s32 @!p0 $0x1BF5;
	p2 =	por !p2, p0  }
0x20: {  	[sflag:s8] =	ssyncset.s32 @!p0 $0xFFFFF086;
	s6 =	sadd.s32 @!p0 s3, s7;
	s7 =	simm.s32 @!p0 $0x108  }
0x21: {  	s3 =	sadd.s32 s3, s9;
	s6 =	sadd.s32 @!p0 $0x88, s6;
	s7 =	simm.s32 @p2 $0x1082  }
0x22: {  	[simem:s7], [sflag:s8] =	dma.local @!p0 [hbm:s6], $0xF7A  }
0x23: {  	s9 =	sor.u32 $0xD0000000, s2;
	s6 =	simm.s32 $0x108;
	_ =	swait.ge @!p0 [sflag:s8], $0x0  }
0x24: {  	s3 =	sadd.s32 $0x88, s3;
	s6 =	simm.s32 @!p1 $0x1082;
	[sflag:s4] =	ssyncset.s32 $0xFFFFF086  }
0x25: {  	[simem:s6], [sflag:s4] =	dma.local [hbm:s3], $0xF7A  }
0x26: {  	[smem:$0x3F9B] =	sst s1;
	(tag) =	ssettag s2;
	_ =	strace s9  }
0x27: {  	s1 =	sld [smem:$0x3FAB]  }
0x28: {  	s2 =	sld [smem:$0x3FAC]  }
0x29: {  	s4 =	sld [smem:$0x3FAE]  }
0x2a: {  	p0 =	seq.s32 s5, $0x0;
	s5 =	sld [smem:$0x3FAF]  }
0x2b: {  	s6 =	sld [smem:$0x3FB0]  }
0x2c: {  	s7 =	sld [smem:$0x3FB1]  }
0x2d: {  	s3 =	simm.s32 $0x108;
	s8 =	sld [smem:$0x3FB2]  }
0x2e: {  	s3 =	simm.s32 @!p0 $0x1082;
	s9 =	sld [smem:$0x3FB3]  }
0x2f: {  	lr =	sadd.s32 s0, s3;
	s0 =	sld [smem:$0x3FAA]  }
0x30: {  	s3 =	sld [smem:$0x3FAD]  }
0x31: {  	[smem:$0x3FB6] =	sst s10  }
0x32: {  	s10 =	sld [smem:$0x3FB4];
	_ =	sdelay $0x3  }
0x33: {  	p0 =	seq.s32 s10, $0x1;
	s10 =	sld [smem:$0x3FB6];
	_ =	sdelay $0x3  }
0x34: {  	[smem:$0x3FB6] =	sst s10  }
0x35: {  	s10 =	sld [smem:$0x3FB5];
	_ =	sdelay $0x3  }
0x36: {  	p1 =	seq.s32 s10, $0x1;
	s10 =	sld [smem:$0x3FB6];
	_ =	sdelay $0x3  }
0x37: {  	[smem:$0x3FB6] =	sst s10  }
0x38: {  	s10 =	sld [smem:$0x3FB7]  }
0x39: {  	_ = 	snop;
	(pc) =	sbr.ind lr, $3  }
0x3a: {  	_ = 	snop  }
0x3b: {  	_ = 	snop  }
0x3c: {  	p2 =	seq.s32 s10, $0x1;
	s10 =	sld [smem:$0x3FB6]  }
0x3d: {  	_ =	shalt  }
0x3e: {  	_ =	shalt  }
0x3f: {  	_ =	shalt  }
0x40: {  	_ =	shalt  }
0x41: {  	_ =	shalt  }
0x42: {  	_ =	shalt  }
0x43: {  	_ =	shalt  }
0x44: {  	_ =	shalt  }
0x45: {  	_ =	shalt  }
0x46: {  	_ =	shalt  }
0x47: {  	_ =	shalt  }
0x48: {  	_ =	shalt  }
0x49: {  	_ =	shalt  }
0x4a: {  	_ =	shalt  }
0x4b: {  	_ =	shalt  }
0x4c: {  	_ =	shalt  }
0x4d: {  	_ =	shalt  }
0x4e: {  	_ =	shalt  }
0x4f: {  	_ =	shalt  }
0x50: {  	_ =	shalt  }
0x51: {  	_ =	shalt  }
0x52: {  	_ =	shalt  }
0x53: {  	_ =	shalt  }
0x54: {  	_ =	shalt  }
0x55: {  	_ =	shalt  }
0x56: {  	_ =	shalt  }
0x57: {  	_ =	shalt  }
0x58: {  	_ =	shalt  }
0x59: {  	_ =	shalt  }
0x5a: {  	_ =	shalt  }
0x5b: {  	_ =	shalt  }
0x5c: {  	_ =	shalt  }
0x5d: {  	_ =	shalt  }
0x5e: {  	_ =	shalt  }
0x5f: {  	_ =	shalt  }
0x60: {  	_ =	shalt  }
0x61: {  	_ =	shalt  }
0x62: {  	_ =	shalt  }
0x63: {  	_ =	shalt  }
0x64: {  	_ =	shalt  }
0x65: {  	_ =	shalt  }
0x66: {  	_ =	shalt  }
0x67: {  	_ =	shalt  }
0x68: {  	_ =	shalt  }
0x69: {  	_ =	shalt  }
0x6a: {  	_ =	shalt  }
0x6b: {  	_ =	shalt  }
0x6c: {  	_ =	shalt  }
0x6d: {  	_ =	shalt  }
0x6e: {  	_ =	shalt  }
0x6f: {  	_ =	shalt  }
0x70: {  	_ =	shalt  }
0x71: {  	_ =	shalt  }
0x72: {  	_ =	shalt  }
0x73: {  	_ =	shalt  }
0x74: {  	_ =	shalt  }
0x75: {  	_ =	shalt  }
0x76: {  	_ =	shalt  }
0x77: {  	_ =	shalt  }
0x78: {  	_ =	shalt  }
0x79: {  	_ =	shalt  }
0x7a: {  	_ =	shalt  }
0x7b: {  	_ =	shalt  }
0x7c: {  	_ =	shalt  }
0x7d: {  	_ =	shalt  }
0x7e: {  	_ =	shalt  }
0x7f: {  	_ =	shalt  }
0x80: {  	_ =	shalt  }
0x81: {  	_ =	shalt  }
0x82: {  	_ =	shalt  }
0x83: {  	_ =	shalt  }
0x84: {  	_ =	shalt  }
0x85: {  	_ =	shalt  }
0x86: {  	_ =	shalt  }
0x87: {  	_ =	shalt  }
.Lfunc_end0:
.L_simem_size_0:
called_computation.1_lowered:
.L_overlay_start_0:
0x88: {  	s2 =	sld [smem:$0x3FD9]  }
0x89: {  	s3 =	sld [smem:$0x3FFE];
	_ =	sdelay $0x1  }
0x8a: {  	s1 =	srdreg.scid  }
0x8b: {  	s0 =	sand.u32 $0x1, s1  }
0x8c: {  	s17 =	sshll.u32 s0, $0xA;
	s2 =	sadd.s32 s3, s2  }
0x8d: {  	s2 =	sadd.s32 s2, s17  }
0x8e: {  	[smem:$0x3FC2] =	sst s2  }
0x8f: {  	_ = 	snop  }
0x90: {  	s2 =	sld [smem:$0x3FD0];
	(tm) =	ssettm $0x1  }
0x91: {  	s18 =	sld [smem:$0x3FFB];
	_ =	sdelay $0x3  }
0x92: {  	_ =	strace s18  }
0x93: {  	s3 =	sld [smem:$0x3FFC];
	_ =	sdelay $0x3  }
0x94: {  	_ =	strace s3  }
0x95: {  	s3 =	sld [smem:$0x3FFD];
	_ =	sdelay $0x3  }
0x96: {  	_ =	strace s3  }
0x97: {  	_ =	strace $0x8FFFFFFF  }
0x98: {  	s19 =	sld [smem:$0x3FDB];
	_ =	sdelay $0x1  }
0x99: {  	s4 =	simm.s32 $_scs_section_size  }
0x9a: {  	s5 =	simm.s32 $_size__tile_overlayer_lowered;
	s6 =	simm.s32 $_tile_overlayer_lowered  }
0x9b: {  	s22 =	simm.s32 $0x1BFF;
	s21 =	sshll.u32 s6, $0x1;
	s3 =	sadd.s32 s4, s19  }
0x9c: {  	s7 =	simm.s32 $0x0;
	s20 =	sshll.u32 s5, $0x1;
	s5 =	sadd.s32 s21, s3  }
0x9d: {  	[timem:s7], [sflag:s22] =	dma.local [hbm:s5], s20  }
0x9e: {  	_ =	swait.ge [sflag:s22], s20  }
0x9f: {  	s4 =	ssub.s32 $0x0, s20;
	[sflag:s22] =	ssyncset.done $0x0  }
0xa0: {  	[sflag:s22] =	ssyncadd.s32 s4;
	_ =	sdelay $0x1  }
0xa1: {  	s23 =	simm.s32 $0x1B8B  }
0xa2: {  	_ =	swait.ge [sflag:s23], $0x1  }
0xa3: {  	[sflag:s23] =	ssyncset.done $0x0  }
0xa4: {  	s25 =	simm.s32 $0x1B8E;
	s24 =	sld [smem:$0x3FFE];
	[sflag:s23] =	ssyncadd.s32 $0xFFFFFFFF  }
0xa5: {  	s26 =	simm.s32 $execute0_lowered;
	[smem:$0x3FD2] =	sst s25  }
0xa6: {  	s5 =	sshll.u32 s26, $0x1;
	_ =	strace $0x80000049;
	[dreg:$0x1] =	wrdreg $0xFFFFFFFF  }
0xa7: {  	s28 =	simm.s32 $_size_execute0_lowered;
	s3 =	sadd.s32 s3, s5;
	[dreg:$0x0] =	wrdreg $0x0  }
0xa8: {  	s5 =	sshll.u32 s28, $0x1;
	[dreg:$0x2] =	wrdreg s3  }
0xa9: {  	[dreg:$0x3] =	wrdreg s5  }
0xaa: {  	[dreg:$0x4] =	wrdreg $0xC0  }
0xab: {  	_ =	task [dreg:s7], $0x5FFFF  }
0xac: {  	[dreg:$0x1] =	wrdreg $0xFFFFFFFF  }
0xad: {  	[dreg:$0x0] =	wrdreg $0x60  }
0xae: {  	[dreg:$0x2] =	wrdreg s24  }
0xaf: {  	[dreg:$0x3] =	wrdreg s2  }
0xb0: {  	[dreg:$0x4] =	wrdreg $0xA8000  }
0xb1: {  	[dreg:$0x5] =	wrdreg $0x9  }
0xb2: {  	_ =	task.clear_ibuf [dreg:s7], $0x6FFFF;
	_ =	strace $0x90000049  }
0xb3: {  	s29 =	simm.s32 $0x9;
	_ =	strace $0x8000004B  }
0xb4: {  	_ =	swait.ge [sflag:s29], $0x1  }
0xb5: {  	[sflag:s29] =	ssyncadd.s32 $0xFFFFFFFF  }
0xb6: {  	_ =	strace $0x9000004B  }
0xb7: {  	_ =	sfence  }
0xb8: {  	s30 =	sld [smem:$0x0];
	_ =	sdelay $0x2  }
0xb9: {  	s31 =	sshll.u32 s1, $0xD;
	s1 =	sshrl.u32 s1, $0x2  }
0xba: {  	s3 =	sand.u32 $0x4000, s31;
	s1 =	sadd.s32 s1, s30  }
0xbb: {  	s0 =	sor.u32 s3, s0;
	s1 =	sshll.u32 s1, $0x11  }
0xbc: {  	s0 =	sor.u32 s1, s0  }
0xbd: {  	s0 =	sadd.s32 $0x8F2B, s0  }
0xbe: {  	[sflag:s0] =	ssyncadd.remote.s32 $0x1  }
0xbf: {  	_ =	sfence.sel $0xFFFF  }
0xc0: {  	[dreg:$0x0] =	wrdreg $0xFFFFFFFF;
	(pc) =	sbr.abs _section_cstart, $3  }
0xc1: {  	[dreg:$0x1] =	wrdreg $0xFFFFFFFF  }
0xc2: {  	_ =	task.clear_ibuf [dreg:s7], $0x2FFFF;
	_ =	strace $0x9FFFFFFF  }
0xc3: {  	(tm) =	ssettm $0x7FFFFFFF  }
tec
execute0_lowered:
.L_overlay_start_1:
0x0: {  	(tag) =	ssettag $0x1  }
0x1: {  	s14 =	rddreg [dreg:$0x0]  }
0x2: {  	s12 =	rddreg [dreg:$0x1]  }
0x3: {  	s1 =	rddreg [dreg:$0x2]  }
0x4: {  	s0 =	rddreg [dreg:$0x3];
	s3 =	simm.s32 $0x0;
	s4 =	srdreg.scid  }
0x5: {  	s2 =	stileid.u32;
	s18 =	simm.s32 $0x90000;
	s19 =	simm.s32 $0x80  }
0x6: {  	s20 =	simm.s32 $0x6800;
	s21 =	simm.s32 $0x1;
	s22 =	simm.s32 $0x2  }
0x7: {  	s23 =	simm.s32 $0x1380;
	s24 =	simm.s32 $0x2700;
	s25 =	simm.s32 $0x2780  }
0x8: {  	[smem:$0x7FF] =	sst s3;
	s13 =	sand.u32 $0x1, s4;
	s6 =	smul.u32 $0x50000, s2  }
0x9: {  	s4 =	sadd.s32 $0x40000, s14;
	s15 =	sadd.s32 $0xE000, s14;
	s30 =	smul.u32 $0x2800, s2  }
0xa: {  	_ =	strace $0x8000004A;
	s5 =	sshll.u32 s13, $0x4;
	s7 =	ssub.s32 $0x2, s13  }
0xb: {  	p0 =	seq.s32 s13, $0x1;
	s5 =	sor.u32 s2, s5;
	s8 =	sshrl.u32 s7, $0x1  }
0xc: {  	s6 =	sshrl.u32 s6, $0x2;
	s18 =	simm.s32 @!p0 $0x68000;
	s9 =	smul.u32 $0x2800, s5  }
0xd: {  	s16 =	ssub.s32 s7, s8;
	s5 =	sadd.s32 s6, s1;
	s31 =	sadd.s32 s18, s14  }
0xe: {  	s18 =	simm.s32 $0x1400;
	s6 =	sadd.s32 $0x4000, s5;
	s7 =	sadd.s32 $0x8000, s5  }
0xf: {  	s8 =	sadd.s32 $0xC000, s5;
	s14 =	smax.u32 s16, $0x1;
	s17 =	sshrl.u32 s9, $0x3  }
0x10: {  	s16 =	simm.s32 $0x2800;
	s9 =	sadd.s32 $0x10000, s5;
	s10 =	sadd.s32 s12, s17  }
0x11: {  	s11 =	sadd.s32 s15, s17;
	s29 =	sadd.s32 $0x280, s17;
	s17 =	simm.s32 $0x3  }
0x12: {  	v0 =	vimm.f32 $0.0e+00;
	s12 =	sadd.s32 s12, s29;
	s13 =	sadd.s32 s15, s29;
	s15 =	sadd.s32 s31, s30  }
.LBB2_1:
0x13: {  	s26 =	simm.s32 $0x0;
	s28 =	simm.s32 $0x200  }
.LBB2_2:
0x14: {  	p0 =	sne.s32 s28, $0xFE00;
	[tilespmem:s26+$0x2870] =	vst v0  }
0x15: {  	[tilespmem:s26+$0x2800] =	vst v0  }
0x16: {  	[tilespmem:s26+$0x2810] =	vst v0  }
.Ltmp0:
0x17: {  	[tilespmem:s26+$0x2820] =	vst v0;
	(pc) =	sbr.rel @p0 .LBB2_2-.Ltmp0, $4  }
0x18: {  	[tilespmem:s26+$0x2830] =	vst v0  }
0x19: {  	[tilespmem:s26+$0x2840] =	vst v0  }
0x1a: {  	[tilespmem:s26+$0x2850] =	vst v0  }
0x1b: {  	[tilespmem:s26+$0x2860] =	vst v0;
	s26 =	sshra.s32 s28, $0x2;
	s28 =	sadd.s32 $0x200, s28  }
0x1c: {  	[tilespmem:s26+$0x2870] =	vst v0  }
0x1d: {  	[tilespmem:s26+$0x2800] =	vst v0  }
0x1e: {  	[tilespmem:s26+$0x2810] =	vst v0  }
0x1f: {  	[tilespmem:s26+$0x2820] =	vst v0  }
0x20: {  	[tilespmem:s26+$0x2830] =	vst v0  }
0x21: {  	[tilespmem:s26+$0x2840] =	vst v0  }
0x22: {  	[tilespmem:s26+$0x2850] =	vst v0  }
0x23: {  	[tilespmem:s26+$0x2860] =	vst v0  }
0x24: {  	[spmem:s5] =	stream.linear.scatter [tilespmem:s16], [sflag:$0x3], $0x4000, $0x38;
	[tilespmem:$0x1E800] =	vst v63  }
0x25: {  	_ =	swait.ge [sflag:s17], $0x4000  }
0x26: {  	[sflag:s17] =	ssyncset.done $0x0  }
0x27: {  	[sflag:s17] =	ssyncadd.s32 $0xFFFFC000  }
0x28: {  	[spmem:s6] =	stream.linear.scatter [tilespmem:s16], [sflag:$0x3], $0x4000, $0x38;
	[tilespmem:$0x1E800] =	vst v63  }
0x29: {  	_ =	swait.ge [sflag:s17], $0x4000  }
0x2a: {  	[sflag:s17] =	ssyncset.done $0x0  }
0x2b: {  	[sflag:s17] =	ssyncadd.s32 $0xFFFFC000  }
0x2c: {  	[spmem:s7] =	stream.linear.scatter [tilespmem:s16], [sflag:$0x3], $0x4000, $0x38;
	[tilespmem:$0x1E800] =	vst v63  }
0x2d: {  	_ =	swait.ge [sflag:s17], $0x4000  }
0x2e: {  	[sflag:s17] =	ssyncset.done $0x0  }
0x2f: {  	[sflag:s17] =	ssyncadd.s32 $0xFFFFC000  }
0x30: {  	[spmem:s8] =	stream.linear.scatter [tilespmem:s16], [sflag:$0x3], $0x4000, $0x38;
	[tilespmem:$0x1E800] =	vst v63  }
0x31: {  	_ =	swait.ge [sflag:s17], $0x4000  }
0x32: {  	[sflag:s17] =	ssyncset.done $0x0  }
0x33: {  	[sflag:s17] =	ssyncadd.s32 $0xFFFFC000  }
0x34: {  	[spmem:s9] =	stream.linear.scatter [tilespmem:s16], [sflag:$0x3], $0x4000, $0x38;
	[tilespmem:$0x1E800] =	vst v63  }
0x35: {  	_ =	swait.ge [sflag:s17], $0x4000  }
0x36: {  	[sflag:s17] =	ssyncset.done $0x0  }
0x37: {  	[sflag:s17] =	ssyncadd.s32 $0xFFFFC000  }
0x38: {  	s30 =	simm.s32 $0x0;
	[bflag:$0x0] =	sbarrier.arrive $0xFFFF  }
0x39: {  	[tilespmem:s30], [sflag:$0x3] =	stream.linear.gather [hbm4b:s10+s30], $0x1400, $0x38;
	[tilespmem:$0x1E800] =	vst v63  }
0x3a: {  	_ =	swait.ge [sflag:s17], $0x1400  }
0x3b: {  	[sflag:s17] =	ssyncset.done $0x0  }
0x3c: {  	[sflag:s17] =	ssyncadd.s32 $0xFFFFEC00  }
0x3d: {  	[tilespmem:s18], [sflag:$0x3] =	stream.linear.gather [hbm4b:s11+s30], $0x1400, $0x38;
	[tilespmem:$0x1E800] =	vst v63  }
0x3e: {  	_ =	swait.ge [sflag:s17], $0x1400  }
0x3f: {  	[sflag:s17] =	ssyncset.done $0x0  }
0x40: {  	[sflag:s17] =	ssyncadd.s32 $0xFFFFEC00  }
0x41: {  	[tilespmem:s16], [sflag:$0x1] =	stream.indirect.gather [hbm4b:s4+s19], $0x80, s30, s19, $0xb8;
	[tilespmem:$0x1E800] =	vst v63  }
0x42: {  	s31 =	simm.s32 $0x80  }
0x43: {  	[tilespmem:s20], [sflag:$0x2] =	stream.indirect.gather [hbm4b:s4+s19], $0x80, s31, s19, $0xb8;
	[tilespmem:$0x1E800] =	vst v63  }
0x44: {  	_ =	swait.ge [sflag:s21], $0x4000  }
0x45: {  	[sflag:s21] =	ssyncset.done $0x0  }
0x46: {  	s29 =	simm.s32 $0x1400;
	[sflag:s21] =	ssyncadd.s32 $0xFFFFC000  }
0x47: {  	[spmem:s1] =	stream.indirect.scatter.add.f32 [tilespmem:s16], [sflag:$0x3], $0x80, s29, s19, $0xb8;
	[tilespmem:$0x1E800] =	vst v63  }
0x48: {  	_ =	swait.ge [sflag:s17], $0x4000  }
0x49: {  	[sflag:s17] =	ssyncset.done $0x0  }
0x4a: {  	s30 =	simm.s32 $0x100;
	[sflag:s17] =	ssyncadd.s32 $0xFFFFC000  }
0x4b: {  	[tilespmem:s16], [sflag:$0x1] =	stream.indirect.gather [hbm4b:s4+s19], $0x80, s30, s19, $0xb8;
	[tilespmem:$0x1E800] =	vst v63  }
0x4c: {  	_ =	swait.ge [sflag:s22], $0x4000  }
0x4d: {  	[sflag:s22] =	ssyncset.done $0x0  }
0x4e: {  	s31 =	simm.s32 $0x1480;
	[sflag:s22] =	ssyncadd.s32 $0xFFFFC000  }
0x4f: {  	[spmem:s1] =	stream.indirect.scatter.add.f32 [tilespmem:s20], [sflag:$0x3], $0x80, s31, s19, $0xb8;
	[tilespmem:$0x1E800] =	vst v63  }
0x50: {  	_ =	swait.ge [sflag:s17], $0x4000  }
0x51: {  	s28 =	simm.s32 $0x800;
	s26 =	simm.s32 $0x100;
	[sflag:s17] =	ssyncset.done $0x0  }
.LBB2_4:
0x52: {  	s29 =	sadd.s32 $0x80, s26  }
0x53: {  	[sflag:s17] =	ssyncadd.s32 $0xFFFFC000;
	s30 =	smov.u32 s28;
	s31 =	sadd.s32 $0x400, s28  }
0x54: {  	[tilespmem:s20], [sflag:$0x2] =	stream.indirect.gather [hbm4b:s4+s19], $0x80, s29, s19, $0xb8;
	[tilespmem:$0x1E800] =	vst v63  }
0x55: {  	p0 =	sne.s32 s28, $0x4800;
	_ =	swait.ge [sflag:s21], $0x4000  }
0x56: {  	[sflag:s21] =	ssyncset.done $0x0  }
0x57: {  	s28 =	sadd.s32 $0x1400, s26;
	[sflag:s21] =	ssyncadd.s32 $0xFFFFC000  }
0x58: {  	[spmem:s1] =	stream.indirect.scatter.add.f32 [tilespmem:s16], [sflag:$0x3], $0x80, s28, s19, $0xb8;
	[tilespmem:$0x1E800] =	vst v63  }
0x59: {  	_ =	swait.ge [sflag:s17], $0x4000  }
0x5a: {  	[sflag:s17] =	ssyncset.done $0x0  }
0x5b: {  	s28 =	sadd.s32 $0x100, s26;
	[sflag:s17] =	ssyncadd.s32 $0xFFFFC000  }
0x5c: {  	[tilespmem:s16], [sflag:$0x1] =	stream.indirect.gather [hbm4b:s4+s19], $0x80, s28, s19, $0xb8;
	[tilespmem:$0x1E800] =	vst v63  }
0x5d: {  	_ =	swait.ge [sflag:s22], $0x4000  }
.Ltmp1:
0x5e: {  	[sflag:s22] =	ssyncset.done $0x0;
	(pc) =	sbr.rel @p0 .LBB2_4-.Ltmp1, $4  }
0x5f: {  	s26 =	sadd.s32 $0x1480, s26;
	[sflag:s22] =	ssyncadd.s32 $0xFFFFC000  }
0x60: {  	[spmem:s1] =	stream.indirect.scatter.add.f32 [tilespmem:s20], [sflag:$0x3], $0x80, s26, s19, $0xb8;
	[tilespmem:$0x1E800] =	vst v63  }
0x61: {  	_ =	swait.ge [sflag:s17], $0x4000  }
0x62: {  	s28 =	smov.u32 s31;
	s26 =	sshra.s32 s30, $0x2;
	[sflag:s17] =	ssyncset.done $0x0  }
0x63: {  	s28 =	sadd.s32 $0x80, s26;
	[sflag:s17] =	ssyncadd.s32 $0xFFFFC000  }
0x64: {  	[tilespmem:s20], [sflag:$0x2] =	stream.indirect.gather [hbm4b:s4+s19], $0x80, s28, s19, $0xb8;
	[tilespmem:$0x1E800] =	vst v63  }
0x65: {  	_ =	swait.ge [sflag:s21], $0x4000  }
0x66: {  	[sflag:s21] =	ssyncset.done $0x0  }
0x67: {  	s28 =	sadd.s32 $0x1400, s26;
	[sflag:s21] =	ssyncadd.s32 $0xFFFFC000  }
0x68: {  	[spmem:s1] =	stream.indirect.scatter.add.f32 [tilespmem:s16], [sflag:$0x3], $0x80, s28, s19, $0xb8;
	[tilespmem:$0x1E800] =	vst v63  }
0x69: {  	_ =	swait.ge [sflag:s17], $0x4000  }
0x6a: {  	[sflag:s17] =	ssyncset.done $0x0  }
0x6b: {  	s28 =	sadd.s32 $0x100, s26;
	[sflag:s17] =	ssyncadd.s32 $0xFFFFC000  }
0x6c: {  	[tilespmem:s16], [sflag:$0x1] =	stream.indirect.gather [hbm4b:s4+s19], $0x80, s28, s19, $0xb8;
	[tilespmem:$0x1E800] =	vst v63  }
0x6d: {  	_ =	swait.ge [sflag:s22], $0x4000  }
0x6e: {  	[sflag:s22] =	ssyncset.done $0x0  }
0x6f: {  	s29 =	sadd.s32 $0x1480, s26;
	[sflag:s22] =	ssyncadd.s32 $0xFFFFC000  }
0x70: {  	[spmem:s1] =	stream.indirect.scatter.add.f32 [tilespmem:s20], [sflag:$0x3], $0x80, s29, s19, $0xb8;
	[tilespmem:$0x1E800] =	vst v63  }
0x71: {  	_ =	swait.ge [sflag:s17], $0x4000  }
0x72: {  	[sflag:s17] =	ssyncset.done $0x0  }
0x73: {  	[sflag:s17] =	ssyncadd.s32 $0xFFFFC000  }
0x74: {  	[tilespmem:s20], [sflag:$0x2] =	stream.indirect.gather [hbm4b:s4+s19], $0x80, s23, s19, $0xb8;
	[tilespmem:$0x1E800] =	vst v63  }
0x75: {  	_ =	swait.ge [sflag:s21], $0x4000  }
0x76: {  	[sflag:s21] =	ssyncset.done $0x0  }
0x77: {  	[sflag:s21] =	ssyncadd.s32 $0xFFFFC000  }
0x78: {  	[spmem:s1] =	stream.indirect.scatter.add.f32 [tilespmem:s16], [sflag:$0x3], $0x80, s24, s19, $0xb8;
	[tilespmem:$0x1E800] =	vst v63  }
0x79: {  	_ =	swait.ge [sflag:s17], $0x4000  }
0x7a: {  	[sflag:s17] =	ssyncset.done $0x0  }
0x7b: {  	[sflag:s17] =	ssyncadd.s32 $0xFFFFC000  }
0x7c: {  	_ =	swait.ge [sflag:s22], $0x4000  }
0x7d: {  	[sflag:s22] =	ssyncset.done $0x0  }
0x7e: {  	[sflag:s22] =	ssyncadd.s32 $0xFFFFC000  }
0x7f: {  	[spmem:s1] =	stream.indirect.scatter.add.f32 [tilespmem:s20], [sflag:$0x3], $0x80, s25, s19, $0xb8;
	[tilespmem:$0x1E800] =	vst v63  }
0x80: {  	_ =	swait.ge [sflag:s17], $0x4000  }
0x81: {  	[sflag:s17] =	ssyncset.done $0x0  }
0x82: {  	s30 =	simm.s32 $0x0;
	[sflag:s17] =	ssyncadd.s32 $0xFFFFC000  }
0x83: {  	[tilespmem:s30], [sflag:$0x3] =	stream.linear.gather [hbm4b:s12+s30], $0x1400, $0x38;
	[tilespmem:$0x1E800] =	vst v63  }
0x84: {  	_ =	swait.ge [sflag:s17], $0x1400  }
0x85: {  	[sflag:s17] =	ssyncset.done $0x0  }
0x86: {  	[sflag:s17] =	ssyncadd.s32 $0xFFFFEC00  }
0x87: {  	[tilespmem:s18], [sflag:$0x3] =	stream.linear.gather [hbm4b:s13+s30], $0x1400, $0x38;
	[tilespmem:$0x1E800] =	vst v63  }
0x88: {  	_ =	swait.ge [sflag:s17], $0x1400  }
0x89: {  	[sflag:s17] =	ssyncset.done $0x0  }
0x8a: {  	[sflag:s17] =	ssyncadd.s32 $0xFFFFEC00  }
0x8b: {  	[tilespmem:s16], [sflag:$0x1] =	stream.indirect.gather [hbm4b:s4+s19], $0x80, s30, s19, $0xb8;
	[tilespmem:$0x1E800] =	vst v63  }
0x8c: {  	s31 =	simm.s32 $0x80  }
0x8d: {  	[tilespmem:s20], [sflag:$0x2] =	stream.indirect.gather [hbm4b:s4+s19], $0x80, s31, s19, $0xb8;
	[tilespmem:$0x1E800] =	vst v63  }
0x8e: {  	_ =	swait.ge [sflag:s21], $0x4000  }
0x8f: {  	[sflag:s21] =	ssyncset.done $0x0  }
0x90: {  	s29 =	simm.s32 $0x1400;
	[sflag:s21] =	ssyncadd.s32 $0xFFFFC000  }
0x91: {  	[spmem:s1] =	stream.indirect.scatter.add.f32 [tilespmem:s16], [sflag:$0x3], $0x80, s29, s19, $0xb8;
	[tilespmem:$0x1E800] =	vst v63  }
0x92: {  	_ =	swait.ge [sflag:s17], $0x4000  }
0x93: {  	[sflag:s17] =	ssyncset.done $0x0  }
0x94: {  	s30 =	simm.s32 $0x100;
	[sflag:s17] =	ssyncadd.s32 $0xFFFFC000  }
0x95: {  	[tilespmem:s16], [sflag:$0x1] =	stream.indirect.gather [hbm4b:s4+s19], $0x80, s30, s19, $0xb8;
	[tilespmem:$0x1E800] =	vst v63  }
0x96: {  	_ =	swait.ge [sflag:s22], $0x4000  }
0x97: {  	[sflag:s22] =	ssyncset.done $0x0  }
0x98: {  	s31 =	simm.s32 $0x1480;
	[sflag:s22] =	ssyncadd.s32 $0xFFFFC000  }
0x99: {  	[spmem:s1] =	stream.indirect.scatter.add.f32 [tilespmem:s20], [sflag:$0x3], $0x80, s31, s19, $0xb8;
	[tilespmem:$0x1E800] =	vst v63  }
0x9a: {  	_ =	swait.ge [sflag:s17], $0x4000  }
0x9b: {  	s26 =	simm.s32 $0x100;
	s28 =	simm.s32 $0x800;
	[sflag:s17] =	ssyncset.done $0x0  }
.LBB2_6:
0x9c: {  	s29 =	sadd.s32 $0x80, s26  }
0x9d: {  	[sflag:s17] =	ssyncadd.s32 $0xFFFFC000;
	s30 =	smov.u32 s28;
	s31 =	sadd.s32 $0x400, s28  }
0x9e: {  	[tilespmem:s20], [sflag:$0x2] =	stream.indirect.gather [hbm4b:s4+s19], $0x80, s29, s19, $0xb8;
	[tilespmem:$0x1E800] =	vst v63  }
0x9f: {  	p0 =	sne.s32 s28, $0x4800;
	_ =	swait.ge [sflag:s21], $0x4000  }
0xa0: {  	[sflag:s21] =	ssyncset.done $0x0  }
0xa1: {  	s28 =	sadd.s32 $0x1400, s26;
	[sflag:s21] =	ssyncadd.s32 $0xFFFFC000  }
0xa2: {  	[spmem:s1] =	stream.indirect.scatter.add.f32 [tilespmem:s16], [sflag:$0x3], $0x80, s28, s19, $0xb8;
	[tilespmem:$0x1E800] =	vst v63  }
0xa3: {  	_ =	swait.ge [sflag:s17], $0x4000  }
0xa4: {  	[sflag:s17] =	ssyncset.done $0x0  }
0xa5: {  	s28 =	sadd.s32 $0x100, s26;
	[sflag:s17] =	ssyncadd.s32 $0xFFFFC000  }
0xa6: {  	[tilespmem:s16], [sflag:$0x1] =	stream.indirect.gather [hbm4b:s4+s19], $0x80, s28, s19, $0xb8;
	[tilespmem:$0x1E800] =	vst v63  }
0xa7: {  	_ =	swait.ge [sflag:s22], $0x4000  }
.Ltmp2:
0xa8: {  	[sflag:s22] =	ssyncset.done $0x0;
	(pc) =	sbr.rel @p0 .LBB2_6-.Ltmp2, $4  }
0xa9: {  	s26 =	sadd.s32 $0x1480, s26;
	[sflag:s22] =	ssyncadd.s32 $0xFFFFC000  }
0xaa: {  	[spmem:s1] =	stream.indirect.scatter.add.f32 [tilespmem:s20], [sflag:$0x3], $0x80, s26, s19, $0xb8;
	[tilespmem:$0x1E800] =	vst v63  }
0xab: {  	_ =	swait.ge [sflag:s17], $0x4000  }
0xac: {  	s28 =	smov.u32 s31;
	s26 =	sshra.s32 s30, $0x2;
	[sflag:s17] =	ssyncset.done $0x0  }
0xad: {  	s28 =	sadd.s32 $0x80, s26;
	[sflag:s17] =	ssyncadd.s32 $0xFFFFC000  }
0xae: {  	[tilespmem:s20], [sflag:$0x2] =	stream.indirect.gather [hbm4b:s4+s19], $0x80, s28, s19, $0xb8;
	[tilespmem:$0x1E800] =	vst v63  }
0xaf: {  	_ =	swait.ge [sflag:s21], $0x4000  }
0xb0: {  	[sflag:s21] =	ssyncset.done $0x0  }
0xb1: {  	s30 =	sadd.s32 $0x1400, s26;
	[sflag:s21] =	ssyncadd.s32 $0xFFFFC000  }
0xb2: {  	[spmem:s1] =	stream.indirect.scatter.add.f32 [tilespmem:s16], [sflag:$0x3], $0x80, s30, s19, $0xb8;
	[tilespmem:$0x1E800] =	vst v63  }
0xb3: {  	_ =	swait.ge [sflag:s17], $0x4000  }
0xb4: {  	[sflag:s17] =	ssyncset.done $0x0  }
0xb5: {  	s31 =	sadd.s32 $0x100, s26;
	[sflag:s17] =	ssyncadd.s32 $0xFFFFC000  }
0xb6: {  	[tilespmem:s16], [sflag:$0x1] =	stream.indirect.gather [hbm4b:s4+s19], $0x80, s31, s19, $0xb8;
	[tilespmem:$0x1E800] =	vst v63  }
0xb7: {  	_ =	swait.ge [sflag:s22], $0x4000  }
0xb8: {  	[sflag:s22] =	ssyncset.done $0x0  }
0xb9: {  	s29 =	sadd.s32 $0x1480, s26;
	[sflag:s22] =	ssyncadd.s32 $0xFFFFC000  }
0xba: {  	[spmem:s1] =	stream.indirect.scatter.add.f32 [tilespmem:s20], [sflag:$0x3], $0x80, s29, s19, $0xb8;
	[tilespmem:$0x1E800] =	vst v63  }
0xbb: {  	_ =	swait.ge [sflag:s17], $0x4000  }
0xbc: {  	[sflag:s17] =	ssyncset.done $0x0  }
0xbd: {  	[sflag:s17] =	ssyncadd.s32 $0xFFFFC000  }
0xbe: {  	[tilespmem:s20], [sflag:$0x2] =	stream.indirect.gather [hbm4b:s4+s19], $0x80, s23, s19, $0xb8;
	[tilespmem:$0x1E800] =	vst v63  }
0xbf: {  	_ =	swait.ge [sflag:s21], $0x4000  }
0xc0: {  	[sflag:s21] =	ssyncset.done $0x0  }
0xc1: {  	[sflag:s21] =	ssyncadd.s32 $0xFFFFC000  }
0xc2: {  	[spmem:s1] =	stream.indirect.scatter.add.f32 [tilespmem:s16], [sflag:$0x3], $0x80, s24, s19, $0xb8;
	[tilespmem:$0x1E800] =	vst v63  }
0xc3: {  	_ =	swait.ge [sflag:s17], $0x4000  }
0xc4: {  	[sflag:s17] =	ssyncset.done $0x0  }
0xc5: {  	[sflag:s17] =	ssyncadd.s32 $0xFFFFC000  }
0xc6: {  	_ =	swait.ge [sflag:s22], $0x4000  }
0xc7: {  	[sflag:s22] =	ssyncset.done $0x0  }
0xc8: {  	[sflag:s22] =	ssyncadd.s32 $0xFFFFC000  }
0xc9: {  	[spmem:s1] =	stream.indirect.scatter.add.f32 [tilespmem:s20], [sflag:$0x3], $0x80, s25, s19, $0xb8;
	[tilespmem:$0x1E800] =	vst v63  }
0xca: {  	_ =	swait.ge [sflag:s17], $0x4000  }
0xcb: {  	s3 =	sadd.s32 $0x1, s3;
	s30 =	sshll.u32 s2, $0x6;
	[sflag:s17] =	ssyncset.done $0x0  }
0xcc: {  	p0 =	sne.s32 s3, s14;
	s26 =	sor.u32 $0x1C03, s30;
	[sflag:s17] =	ssyncadd.s32 $0xFFFFC000  }
.Ltmp3:
0xcd: {  	s31 =	sshrl.u32 s5, $0x3;
	[bflag:$0x0] =	sbarrier.arrive $0xFFFF;
	(pc) =	sbr.rel @p0 .LBB2_1-.Ltmp3, $4  }
0xce: {  	[hbm:s15], [sflag:s26] =	dma.local [spmem:s31], $0x2800  }
0xcf: {  	_ =	swait.ge [sflag:s17], $0x2800  }
0xd0: {  	[sflag:s17] =	ssyncset.done $0x0  }
0xd1: {  	[sflag:s17] =	ssyncadd.s32 $0xFFFFD800  }
0xd2: {  	_ =	sfence.sel $0x180000  }
0xd3: {  	[bflag:$0x0] =	sbarrier.arrive $0xFFFF  }
0xd4: {  	p0 =	sne.s32 s2, $0x0;
	_ =	strace $0x9000004A  }
0xd5: {  	s0 =	sadd.s32 @!p0 $0x100000, s0;
	[bflag:$0x2] =	sbarrier.arrive $0xFFFF  }
0xd6: {  	[sflag:s0] =	ssyncadd.tile.s32 @!p0 $0x1;
	_ =	shalt  }
.Lfunc_end2:
_tile_overlayer_lowered:
.L_overlay_start_2:
0xd7: {  	(tag) =	ssettag $0x2  }
0xd8: {  	s0 =	rddreg [dreg:$0x0];
	s2 =	stileid.u32  }
0xd9: {  	s1 =	rddreg [dreg:$0x1];
	p0 =	sne.s32 s2, $0x0  }
0xda: {  	s3 =	rddreg [dreg:$0x2];
	[bflag:$0x3] =	sbarrier.arrive $0xFFFF;
	s2 =	simm.s32 @!p0 $0x1C03  }
0xdb: {  	[timem:s3], [sflag:s2] =	dma.local @!p0 [hbm:s0], s1  }
0xdc: {  	s0 =	simm.s32 @!p0 $0x3  }
0xdd: {  	_ =	swait.ge @!p0 [sflag:s0], s1  }
0xde: {  	s1 =	ssub.s32 @!p0 $0x0, s1;
	[sflag:s0] =	ssyncset.done @!p0 $0x0  }
0xdf: {  	[sflag:s0] =	ssyncadd.s32 @!p0 s1  }
0xe0: {  	[bflag:$0x3] =	sbarrier.arrive $0xFFFF  }
0xe1: {  	_ =	shalt  }

// kernel: kernel.14.cloned.1.call-start
scs
__scs_entry_jumppad:
0x0: {  	(pc) =	sbr.rel $0x88, $3  }
0x1: {  	(tag) =	ssettag $0x0;
	lr =	simm.s32 $0x1  }
0x2: {  	[smem:$0x3F9B] =	sst lr;
	_ =	strace $0xD0000000  }
0x3: {  	_ = 	snop  }
0x4: {  	_ = 	snop  }
0x5: {  	_ = 	snop  }
0x6: {  	_ = 	snop  }
0x7: {  	_ = 	snop  }
__scs_overlays_trampoline_lowered:
0x8: {  	[smem:$0x3FAA] =	sst s0  }
0x9: {  	[smem:$0x3FAB] =	sst s1  }
0xa: {  	[smem:$0x3FAC] =	sst s2  }
0xb: {  	[smem:$0x3FAD] =	sst s3  }
0xc: {  	[smem:$0x3FAE] =	sst s4  }
0xd: {  	[smem:$0x3FAF] =	sst s5  }
0xe: {  	[smem:$0x3FB0] =	sst s6  }
0xf: {  	[smem:$0x3FB1] =	sst s7  }
0x10: {  	[smem:$0x3FB2] =	sst s8  }
0x11: {  	[smem:$0x3FB3] =	sst s9;
	s0 =	simm.s32 @!p0 $0x0  }
0x12: {  	s1 =	sld [smem:$0x3F99];
	s0 =	simm.s32 @p0 $0x1  }
0x13: {  	[smem:$0x3FB4] =	sst s0;
	s0 =	simm.s32 @!p1 $0x0  }
0x14: {  	s2 =	sld [smem:$0x3F98];
	s0 =	simm.s32 @p1 $0x1  }
0x15: {  	[smem:$0x3FB5] =	sst s0;
	s0 =	simm.s32 @!p2 $0x0  }
0x16: {  	s3 =	sld [smem:$0x3FDB];
	s0 =	simm.s32 @p2 $0x1  }
0x17: {  	s4 =	simm.s32 $0x1BF5;
	[smem:$0x3FB7] =	sst s0  }
0x18: {  	s0 =	sld [smem:$0x3F9A];
	_ =	swait.ge [sflag:s4], $0x0  }
0x19: {  	s7 =	sld [smem:$0x3F9B]  }
0x1a: {  	s8 =	sadd.s32 $0xFFFFE003, lr  }
0x1b: {  	s9 =	sadd.s32 $0xFFFFFEF7, lr;
	s5 =	simm.s32 $0xFFFFFFFF;
	p2 =	slt.u32 s8, $0xFFFFF086  }
0x1c: {  	p1 =	slt.u32 s9, $0xF7A;
	s5 =	simm.s32 @!p2 $0x0  }
0x1d: {  	s5 =	simm.s32 @p1 $0x1;
	p0 =	seq.s32 s7, s2  }
0x1e: {  	s7 =	smul.u32 @!p0 $0xF7A, s2;
	p2 =	seq.s32 @!p0 s5, $0x0  }
0x1f: {  	s9 =	smul.u32 $0xF7A, s1;
	s8 =	simm.s32 @!p0 $0x1BF5;
	p2 =	por !p2, p0  }
0x20: {  	[sflag:s8] =	ssyncset.s32 @!p0 $0xFFFFF086;
	s6 =	sadd.s32 @!p0 s3, s7;
	s7 =	simm.s32 @!p0 $0x108  }
0x21: {  	s3 =	sadd.s32 s3, s9;
	s6 =	sadd.s32 @!p0 $0x88, s6;
	s7 =	simm.s32 @p2 $0x1082  }
0x22: {  	[simem:s7], [sflag:s8] =	dma.local @!p0 [hbm:s6], $0xF7A  }
0x23: {  	s9 =	sor.u32 $0xD0000000, s2;
	s6 =	simm.s32 $0x108;
	_ =	swait.ge @!p0 [sflag:s8], $0x0  }
0x24: {  	s3 =	sadd.s32 $0x88, s3;
	s6 =	simm.s32 @!p1 $0x1082;
	[sflag:s4] =	ssyncset.s32 $0xFFFFF086  }
0x25: {  	[simem:s6], [sflag:s4] =	dma.local [hbm:s3], $0xF7A  }
0x26: {  	[smem:$0x3F9B] =	sst s1;
	(tag) =	ssettag s2;
	_ =	strace s9  }
0x27: {  	s1 =	sld [smem:$0x3FAB]  }
0x28: {  	s2 =	sld [smem:$0x3FAC]  }
0x29: {  	s4 =	sld [smem:$0x3FAE]  }
0x2a: {  	p0 =	seq.s32 s5, $0x0;
	s5 =	sld [smem:$0x3FAF]  }
0x2b: {  	s6 =	sld [smem:$0x3FB0]  }
0x2c: {  	s7 =	sld [smem:$0x3FB1]  }
0x2d: {  	s3 =	simm.s32 $0x108;
	s8 =	sld [smem:$0x3FB2]  }
0x2e: {  	s3 =	simm.s32 @!p0 $0x1082;
	s9 =	sld [smem:$0x3FB3]  }
0x2f: {  	lr =	sadd.s32 s0, s3;
	s0 =	sld [smem:$0x3FAA]  }
0x30: {  	s3 =	sld [smem:$0x3FAD]  }
0x31: {  	[smem:$0x3FB6] =	sst s10  }
0x32: {  	s10 =	sld [smem:$0x3FB4];
	_ =	sdelay $0x3  }
0x33: {  	p0 =	seq.s32 s10, $0x1;
	s10 =	sld [smem:$0x3FB6];
	_ =	sdelay $0x3  }
0x34: {  	[smem:$0x3FB6] =	sst s10  }
0x35: {  	s10 =	sld [smem:$0x3FB5];
	_ =	sdelay $0x3  }
0x36: {  	p1 =	seq.s32 s10, $0x1;
	s10 =	sld [smem:$0x3FB6];
	_ =	sdelay $0x3  }
0x37: {  	[smem:$0x3FB6] =	sst s10  }
0x38: {  	s10 =	sld [smem:$0x3FB7]  }
0x39: {  	_ = 	snop;
	(pc) =	sbr.ind lr, $3  }
0x3a: {  	_ = 	snop  }
0x3b: {  	_ = 	snop  }
0x3c: {  	p2 =	seq.s32 s10, $0x1;
	s10 =	sld [smem:$0x3FB6]  }
0x3d: {  	_ =	shalt  }
0x3e: {  	_ =	shalt  }
0x3f: {  	_ =	shalt  }
0x40: {  	_ =	shalt  }
0x41: {  	_ =	shalt  }
0x42: {  	_ =	shalt  }
0x43: {  	_ =	shalt  }
0x44: {  	_ =	shalt  }
0x45: {  	_ =	shalt  }
0x46: {  	_ =	shalt  }
0x47: {  	_ =	shalt  }
0x48: {  	_ =	shalt  }
0x49: {  	_ =	shalt  }
0x4a: {  	_ =	shalt  }
0x4b: {  	_ =	shalt  }
0x4c: {  	_ =	shalt  }
0x4d: {  	_ =	shalt  }
0x4e: {  	_ =	shalt  }
0x4f: {  	_ =	shalt  }
0x50: {  	_ =	shalt  }
0x51: {  	_ =	shalt  }
0x52: {  	_ =	shalt  }
0x53: {  	_ =	shalt  }
0x54: {  	_ =	shalt  }
0x55: {  	_ =	shalt  }
0x56: {  	_ =	shalt  }
0x57: {  	_ =	shalt  }
0x58: {  	_ =	shalt  }
0x59: {  	_ =	shalt  }
0x5a: {  	_ =	shalt  }
0x5b: {  	_ =	shalt  }
0x5c: {  	_ =	shalt  }
0x5d: {  	_ =	shalt  }
0x5e: {  	_ =	shalt  }
0x5f: {  	_ =	shalt  }
0x60: {  	_ =	shalt  }
0x61: {  	_ =	shalt  }
0x62: {  	_ =	shalt  }
0x63: {  	_ =	shalt  }
0x64: {  	_ =	shalt  }
0x65: {  	_ =	shalt  }
0x66: {  	_ =	shalt  }
0x67: {  	_ =	shalt  }
0x68: {  	_ =	shalt  }
0x69: {  	_ =	shalt  }
0x6a: {  	_ =	shalt  }
0x6b: {  	_ =	shalt  }
0x6c: {  	_ =	shalt  }
0x6d: {  	_ =	shalt  }
0x6e: {  	_ =	shalt  }
0x6f: {  	_ =	shalt  }
0x70: {  	_ =	shalt  }
0x71: {  	_ =	shalt  }
0x72: {  	_ =	shalt  }
0x73: {  	_ =	shalt  }
0x74: {  	_ =	shalt  }
0x75: {  	_ =	shalt  }
0x76: {  	_ =	shalt  }
0x77: {  	_ =	shalt  }
0x78: {  	_ =	shalt  }
0x79: {  	_ =	shalt  }
0x7a: {  	_ =	shalt  }
0x7b: {  	_ =	shalt  }
0x7c: {  	_ =	shalt  }
0x7d: {  	_ =	shalt  }
0x7e: {  	_ =	shalt  }
0x7f: {  	_ =	shalt  }
0x80: {  	_ =	shalt  }
0x81: {  	_ =	shalt  }
0x82: {  	_ =	shalt  }
0x83: {  	_ =	shalt  }
0x84: {  	_ =	shalt  }
0x85: {  	_ =	shalt  }
0x86: {  	_ =	shalt  }
0x87: {  	_ =	shalt  }
.Lfunc_end0:
.L_simem_size_0:
called_computation.2_lowered:
.L_overlay_start_0:
0x88: {  	s2 =	sld [smem:$0x3FD9]  }
0x89: {  	s3 =	sld [smem:$0x3FFE];
	_ =	sdelay $0x1  }
0x8a: {  	s1 =	srdreg.scid  }
0x8b: {  	s0 =	sand.u32 $0x1, s1  }
0x8c: {  	s17 =	sshll.u32 s0, $0xA;
	s2 =	sadd.s32 s3, s2  }
0x8d: {  	s2 =	sadd.s32 s2, s17  }
0x8e: {  	[smem:$0x3FC2] =	sst s2  }
0x8f: {  	_ = 	snop  }
0x90: {  	s2 =	sld [smem:$0x3FD0];
	(tm) =	ssettm $0x1  }
0x91: {  	s18 =	sld [smem:$0x3FFB];
	_ =	sdelay $0x3  }
0x92: {  	_ =	strace s18  }
0x93: {  	s3 =	sld [smem:$0x3FFC];
	_ =	sdelay $0x3  }
0x94: {  	_ =	strace s3  }
0x95: {  	s3 =	sld [smem:$0x3FFD];
	_ =	sdelay $0x3  }
0x96: {  	_ =	strace s3  }
0x97: {  	_ =	strace $0x8FFFFFFF  }
0x98: {  	s19 =	sld [smem:$0x3FDB];
	_ =	sdelay $0x1  }
0x99: {  	s4 =	simm.s32 $_scs_section_size  }
0x9a: {  	s5 =	simm.s32 $_size__tile_overlayer_lowered;
	s6 =	simm.s32 $_tile_overlayer_lowered  }
0x9b: {  	s22 =	simm.s32 $0x1BFF;
	s21 =	sshll.u32 s6, $0x1;
	s3 =	sadd.s32 s4, s19  }
0x9c: {  	s7 =	simm.s32 $0x0;
	s20 =	sshll.u32 s5, $0x1;
	s5 =	sadd.s32 s21, s3  }
0x9d: {  	[timem:s7], [sflag:s22] =	dma.local [hbm:s5], s20  }
0x9e: {  	_ =	swait.ge [sflag:s22], s20  }
0x9f: {  	s4 =	ssub.s32 $0x0, s20;
	[sflag:s22] =	ssyncset.done $0x0  }
0xa0: {  	[sflag:s22] =	ssyncadd.s32 s4;
	_ =	sdelay $0x1  }
0xa1: {  	s23 =	simm.s32 $0x1B8B  }
0xa2: {  	_ =	swait.ge [sflag:s23], $0x1  }
0xa3: {  	[sflag:s23] =	ssyncset.done $0x0  }
0xa4: {  	s25 =	simm.s32 $0x1B8E;
	s24 =	sld [smem:$0x3FFE];
	[sflag:s23] =	ssyncadd.s32 $0xFFFFFFFF  }
0xa5: {  	s26 =	simm.s32 $execute0_lowered;
	[smem:$0x3FD2] =	sst s25  }
0xa6: {  	s5 =	sshll.u32 s26, $0x1;
	_ =	strace $0x8000004C;
	[dreg:$0x1] =	wrdreg $0xFFFFFFFF  }
0xa7: {  	s28 =	simm.s32 $_size_execute0_lowered;
	s3 =	sadd.s32 s3, s5;
	[dreg:$0x0] =	wrdreg $0x0  }
0xa8: {  	s5 =	sshll.u32 s28, $0x1;
	[dreg:$0x2] =	wrdreg s3  }
0xa9: {  	[dreg:$0x3] =	wrdreg s5  }
0xaa: {  	[dreg:$0x4] =	wrdreg $0xC0  }
0xab: {  	_ =	task [dreg:s7], $0x5FFFF  }
0xac: {  	[dreg:$0x1] =	wrdreg $0xFFFFFFFF  }
0xad: {  	[dreg:$0x0] =	wrdreg $0x60  }
0xae: {  	[dreg:$0x2] =	wrdreg s24  }
0xaf: {  	[dreg:$0x3] =	wrdreg s2  }
0xb0: {  	[dreg:$0x4] =	wrdreg $0xA8000  }
0xb1: {  	[dreg:$0x5] =	wrdreg $0x9  }
0xb2: {  	_ =	task.clear_ibuf [dreg:s7], $0x6FFFF;
	_ =	strace $0x9000004C  }
0xb3: {  	s29 =	simm.s32 $0x9;
	_ =	strace $0x8000004E  }
0xb4: {  	_ =	swait.ge [sflag:s29], $0x1  }
0xb5: {  	[sflag:s29] =	ssyncadd.s32 $0xFFFFFFFF  }
0xb6: {  	_ =	strace $0x9000004E  }
0xb7: {  	_ =	sfence  }
0xb8: {  	s30 =	sld [smem:$0x0];
	_ =	sdelay $0x2  }
0xb9: {  	s31 =	sshll.u32 s1, $0xD;
	s1 =	sshrl.u32 s1, $0x2  }
0xba: {  	s3 =	sand.u32 $0x4000, s31;
	s1 =	sadd.s32 s1, s30  }
0xbb: {  	s0 =	sor.u32 s3, s0;
	s1 =	sshll.u32 s1, $0x11  }
0xbc: {  	s0 =	sor.u32 s1, s0  }
0xbd: {  	s0 =	sadd.s32 $0x8F2B, s0  }
0xbe: {  	[sflag:s0] =	ssyncadd.remote.s32 $0x1  }
0xbf: {  	_ =	sfence.sel $0xFFFF  }
0xc0: {  	[dreg:$0x0] =	wrdreg $0xFFFFFFFF;
	(pc) =	sbr.abs _section_cstart, $3  }
0xc1: {  	[dreg:$0x1] =	wrdreg $0xFFFFFFFF  }
0xc2: {  	_ =	task.clear_ibuf [dreg:s7], $0x2FFFF;
	_ =	strace $0x9FFFFFFF  }
0xc3: {  	(tm) =	ssettm $0x7FFFFFFF  }
tec
execute0_lowered:
.L_overlay_start_1:
0x0: {  	(tag) =	ssettag $0x1  }
0x1: {  	s14 =	rddreg [dreg:$0x0]  }
0x2: {  	s12 =	rddreg [dreg:$0x1]  }
0x3: {  	s1 =	rddreg [dreg:$0x2]  }
0x4: {  	s0 =	rddreg [dreg:$0x3];
	s3 =	simm.s32 $0x0;
	s4 =	srdreg.scid  }
0x5: {  	s2 =	stileid.u32;
	s18 =	simm.s32 $0x90000;
	s19 =	simm.s32 $0x80  }
0x6: {  	s20 =	simm.s32 $0x6800;
	s21 =	simm.s32 $0x1;
	s22 =	simm.s32 $0x2  }
0x7: {  	s23 =	simm.s32 $0x1380;
	s24 =	simm.s32 $0x2700;
	s25 =	simm.s32 $0x2780  }
0x8: {  	[smem:$0x7FF] =	sst s3;
	s13 =	sand.u32 $0x1, s4;
	s6 =	smul.u32 $0x50000, s2  }
0x9: {  	s4 =	sadd.s32 $0x40000, s14;
	s15 =	sadd.s32 $0xE000, s14;
	s30 =	smul.u32 $0x2800, s2  }
0xa: {  	_ =	strace $0x8000004D;
	s5 =	sshll.u32 s13, $0x4;
	s7 =	ssub.s32 $0x2, s13  }
0xb: {  	p0 =	seq.s32 s13, $0x1;
	s5 =	sor.u32 s2, s5;
	s8 =	sshrl.u32 s7, $0x1  }
0xc: {  	s6 =	sshrl.u32 s6, $0x2;
	s18 =	simm.s32 @!p0 $0x68000;
	s9 =	smul.u32 $0x2800, s5  }
0xd: {  	s16 =	ssub.s32 s7, s8;
	s5 =	sadd.s32 s6, s1;
	s31 =	sadd.s32 s18, s14  }
0xe: {  	s18 =	simm.s32 $0x1400;
	s6 =	sadd.s32 $0x4000, s5;
	s7 =	sadd.s32 $0x8000, s5  }
0xf: {  	s8 =	sadd.s32 $0xC000, s5;
	s14 =	smax.u32 s16, $0x1;
	s17 =	sshrl.u32 s9, $0x3  }
0x10: {  	s16 =	simm.s32 $0x2800;
	s9 =	sadd.s32 $0x10000, s5;
	s10 =	sadd.s32 s12, s17  }
0x11: {  	s11 =	sadd.s32 s15, s17;
	s29 =	sadd.s32 $0x280, s17;
	s17 =	simm.s32 $0x3  }
0x12: {  	v0 =	vimm.f32 $0.0e+00;
	s12 =	sadd.s32 s12, s29;
	s13 =	sadd.s32 s15, s29;
	s15 =	sadd.s32 s31, s30  }
.LBB2_1:
0x13: {  	s26 =	simm.s32 $0x0;
	s28 =	simm.s32 $0x200  }
.LBB2_2:
0x14: {  	p0 =	sne.s32 s28, $0xFE00;
	[tilespmem:s26+$0x2870] =	vst v0  }
0x15: {  	[tilespmem:s26+$0x2800] =	vst v0  }
0x16: {  	[tilespmem:s26+$0x2810] =	vst v0  }
.Ltmp0:
0x17: {  	[tilespmem:s26+$0x2820] =	vst v0;
	(pc) =	sbr.rel @p0 .LBB2_2-.Ltmp0, $4  }
0x18: {  	[tilespmem:s26+$0x2830] =	vst v0  }
0x19: {  	[tilespmem:s26+$0x2840] =	vst v0  }
0x1a: {  	[tilespmem:s26+$0x2850] =	vst v0  }
0x1b: {  	[tilespmem:s26+$0x2860] =	vst v0;
	s26 =	sshra.s32 s28, $0x2;
	s28 =	sadd.s32 $0x200, s28  }
0x1c: {  	[tilespmem:s26+$0x2870] =	vst v0  }
0x1d: {  	[tilespmem:s26+$0x2800] =	vst v0  }
0x1e: {  	[tilespmem:s26+$0x2810] =	vst v0  }
0x1f: {  	[tilespmem:s26+$0x2820] =	vst v0  }
0x20: {  	[tilespmem:s26+$0x2830] =	vst v0  }
0x21: {  	[tilespmem:s26+$0x2840] =	vst v0  }
0x22: {  	[tilespmem:s26+$0x2850] =	vst v0  }
0x23: {  	[tilespmem:s26+$0x2860] =	vst v0  }
0x24: {  	[spmem:s5] =	stream.linear.scatter [tilespmem:s16], [sflag:$0x3], $0x4000, $0x38;
	[tilespmem:$0x1E800] =	vst v63  }
0x25: {  	_ =	swait.ge [sflag:s17], $0x4000  }
0x26: {  	[sflag:s17] =	ssyncset.done $0x0  }
0x27: {  	[sflag:s17] =	ssyncadd.s32 $0xFFFFC000  }
0x28: {  	[spmem:s6] =	stream.linear.scatter [tilespmem:s16], [sflag:$0x3], $0x4000, $0x38;
	[tilespmem:$0x1E800] =	vst v63  }
0x29: {  	_ =	swait.ge [sflag:s17], $0x4000  }
0x2a: {  	[sflag:s17] =	ssyncset.done $0x0  }
0x2b: {  	[sflag:s17] =	ssyncadd.s32 $0xFFFFC000  }
0x2c: {  	[spmem:s7] =	stream.linear.scatter [tilespmem:s16], [sflag:$0x3], $0x4000, $0x38;
	[tilespmem:$0x1E800] =	vst v63  }
0x2d: {  	_ =	swait.ge [sflag:s17], $0x4000  }
0x2e: {  	[sflag:s17] =	ssyncset.done $0x0  }
0x2f: {  	[sflag:s17] =	ssyncadd.s32 $0xFFFFC000  }
0x30: {  	[spmem:s8] =	stream.linear.scatter [tilespmem:s16], [sflag:$0x3], $0x4000, $0x38;
	[tilespmem:$0x1E800] =	vst v63  }
0x31: {  	_ =	swait.ge [sflag:s17], $0x4000  }
0x32: {  	[sflag:s17] =	ssyncset.done $0x0  }
0x33: {  	[sflag:s17] =	ssyncadd.s32 $0xFFFFC000  }
0x34: {  	[spmem:s9] =	stream.linear.scatter [tilespmem:s16], [sflag:$0x3], $0x4000, $0x38;
	[tilespmem:$0x1E800] =	vst v63  }
0x35: {  	_ =	swait.ge [sflag:s17], $0x4000  }
0x36: {  	[sflag:s17] =	ssyncset.done $0x0  }
0x37: {  	[sflag:s17] =	ssyncadd.s32 $0xFFFFC000  }
0x38: {  	s30 =	simm.s32 $0x0;
	[bflag:$0x0] =	sbarrier.arrive $0xFFFF  }
0x39: {  	[tilespmem:s30], [sflag:$0x3] =	stream.linear.gather [hbm4b:s10+s30], $0x1400, $0x38;
	[tilespmem:$0x1E800] =	vst v63  }
0x3a: {  	_ =	swait.ge [sflag:s17], $0x1400  }
0x3b: {  	[sflag:s17] =	ssyncset.done $0x0  }
0x3c: {  	[sflag:s17] =	ssyncadd.s32 $0xFFFFEC00  }
0x3d: {  	[tilespmem:s18], [sflag:$0x3] =	stream.linear.gather [hbm4b:s11+s30], $0x1400, $0x38;
	[tilespmem:$0x1E800] =	vst v63  }
0x3e: {  	_ =	swait.ge [sflag:s17], $0x1400  }
0x3f: {  	[sflag:s17] =	ssyncset.done $0x0  }
0x40: {  	[sflag:s17] =	ssyncadd.s32 $0xFFFFEC00  }
0x41: {  	[tilespmem:s16], [sflag:$0x1] =	stream.indirect.gather [hbm4b:s4+s19], $0x80, s30, s19, $0xb8;
	[tilespmem:$0x1E800] =	vst v63  }
0x42: {  	s31 =	simm.s32 $0x80  }
0x43: {  	[tilespmem:s20], [sflag:$0x2] =	stream.indirect.gather [hbm4b:s4+s19], $0x80, s31, s19, $0xb8;
	[tilespmem:$0x1E800] =	vst v63  }
0x44: {  	_ =	swait.ge [sflag:s21], $0x4000  }
0x45: {  	[sflag:s21] =	ssyncset.done $0x0  }
0x46: {  	s29 =	simm.s32 $0x1400;
	[sflag:s21] =	ssyncadd.s32 $0xFFFFC000  }
0x47: {  	[spmem:s1] =	stream.indirect.scatter.add.f32 [tilespmem:s16], [sflag:$0x3], $0x80, s29, s19, $0xb8;
	[tilespmem:$0x1E800] =	vst v63  }
0x48: {  	_ =	swait.ge [sflag:s17], $0x4000  }
0x49: {  	[sflag:s17] =	ssyncset.done $0x0  }
0x4a: {  	s30 =	simm.s32 $0x100;
	[sflag:s17] =	ssyncadd.s32 $0xFFFFC000  }
0x4b: {  	[tilespmem:s16], [sflag:$0x1] =	stream.indirect.gather [hbm4b:s4+s19], $0x80, s30, s19, $0xb8;
	[tilespmem:$0x1E800] =	vst v63  }
0x4c: {  	_ =	swait.ge [sflag:s22], $0x4000  }
0x4d: {  	[sflag:s22] =	ssyncset.done $0x0  }
0x4e: {  	s31 =	simm.s32 $0x1480;
	[sflag:s22] =	ssyncadd.s32 $0xFFFFC000  }
0x4f: {  	[spmem:s1] =	stream.indirect.scatter.add.f32 [tilespmem:s20], [sflag:$0x3], $0x80, s31, s19, $0xb8;
	[tilespmem:$0x1E800] =	vst v63  }
0x50: {  	_ =	swait.ge [sflag:s17], $0x4000  }
0x51: {  	s28 =	simm.s32 $0x800;
	s26 =	simm.s32 $0x100;
	[sflag:s17] =	ssyncset.done $0x0  }
.LBB2_4:
0x52: {  	s29 =	sadd.s32 $0x80, s26  }
0x53: {  	[sflag:s17] =	ssyncadd.s32 $0xFFFFC000;
	s30 =	smov.u32 s28;
	s31 =	sadd.s32 $0x400, s28  }
0x54: {  	[tilespmem:s20], [sflag:$0x2] =	stream.indirect.gather [hbm4b:s4+s19], $0x80, s29, s19, $0xb8;
	[tilespmem:$0x1E800] =	vst v63  }
0x55: {  	p0 =	sne.s32 s28, $0x4800;
	_ =	swait.ge [sflag:s21], $0x4000  }
0x56: {  	[sflag:s21] =	ssyncset.done $0x0  }
0x57: {  	s28 =	sadd.s32 $0x1400, s26;
	[sflag:s21] =	ssyncadd.s32 $0xFFFFC000  }
0x58: {  	[spmem:s1] =	stream.indirect.scatter.add.f32 [tilespmem:s16], [sflag:$0x3], $0x80, s28, s19, $0xb8;
	[tilespmem:$0x1E800] =	vst v63  }
0x59: {  	_ =	swait.ge [sflag:s17], $0x4000  }
0x5a: {  	[sflag:s17] =	ssyncset.done $0x0  }
0x5b: {  	s28 =	sadd.s32 $0x100, s26;
	[sflag:s17] =	ssyncadd.s32 $0xFFFFC000  }
0x5c: {  	[tilespmem:s16], [sflag:$0x1] =	stream.indirect.gather [hbm4b:s4+s19], $0x80, s28, s19, $0xb8;
	[tilespmem:$0x1E800] =	vst v63  }
0x5d: {  	_ =	swait.ge [sflag:s22], $0x4000  }
.Ltmp1:
0x5e: {  	[sflag:s22] =	ssyncset.done $0x0;
	(pc) =	sbr.rel @p0 .LBB2_4-.Ltmp1, $4  }
0x5f: {  	s26 =	sadd.s32 $0x1480, s26;
	[sflag:s22] =	ssyncadd.s32 $0xFFFFC000  }
0x60: {  	[spmem:s1] =	stream.indirect.scatter.add.f32 [tilespmem:s20], [sflag:$0x3], $0x80, s26, s19, $0xb8;
	[tilespmem:$0x1E800] =	vst v63  }
0x61: {  	_ =	swait.ge [sflag:s17], $0x4000  }
0x62: {  	s28 =	smov.u32 s31;
	s26 =	sshra.s32 s30, $0x2;
	[sflag:s17] =	ssyncset.done $0x0  }
0x63: {  	s28 =	sadd.s32 $0x80, s26;
	[sflag:s17] =	ssyncadd.s32 $0xFFFFC000  }
0x64: {  	[tilespmem:s20], [sflag:$0x2] =	stream.indirect.gather [hbm4b:s4+s19], $0x80, s28, s19, $0xb8;
	[tilespmem:$0x1E800] =	vst v63  }
0x65: {  	_ =	swait.ge [sflag:s21], $0x4000  }
0x66: {  	[sflag:s21] =	ssyncset.done $0x0  }
0x67: {  	s28 =	sadd.s32 $0x1400, s26;
	[sflag:s21] =	ssyncadd.s32 $0xFFFFC000  }
0x68: {  	[spmem:s1] =	stream.indirect.scatter.add.f32 [tilespmem:s16], [sflag:$0x3], $0x80, s28, s19, $0xb8;
	[tilespmem:$0x1E800] =	vst v63  }
0x69: {  	_ =	swait.ge [sflag:s17], $0x4000  }
0x6a: {  	[sflag:s17] =	ssyncset.done $0x0  }
0x6b: {  	s28 =	sadd.s32 $0x100, s26;
	[sflag:s17] =	ssyncadd.s32 $0xFFFFC000  }
0x6c: {  	[tilespmem:s16], [sflag:$0x1] =	stream.indirect.gather [hbm4b:s4+s19], $0x80, s28, s19, $0xb8;
	[tilespmem:$0x1E800] =	vst v63  }
0x6d: {  	_ =	swait.ge [sflag:s22], $0x4000  }
0x6e: {  	[sflag:s22] =	ssyncset.done $0x0  }
0x6f: {  	s29 =	sadd.s32 $0x1480, s26;
	[sflag:s22] =	ssyncadd.s32 $0xFFFFC000  }
0x70: {  	[spmem:s1] =	stream.indirect.scatter.add.f32 [tilespmem:s20], [sflag:$0x3], $0x80, s29, s19, $0xb8;
	[tilespmem:$0x1E800] =	vst v63  }
0x71: {  	_ =	swait.ge [sflag:s17], $0x4000  }
0x72: {  	[sflag:s17] =	ssyncset.done $0x0  }
0x73: {  	[sflag:s17] =	ssyncadd.s32 $0xFFFFC000  }
0x74: {  	[tilespmem:s20], [sflag:$0x2] =	stream.indirect.gather [hbm4b:s4+s19], $0x80, s23, s19, $0xb8;
	[tilespmem:$0x1E800] =	vst v63  }
0x75: {  	_ =	swait.ge [sflag:s21], $0x4000  }
0x76: {  	[sflag:s21] =	ssyncset.done $0x0  }
0x77: {  	[sflag:s21] =	ssyncadd.s32 $0xFFFFC000  }
0x78: {  	[spmem:s1] =	stream.indirect.scatter.add.f32 [tilespmem:s16], [sflag:$0x3], $0x80, s24, s19, $0xb8;
	[tilespmem:$0x1E800] =	vst v63  }
0x79: {  	_ =	swait.ge [sflag:s17], $0x4000  }
0x7a: {  	[sflag:s17] =	ssyncset.done $0x0  }
0x7b: {  	[sflag:s17] =	ssyncadd.s32 $0xFFFFC000  }
0x7c: {  	_ =	swait.ge [sflag:s22], $0x4000  }
0x7d: {  	[sflag:s22] =	ssyncset.done $0x0  }
0x7e: {  	[sflag:s22] =	ssyncadd.s32 $0xFFFFC000  }
0x7f: {  	[spmem:s1] =	stream.indirect.scatter.add.f32 [tilespmem:s20], [sflag:$0x3], $0x80, s25, s19, $0xb8;
	[tilespmem:$0x1E800] =	vst v63  }
0x80: {  	_ =	swait.ge [sflag:s17], $0x4000  }
0x81: {  	[sflag:s17] =	ssyncset.done $0x0  }
0x82: {  	s30 =	simm.s32 $0x0;
	[sflag:s17] =	ssyncadd.s32 $0xFFFFC000  }
0x83: {  	[tilespmem:s30], [sflag:$0x3] =	stream.linear.gather [hbm4b:s12+s30], $0x1400, $0x38;
	[tilespmem:$0x1E800] =	vst v63  }
0x84: {  	_ =	swait.ge [sflag:s17], $0x1400  }
0x85: {  	[sflag:s17] =	ssyncset.done $0x0  }
0x86: {  	[sflag:s17] =	ssyncadd.s32 $0xFFFFEC00  }
0x87: {  	[tilespmem:s18], [sflag:$0x3] =	stream.linear.gather [hbm4b:s13+s30], $0x1400, $0x38;
	[tilespmem:$0x1E800] =	vst v63  }
0x88: {  	_ =	swait.ge [sflag:s17], $0x1400  }
0x89: {  	[sflag:s17] =	ssyncset.done $0x0  }
0x8a: {  	[sflag:s17] =	ssyncadd.s32 $0xFFFFEC00  }
0x8b: {  	[tilespmem:s16], [sflag:$0x1] =	stream.indirect.gather [hbm4b:s4+s19], $0x80, s30, s19, $0xb8;
	[tilespmem:$0x1E800] =	vst v63  }
0x8c: {  	s31 =	simm.s32 $0x80  }
0x8d: {  	[tilespmem:s20], [sflag:$0x2] =	stream.indirect.gather [hbm4b:s4+s19], $0x80, s31, s19, $0xb8;
	[tilespmem:$0x1E800] =	vst v63  }
0x8e: {  	_ =	swait.ge [sflag:s21], $0x4000  }
0x8f: {  	[sflag:s21] =	ssyncset.done $0x0  }
0x90: {  	s29 =	simm.s32 $0x1400;
	[sflag:s21] =	ssyncadd.s32 $0xFFFFC000  }
0x91: {  	[spmem:s1] =	stream.indirect.scatter.add.f32 [tilespmem:s16], [sflag:$0x3], $0x80, s29, s19, $0xb8;
	[tilespmem:$0x1E800] =	vst v63  }
0x92: {  	_ =	swait.ge [sflag:s17], $0x4000  }
0x93: {  	[sflag:s17] =	ssyncset.done $0x0  }
0x94: {  	s30 =	simm.s32 $0x100;
	[sflag:s17] =	ssyncadd.s32 $0xFFFFC000  }
0x95: {  	[tilespmem:s16], [sflag:$0x1] =	stream.indirect.gather [hbm4b:s4+s19], $0x80, s30, s19, $0xb8;
	[tilespmem:$0x1E800] =	vst v63  }
0x96: {  	_ =	swait.ge [sflag:s22], $0x4000  }
0x97: {  	[sflag:s22] =	ssyncset.done $0x0  }
0x98: {  	s31 =	simm.s32 $0x1480;
	[sflag:s22] =	ssyncadd.s32 $0xFFFFC000  }
0x99: {  	[spmem:s1] =	stream.indirect.scatter.add.f32 [tilespmem:s20], [sflag:$0x3], $0x80, s31, s19, $0xb8;
	[tilespmem:$0x1E800] =	vst v63  }
0x9a: {  	_ =	swait.ge [sflag:s17], $0x4000  }
0x9b: {  	s26 =	simm.s32 $0x100;
	s28 =	simm.s32 $0x800;
	[sflag:s17] =	ssyncset.done $0x0  }
.LBB2_6:
0x9c: {  	s29 =	sadd.s32 $0x80, s26  }
0x9d: {  	[sflag:s17] =	ssyncadd.s32 $0xFFFFC000;
	s30 =	smov.u32 s28;
	s31 =	sadd.s32 $0x400, s28  }
0x9e: {  	[tilespmem:s20], [sflag:$0x2] =	stream.indirect.gather [hbm4b:s4+s19], $0x80, s29, s19, $0xb8;
	[tilespmem:$0x1E800] =	vst v63  }
0x9f: {  	p0 =	sne.s32 s28, $0x4800;
	_ =	swait.ge [sflag:s21], $0x4000  }
0xa0: {  	[sflag:s21] =	ssyncset.done $0x0  }
0xa1: {  	s28 =	sadd.s32 $0x1400, s26;
	[sflag:s21] =	ssyncadd.s32 $0xFFFFC000  }
0xa2: {  	[spmem:s1] =	stream.indirect.scatter.add.f32 [tilespmem:s16], [sflag:$0x3], $0x80, s28, s19, $0xb8;
	[tilespmem:$0x1E800] =	vst v63  }
0xa3: {  	_ =	swait.ge [sflag:s17], $0x4000  }
0xa4: {  	[sflag:s17] =	ssyncset.done $0x0  }
0xa5: {  	s28 =	sadd.s32 $0x100, s26;
	[sflag:s17] =	ssyncadd.s32 $0xFFFFC000  }
0xa6: {  	[tilespmem:s16], [sflag:$0x1] =	stream.indirect.gather [hbm4b:s4+s19], $0x80, s28, s19, $0xb8;
	[tilespmem:$0x1E800] =	vst v63  }
0xa7: {  	_ =	swait.ge [sflag:s22], $0x4000  }
.Ltmp2:
0xa8: {  	[sflag:s22] =	ssyncset.done $0x0;
	(pc) =	sbr.rel @p0 .LBB2_6-.Ltmp2, $4  }
0xa9: {  	s26 =	sadd.s32 $0x1480, s26;
	[sflag:s22] =	ssyncadd.s32 $0xFFFFC000  }
0xaa: {  	[spmem:s1] =	stream.indirect.scatter.add.f32 [tilespmem:s20], [sflag:$0x3], $0x80, s26, s19, $0xb8;
	[tilespmem:$0x1E800] =	vst v63  }
0xab: {  	_ =	swait.ge [sflag:s17], $0x4000  }
0xac: {  	s28 =	smov.u32 s31;
	s26 =	sshra.s32 s30, $0x2;
	[sflag:s17] =	ssyncset.done $0x0  }
0xad: {  	s28 =	sadd.s32 $0x80, s26;
	[sflag:s17] =	ssyncadd.s32 $0xFFFFC000  }
0xae: {  	[tilespmem:s20], [sflag:$0x2] =	stream.indirect.gather [hbm4b:s4+s19], $0x80, s28, s19, $0xb8;
	[tilespmem:$0x1E800] =	vst v63  }
0xaf: {  	_ =	swait.ge [sflag:s21], $0x4000  }
0xb0: {  	[sflag:s21] =	ssyncset.done $0x0  }
0xb1: {  	s30 =	sadd.s32 $0x1400, s26;
	[sflag:s21] =	ssyncadd.s32 $0xFFFFC000  }
0xb2: {  	[spmem:s1] =	stream.indirect.scatter.add.f32 [tilespmem:s16], [sflag:$0x3], $0x80, s30, s19, $0xb8;
	[tilespmem:$0x1E800] =	vst v63  }
0xb3: {  	_ =	swait.ge [sflag:s17], $0x4000  }
0xb4: {  	[sflag:s17] =	ssyncset.done $0x0  }
0xb5: {  	s31 =	sadd.s32 $0x100, s26;
	[sflag:s17] =	ssyncadd.s32 $0xFFFFC000  }
0xb6: {  	[tilespmem:s16], [sflag:$0x1] =	stream.indirect.gather [hbm4b:s4+s19], $0x80, s31, s19, $0xb8;
	[tilespmem:$0x1E800] =	vst v63  }
0xb7: {  	_ =	swait.ge [sflag:s22], $0x4000  }
0xb8: {  	[sflag:s22] =	ssyncset.done $0x0  }
0xb9: {  	s29 =	sadd.s32 $0x1480, s26;
	[sflag:s22] =	ssyncadd.s32 $0xFFFFC000  }
0xba: {  	[spmem:s1] =	stream.indirect.scatter.add.f32 [tilespmem:s20], [sflag:$0x3], $0x80, s29, s19, $0xb8;
	[tilespmem:$0x1E800] =	vst v63  }
0xbb: {  	_ =	swait.ge [sflag:s17], $0x4000  }
0xbc: {  	[sflag:s17] =	ssyncset.done $0x0  }
0xbd: {  	[sflag:s17] =	ssyncadd.s32 $0xFFFFC000  }
0xbe: {  	[tilespmem:s20], [sflag:$0x2] =	stream.indirect.gather [hbm4b:s4+s19], $0x80, s23, s19, $0xb8;
	[tilespmem:$0x1E800] =	vst v63  }
0xbf: {  	_ =	swait.ge [sflag:s21], $0x4000  }
0xc0: {  	[sflag:s21] =	ssyncset.done $0x0  }
0xc1: {  	[sflag:s21] =	ssyncadd.s32 $0xFFFFC000  }
0xc2: {  	[spmem:s1] =	stream.indirect.scatter.add.f32 [tilespmem:s16], [sflag:$0x3], $0x80, s24, s19, $0xb8;
	[tilespmem:$0x1E800] =	vst v63  }
0xc3: {  	_ =	swait.ge [sflag:s17], $0x4000  }
0xc4: {  	[sflag:s17] =	ssyncset.done $0x0  }
0xc5: {  	[sflag:s17] =	ssyncadd.s32 $0xFFFFC000  }
0xc6: {  	_ =	swait.ge [sflag:s22], $0x4000  }
0xc7: {  	[sflag:s22] =	ssyncset.done $0x0  }
0xc8: {  	[sflag:s22] =	ssyncadd.s32 $0xFFFFC000  }
0xc9: {  	[spmem:s1] =	stream.indirect.scatter.add.f32 [tilespmem:s20], [sflag:$0x3], $0x80, s25, s19, $0xb8;
	[tilespmem:$0x1E800] =	vst v63  }
0xca: {  	_ =	swait.ge [sflag:s17], $0x4000  }
0xcb: {  	s3 =	sadd.s32 $0x1, s3;
	s30 =	sshll.u32 s2, $0x6;
	[sflag:s17] =	ssyncset.done $0x0  }
0xcc: {  	p0 =	sne.s32 s3, s14;
	s26 =	sor.u32 $0x1C03, s30;
	[sflag:s17] =	ssyncadd.s32 $0xFFFFC000  }
.Ltmp3:
0xcd: {  	s31 =	sshrl.u32 s5, $0x3;
	[bflag:$0x0] =	sbarrier.arrive $0xFFFF;
	(pc) =	sbr.rel @p0 .LBB2_1-.Ltmp3, $4  }
0xce: {  	[hbm:s15], [sflag:s26] =	dma.local [spmem:s31], $0x2800  }
0xcf: {  	_ =	swait.ge [sflag:s17], $0x2800  }
0xd0: {  	[sflag:s17] =	ssyncset.done $0x0  }
0xd1: {  	[sflag:s17] =	ssyncadd.s32 $0xFFFFD800  }
0xd2: {  	_ =	sfence.sel $0x180000  }
0xd3: {  	[bflag:$0x0] =	sbarrier.arrive $0xFFFF  }
0xd4: {  	p0 =	sne.s32 s2, $0x0;
	_ =	strace $0x9000004D  }
0xd5: {  	s0 =	sadd.s32 @!p0 $0x100000, s0;
	[bflag:$0x2] =	sbarrier.arrive $0xFFFF  }
0xd6: {  	[sflag:s0] =	ssyncadd.tile.s32 @!p0 $0x1;
	_ =	shalt  }
.Lfunc_end2:
_tile_overlayer_lowered:
.L_overlay_start_2:
0xd7: {  	(tag) =	ssettag $0x2  }
0xd8: {  	s0 =	rddreg [dreg:$0x0];
	s2 =	stileid.u32  }
0xd9: {  	s1 =	rddreg [dreg:$0x1];
	p0 =	sne.s32 s2, $0x0  }
0xda: {  	s3 =	rddreg [dreg:$0x2];
	[bflag:$0x3] =	sbarrier.arrive $0xFFFF;
	s2 =	simm.s32 @!p0 $0x1C03  }
0xdb: {  	[timem:s3], [sflag:s2] =	dma.local @!p0 [hbm:s0], s1  }
0xdc: {  	s0 =	simm.s32 @!p0 $0x3  }
0xdd: {  	_ =	swait.ge @!p0 [sflag:s0], s1  }
0xde: {  	s1 =	ssub.s32 @!p0 $0x0, s1;
	[sflag:s0] =	ssyncset.done @!p0 $0x0  }
0xdf: {  	[sflag:s0] =	ssyncadd.s32 @!p0 s1  }
0xe0: {  	[bflag:$0x3] =	sbarrier.arrive $0xFFFF  }
0xe1: {  	_ =	shalt  }

// kernel: kernel.8.cloned.1.call-start
scs
__scs_entry_jumppad:
0x0: {  	(pc) =	sbr.rel $0x88, $3  }
0x1: {  	(tag) =	ssettag $0x0;
	lr =	simm.s32 $0x1  }
0x2: {  	[smem:$0x3F9B] =	sst lr;
	_ =	strace $0xD0000000  }
0x3: {  	_ = 	snop  }
0x4: {  	_ = 	snop  }
0x5: {  	_ = 	snop  }
0x6: {  	_ = 	snop  }
0x7: {  	_ = 	snop  }
__scs_overlays_trampoline_lowered:
0x8: {  	[smem:$0x3FAA] =	sst s0  }
0x9: {  	[smem:$0x3FAB] =	sst s1  }
0xa: {  	[smem:$0x3FAC] =	sst s2  }
0xb: {  	[smem:$0x3FAD] =	sst s3  }
0xc: {  	[smem:$0x3FAE] =	sst s4  }
0xd: {  	[smem:$0x3FAF] =	sst s5  }
0xe: {  	[smem:$0x3FB0] =	sst s6  }
0xf: {  	[smem:$0x3FB1] =	sst s7  }
0x10: {  	[smem:$0x3FB2] =	sst s8  }
0x11: {  	[smem:$0x3FB3] =	sst s9;
	s0 =	simm.s32 @!p0 $0x0  }
0x12: {  	s1 =	sld [smem:$0x3F99];
	s0 =	simm.s32 @p0 $0x1  }
0x13: {  	[smem:$0x3FB4] =	sst s0;
	s0 =	simm.s32 @!p1 $0x0  }
0x14: {  	s2 =	sld [smem:$0x3F98];
	s0 =	simm.s32 @p1 $0x1  }
0x15: {  	[smem:$0x3FB5] =	sst s0;
	s0 =	simm.s32 @!p2 $0x0  }
0x16: {  	s3 =	sld [smem:$0x3FDB];
	s0 =	simm.s32 @p2 $0x1  }
0x17: {  	s4 =	simm.s32 $0x1BF5;
	[smem:$0x3FB7] =	sst s0  }
0x18: {  	s0 =	sld [smem:$0x3F9A];
	_ =	swait.ge [sflag:s4], $0x0  }
0x19: {  	s7 =	sld [smem:$0x3F9B]  }
0x1a: {  	s8 =	sadd.s32 $0xFFFFE003, lr  }
0x1b: {  	s9 =	sadd.s32 $0xFFFFFEF7, lr;
	s5 =	simm.s32 $0xFFFFFFFF;
	p2 =	slt.u32 s8, $0xFFFFF086  }
0x1c: {  	p1 =	slt.u32 s9, $0xF7A;
	s5 =	simm.s32 @!p2 $0x0  }
0x1d: {  	s5 =	simm.s32 @p1 $0x1;
	p0 =	seq.s32 s7, s2  }
0x1e: {  	s7 =	smul.u32 @!p0 $0xF7A, s2;
	p2 =	seq.s32 @!p0 s5, $0x0  }
0x1f: {  	s9 =	smul.u32 $0xF7A, s1;
	s8 =	simm.s32 @!p0 $0x1BF5;
	p2 =	por !p2, p0  }
0x20: {  	[sflag:s8] =	ssyncset.s32 @!p0 $0xFFFFF086;
	s6 =	sadd.s32 @!p0 s3, s7;
	s7 =	simm.s32 @!p0 $0x108  }
0x21: {  	s3 =	sadd.s32 s3, s9;
	s6 =	sadd.s32 @!p0 $0x88, s6;
	s7 =	simm.s32 @p2 $0x1082  }
0x22: {  	[simem:s7], [sflag:s8] =	dma.local @!p0 [hbm:s6], $0xF7A  }
0x23: {  	s9 =	sor.u32 $0xD0000000, s2;
	s6 =	simm.s32 $0x108;
	_ =	swait.ge @!p0 [sflag:s8], $0x0  }
0x24: {  	s3 =	sadd.s32 $0x88, s3;
	s6 =	simm.s32 @!p1 $0x1082;
	[sflag:s4] =	ssyncset.s32 $0xFFFFF086  }
0x25: {  	[simem:s6], [sflag:s4] =	dma.local [hbm:s3], $0xF7A  }
0x26: {  	[smem:$0x3F9B] =	sst s1;
	(tag) =	ssettag s2;
	_ =	strace s9  }
0x27: {  	s1 =	sld [smem:$0x3FAB]  }
0x28: {  	s2 =	sld [smem:$0x3FAC]  }
0x29: {  	s4 =	sld [smem:$0x3FAE]  }
0x2a: {  	p0 =	seq.s32 s5, $0x0;
	s5 =	sld [smem:$0x3FAF]  }
0x2b: {  	s6 =	sld [smem:$0x3FB0]  }
0x2c: {  	s7 =	sld [smem:$0x3FB1]  }
0x2d: {  	s3 =	simm.s32 $0x108;
	s8 =	sld [smem:$0x3FB2]  }
0x2e: {  	s3 =	simm.s32 @!p0 $0x1082;
	s9 =	sld [smem:$0x3FB3]  }
0x2f: {  	lr =	sadd.s32 s0, s3;
	s0 =	sld [smem:$0x3FAA]  }
0x30: {  	s3 =	sld [smem:$0x3FAD]  }
0x31: {  	[smem:$0x3FB6] =	sst s10  }
0x32: {  	s10 =	sld [smem:$0x3FB4];
	_ =	sdelay $0x3  }
0x33: {  	p0 =	seq.s32 s10, $0x1;
	s10 =	sld [smem:$0x3FB6];
	_ =	sdelay $0x3  }
0x34: {  	[smem:$0x3FB6] =	sst s10  }
0x35: {  	s10 =	sld [smem:$0x3FB5];
	_ =	sdelay $0x3  }
0x36: {  	p1 =	seq.s32 s10, $0x1;
	s10 =	sld [smem:$0x3FB6];
	_ =	sdelay $0x3  }
0x37: {  	[smem:$0x3FB6] =	sst s10  }
0x38: {  	s10 =	sld [smem:$0x3FB7]  }
0x39: {  	_ = 	snop;
	(pc) =	sbr.ind lr, $3  }
0x3a: {  	_ = 	snop  }
0x3b: {  	_ = 	snop  }
0x3c: {  	p2 =	seq.s32 s10, $0x1;
	s10 =	sld [smem:$0x3FB6]  }
0x3d: {  	_ =	shalt  }
0x3e: {  	_ =	shalt  }
0x3f: {  	_ =	shalt  }
0x40: {  	_ =	shalt  }
0x41: {  	_ =	shalt  }
0x42: {  	_ =	shalt  }
0x43: {  	_ =	shalt  }
0x44: {  	_ =	shalt  }
0x45: {  	_ =	shalt  }
0x46: {  	_ =	shalt  }
0x47: {  	_ =	shalt  }
0x48: {  	_ =	shalt  }
0x49: {  	_ =	shalt  }
0x4a: {  	_ =	shalt  }
0x4b: {  	_ =	shalt  }
0x4c: {  	_ =	shalt  }
0x4d: {  	_ =	shalt  }
0x4e: {  	_ =	shalt  }
0x4f: {  	_ =	shalt  }
0x50: {  	_ =	shalt  }
0x51: {  	_ =	shalt  }
0x52: {  	_ =	shalt  }
0x53: {  	_ =	shalt  }
0x54: {  	_ =	shalt  }
0x55: {  	_ =	shalt  }
0x56: {  	_ =	shalt  }
0x57: {  	_ =	shalt  }
0x58: {  	_ =	shalt  }
0x59: {  	_ =	shalt  }
0x5a: {  	_ =	shalt  }
0x5b: {  	_ =	shalt  }
0x5c: {  	_ =	shalt  }
0x5d: {  	_ =	shalt  }
0x5e: {  	_ =	shalt  }
0x5f: {  	_ =	shalt  }
0x60: {  	_ =	shalt  }
0x61: {  	_ =	shalt  }
0x62: {  	_ =	shalt  }
0x63: {  	_ =	shalt  }
0x64: {  	_ =	shalt  }
0x65: {  	_ =	shalt  }
0x66: {  	_ =	shalt  }
0x67: {  	_ =	shalt  }
0x68: {  	_ =	shalt  }
0x69: {  	_ =	shalt  }
0x6a: {  	_ =	shalt  }
0x6b: {  	_ =	shalt  }
0x6c: {  	_ =	shalt  }
0x6d: {  	_ =	shalt  }
0x6e: {  	_ =	shalt  }
0x6f: {  	_ =	shalt  }
0x70: {  	_ =	shalt  }
0x71: {  	_ =	shalt  }
0x72: {  	_ =	shalt  }
0x73: {  	_ =	shalt  }
0x74: {  	_ =	shalt  }
0x75: {  	_ =	shalt  }
0x76: {  	_ =	shalt  }
0x77: {  	_ =	shalt  }
0x78: {  	_ =	shalt  }
0x79: {  	_ =	shalt  }
0x7a: {  	_ =	shalt  }
0x7b: {  	_ =	shalt  }
0x7c: {  	_ =	shalt  }
0x7d: {  	_ =	shalt  }
0x7e: {  	_ =	shalt  }
0x7f: {  	_ =	shalt  }
0x80: {  	_ =	shalt  }
0x81: {  	_ =	shalt  }
0x82: {  	_ =	shalt  }
0x83: {  	_ =	shalt  }
0x84: {  	_ =	shalt  }
0x85: {  	_ =	shalt  }
0x86: {  	_ =	shalt  }
0x87: {  	_ =	shalt  }
.Lfunc_end0:
.L_simem_size_0:
called_computation_lowered:
.L_overlay_start_0:
0x88: {  	s2 =	sld [smem:$0x3FD9]  }
0x89: {  	s3 =	sld [smem:$0x3FFE];
	_ =	sdelay $0x1  }
0x8a: {  	s1 =	srdreg.scid  }
0x8b: {  	s0 =	sand.u32 $0x1, s1  }
0x8c: {  	s16 =	sshll.u32 s0, $0xA;
	s2 =	sadd.s32 s3, s2  }
0x8d: {  	s2 =	sadd.s32 s2, s16  }
0x8e: {  	[smem:$0x3FC2] =	sst s2  }
0x8f: {  	_ = 	snop  }
0x90: {  	(tm) =	ssettm $0x1  }
0x91: {  	s17 =	sld [smem:$0x3FFB];
	_ =	sdelay $0x3  }
0x92: {  	_ =	strace s17  }
0x93: {  	s2 =	sld [smem:$0x3FFC];
	_ =	sdelay $0x3  }
0x94: {  	_ =	strace s2  }
0x95: {  	s2 =	sld [smem:$0x3FFD];
	_ =	sdelay $0x3  }
0x96: {  	_ =	strace s2  }
0x97: {  	_ =	strace $0x8FFFFFFF  }
0x98: {  	s18 =	sld [smem:$0x3FDB];
	_ =	sdelay $0x1  }
0x99: {  	s19 =	simm.s32 $_scs_section_size  }
0x9a: {  	s4 =	simm.s32 $_size__tile_overlayer_lowered;
	s5 =	simm.s32 $_tile_overlayer_lowered  }
0x9b: {  	s22 =	simm.s32 $0x1BFF;
	s21 =	sshll.u32 s5, $0x1;
	s2 =	sadd.s32 s19, s18  }
0x9c: {  	s6 =	simm.s32 $0x0;
	s20 =	sshll.u32 s4, $0x1;
	s4 =	sadd.s32 s21, s2  }
0x9d: {  	[timem:s6], [sflag:s22] =	dma.local [hbm:s4], s20  }
0x9e: {  	_ =	swait.ge [sflag:s22], s20  }
0x9f: {  	s3 =	ssub.s32 $0x0, s20;
	[sflag:s22] =	ssyncset.done $0x0  }
0xa0: {  	[sflag:s22] =	ssyncadd.s32 s3;
	_ =	sdelay $0x1  }
0xa1: {  	s23 =	simm.s32 $0x1B8B  }
0xa2: {  	_ =	swait.ge [sflag:s23], $0x1  }
0xa3: {  	[sflag:s23] =	ssyncset.done $0x0  }
0xa4: {  	s25 =	simm.s32 $0x1B8E;
	s24 =	sld [smem:$0x3FFE];
	[sflag:s23] =	ssyncadd.s32 $0xFFFFFFFF  }
0xa5: {  	s26 =	simm.s32 $execute0_lowered;
	[smem:$0x3FD2] =	sst s25  }
0xa6: {  	s4 =	sshll.u32 s26, $0x1;
	_ =	strace $0x80000046;
	[dreg:$0x1] =	wrdreg $0xFFFFFFFF  }
0xa7: {  	s28 =	simm.s32 $_size_execute0_lowered;
	s2 =	sadd.s32 s2, s4;
	[dreg:$0x0] =	wrdreg $0x0  }
0xa8: {  	s4 =	sshll.u32 s28, $0x1;
	[dreg:$0x2] =	wrdreg s2  }
0xa9: {  	[dreg:$0x3] =	wrdreg s4  }
0xaa: {  	[dreg:$0x4] =	wrdreg $0xC0  }
0xab: {  	_ =	task [dreg:s6], $0x5FFFF  }
0xac: {  	[dreg:$0x1] =	wrdreg $0xFFFFFFFF  }
0xad: {  	[dreg:$0x0] =	wrdreg $0x60  }
0xae: {  	[dreg:$0x2] =	wrdreg s24  }
0xaf: {  	[dreg:$0x3] =	wrdreg $0x7F000  }
0xb0: {  	[dreg:$0x4] =	wrdreg $0x9  }
0xb1: {  	_ =	task.clear_ibuf [dreg:s6], $0x5FFFF;
	_ =	strace $0x90000046  }
0xb2: {  	s29 =	simm.s32 $0x9;
	_ =	strace $0x80000048  }
0xb3: {  	_ =	swait.ge [sflag:s29], $0x1  }
0xb4: {  	[sflag:s29] =	ssyncadd.s32 $0xFFFFFFFF  }
0xb5: {  	_ =	strace $0x90000048  }
0xb6: {  	_ =	sfence  }
0xb7: {  	s30 =	sld [smem:$0x0];
	_ =	sdelay $0x2  }
0xb8: {  	s31 =	sshll.u32 s1, $0xD;
	s1 =	sshrl.u32 s1, $0x2  }
0xb9: {  	s3 =	sand.u32 $0x4000, s31;
	s1 =	sadd.s32 s1, s30  }
0xba: {  	s0 =	sor.u32 s3, s0;
	s1 =	sshll.u32 s1, $0x11  }
0xbb: {  	s0 =	sor.u32 s1, s0  }
0xbc: {  	s0 =	sadd.s32 $0x8F2B, s0  }
0xbd: {  	[sflag:s0] =	ssyncadd.remote.s32 $0x1  }
0xbe: {  	_ =	sfence.sel $0xFFFF  }
0xbf: {  	[dreg:$0x0] =	wrdreg $0xFFFFFFFF;
	(pc) =	sbr.abs _section_cstart, $3  }
0xc0: {  	[dreg:$0x1] =	wrdreg $0xFFFFFFFF  }
0xc1: {  	_ =	task.clear_ibuf [dreg:s6], $0x2FFFF;
	_ =	strace $0x9FFFFFFF  }
0xc2: {  	(tm) =	ssettm $0x7FFFFFFF  }
0xc3: {  	_ =	shalt  }
tec
execute0_lowered:
.L_overlay_start_1:
0x0: {  	(tag) =	ssettag $0x1  }
0x1: {  	s1 =	srdreg.scid  }
0x2: {  	s1 =	sand.u32 $0x1, s1  }
0x3: {  	p0 =	seq.s32 s1, $0x1  }
.Ltmp0:
0x4: {  	_ = 	snop;
	(pc) =	sbr.rel @p0 .LBB2_9-.Ltmp0, $4  }
0x5: {  	s2 =	rddreg [dreg:$0x0]  }
0x6: {  	s3 =	rddreg [dreg:$0x1];
	s4 =	simm.s32 $0x0  }
0x7: {  	[smem:$0x7FF] =	sst s4  }
0x8: {  	s0 =	rddreg [dreg:$0x2];
	_ =	strace $0x80000047;
	s1 =	stileid.u32  }
0x9: {  	s5 =	sshrl.u32 s1, $0x3  }
0xa: {  	s6 =	sshll.u32 s1, $0x7;
	s5 =	smul.u32 $0x27400, s5  }
0xb: {  	s7 =	sand.u32 $0x380, s6  }
0xc: {  	s5 =	sor.u32 s7, s5  }
0xd: {  	s26 =	sadd.s32 $0x3C00, s2;
	s28 =	simm.s32 $0x80;
	s5 =	sshrl.u32 s5, $0x3  }
0xe: {  	s8 =	simm.s32 $0x400;
	s29 =	simm.s32 $0x1;
	s5 =	sadd.s32 s26, s5  }
0xf: {  	[tilespmem:s4], [sflag:$0x1] =	stream.strided.gather [hbm4b:s5+s28], $0x4E80, s8, s28, $0x38;
	[tilespmem:$0x8180] =	vst v63  }
0x10: {  	s31 =	sshll.u32 s1, $0xA;
	s30 =	sadd.s32 s6, s2;
	_ =	swait.ge [sflag:s29], $0x4E80  }
0x11: {  	s6 =	simm.s32 $0x200;
	s2 =	sadd.s32 $0xDA00, s30;
	[sflag:s29] =	ssyncset.done $0x0  }
0x12: {  	v0 =	vimm.f32 $0.0e+00;
	s4 =	sadd.s32 s31, s3;
	s5 =	simm.s32 $0x0;
	[sflag:s29] =	ssyncadd.s32 $0xFFFFB180  }
.LBB2_2:
0x13: {  	p0 =	sne.s32 s6, $0x9E00;
	[tilespmem:s5+$0x4EF0] =	vst v0  }
0x14: {  	[tilespmem:s5+$0x4E80] =	vst v0  }
0x15: {  	[tilespmem:s5+$0x4E90] =	vst v0  }
.Ltmp1:
0x16: {  	[tilespmem:s5+$0x4EA0] =	vst v0;
	(pc) =	sbr.rel @p0 .LBB2_2-.Ltmp1, $4  }
0x17: {  	[tilespmem:s5+$0x4EB0] =	vst v0  }
0x18: {  	[tilespmem:s5+$0x4EC0] =	vst v0  }
0x19: {  	[tilespmem:s5+$0x4ED0] =	vst v0  }
0x1a: {  	[tilespmem:s5+$0x4EE0] =	vst v0;
	s5 =	sshra.s32 s6, $0x2;
	s6 =	sadd.s32 $0x200, s6  }
0x1b: {  	[tilespmem:s5+$0x4EF0] =	vst v0  }
0x1c: {  	[tilespmem:s5+$0x4E80] =	vst v0  }
0x1d: {  	[tilespmem:s5+$0x4E90] =	vst v0  }
0x1e: {  	[tilespmem:s5+$0x4EA0] =	vst v0  }
0x1f: {  	[tilespmem:s5+$0x4EB0] =	vst v0  }
0x20: {  	[tilespmem:s5+$0x4EC0] =	vst v0  }
0x21: {  	[tilespmem:s5+$0x4ED0] =	vst v0  }
0x22: {  	[tilespmem:s5+$0x4EE0] =	vst v0;
	v61 =	vlaneseq.u32;
	p0 =	sgt.u32 s1, $0x9  }
.Ltmp2:
0x23: {  	[tilespmem:$0x7E80] =	vst v61;
	v1 =	vor.u32 $0x10, v61;
	(pc) =	sbr.rel @p0 .LBB2_5-.Ltmp2, $4  }
0x24: {  	v62 =	vor.u32 $0x20, v61;
	[tilespmem:$0x7E90] =	vst v1  }
0x25: {  	v63 =	vor.u32 $0x30, v61;
	[tilespmem:$0x7EA0] =	vst v62  }
0x26: {  	v0 =	vor.u32 $0x40, v61;
	[tilespmem:$0x7EB0] =	vst v63  }
0x27: {  	[tilespmem:$0x7EC0] =	vst v0  }
0x28: {  	v0 =	vimm.f32 $0.0e+00  }
0x29: {  	[tilespmem:$0x7680] =	vst v0  }
0x2a: {  	[tilespmem:$0x7690] =	vst v0  }
0x2b: {  	[tilespmem:$0x76A0] =	vst v0  }
0x2c: {  	[tilespmem:$0x76B0] =	vst v0  }
0x2d: {  	[tilespmem:$0x76C0] =	vst v0  }
0x2e: {  	[tilespmem:$0x76D0] =	vst v0  }
0x2f: {  	[tilespmem:$0x76E0] =	vst v0  }
0x30: {  	[tilespmem:$0x76F0] =	vst v0  }
0x31: {  	[tilespmem:$0x7700] =	vst v0  }
0x32: {  	[tilespmem:$0x7710] =	vst v0  }
0x33: {  	[tilespmem:$0x7720] =	vst v0  }
0x34: {  	[tilespmem:$0x7730] =	vst v0  }
0x35: {  	[tilespmem:$0x7740] =	vst v0  }
0x36: {  	[tilespmem:$0x7750] =	vst v0  }
0x37: {  	[tilespmem:$0x7760] =	vst v0  }
0x38: {  	[tilespmem:$0x7770] =	vst v0  }
0x39: {  	[tilespmem:$0x7780] =	vst v0  }
0x3a: {  	[tilespmem:$0x7790] =	vst v0  }
0x3b: {  	[tilespmem:$0x77A0] =	vst v0  }
0x3c: {  	[tilespmem:$0x77B0] =	vst v0  }
0x3d: {  	[tilespmem:$0x77C0] =	vst v0  }
0x3e: {  	[tilespmem:$0x77D0] =	vst v0  }
0x3f: {  	[tilespmem:$0x77E0] =	vst v0  }
0x40: {  	[tilespmem:$0x77F0] =	vst v0  }
0x41: {  	[tilespmem:$0x7800] =	vst v0  }
0x42: {  	[tilespmem:$0x7810] =	vst v0  }
0x43: {  	[tilespmem:$0x7820] =	vst v0  }
0x44: {  	[tilespmem:$0x7830] =	vst v0  }
0x45: {  	[tilespmem:$0x7840] =	vst v0  }
0x46: {  	[tilespmem:$0x7850] =	vst v0  }
0x47: {  	[tilespmem:$0x7860] =	vst v0  }
0x48: {  	[tilespmem:$0x7870] =	vst v0  }
0x49: {  	[tilespmem:$0x7880] =	vst v0  }
0x4a: {  	[tilespmem:$0x7890] =	vst v0  }
0x4b: {  	[tilespmem:$0x78A0] =	vst v0  }
0x4c: {  	[tilespmem:$0x78B0] =	vst v0  }
0x4d: {  	[tilespmem:$0x78C0] =	vst v0  }
0x4e: {  	[tilespmem:$0x78D0] =	vst v0  }
0x4f: {  	[tilespmem:$0x78E0] =	vst v0  }
0x50: {  	[tilespmem:$0x78F0] =	vst v0  }
0x51: {  	[tilespmem:$0x7900] =	vst v0  }
0x52: {  	[tilespmem:$0x7910] =	vst v0  }
0x53: {  	[tilespmem:$0x7920] =	vst v0  }
0x54: {  	[tilespmem:$0x7930] =	vst v0  }
0x55: {  	[tilespmem:$0x7940] =	vst v0  }
0x56: {  	[tilespmem:$0x7950] =	vst v0  }
0x57: {  	[tilespmem:$0x7960] =	vst v0  }
0x58: {  	[tilespmem:$0x7970] =	vst v0  }
0x59: {  	[tilespmem:$0x7980] =	vst v0  }
0x5a: {  	[tilespmem:$0x7990] =	vst v0  }
0x5b: {  	[tilespmem:$0x79A0] =	vst v0  }
0x5c: {  	[tilespmem:$0x79B0] =	vst v0  }
0x5d: {  	[tilespmem:$0x79C0] =	vst v0  }
0x5e: {  	[tilespmem:$0x79D0] =	vst v0  }
0x5f: {  	[tilespmem:$0x79E0] =	vst v0  }
0x60: {  	[tilespmem:$0x79F0] =	vst v0  }
0x61: {  	[tilespmem:$0x7A00] =	vst v0  }
0x62: {  	[tilespmem:$0x7A10] =	vst v0  }
0x63: {  	[tilespmem:$0x7A20] =	vst v0  }
0x64: {  	[tilespmem:$0x7A30] =	vst v0  }
0x65: {  	[tilespmem:$0x7A40] =	vst v0  }
0x66: {  	[tilespmem:$0x7A50] =	vst v0  }
0x67: {  	[tilespmem:$0x7A60] =	vst v0  }
0x68: {  	s5 =	simm.s32 $0x7680;
	s31 =	simm.s32 $0x1;
	[tilespmem:$0x7A70] =	vst v0  }
0x69: {  	[spmem:s4] =	stream.linear.scatter [tilespmem:s5], [sflag:$0x1], $0x400, $0x38;
	[tilespmem:$0x8180] =	vst v63  }
0x6a: {  	_ =	swait.ge [sflag:s31], $0x400  }
0x6b: {  	[sflag:s31] =	ssyncset.done $0x0  }
0x6c: {  	[sflag:s31] =	ssyncadd.s32 $0xFFFFFC00  }
.LBB2_5:
0x6d: {  	[bflag:$0x0] =	sbarrier.arrive $0xFFFF  }
0x6e: {  	v0 =	vimm.f32 $1.000000000e+00;
	s5 =	simm.s32 $0x4E80;
	s7 =	simm.s32 $0x0;
	s6 =	simm.s32 $0x40  }
.LBB2_6:
0x6f: {  	p1 =	sne.s32 s6, $0x13840;
	v1 =	vld [tilespmem:s7+$0x0];
	_ =	sdelay $0x3  }
.Ltmp3:
0x70: {  	(pc) =	sbr.rel @p1 .LBB2_6-.Ltmp3, $2  }
0x71: {  	_ =	sdelay $0x2  }
0x72: {  	s7 =	sshra.s32 s6, $0x2;
	s6 =	sadd.s32 $0x40, s6;
	[tilespmem:v1+s5+$0x0] =	vst.idx.add.f32.msk $0xffff, v0  }
0x73: {  	v1 =	vld [tilespmem:s7+$0x0];
	_ =	sdelay $0x7  }
0x74: {  	s30 =	simm.s32 $0x50;
	s6 =	simm.s32 $0x7E80;
	s31 =	simm.s32 $0x4E80;
	[tilespmem:v1+s5+$0x0] =	vst.idx.add.f32.msk $0xffff, v0  }
0x75: {  	[spmem:s3] =	stream.indirect.scatter.add.f32 [tilespmem:s31], [sflag:$0x1], $0x80, s6, s30, $0xb8;
	[tilespmem:$0x8180] =	vst v63  }
0x76: {  	s3 =	simm.s32 $0x1  }
.Ltmp4:
0x77: {  	_ =	swait.ge [sflag:s3], $0x2800;
	(pc) =	sbr.rel @p0 .LBB2_9-.Ltmp4, $3  }
0x78: {  	[sflag:s3] =	ssyncset.done $0x0  }
0x79: {  	[sflag:s3] =	ssyncadd.s32 $0xFFFFD800  }
0x7a: {  	[bflag:$0x0] =	sbarrier.arrive $0xFFFF;
	_ =	sdelay $0x1  }
0x7b: {  	s5 =	simm.s32 $0x7680  }
0x7c: {  	[tilespmem:s5], [sflag:$0x1] =	stream.linear.gather [spmem:s4], $0x400, $0x38;
	[tilespmem:$0x8180] =	vst v63  }
0x7d: {  	_ =	swait.ge [sflag:s3], $0x400  }
0x7e: {  	[sflag:s3] =	ssyncset.done $0x0  }
0x7f: {  	[sflag:s3] =	ssyncadd.s32 $0xFFFFFC00  }
0x80: {  	v0 =	vld [tilespmem:$0x7680]  }
0x81: {  	v1 =	vld [tilespmem:$0x7690];
	_ =	sdelay $0x2  }
0x82: {  	v6 =	vld [tilespmem:$0x76A0]  }
0x83: {  	v7 =	vld [tilespmem:$0x76B0];
	v0 =	vadd.f32 $1.000000000e+00, v0  }
0x84: {  	v10 =	vld [tilespmem:$0x76C0];
	v1 =	vadd.f32 $1.000000000e+00, v1  }
0x85: {  	v11 =	vld [tilespmem:$0x76D0];
	v2 =	vshra.s32 v0, $0x1;
	v0 =	vmul.f32 $5.000000000e-01, v0  }
0x86: {  	v44 =	vld [tilespmem:$0x76E0];
	v4 =	vshra.s32 v1, $0x1;
	v1 =	vmul.f32 $5.000000000e-01, v1;
	v2 =	vsub.s32 $0x5F3759DF, v2  }
0x87: {  	v51 =	vld [tilespmem:$0x76F0];
	v4 =	vsub.s32 $0x5F3759DF, v4;
	v3 =	vmul.f32 v2, v0  }
0x88: {  	v60 =	vld [tilespmem:$0x7710];
	v5 =	vmul.f32 v4, v1  }
0x89: {  	v6 =	vadd.f32 $1.000000000e+00, v6;
	v3 =	vmul.f32 v2, v3  }
0x8a: {  	v7 =	vadd.f32 $1.000000000e+00, v7;
	v36 =	vadd.f32 $1.000000000e+00, v10;
	v5 =	vmul.f32 v4, v5  }
0x8b: {  	v11 =	vadd.f32 $1.000000000e+00, v11;
	v3 =	vsub.f32 $1.500000000e+00, v3  }
0x8c: {  	v50 =	vadd.f32 $1.000000000e+00, v44;
	v29 =	vsub.f32 $1.500000000e+00, v5  }
0x8d: {  	v56 =	vld [tilespmem:$0x7700];
	v58 =	vadd.f32 $1.000000000e+00, v51;
	v27 =	vadd.f32 $1.000000000e+00, v60;
	v2 =	vmul.f32 v2, v3  }
0x8e: {  	v32 =	vshra.s32 v6, $0x1;
	v6 =	vmul.f32 $5.000000000e-01, v6;
	v3 =	vmul.f32 v4, v29  }
0x8f: {  	v34 =	vshra.s32 v7, $0x1;
	v7 =	vmul.f32 $5.000000000e-01, v7;
	v30 =	vmul.f32 v2, v0  }
0x90: {  	v38 =	vshra.s32 v11, $0x1;
	v11 =	vmul.f32 $5.000000000e-01, v11;
	v8 =	vmul.f32 v3, v1  }
0x91: {  	v61 =	vmul.f32 $5.000000000e-01, v58;
	v5 =	vsub.s32 $0x5F3759DF, v32;
	v31 =	vmul.f32 v30, v2  }
0x92: {  	v24 =	vadd.f32 $1.000000000e+00, v56;
	v9 =	vmul.f32 v5, v6;
	v8 =	vmul.f32 v8, v3  }
0x93: {  	v18 =	vshra.s32 v27, $0x1;
	v19 =	vmul.f32 $5.000000000e-01, v27;
	v4 =	vsub.f32 $1.500000000e+00, v31  }
0x94: {  	v33 =	vmul.f32 v5, v9;
	v9 =	vsub.s32 $0x5F3759DF, v34;
	v8 =	vsub.f32 $1.500000000e+00, v8  }
0x95: {  	v18 =	vsub.s32 $0x5F3759DF, v18;
	v35 =	vmul.f32 v9, v7;
	v2 =	vmul.f32 v4, v2  }
0x96: {  	v29 =	vmul.f32 v18, v19;
	v4 =	vsub.f32 $1.500000000e+00, v33;
	v3 =	vmul.f32 v8, v3  }
0x97: {  	v12 =	vshra.s32 v36, $0x1;
	v8 =	vmul.f32 v9, v35;
	v0 =	vmul.f32 v2, v0  }
0x98: {  	v12 =	vsub.s32 $0x5F3759DF, v12;
	v4 =	vmul.f32 v5, v4;
	v5 =	vmul.f32 $5.000000000e-01, v36  }
0x99: {  	v1 =	vmul.f32 v3, v1;
	v8 =	vsub.f32 $1.500000000e+00, v8;
	v0 =	vmul.f32 v0, v2  }
0x9a: {  	v52 =	vshra.s32 v50, $0x1;
	v37 =	vmul.f32 v4, v6;
	v13 =	vmul.f32 v12, v5  }
0x9b: {  	v8 =	vmul.f32 v9, v8;
	v9 =	vsub.s32 $0x5F3759DF, v38;
	v1 =	vmul.f32 v1, v3  }
0x9c: {  	v55 =	vsub.s32 $0x5F3759DF, v52;
	v15 =	vmul.f32 v9, v11;
	v10 =	vmul.f32 v37, v4  }
0x9d: {  	v13 =	vmul.f32 v12, v13;
	v14 =	vmul.f32 v8, v7;
	v0 =	vsub.f32 $1.500000000e+00, v0  }
0x9e: {  	v1 =	vsub.f32 $1.500000000e+00, v1;
	v41 =	vmul.f32 v9, v15;
	v10 =	vsub.f32 $1.500000000e+00, v10  }
0x9f: {  	v39 =	vsub.f32 $1.500000000e+00, v13;
	v40 =	vmul.f32 v14, v8;
	v0 =	vmul.f32 v0, v2  }
0xa0: {  	v1 =	vmul.f32 v1, v3;
	v13 =	vmul.f32 $5.000000000e-01, v50;
	v43 =	vsub.f32 $1.500000000e+00, v41  }
0xa1: {  	v4 =	vmul.f32 v10, v4;
	v10 =	vmul.f32 v12, v39;
	v42 =	vsub.f32 $1.500000000e+00, v40  }
0xa2: {  	v57 =	vmul.f32 v55, v13;
	v12 =	vshra.s32 v58, $0x1;
	v9 =	vmul.f32 v9, v43  }
0xa3: {  	v63 =	vsub.s32 $0x5F3759DF, v12;
	v12 =	vmul.f32 $5.000000000e-01, v24;
	v6 =	vmul.f32 v4, v6  }
0xa4: {  	v26 =	vshra.s32 v24, $0x1;
	v45 =	vmul.f32 v10, v5;
	v8 =	vmul.f32 v42, v8  }
0xa5: {  	v16 =	vsub.s32 $0x5F3759DF, v26;
	v59 =	vmul.f32 v55, v57;
	v25 =	vmul.f32 v63, v61  }
0xa6: {  	v49 =	vmul.f32 v9, v11;
	v17 =	vmul.f32 v16, v12  }
0xa7: {  	v6 =	vmul.f32 v6, v4;
	v47 =	vmul.f32 v45, v10  }
0xa8: {  	v48 =	vmul.f32 v8, v7;
	v62 =	vsub.f32 $1.500000000e+00, v59;
	v7 =	vmul.f32 v49, v9  }
0xa9: {  	v20 =	vld [tilespmem:$0x7720];
	v14 =	vmul.f32 v63, v25;
	v17 =	vmul.f32 v16, v17;
	v46 =	vsub.f32 $1.500000000e+00, v6  }
0xaa: {  	v35 =	vld [tilespmem:$0x7730];
	v3 =	vsub.f32 $1.500000000e+00, v47;
	v6 =	vmul.f32 v48, v8;
	v54 =	vsub.f32 $1.500000000e+00, v7  }
0xab: {  	v7 =	vmul.f32 v55, v62;
	v31 =	vsub.f32 $1.500000000e+00, v17;
	v2 =	vmul.f32 v46, v4  }
0xac: {  	v10 =	vmul.f32 v3, v10;
	v53 =	vsub.f32 $1.500000000e+00, v6;
	v6 =	vmul.f32 v54, v9  }
0xad: {  	v14 =	vsub.f32 $1.500000000e+00, v14;
	v28 =	vmul.f32 v7, v13;
	v33 =	vmul.f32 v16, v31  }
0xae: {  	v34 =	vadd.f32 $1.000000000e+00, v20;
	v5 =	vmul.f32 v10, v5;
	v3 =	vmul.f32 v53, v8  }
0xaf: {  	v16 =	vadd.f32 $1.000000000e+00, v35;
	v8 =	vmul.f32 v63, v14;
	v14 =	vmul.f32 v18, v29  }
0xb0: {  	v39 =	vshra.s32 v34, $0x1;
	v11 =	vmul.f32 v6, v11;
	v9 =	vmul.f32 v28, v7  }
0xb1: {  	v38 =	vmul.f32 v33, v12;
	v45 =	vshra.s32 v16, $0x1;
	v16 =	vmul.f32 $5.000000000e-01, v16  }
0xb2: {  	v17 =	vsub.s32 $0x5F3759DF, v39;
	v5 =	vmul.f32 v5, v10;
	v32 =	vmul.f32 v8, v61  }
0xb3: {  	v47 =	vsub.s32 $0x5F3759DF, v45;
	v11 =	vmul.f32 v11, v6;
	v9 =	vsub.f32 $1.500000000e+00, v9  }
0xb4: {  	v37 =	vsub.f32 $1.500000000e+00, v14;
	v14 =	vmul.f32 v38, v33;
	v20 =	vmul.f32 v47, v16  }
0xb5: {  	v5 =	vsub.f32 $1.500000000e+00, v5;
	v36 =	vmul.f32 v32, v8;
	v7 =	vmul.f32 v9, v7  }
0xb6: {  	v22 =	vld [tilespmem:$0x7750];
	v30 =	vsub.f32 $1.500000000e+00, v11;
	v11 =	vmul.f32 v18, v37;
	v48 =	vmul.f32 v47, v20  }
0xb7: {  	v26 =	vld [tilespmem:$0x7780];
	v42 =	vsub.f32 $1.500000000e+00, v14;
	v4 =	vmul.f32 v5, v10;
	v10 =	vmul.f32 $5.000000000e-01, v34  }
0xb8: {  	v9 =	vsub.f32 $1.500000000e+00, v36;
	v5 =	vmul.f32 v30, v6;
	v13 =	vmul.f32 v7, v13  }
0xb9: {  	v41 =	vmul.f32 v11, v19;
	v40 =	vmul.f32 v17, v10  }
0xba: {  	v21 =	vsub.f32 $1.500000000e+00, v48;
	v8 =	vmul.f32 v9, v8;
	v9 =	vmul.f32 v42, v33  }
0xbb: {  	v58 =	vadd.f32 $1.000000000e+00, v22;
	v49 =	vld [tilespmem:$0x7740];
	v13 =	vmul.f32 v13, v7;
	v44 =	vmul.f32 v41, v11  }
0xbc: {  	v14 =	vmul.f32 v47, v21;
	v47 =	vadd.f32 $1.000000000e+00, v26;
	v43 =	vmul.f32 v17, v40  }
0xbd: {  	v15 =	vmul.f32 v8, v61;
	v12 =	vmul.f32 v9, v12;
	v18 =	vsub.f32 $1.500000000e+00, v44  }
0xbe: {  	v13 =	vsub.f32 $1.500000000e+00, v13;
	v56 =	vmul.f32 v14, v16;
	v21 =	vmul.f32 $5.000000000e-01, v47  }
0xbf: {  	v46 =	vsub.f32 $1.500000000e+00, v43;
	v15 =	vmul.f32 v15, v8;
	v12 =	vmul.f32 v12, v9  }
0xc0: {  	v54 =	vld [tilespmem:$0x7760];
	v11 =	vmul.f32 v18, v11;
	v6 =	vmul.f32 v13, v7;
	v18 =	vadd.f32 $1.000000000e+00, v49  }
0xc1: {  	v24 =	vld [tilespmem:$0x7770];
	v17 =	vmul.f32 v17, v46;
	v51 =	vsub.f32 $1.500000000e+00, v15;
	v12 =	vsub.f32 $1.500000000e+00, v12  }
0xc2: {  	v19 =	vmul.f32 v11, v19;
	v57 =	vshra.s32 v18, $0x1;
	v18 =	vmul.f32 $5.000000000e-01, v18  }
0xc3: {  	v50 =	vmul.f32 v17, v10;
	v8 =	vmul.f32 v51, v8  }
0xc4: {  	v59 =	vshra.s32 v58, $0x1;
	v7 =	vmul.f32 v12, v9;
	v12 =	vmul.f32 v56, v14  }
0xc5: {  	v15 =	vsub.s32 $0x5F3759DF, v57;
	v53 =	vmul.f32 v19, v11;
	v19 =	vadd.f32 $1.000000000e+00, v54  }
0xc6: {  	v32 =	vadd.f32 $1.000000000e+00, v24;
	v60 =	vmul.f32 v15, v18;
	v52 =	vmul.f32 v50, v17  }
0xc7: {  	v12 =	vsub.f32 $1.500000000e+00, v12;
	v23 =	vshra.s32 v19, $0x1;
	v19 =	vmul.f32 $5.000000000e-01, v19  }
0xc8: {  	v62 =	vmul.f32 v15, v60;
	v13 =	vsub.f32 $1.500000000e+00, v52;
	v63 =	vsub.s32 $0x5F3759DF, v23  }
0xc9: {  	v55 =	vsub.f32 $1.500000000e+00, v53;
	v12 =	vmul.f32 v12, v14;
	v23 =	vmul.f32 v63, v19  }
0xca: {  	v40 =	vld [tilespmem:$0x7790];
	v28 =	vsub.f32 $1.500000000e+00, v62;
	v13 =	vmul.f32 v13, v17;
	v17 =	vmul.f32 $5.000000000e-01, v58  }
0xcb: {  	v20 =	vsub.s32 $0x5F3759DF, v59;
	v9 =	vmul.f32 v55, v11;
	v29 =	vmul.f32 v12, v16  }
0xcc: {  	v35 =	vshra.s32 v32, $0x1;
	v11 =	vmul.f32 v15, v28;
	v61 =	vmul.f32 v20, v17  }
0xcd: {  	v37 =	vsub.s32 $0x5F3759DF, v35;
	v15 =	vmul.f32 $5.000000000e-01, v32;
	v10 =	vmul.f32 v13, v10  }
0xce: {  	v49 =	vshra.s32 v47, $0x1;
	v31 =	vmul.f32 v63, v23;
	v22 =	vmul.f32 v20, v61  }
0xcf: {  	v48 =	vadd.f32 $1.000000000e+00, v40;
	v23 =	vmul.f32 v37, v15;
	v10 =	vmul.f32 v10, v13  }
0xd0: {  	v14 =	vmul.f32 v29, v12;
	v33 =	vsub.f32 $1.500000000e+00, v31;
	v30 =	vsub.f32 $1.500000000e+00, v22  }
0xd1: {  	v34 =	vmul.f32 v11, v18;
	v23 =	vmul.f32 v37, v23;
	v10 =	vsub.f32 $1.500000000e+00, v10  }
0xd2: {  	v14 =	vsub.f32 $1.500000000e+00, v14;
	v16 =	vmul.f32 v20, v30;
	v20 =	vmul.f32 v63, v33  }
0xd3: {  	v22 =	vmul.f32 v34, v11;
	v39 =	vsub.f32 $1.500000000e+00, v23;
	v10 =	vmul.f32 v10, v13  }
0xd4: {  	v52 =	vld [tilespmem:$0x77A0];
	v23 =	vsub.s32 $0x5F3759DF, v49;
	v36 =	vmul.f32 v16, v17;
	v25 =	vmul.f32 v20, v19  }
0xd5: {  	v22 =	vsub.f32 $1.500000000e+00, v22;
	v51 =	vmul.f32 v23, v21;
	v44 =	vmul.f32 v37, v39  }
0xd6: {  	v24 =	vmul.f32 v36, v16;
	v25 =	vmul.f32 v25, v20  }
0xd7: {  	v50 =	vshra.s32 v48, $0x1;
	v38 =	vmul.f32 v22, v11;
	v11 =	vmul.f32 v14, v12  }
0xd8: {  	v22 =	vmul.f32 $5.000000000e-01, v48;
	v24 =	vsub.f32 $1.500000000e+00, v24;
	v42 =	vsub.f32 $1.500000000e+00, v25  }
0xd9: {  	v57 =	vadd.f32 $1.000000000e+00, v52;
	v46 =	vmul.f32 v44, v15;
	v43 =	vmul.f32 v38, v18  }
0xda: {  	v41 =	vmul.f32 v24, v16;
	v20 =	vmul.f32 v42, v20;
	v24 =	vsub.s32 $0x5F3759DF, v50  }
0xdb: {  	v16 =	vmul.f32 v46, v44;
	v27 =	vmul.f32 v24, v22  }
0xdc: {  	v59 =	vshra.s32 v57, $0x1;
	v45 =	vmul.f32 v43, v38;
	v19 =	vmul.f32 v20, v19  }
0xdd: {  	v31 =	vld [tilespmem:$0x77C0];
	v17 =	vmul.f32 v41, v17;
	v16 =	vsub.f32 $1.500000000e+00, v16;
	v54 =	vmul.f32 v24, v27  }
0xde: {  	v53 =	vmul.f32 v23, v51;
	v14 =	vsub.f32 $1.500000000e+00, v45;
	v19 =	vmul.f32 v19, v20  }
0xdf: {  	v17 =	vmul.f32 v17, v41;
	v16 =	vmul.f32 v16, v44;
	v56 =	vsub.f32 $1.500000000e+00, v54  }
0xe0: {  	v58 =	vld [tilespmem:$0x77B0];
	v55 =	vsub.f32 $1.500000000e+00, v53;
	v14 =	vmul.f32 v14, v38;
	v19 =	vsub.f32 $1.500000000e+00, v19  }
0xe1: {  	v17 =	vsub.f32 $1.500000000e+00, v17;
	v15 =	vmul.f32 v16, v15;
	v18 =	vmul.f32 v24, v56  }
0xe2: {  	v27 =	vadd.f32 $1.000000000e+00, v31;
	v12 =	vmul.f32 v19, v20;
	v19 =	vmul.f32 $5.000000000e-01, v57  }
0xe3: {  	v13 =	vmul.f32 v17, v41;
	v17 =	vmul.f32 v23, v55;
	v23 =	vsub.s32 $0x5F3759DF, v59  }
0xe4: {  	v15 =	vmul.f32 v15, v16;
	v62 =	vmul.f32 v23, v19  }
0xe5: {  	v34 =	vshra.s32 v27, $0x1;
	v20 =	vadd.f32 $1.000000000e+00, v58;
	v60 =	vmul.f32 v17, v21  }
0xe6: {  	v38 =	vld [tilespmem:$0x77E0];
	v61 =	vmul.f32 v18, v22;
	v15 =	vsub.f32 $1.500000000e+00, v15;
	v29 =	vmul.f32 v23, v62  }
0xe7: {  	v33 =	vld [tilespmem:$0x77D0];
	v30 =	vshra.s32 v20, $0x1;
	v20 =	vmul.f32 $5.000000000e-01, v20;
	v63 =	vmul.f32 v60, v17  }
0xe8: {  	v28 =	vmul.f32 v61, v18;
	v26 =	vsub.s32 $0x5F3759DF, v30;
	v25 =	vsub.f32 $1.500000000e+00, v29  }
0xe9: {  	v15 =	vmul.f32 v15, v16;
	v32 =	vmul.f32 v26, v20;
	v16 =	vsub.f32 $1.500000000e+00, v63  }
0xea: {  	v27 =	vmul.f32 $5.000000000e-01, v27;
	v24 =	vsub.f32 $1.500000000e+00, v28;
	v23 =	vmul.f32 v23, v25  }
0xeb: {  	v43 =	vadd.f32 $1.000000000e+00, v38;
	v16 =	vmul.f32 v16, v17;
	v17 =	vmul.f32 v26, v32  }
0xec: {  	v18 =	vmul.f32 v24, v18;
	v24 =	vadd.f32 $1.000000000e+00, v33;
	v25 =	vmul.f32 v23, v19  }
0xed: {  	v31 =	vld [tilespmem:$0x7800];
	v46 =	vmul.f32 $5.000000000e-01, v43;
	v21 =	vmul.f32 v16, v21;
	v17 =	vsub.f32 $1.500000000e+00, v17  }
0xee: {  	v22 =	vmul.f32 v18, v22;
	v35 =	vshra.s32 v24, $0x1;
	v25 =	vmul.f32 v25, v23  }
0xef: {  	v21 =	vmul.f32 v21, v16;
	v17 =	vmul.f32 v26, v17;
	v26 =	vsub.s32 $0x5F3759DF, v34  }
0xf0: {  	v24 =	vmul.f32 $5.000000000e-01, v24;
	v34 =	vld [tilespmem:$0x7810];
	v29 =	vmul.f32 v26, v27;
	v25 =	vsub.f32 $1.500000000e+00, v25  }
0xf1: {  	v22 =	vmul.f32 v22, v18;
	v21 =	vsub.f32 $1.500000000e+00, v21;
	v28 =	vmul.f32 v17, v20  }
0xf2: {  	v54 =	vadd.f32 $1.000000000e+00, v31;
	v29 =	vmul.f32 v26, v29;
	v23 =	vmul.f32 v25, v23  }
0xf3: {  	v28 =	vmul.f32 v28, v17;
	v25 =	vsub.s32 $0x5F3759DF, v35;
	v16 =	vmul.f32 v21, v16  }
0xf4: {  	v41 =	vld [tilespmem:$0x77F0];
	v30 =	vmul.f32 v25, v24;
	v37 =	vsub.f32 $1.500000000e+00, v29;
	v29 =	vshra.s32 v43, $0x1  }
0xf5: {  	v58 =	vadd.f32 $1.000000000e+00, v34;
	v19 =	vmul.f32 v23, v19;
	v36 =	vsub.f32 $1.500000000e+00, v28  }
0xf6: {  	v48 =	vsub.s32 $0x5F3759DF, v29;
	v30 =	vmul.f32 v25, v30;
	v26 =	vmul.f32 v26, v37  }
0xf7: {  	v22 =	vsub.f32 $1.500000000e+00, v22;
	v29 =	vmul.f32 v48, v46;
	v31 =	vmul.f32 $5.000000000e-01, v58  }
0xf8: {  	v60 =	vshra.s32 v58, $0x1;
	v19 =	vmul.f32 v19, v23;
	v21 =	vmul.f32 v36, v17  }
0xf9: {  	v17 =	vmul.f32 v22, v18;
	v22 =	vadd.f32 $1.000000000e+00, v41;
	v40 =	vsub.f32 $1.500000000e+00, v30  }
0xfa: {  	v36 =	vld [tilespmem:$0x7820];
	v28 =	vmul.f32 v26, v27;
	v29 =	vmul.f32 v48, v29;
	v39 =	vsub.f32 $1.500000000e+00, v19  }
0xfb: {  	v20 =	vmul.f32 v21, v20;
	v49 =	vshra.s32 v22, $0x1;
	v22 =	vmul.f32 $5.000000000e-01, v22  }
0xfc: {  	v42 =	vmul.f32 v25, v40;
	v44 =	vmul.f32 v28, v26;
	v32 =	vsub.s32 $0x5F3759DF, v49  }
0xfd: {  	v51 =	vsub.f32 $1.500000000e+00, v29;
	v20 =	vmul.f32 v20, v21;
	v33 =	vmul.f32 v32, v22  }
0xfe: {  	v18 =	vmul.f32 v39, v23;
	v45 =	vmul.f32 v42, v24;
	v47 =	vsub.f32 $1.500000000e+00, v44  }
0xff: {  	v41 =	vadd.f32 $1.000000000e+00, v36;
	v20 =	vsub.f32 $1.500000000e+00, v20;
	v53 =	vmul.f32 v32, v33  }
0x100: {  	v33 =	vsub.s32 $0x5F3759DF, v60;
	v28 =	vmul.f32 v45, v42;
	v26 =	vmul.f32 v47, v26  }
0x101: {  	v35 =	vmul.f32 v33, v31;
	v30 =	vmul.f32 $5.000000000e-01, v41  }
0x102: {  	v19 =	vmul.f32 v20, v21;
	v21 =	vmul.f32 v48, v51  }
0x103: {  	v55 =	vsub.f32 $1.500000000e+00, v53;
	v28 =	vsub.f32 $1.500000000e+00, v28;
	v27 =	vmul.f32 v26, v27  }
0x104: {  	v35 =	vmul.f32 v33, v35;
	v57 =	vmul.f32 v21, v46  }
0x105: {  	v25 =	vmul.f32 v32, v55;
	v50 =	vmul.f32 v28, v42  }
0x106: {  	v56 =	vshra.s32 v54, $0x1;
	v52 =	vmul.f32 v27, v26;
	v28 =	vmul.f32 $5.000000000e-01, v54  }
0x107: {  	v27 =	vsub.s32 $0x5F3759DF, v56;
	v29 =	vmul.f32 v57, v21;
	v61 =	vmul.f32 v25, v22  }
0x108: {  	v24 =	vmul.f32 v50, v24;
	v59 =	vmul.f32 v27, v28  }
0x109: {  	v37 =	vld [tilespmem:$0x7830];
	v23 =	vsub.f32 $1.500000000e+00, v52;
	v29 =	vsub.f32 $1.500000000e+00, v29;
	v34 =	vmul.f32 v61, v25  }
0x10a: {  	v49 =	vld [tilespmem:$0x7840];
	v43 =	vshra.s32 v41, $0x1;
	v32 =	vmul.f32 v27, v59;
	v24 =	vmul.f32 v24, v50  }
0x10b: {  	v39 =	vsub.f32 $1.500000000e+00, v35;
	v29 =	vmul.f32 v29, v21;
	v21 =	vmul.f32 v23, v26  }
0x10c: {  	v62 =	vsub.f32 $1.500000000e+00, v34;
	v34 =	vsub.s32 $0x5F3759DF, v43;
	v32 =	vsub.f32 $1.500000000e+00, v32  }
0x10d: {  	v24 =	vsub.f32 $1.500000000e+00, v24;
	v45 =	vmul.f32 v34, v30;
	v38 =	vmul.f32 v29, v46  }
0x10e: {  	v42 =	vadd.f32 $1.000000000e+00, v37;
	v23 =	vmul.f32 v62, v25;
	v63 =	vmul.f32 v27, v32  }
0x10f: {  	v54 =	vadd.f32 $1.000000000e+00, v49;
	v20 =	vmul.f32 v24, v50;
	v27 =	vmul.f32 v33, v39  }
0x110: {  	v44 =	vshra.s32 v42, $0x1;
	v32 =	vmul.f32 $5.000000000e-01, v42;
	v47 =	vmul.f32 v34, v45  }
0x111: {  	v56 =	vshra.s32 v54, $0x1;
	v24 =	vmul.f32 v38, v29;
	v22 =	vmul.f32 v23, v22  }
0x112: {  	v35 =	vsub.s32 $0x5F3759DF, v44;
	v40 =	vmul.f32 v63, v28;
	v33 =	vmul.f32 v27, v31  }
0x113: {  	v55 =	vld [tilespmem:$0x7850];
	v46 =	vmul.f32 v35, v32;
	v26 =	vsub.f32 $1.500000000e+00, v47;
	v38 =	vmul.f32 v22, v23  }
0x114: {  	v24 =	vsub.f32 $1.500000000e+00, v24;
	v25 =	vmul.f32 v40, v63;
	v33 =	vmul.f32 v33, v27  }
0x115: {  	v48 =	vmul.f32 v35, v46;
	v26 =	vmul.f32 v34, v26;
	v52 =	vsub.f32 $1.500000000e+00, v38  }
0x116: {  	v40 =	vld [tilespmem:$0x7870];
	v22 =	vmul.f32 v24, v29;
	v25 =	vsub.f32 $1.500000000e+00, v25;
	v33 =	vsub.f32 $1.500000000e+00, v33  }
0x117: {  	v51 =	vsub.f32 $1.500000000e+00, v48;
	v53 =	vmul.f32 v26, v30;
	v23 =	vmul.f32 v52, v23  }
0x118: {  	v34 =	vadd.f32 $1.000000000e+00, v55;
	v25 =	vmul.f32 v25, v63;
	v50 =	vmul.f32 v33, v27  }
0x119: {  	v36 =	vsub.s32 $0x5F3759DF, v56;
	v27 =	vmul.f32 v35, v51;
	v29 =	vmul.f32 v53, v26  }
0x11a: {  	v62 =	vshra.s32 v34, $0x1;
	v33 =	vmul.f32 $5.000000000e-01, v54;
	v63 =	vmul.f32 $5.000000000e-01, v34  }
0x11b: {  	v34 =	vadd.f32 $1.000000000e+00, v40;
	v28 =	vmul.f32 v25, v28;
	v31 =	vmul.f32 v50, v31  }
0x11c: {  	v35 =	vmul.f32 v27, v32;
	v57 =	vsub.f32 $1.500000000e+00, v29;
	v29 =	vsub.s32 $0x5F3759DF, v62  }
0x11d: {  	v60 =	vld [tilespmem:$0x7860];
	v58 =	vmul.f32 v36, v33;
	v41 =	vmul.f32 v29, v63  }
0x11e: {  	v45 =	vshra.s32 v34, $0x1;
	v34 =	vmul.f32 $5.000000000e-01, v34;
	v28 =	vmul.f32 v28, v25  }
0x11f: {  	v31 =	vmul.f32 v31, v50;
	v35 =	vmul.f32 v35, v27  }
0x120: {  	v26 =	vmul.f32 v57, v26;
	v61 =	vmul.f32 v36, v58  }
0x121: {  	v42 =	vmul.f32 v29, v41;
	v28 =	vsub.f32 $1.500000000e+00, v28;
	v59 =	vsub.f32 $1.500000000e+00, v35  }
0x122: {  	v31 =	vsub.f32 $1.500000000e+00, v31;
	v30 =	vmul.f32 v26, v30;
	v35 =	vadd.f32 $1.000000000e+00, v60  }
0x123: {  	v25 =	vmul.f32 v28, v25;
	v27 =	vmul.f32 v59, v27;
	v28 =	vsub.f32 $1.500000000e+00, v61  }
0x124: {  	v30 =	vmul.f32 v30, v26;
	v44 =	vshra.s32 v35, $0x1;
	v35 =	vmul.f32 $5.000000000e-01, v35  }
0x125: {  	v38 =	vsub.s32 $0x5F3759DF, v44;
	v32 =	vmul.f32 v27, v32;
	v28 =	vmul.f32 v36, v28  }
0x126: {  	v24 =	vmul.f32 v31, v50;
	v36 =	vsub.f32 $1.500000000e+00, v42;
	v39 =	vmul.f32 v38, v35;
	v42 =	vld [tilespmem:$0x7880]  }
0x127: {  	v30 =	vsub.f32 $1.500000000e+00, v30;
	v32 =	vmul.f32 v32, v27;
	v43 =	vmul.f32 v28, v33  }
0x128: {  	v49 =	vld [tilespmem:$0x7890];
	v29 =	vmul.f32 v29, v36;
	v39 =	vmul.f32 v38, v39;
	v36 =	vsub.s32 $0x5F3759DF, v45  }
0x129: {  	v26 =	vmul.f32 v30, v26;
	v41 =	vmul.f32 v36, v34  }
0x12a: {  	v37 =	vmul.f32 v43, v28;
	v40 =	vmul.f32 v29, v63;
	v46 =	vsub.f32 $1.500000000e+00, v39  }
0x12b: {  	v32 =	vsub.f32 $1.500000000e+00, v32;
	v48 =	vmul.f32 v36, v41;
	v53 =	vadd.f32 $1.000000000e+00, v42  }
0x12c: {  	v37 =	vsub.f32 $1.500000000e+00, v37;
	v47 =	vmul.f32 v40, v29;
	v30 =	vmul.f32 v38, v46  }
0x12d: {  	v43 =	vld [tilespmem:$0x78A0];
	v27 =	vmul.f32 v32, v27;
	v38 =	vadd.f32 $1.000000000e+00, v49;
	v51 =	vsub.f32 $1.500000000e+00, v48  }
0x12e: {  	v56 =	vshra.s32 v53, $0x1;
	v39 =	vmul.f32 $5.000000000e-01, v53;
	v28 =	vmul.f32 v37, v28  }
0x12f: {  	v50 =	vsub.f32 $1.500000000e+00, v47;
	v52 =	vmul.f32 v30, v35;
	v37 =	vsub.s32 $0x5F3759DF, v56  }
0x130: {  	v59 =	vshra.s32 v38, $0x1;
	v38 =	vmul.f32 $5.000000000e-01, v38;
	v54 =	vmul.f32 v36, v51  }
0x131: {  	v47 =	vld [tilespmem:$0x78B0];
	v58 =	vmul.f32 v37, v39;
	v61 =	vsub.s32 $0x5F3759DF, v59;
	v33 =	vmul.f32 v28, v33  }
0x132: {  	v46 =	vadd.f32 $1.000000000e+00, v43;
	v29 =	vmul.f32 v50, v29;
	v55 =	vmul.f32 v52, v30  }
0x133: {  	v59 =	vld [tilespmem:$0x78D0];
	v42 =	vmul.f32 v61, v38;
	v57 =	vmul.f32 v54, v34  }
0x134: {  	v60 =	vmul.f32 v37, v58;
	v49 =	vshra.s32 v46, $0x1;
	v33 =	vmul.f32 v33, v28  }
0x135: {  	v31 =	vmul.f32 v29, v63;
	v36 =	vsub.f32 $1.500000000e+00, v55;
	v62 =	vmul.f32 v61, v42  }
0x136: {  	v51 =	vsub.s32 $0x5F3759DF, v49;
	v40 =	vmul.f32 v57, v54;
	v55 =	vadd.f32 $1.000000000e+00, v47  }
0x137: {  	v30 =	vmul.f32 v36, v30;
	v33 =	vsub.f32 $1.500000000e+00, v33;
	v36 =	vsub.f32 $1.500000000e+00, v60  }
0x138: {  	v56 =	vld [tilespmem:$0x78C0];
	v31 =	vmul.f32 v31, v29;
	v44 =	vsub.f32 $1.500000000e+00, v62;
	v42 =	vadd.f32 $1.000000000e+00, v59  }
0x139: {  	v40 =	vsub.f32 $1.500000000e+00, v40;
	v35 =	vmul.f32 v30, v35;
	v28 =	vmul.f32 v33, v28  }
0x13a: {  	v31 =	vsub.f32 $1.500000000e+00, v31;
	v63 =	vmul.f32 v37, v36;
	v36 =	vmul.f32 v61, v44  }
0x13b: {  	v37 =	vmul.f32 $5.000000000e-01, v46;
	v61 =	vshra.s32 v42, $0x1;
	v42 =	vmul.f32 $5.000000000e-01, v42  }
0x13c: {  	v58 =	vshra.s32 v55, $0x1;
	v32 =	vmul.f32 v40, v54;
	v35 =	vmul.f32 v35, v30  }
0x13d: {  	v40 =	vadd.f32 $1.000000000e+00, v56;
	v29 =	vmul.f32 v31, v29;
	v45 =	vmul.f32 v63, v39  }
0x13e: {  	v46 =	vsub.s32 $0x5F3759DF, v61;
	v50 =	vmul.f32 v36, v38;
	v53 =	vmul.f32 v51, v37  }
0x13f: {  	v47 =	vmul.f32 v46, v42;
	v34 =	vmul.f32 v32, v34;
	v44 =	vshra.s32 v40, $0x1  }
0x140: {  	v40 =	vmul.f32 $5.000000000e-01, v40;
	v35 =	vsub.f32 $1.500000000e+00, v35;
	v57 =	vmul.f32 v51, v53  }
0x141: {  	v48 =	vmul.f32 v45, v63;
	v44 =	vsub.s32 $0x5F3759DF, v44;
	v34 =	vmul.f32 v34, v32  }
0x142: {  	v45 =	vmul.f32 v44, v40;
	v31 =	vmul.f32 v35, v30;
	v35 =	vsub.f32 $1.500000000e+00, v57  }
0x143: {  	v54 =	vmul.f32 v50, v36;
	v47 =	vmul.f32 v46, v47;
	v34 =	vsub.f32 $1.500000000e+00, v34  }
0x144: {  	v52 =	vsub.f32 $1.500000000e+00, v48;
	v45 =	vmul.f32 v44, v45;
	v35 =	vmul.f32 v51, v35;
	v51 =	vld [tilespmem:$0x78E0]  }
0x145: {  	v59 =	vld [tilespmem:$0x78F0];
	v30 =	vmul.f32 v34, v32;
	v32 =	vsub.f32 $1.500000000e+00, v54;
	v34 =	vmul.f32 $5.000000000e-01, v55  }
0x146: {  	v41 =	vsub.s32 $0x5F3759DF, v58;
	v33 =	vmul.f32 v52, v63;
	v43 =	vmul.f32 v35, v37  }
0x147: {  	v50 =	vsub.f32 $1.500000000e+00, v47;
	v36 =	vmul.f32 v32, v36;
	v60 =	vmul.f32 v41, v34  }
0x148: {  	v63 =	vsub.f32 $1.500000000e+00, v45;
	v39 =	vmul.f32 v33, v39;
	v43 =	vmul.f32 v43, v35  }
0x149: {  	v38 =	vmul.f32 v36, v38;
	v32 =	vmul.f32 v41, v60;
	v58 =	vadd.f32 $1.000000000e+00, v51  }
0x14a: {  	v39 =	vmul.f32 v39, v33;
	v51 =	vadd.f32 $1.000000000e+00, v59;
	v43 =	vsub.f32 $1.500000000e+00, v43  }
0x14b: {  	v32 =	vsub.f32 $1.500000000e+00, v32;
	v38 =	vmul.f32 v38, v36;
	v45 =	vmul.f32 $5.000000000e-01, v58  }
0x14c: {  	v39 =	vsub.f32 $1.500000000e+00, v39;
	v47 =	vmul.f32 $5.000000000e-01, v51;
	v35 =	vmul.f32 v43, v35  }
0x14d: {  	v43 =	vmul.f32 v44, v63;
	v41 =	vmul.f32 v41, v32  }
0x14e: {  	v32 =	vmul.f32 v39, v33;
	v39 =	vmul.f32 v46, v50  }
0x14f: {  	v52 =	vmul.f32 v43, v40;
	v62 =	vmul.f32 v41, v34  }
0x150: {  	v38 =	vsub.f32 $1.500000000e+00, v38;
	v37 =	vmul.f32 v35, v37;
	v56 =	vmul.f32 v39, v42  }
0x151: {  	v61 =	vshra.s32 v58, $0x1;
	v54 =	vmul.f32 v52, v43;
	v48 =	vmul.f32 v62, v41  }
0x152: {  	v33 =	vmul.f32 v38, v36;
	v60 =	vmul.f32 v56, v39;
	v56 =	vshra.s32 v51, $0x1  }
0x153: {  	v57 =	vsub.f32 $1.500000000e+00, v54;
	v58 =	vsub.s32 $0x5F3759DF, v56;
	v49 =	vsub.f32 $1.500000000e+00, v48  }
0x154: {  	v37 =	vmul.f32 v37, v35;
	v63 =	vsub.f32 $1.500000000e+00, v60;
	v60 =	vmul.f32 v58, v47  }
0x155: {  	v48 =	vsub.s32 $0x5F3759DF, v61;
	v43 =	vmul.f32 v57, v43;
	v41 =	vmul.f32 v49, v41;
	v49 =	vld [tilespmem:$0x7900]  }
0x156: {  	v53 =	vsub.f32 $1.500000000e+00, v37;
	v50 =	vmul.f32 v48, v45;
	v46 =	vmul.f32 v58, v60  }
0x157: {  	v40 =	vmul.f32 v43, v40;
	v55 =	vmul.f32 v41, v34  }
0x158: {  	v34 =	vmul.f32 v53, v35;
	v53 =	vmul.f32 v48, v50  }
0x159: {  	v46 =	vsub.f32 $1.500000000e+00, v46;
	v52 =	vmul.f32 v40, v43;
	v38 =	vmul.f32 v55, v41  }
0x15a: {  	v54 =	vld [tilespmem:$0x7910];
	v57 =	vsub.f32 $1.500000000e+00, v53;
	v59 =	vadd.f32 $1.000000000e+00, v49  }
0x15b: {  	v37 =	vsub.f32 $1.500000000e+00, v52;
	v62 =	vsub.f32 $1.500000000e+00, v38;
	v38 =	vmul.f32 v63, v39  }
0x15c: {  	v44 =	vmul.f32 v48, v57;
	v39 =	vmul.f32 v58, v46  }
0x15d: {  	v52 =	vld [tilespmem:$0x7920];
	v61 =	vshra.s32 v59, $0x1;
	v36 =	vmul.f32 v37, v43;
	v35 =	vmul.f32 v62, v41  }
0x15e: {  	v55 =	vmul.f32 v38, v42;
	v42 =	vmul.f32 $5.000000000e-01, v59;
	v48 =	vsub.s32 $0x5F3759DF, v61  }
0x15f: {  	v62 =	vadd.f32 $1.000000000e+00, v54;
	v63 =	vmul.f32 v44, v45;
	v58 =	vmul.f32 v39, v47  }
0x160: {  	v41 =	vmul.f32 v55, v38;
	v49 =	vmul.f32 v48, v42  }
0x161: {  	v50 =	vshra.s32 v62, $0x1;
	v51 =	vmul.f32 $5.000000000e-01, v62;
	v40 =	vmul.f32 v63, v44  }
0x162: {  	v59 =	vadd.f32 $1.000000000e+00, v52;
	v43 =	vmul.f32 v58, v39;
	v50 =	vsub.s32 $0x5F3759DF, v50  }
0x163: {  	v49 =	vmul.f32 v48, v49;
	v55 =	vmul.f32 v50, v51  }
0x164: {  	v60 =	vld [tilespmem:$0x7930];
	v56 =	vsub.f32 $1.500000000e+00, v41;
	v40 =	vsub.f32 $1.500000000e+00, v40;
	v52 =	vmul.f32 $5.000000000e-01, v59  }
0x165: {  	v43 =	vsub.f32 $1.500000000e+00, v43;
	v57 =	vsub.f32 $1.500000000e+00, v49;
	v46 =	vmul.f32 v50, v55  }
0x166: {  	v37 =	vmul.f32 v56, v38;
	v40 =	vmul.f32 v40, v44  }
0x167: {  	v63 =	vshra.s32 v59, $0x1;
	v39 =	vmul.f32 v43, v39;
	v38 =	vmul.f32 v48, v57  }
0x168: {  	v61 =	vsub.f32 $1.500000000e+00, v46;
	v56 =	vmul.f32 v40, v45;
	v57 =	vsub.s32 $0x5F3759DF, v63  }
0x169: {  	v48 =	vadd.f32 $1.000000000e+00, v60;
	v47 =	vmul.f32 v39, v47;
	v49 =	vmul.f32 v57, v52  }
0x16a: {  	v62 =	vmul.f32 v38, v42;
	v44 =	vmul.f32 v50, v61  }
0x16b: {  	v41 =	vmul.f32 v56, v40;
	v61 =	vshra.s32 v48, $0x1;
	v48 =	vmul.f32 $5.000000000e-01, v48  }
0x16c: {  	v59 =	vmul.f32 v57, v49;
	v46 =	vmul.f32 v62, v38  }
0x16d: {  	v47 =	vmul.f32 v47, v39;
	v50 =	vmul.f32 v44, v51  }
0x16e: {  	v63 =	vsub.s32 $0x5F3759DF, v61;
	v62 =	vsub.f32 $1.500000000e+00, v59;
	v58 =	vsub.f32 $1.500000000e+00, v46  }
0x16f: {  	v54 =	vld [tilespmem:$0x7950];
	v59 =	vsub.f32 $1.500000000e+00, v47;
	v60 =	vmul.f32 v50, v44;
	v50 =	vmul.f32 v63, v48  }
0x170: {  	v41 =	vsub.f32 $1.500000000e+00, v41;
	v45 =	vmul.f32 v57, v62;
	v57 =	vld [tilespmem:$0x7940];
	v43 =	vmul.f32 v58, v38  }
0x171: {  	v62 =	vld [tilespmem:$0x7960];
	v39 =	vmul.f32 v59, v39;
	v49 =	vsub.f32 $1.500000000e+00, v60;
	v56 =	vmul.f32 v63, v50  }
0x172: {  	v58 =	vmul.f32 v45, v52;
	v42 =	vmul.f32 v43, v42  }
0x173: {  	v38 =	vmul.f32 v41, v40;
	v44 =	vmul.f32 v49, v44;
	v53 =	vsub.f32 $1.500000000e+00, v56  }
0x174: {  	v60 =	vmul.f32 v58, v45;
	v58 =	vadd.f32 $1.000000000e+00, v54;
	v42 =	vmul.f32 v42, v43  }
0x175: {  	v51 =	vmul.f32 v44, v51;
	v46 =	vmul.f32 v63, v53;
	v49 =	vadd.f32 $1.000000000e+00, v57  }
0x176: {  	v50 =	vadd.f32 $1.000000000e+00, v62;
	v41 =	vsub.f32 $1.500000000e+00, v60;
	v59 =	vshra.s32 v58, $0x1  }
0x177: {  	v47 =	vmul.f32 $5.000000000e-01, v58;
	v42 =	vsub.f32 $1.500000000e+00, v42;
	v61 =	vmul.f32 v51, v44  }
0x178: {  	v56 =	vmul.f32 v46, v48;
	v57 =	vshra.s32 v49, $0x1;
	v49 =	vmul.f32 $5.000000000e-01, v49  }
0x179: {  	v54 =	vsub.s32 $0x5F3759DF, v59;
	v55 =	vshra.s32 v50, $0x1;
	v50 =	vmul.f32 $5.000000000e-01, v50  }
0x17a: {  	v45 =	vmul.f32 v41, v45;
	v41 =	vmul.f32 v54, v47  }
0x17b: {  	v51 =	vsub.s32 $0x5F3759DF, v57;
	v40 =	vmul.f32 v42, v43;
	v43 =	vmul.f32 v56, v46  }
0x17c: {  	v53 =	vsub.s32 $0x5F3759DF, v55;
	v63 =	vsub.f32 $1.500000000e+00, v61;
	v60 =	vmul.f32 v51, v49;
	v56 =	vld [tilespmem:$0x7970]  }
0x17d: {  	v57 =	vmul.f32 v53, v50;
	v62 =	vmul.f32 v54, v41;
	v43 =	vsub.f32 $1.500000000e+00, v43  }
0x17e: {  	v61 =	vmul.f32 v51, v60;
	v41 =	vmul.f32 v63, v44  }
0x17f: {  	v63 =	vmul.f32 v45, v52;
	v43 =	vmul.f32 v43, v46  }
0x180: {  	v60 =	vsub.f32 $1.500000000e+00, v62;
	v58 =	vsub.f32 $1.500000000e+00, v61;
	v61 =	vmul.f32 v53, v57  }
0x181: {  	v42 =	vmul.f32 v63, v45;
	v62 =	vadd.f32 $1.000000000e+00, v56;
	v59 =	vmul.f32 v43, v48  }
0x182: {  	v44 =	vmul.f32 v51, v58;
	v48 =	vmul.f32 v54, v60;
	v52 =	vsub.f32 $1.500000000e+00, v61  }
0x183: {  	v60 =	vshra.s32 v62, $0x1;
	v51 =	vmul.f32 $5.000000000e-01, v62;
	v46 =	vmul.f32 v59, v43  }
0x184: {  	v63 =	vmul.f32 v44, v49;
	v61 =	vmul.f32 v48, v47;
	v62 =	vsub.s32 $0x5F3759DF, v60  }
0x185: {  	v52 =	vmul.f32 v53, v52;
	v55 =	vmul.f32 v62, v51  }
0x186: {  	v42 =	vsub.f32 $1.500000000e+00, v42;
	v54 =	vmul.f32 v63, v44;
	v56 =	vmul.f32 v61, v48  }
0x187: {  	v58 =	vld [tilespmem:$0x7980];
	v63 =	vmul.f32 v52, v50;
	v46 =	vsub.f32 $1.500000000e+00, v46;
	v55 =	vmul.f32 v62, v55  }
0x188: {  	v54 =	vsub.f32 $1.500000000e+00, v54;
	v56 =	vsub.f32 $1.500000000e+00, v56  }
0x189: {  	v57 =	vmul.f32 v63, v52;
	v43 =	vmul.f32 v46, v43;
	v60 =	vsub.f32 $1.500000000e+00, v55  }
0x18a: {  	v44 =	vmul.f32 v54, v44;
	v46 =	vmul.f32 v56, v48  }
0x18b: {  	v42 =	vmul.f32 v42, v45;
	v61 =	vsub.f32 $1.500000000e+00, v57;
	v53 =	vmul.f32 v62, v60  }
0x18c: {  	v59 =	vadd.f32 $1.000000000e+00, v58;
	v60 =	vld [tilespmem:$0x7990];
	v49 =	vmul.f32 v44, v49;
	v62 =	vmul.f32 v46, v47  }
0x18d: {  	v47 =	vmul.f32 v61, v52;
	v57 =	vmul.f32 v53, v51  }
0x18e: {  	v61 =	vshra.s32 v59, $0x1;
	v63 =	vmul.f32 v49, v44;
	v45 =	vmul.f32 v62, v46  }
0x18f: {  	v56 =	vld [tilespmem:$0x79A0];
	v52 =	vmul.f32 $5.000000000e-01, v59;
	v55 =	vsub.s32 $0x5F3759DF, v61;
	v50 =	vmul.f32 v47, v50  }
0x190: {  	v49 =	vmul.f32 v57, v53;
	v48 =	vsub.f32 $1.500000000e+00, v63;
	v62 =	vsub.f32 $1.500000000e+00, v45  }
0x191: {  	v50 =	vmul.f32 v50, v47;
	v63 =	vmul.f32 v55, v52;
	v59 =	vadd.f32 $1.000000000e+00, v60  }
0x192: {  	v49 =	vsub.f32 $1.500000000e+00, v49;
	v45 =	vmul.f32 v48, v44;
	v44 =	vmul.f32 v62, v46  }
0x193: {  	v60 =	vmul.f32 v55, v63;
	v61 =	vshra.s32 v59, $0x1;
	v54 =	vmul.f32 $5.000000000e-01, v59  }
0x194: {  	v62 =	vadd.f32 $1.000000000e+00, v56;
	v63 =	vld [tilespmem:$0x79B0];
	v49 =	vmul.f32 v49, v53;
	v53 =	vsub.s32 $0x5F3759DF, v61  }
0x195: {  	v48 =	vsub.f32 $1.500000000e+00, v50;
	v50 =	vsub.f32 $1.500000000e+00, v60;
	v60 =	vmul.f32 v53, v54  }
0x196: {  	v61 =	vshra.s32 v62, $0x1;
	v59 =	vmul.f32 $5.000000000e-01, v62;
	v51 =	vmul.f32 v49, v51  }
0x197: {  	v50 =	vmul.f32 v55, v50;
	v55 =	vsub.s32 $0x5F3759DF, v61;
	v57 =	vmul.f32 v53, v60  }
0x198: {  	v51 =	vmul.f32 v51, v49;
	v58 =	vmul.f32 v55, v59  }
0x199: {  	v46 =	vmul.f32 v48, v47;
	v48 =	vadd.f32 $1.000000000e+00, v63;
	v62 =	vmul.f32 v50, v52  }
0x19a: {  	v56 =	vsub.f32 $1.500000000e+00, v57;
	v51 =	vsub.f32 $1.500000000e+00, v51;
	v57 =	vmul.f32 v55, v58;
	v58 =	vld [tilespmem:$0x79C0]  }
0x19b: {  	v47 =	vshra.s32 v48, $0x1;
	v61 =	vmul.f32 $5.000000000e-01, v48;
	v60 =	vmul.f32 v62, v50  }
0x19c: {  	v48 =	vmul.f32 v53, v56;
	v56 =	vsub.s32 $0x5F3759DF, v47;
	v53 =	vsub.f32 $1.500000000e+00, v57  }
0x19d: {  	v47 =	vmul.f32 v51, v49;
	v63 =	vsub.f32 $1.500000000e+00, v60;
	v60 =	vmul.f32 v56, v61  }
0x19e: {  	v62 =	vmul.f32 v48, v54;
	v53 =	vmul.f32 v55, v53  }
0x19f: {  	v49 =	vmul.f32 v63, v50;
	v63 =	vmul.f32 v56, v60;
	v60 =	vadd.f32 $1.000000000e+00, v58  }
0x1a0: {  	v55 =	vmul.f32 v62, v48;
	v57 =	vmul.f32 v53, v59  }
0x1a1: {  	v50 =	vsub.f32 $1.500000000e+00, v63;
	v58 =	vshra.s32 v60, $0x1;
	v60 =	vmul.f32 $5.000000000e-01, v60  }
0x1a2: {  	v62 =	vsub.f32 $1.500000000e+00, v55;
	v63 =	vmul.f32 v57, v53;
	v57 =	vsub.s32 $0x5F3759DF, v58  }
0x1a3: {  	v58 =	vld [tilespmem:$0x79D0];
	v50 =	vmul.f32 v56, v50;
	v56 =	vmul.f32 v57, v60  }
0x1a4: {  	v52 =	vmul.f32 v49, v52;
	v51 =	vmul.f32 v62, v48;
	v62 =	vsub.f32 $1.500000000e+00, v63  }
0x1a5: {  	v63 =	vmul.f32 v50, v61;
	v56 =	vmul.f32 v57, v56  }
0x1a6: {  	v52 =	vmul.f32 v52, v49;
	v53 =	vmul.f32 v62, v53  }
0x1a7: {  	v48 =	vmul.f32 v51, v54;
	v62 =	vmul.f32 v63, v50;
	v55 =	vsub.f32 $1.500000000e+00, v56  }
0x1a8: {  	v52 =	vsub.f32 $1.500000000e+00, v52;
	v58 =	vadd.f32 $1.000000000e+00, v58;
	v63 =	vmul.f32 v53, v59  }
0x1a9: {  	v59 =	vmul.f32 v48, v51;
	v62 =	vsub.f32 $1.500000000e+00, v62;
	v54 =	vmul.f32 v57, v55;
	v55 =	vld [tilespmem:$0x79E0]  }
0x1aa: {  	v57 =	vshra.s32 v58, $0x1;
	v58 =	vmul.f32 $5.000000000e-01, v58;
	v56 =	vmul.f32 v63, v53  }
0x1ab: {  	v57 =	vsub.s32 $0x5F3759DF, v57;
	v62 =	vmul.f32 v62, v50;
	v63 =	vmul.f32 v54, v60  }
0x1ac: {  	v48 =	vmul.f32 v52, v49;
	v49 =	vsub.f32 $1.500000000e+00, v59;
	v52 =	vmul.f32 v57, v58  }
0x1ad: {  	v56 =	vsub.f32 $1.500000000e+00, v56;
	v59 =	vmul.f32 v62, v61;
	v61 =	vmul.f32 v63, v54  }
0x1ae: {  	v49 =	vmul.f32 v49, v51;
	v51 =	vmul.f32 v57, v52;
	v63 =	vadd.f32 $1.000000000e+00, v55;
	v55 =	vld [tilespmem:$0x79F0]  }
0x1af: {  	v50 =	vmul.f32 v56, v53;
	v53 =	vmul.f32 v59, v62;
	v56 =	vsub.f32 $1.500000000e+00, v61  }
0x1b0: {  	v51 =	vsub.f32 $1.500000000e+00, v51;
	v61 =	vld [tilespmem:$0x7A00];
	v59 =	vshra.s32 v63, $0x1;
	v52 =	vmul.f32 $5.000000000e-01, v63  }
0x1b1: {  	v54 =	vmul.f32 v56, v54;
	v53 =	vsub.f32 $1.500000000e+00, v53;
	v56 =	vsub.s32 $0x5F3759DF, v59  }
0x1b2: {  	v57 =	vmul.f32 v57, v51;
	v59 =	vmul.f32 v56, v52  }
0x1b3: {  	[tilespmem:$0x7A80] =	vst v0;
	v51 =	vmul.f32 v53, v62;
	v53 =	vmul.f32 v54, v60;
	v55 =	vadd.f32 $1.000000000e+00, v55  }
0x1b4: {  	[tilespmem:$0x7A90] =	vst v1;
	v60 =	vld [tilespmem:$0x7A10];
	v0 =	vmul.f32 v57, v58;
	v59 =	vmul.f32 v56, v59  }
0x1b5: {  	[tilespmem:$0x7AA0] =	vst v2;
	v61 =	vadd.f32 $1.000000000e+00, v61;
	v1 =	vshra.s32 v55, $0x1;
	v55 =	vmul.f32 $5.000000000e-01, v55  }
0x1b6: {  	[tilespmem:$0x7AB0] =	vst v3;
	v0 =	vmul.f32 v0, v57;
	v2 =	vsub.f32 $1.500000000e+00, v59;
	v1 =	vsub.s32 $0x5F3759DF, v1  }
0x1b7: {  	[tilespmem:$0x7AC0] =	vst v4;
	v59 =	vshra.s32 v61, $0x1;
	v61 =	vmul.f32 $5.000000000e-01, v61;
	v3 =	vmul.f32 v1, v55  }
0x1b8: {  	[tilespmem:$0x7AD0] =	vst v5;
	v4 =	vsub.s32 $0x5F3759DF, v59;
	v0 =	vsub.f32 $1.500000000e+00, v0;
	v2 =	vmul.f32 v56, v2  }
0x1b9: {  	[tilespmem:$0x7AE0] =	vst v6;
	v56 =	vadd.f32 $1.000000000e+00, v60;
	v62 =	vmul.f32 v4, v61;
	v3 =	vmul.f32 v1, v3  }
0x1ba: {  	[tilespmem:$0x7B10] =	vst v9;
	v9 =	vmul.f32 v0, v57;
	v63 =	vmul.f32 v2, v52  }
0x1bb: {  	[tilespmem:$0x7AF0] =	vst v8;
	v60 =	vshra.s32 v56, $0x1;
	v56 =	vmul.f32 $5.000000000e-01, v56;
	v5 =	vmul.f32 v4, v62  }
0x1bc: {  	[tilespmem:$0x7B00] =	vst v7;
	v3 =	vsub.f32 $1.500000000e+00, v3;
	v8 =	vsub.s32 $0x5F3759DF, v60;
	v60 =	vmul.f32 v9, v58  }
0x1bd: {  	[tilespmem:$0x7B50] =	vst v13;
	v13 =	vld [tilespmem:$0x7A20];
	v6 =	vmul.f32 v63, v2;
	v62 =	vmul.f32 v8, v56  }
0x1be: {  	[tilespmem:$0x7B20] =	vst v10;
	v58 =	vld [tilespmem:$0x7A30];
	v63 =	vsub.f32 $1.500000000e+00, v5;
	v1 =	vmul.f32 v1, v3;
	v3 =	vmul.f32 v53, v54  }
0x1bf: {  	[tilespmem:$0x7BF0] =	vst v23;
	v23 =	vld [tilespmem:$0x7A60];
	v7 =	vmul.f32 v60, v9;
	v53 =	vsub.f32 $1.500000000e+00, v6;
	v57 =	vmul.f32 v8, v62  }
0x1c0: {  	[tilespmem:$0x7B30] =	vst v11;
	v4 =	vmul.f32 v4, v63;
	v59 =	vmul.f32 v1, v55  }
0x1c1: {  	[tilespmem:$0x7B80] =	vst v16;
	v3 =	vsub.f32 $1.500000000e+00, v3;
	v16 =	vsub.f32 $1.500000000e+00, v7;
	v2 =	vmul.f32 v53, v2  }
0x1c2: {  	[tilespmem:$0x7B40] =	vst v14;
	v62 =	vsub.f32 $1.500000000e+00, v57;
	v63 =	vmul.f32 v4, v61;
	v57 =	vadd.f32 $1.000000000e+00, v13  }
0x1c3: {  	[tilespmem:$0x7B60] =	vst v12;
	v0 =	vmul.f32 v59, v1;
	v53 =	vmul.f32 v16, v9;
	v9 =	vadd.f32 $1.000000000e+00, v58  }
0x1c4: {  	[tilespmem:$0x7B70] =	vst v15;
	v16 =	vadd.f32 $1.000000000e+00, v23;
	v5 =	vmul.f32 v8, v62;
	v14 =	vmul.f32 v2, v52  }
0x1c5: {  	[tilespmem:$0x7BA0] =	vst v18;
	v6 =	vmul.f32 v63, v4;
	v10 =	vshra.s32 v57, $0x1;
	v7 =	vmul.f32 $5.000000000e-01, v57  }
0x1c6: {  	[tilespmem:$0x7BD0] =	vst v20;
	v15 =	vsub.f32 $1.500000000e+00, v0;
	v0 =	vmul.f32 v3, v54;
	v20 =	vshra.s32 v9, $0x1  }
0x1c7: {  	[tilespmem:$0x7C90] =	vst v33;
	v63 =	vld [tilespmem:$0x7A40];
	v9 =	vmul.f32 $5.000000000e-01, v9;
	v33 =	vshra.s32 v16, $0x1;
	v16 =	vmul.f32 $5.000000000e-01, v16  }
0x1c8: {  	[tilespmem:$0x7BB0] =	vst v19;
	v10 =	vsub.s32 $0x5F3759DF, v10;
	v52 =	vmul.f32 v5, v56;
	v8 =	vmul.f32 v14, v2  }
0x1c9: {  	[tilespmem:$0x7BC0] =	vst v21;
	v6 =	vsub.f32 $1.500000000e+00, v6;
	v62 =	vmul.f32 v10, v7;
	v14 =	vsub.s32 $0x5F3759DF, v20  }
0x1ca: {  	v21 =	vld [tilespmem:$0x7A50];
	[tilespmem:$0x7BE0] =	vst v22;
	v20 =	vsub.s32 $0x5F3759DF, v33;
	v11 =	vmul.f32 v15, v1;
	v22 =	vmul.f32 v14, v9  }
0x1cb: {  	[tilespmem:$0x7C00] =	vst v25;
	v54 =	vmul.f32 v52, v5;
	v4 =	vmul.f32 v6, v4;
	v59 =	vsub.f32 $1.500000000e+00, v8  }
0x1cc: {  	[tilespmem:$0x7CB0] =	vst v35;
	v35 =	vmul.f32 v20, v16;
	v60 =	vmul.f32 v11, v55;
	v13 =	vadd.f32 $1.000000000e+00, v63  }
0x1cd: {  	[tilespmem:$0x7C20] =	vst v26;
	v3 =	vsub.f32 $1.500000000e+00, v54;
	v61 =	vmul.f32 v4, v61;
	v2 =	vmul.f32 v59, v2  }
0x1ce: {  	[tilespmem:$0x7C30] =	vst v27;
	v8 =	vmul.f32 v60, v11;
	v26 =	vshra.s32 v13, $0x1;
	v13 =	vmul.f32 $5.000000000e-01, v13  }
0x1cf: {  	[tilespmem:$0x7C40] =	vst v28;
	v28 =	vadd.f32 $1.000000000e+00, v21;
	v3 =	vmul.f32 v3, v5;
	v18 =	vmul.f32 v61, v4  }
0x1d0: {  	v25 =	vld [tilespmem:$0x7A70];
	[tilespmem:$0x7C60] =	vst v31;
	v5 =	vmul.f32 v10, v62;
	v27 =	vsub.s32 $0x5F3759DF, v26;
	v8 =	vsub.f32 $1.500000000e+00, v8  }
0x1d1: {  	v31 =	vshra.s32 v28, $0x1;
	[tilespmem:$0x7C70] =	vst v30;
	v30 =	vmul.f32 v27, v13;
	v19 =	vmul.f32 v3, v56  }
0x1d2: {  	[tilespmem:$0x7B90] =	vst v17;
	v6 =	vsub.f32 $1.500000000e+00, v18;
	v8 =	vmul.f32 v8, v11;
	v11 =	vmul.f32 v14, v22  }
0x1d3: {  	[tilespmem:$0x7C10] =	vst v24;
	v5 =	vsub.f32 $1.500000000e+00, v5;
	v17 =	vmul.f32 v27, v30;
	v22 =	vmul.f32 v20, v35  }
0x1d4: {  	[tilespmem:$0x7C50] =	vst v29;
	v18 =	vsub.s32 $0x5F3759DF, v31;
	v12 =	vmul.f32 v19, v3;
	v4 =	vmul.f32 v6, v4  }
0x1d5: {  	[tilespmem:$0x7C80] =	vst v32;
	v5 =	vmul.f32 v10, v5;
	v10 =	vadd.f32 $1.000000000e+00, v25;
	v11 =	vsub.f32 $1.500000000e+00, v11  }
0x1d6: {  	[tilespmem:$0x7CA0] =	vst v34;
	v17 =	vsub.f32 $1.500000000e+00, v17;
	v24 =	vsub.f32 $1.500000000e+00, v12;
	v12 =	vmul.f32 $5.000000000e-01, v28  }
0x1d7: {  	[tilespmem:$0x7CC0] =	vst v36;
	v29 =	vmul.f32 v5, v7;
	v34 =	vshra.s32 v10, $0x1;
	v10 =	vmul.f32 $5.000000000e-01, v10  }
0x1d8: {  	[tilespmem:$0x7CD0] =	vst v37;
	v21 =	vsub.s32 $0x5F3759DF, v34;
	v11 =	vmul.f32 v14, v11;
	v32 =	vmul.f32 v18, v12  }
0x1d9: {  	[tilespmem:$0x7CF0] =	vst v39;
	v6 =	vmul.f32 v27, v17;
	v36 =	vmul.f32 v21, v10  }
0x1da: {  	[tilespmem:$0x7CE0] =	vst v38;
	v15 =	vmul.f32 v29, v5;
	v19 =	vmul.f32 v18, v32  }
0x1db: {  	[tilespmem:$0x7D00] =	vst v40;
	v39 =	vsub.f32 $1.500000000e+00, v22;
	v37 =	vmul.f32 v11, v9;
	v14 =	vmul.f32 v21, v36  }
0x1dc: {  	[tilespmem:$0x7D10] =	vst v41;
	v3 =	vmul.f32 v24, v3;
	v15 =	vsub.f32 $1.500000000e+00, v15;
	v19 =	vsub.f32 $1.500000000e+00, v19  }
0x1dd: {  	[tilespmem:$0x7D20] =	vst v42;
	v41 =	vmul.f32 v6, v13;
	v40 =	vmul.f32 v37, v11;
	v14 =	vsub.f32 $1.500000000e+00, v14  }
0x1de: {  	[tilespmem:$0x7D30] =	vst v43;
	v5 =	vmul.f32 v15, v5;
	v38 =	vmul.f32 v18, v19  }
0x1df: {  	[tilespmem:$0x7D40] =	vst v45;
	v18 =	vmul.f32 v20, v39;
	v14 =	vmul.f32 v21, v14  }
0x1e0: {  	[tilespmem:$0x7D50] =	vst v44;
	v20 =	vmul.f32 v41, v6;
	v42 =	vmul.f32 v38, v12  }
0x1e1: {  	[tilespmem:$0x7D60] =	vst v46;
	v19 =	vsub.f32 $1.500000000e+00, v40;
	v7 =	vmul.f32 v5, v7;
	v43 =	vmul.f32 v18, v16  }
0x1e2: {  	[tilespmem:$0x7D70] =	vst v47;
	v44 =	vmul.f32 v14, v10;
	v20 =	vsub.f32 $1.500000000e+00, v20;
	v21 =	vmul.f32 v42, v38  }
0x1e3: {  	[tilespmem:$0x7D80] =	vst v48;
	v11 =	vmul.f32 v19, v11;
	v22 =	vmul.f32 v43, v18  }
0x1e4: {  	[tilespmem:$0x7D90] =	vst v49;
	v23 =	vmul.f32 v44, v14;
	v6 =	vmul.f32 v20, v6;
	v21 =	vsub.f32 $1.500000000e+00, v21  }
0x1e5: {  	[tilespmem:$0x7DA0] =	vst v50;
	v47 =	vmul.f32 v7, v5;
	v9 =	vmul.f32 v11, v9;
	v45 =	vsub.f32 $1.500000000e+00, v22  }
0x1e6: {  	[tilespmem:$0x7DB0] =	vst v51;
	v46 =	vsub.f32 $1.500000000e+00, v23;
	v48 =	vmul.f32 v6, v13;
	v17 =	vmul.f32 v21, v38  }
0x1e7: {  	[tilespmem:$0x7DD0] =	vst v53;
	v49 =	vmul.f32 v9, v11;
	v15 =	vmul.f32 v45, v18  }
0x1e8: {  	[tilespmem:$0x7DC0] =	vst v0;
	v14 =	vmul.f32 v46, v14;
	v50 =	vmul.f32 v17, v12  }
0x1e9: {  	[tilespmem:$0x7DE0] =	vst v2;
	v0 =	vsub.f32 $1.500000000e+00, v47;
	v51 =	vmul.f32 v48, v6;
	v52 =	vmul.f32 v15, v16  }
0x1ea: {  	[tilespmem:$0x7DF0] =	vst v8;
	v1 =	vsub.f32 $1.500000000e+00, v49;
	v54 =	vmul.f32 v14, v10;
	v53 =	vmul.f32 v50, v17  }
0x1eb: {  	[tilespmem:$0x7E00] =	vst v4;
	v0 =	vmul.f32 v0, v5;
	v2 =	vsub.f32 $1.500000000e+00, v51;
	v55 =	vmul.f32 v52, v15  }
0x1ec: {  	[tilespmem:$0x7E10] =	vst v3;
	v1 =	vmul.f32 v1, v11;
	v57 =	vmul.f32 v54, v14;
	v56 =	vsub.f32 $1.500000000e+00, v53  }
0x1ed: {  	[tilespmem:$0x7E20] =	vst v0;
	v58 =	vmul.f32 v2, v6;
	v59 =	vsub.f32 $1.500000000e+00, v55  }
0x1ee: {  	[tilespmem:$0x7E30] =	vst v1;
	v61 =	vsub.f32 $1.500000000e+00, v57;
	v60 =	vmul.f32 v56, v17  }
0x1ef: {  	[tilespmem:$0x7E40] =	vst v58;
	v62 =	vmul.f32 v59, v15  }
0x1f0: {  	v63 =	vmul.f32 v61, v14;
	[tilespmem:$0x7E50] =	vst v60  }
0x1f1: {  	[tilespmem:$0x7E60] =	vst v62  }
0x1f2: {  	s30 =	simm.s32 $0x0;
	s31 =	simm.s32 $0x7A80;
	[tilespmem:$0x7E70] =	vst v63  }
0x1f3: {  	[hbm4b:s2+s30] =	stream.linear.scatter [tilespmem:s31], [sflag:$0x1], $0x400, $0x38;
	[tilespmem:$0x8180] =	vst v63  }
0x1f4: {  	_ =	swait.ge [sflag:s3], $0x400  }
0x1f5: {  	[sflag:s3] =	ssyncset.done $0x0  }
0x1f6: {  	[sflag:s3] =	ssyncadd.s32 $0xFFFFFC00  }
.LBB2_9:
0x1f7: {  	_ =	sfence.sel $0x180000  }
0x1f8: {  	[bflag:$0x0] =	sbarrier.arrive $0xFFFF  }
0x1f9: {  	p0 =	sne.s32 s1, $0x0;
	_ =	strace $0x90000047  }
0x1fa: {  	s0 =	sadd.s32 @!p0 $0x100000, s0;
	[bflag:$0x2] =	sbarrier.arrive $0xFFFF  }
0x1fb: {  	[sflag:s0] =	ssyncadd.tile.s32 @!p0 $0x1;
	_ =	shalt  }
.Lfunc_end2:
_tile_overlayer_lowered:
.L_overlay_start_2:
0x1fc: {  	(tag) =	ssettag $0x2  }
0x1fd: {  	s0 =	rddreg [dreg:$0x0];
	s2 =	stileid.u32  }
0x1fe: {  	s1 =	rddreg [dreg:$0x1];
	p0 =	sne.s32 s2, $0x0  }
0x1ff: {  	s3 =	rddreg [dreg:$0x2];
	[bflag:$0x3] =	sbarrier.arrive $0xFFFF;
	s2 =	simm.s32 @!p0 $0x1C01  }
0x200: {  	[timem:s3], [sflag:s2] =	dma.local @!p0 [hbm:s0], s1  }
0x201: {  	s0 =	simm.s32 @!p0 $0x1  }
0x202: {  	_ =	swait.ge @!p0 [sflag:s0], s1  }
0x203: {  	s1 =	ssub.s32 @!p0 $0x0, s1;
	[sflag:s0] =	ssyncset.done @!p0 $0x0  }
0x204: {  	[sflag:s0] =	ssyncadd.s32 @!p0 s1  }
0x205: {  	[bflag:$0x3] =	sbarrier.arrive $0xFFFF  }
0x206: {  	_ =	shalt  }

</sc_bundles>
